<compile_context>
chip_gen: v7x
topology: tpu7x:2x2x1
jax: 0.10.2.dev20260603
libtpu: 0.0.44.dev20260713+nightly
codegen_flags: <defaults>
</compile_context>

<pallas_src>
import functools

import jax
import jax.numpy as jnp
from jax import lax
from jax.experimental import pallas as pl
from jax.experimental.pallas import tpu as pltpu
from jax.experimental.pallas import tpu_sc as plsc

_NBINS = 15
_NCLS = 32
_BIN_SIZE = 1.0 / _NBINS
_BS = 65536

_NC = 2
_NS = 16
_NW = _NC * _NS
_LANES = 16


def _tc_dense_body(x_ref, lab_ref, out_ref):
    xt = x_ref[...]
    et = jnp.exp(xt)
    bs = xt.shape[1]
    m = jnp.max(xt, axis=0)
    s = jnp.sum(et, axis=0)
    cls = lax.broadcasted_iota(jnp.int32, (_NCLS, bs), 0)
    mask = cls == lab_ref[...][None, :]
    xl = jnp.max(jnp.where(mask, xt, -jnp.inf), axis=0)
    conf = jnp.exp(m) / s
    out_ref[...] = jnp.where(xl == m, -conf, conf)


def _sc_bin_body(conf_hbm, part_hbm, chunk, acc):
    cid = lax.axis_index("c")
    sid = lax.axis_index("s")
    wid = sid * _NC + cid
    per_w = conf_hbm.shape[0] // _NW
    pltpu.sync_copy(conf_hbm.at[pl.ds(wid * per_w, per_w)], chunk)

    zero = jnp.zeros((_LANES,), jnp.float32)
    for b in range(48):
        acc[pl.ds(b * _LANES, _LANES)] = zero
    lanes = lax.broadcasted_iota(jnp.int32, (_LANES,), 0)
    ones = jnp.ones((_LANES,), jnp.float32)
    inv_bs = jnp.float32(_BIN_SIZE)

    def body(i, carry):
        base = i * 256
        for j in range(16):
            v = chunk[pl.ds(base + j * _LANES, _LANES)]
            conf = jnp.abs(v)
            binv = (conf / inv_bs).astype(jnp.int32)
            binv = jnp.minimum(binv, _NBINS - 1)
            combo = jnp.where(v < 0.0, binv + _NBINS, binv)
            plsc.addupdate_scatter(acc, [combo * _LANES + lanes], ones)
            plsc.addupdate_scatter(acc, [(binv + 30) * _LANES + lanes], conf)
        return carry

    lax.fori_loop(0, per_w // 256, body, 0)

    pltpu.sync_copy(acc, part_hbm.at[wid])


def _tc_finish_body(p_ref, conf_ref, acc_ref, cnt_ref, meanc_ref, meana_ref):
    t = jnp.sum(p_ref[...], axis=0)
    rows = jnp.sum(t, axis=1)
    acc_s = rows[_NBINS:2 * _NBINS]
    cnt_f = rows[:_NBINS] + acc_s
    conf_s = rows[30:30 + _NBINS]
    nonzero = cnt_f > 0.0
    safe = jnp.where(nonzero, cnt_f, 1.0)
    nan = jnp.float32(jnp.nan)
    conf_ref[...] = conf_s
    acc_ref[...] = acc_s
    cnt_ref[...] = cnt_f.astype(jnp.int32)
    meanc_ref[...] = jnp.where(nonzero, conf_s / safe, nan)
    meana_ref[...] = jnp.where(nonzero, acc_s / safe, nan)


def kernel(outputs, labels):
    n = outputs.shape[0]
    lab32 = labels.astype(jnp.int32)

    xt = outputs.T
    mesh = plsc.VectorSubcoreMesh(core_axis_name="c", subcore_axis_name="s",
                                  num_cores=_NC, num_subcores=_NS)
    half = n // 4
    hsteps = half // _BS
    per_w = half // _NW
    parts = []
    for h in range(4):
        conf_h = pl.pallas_call(
            _tc_dense_body,
            grid=(hsteps,),
            in_specs=[
                pl.BlockSpec((_NCLS, _BS), lambda i, h=h: (0, i + h * hsteps)),
                pl.BlockSpec((_BS,), lambda i, h=h: (i + h * hsteps,)),
            ],
            out_specs=pl.BlockSpec((_BS,), lambda i: (i,)),
            out_shape=jax.ShapeDtypeStruct((half,), jnp.float32),
            compiler_params=pltpu.CompilerParams(
                dimension_semantics=("arbitrary",)),
        )(xt, lab32)
        parts.append(pl.kernel(
            _sc_bin_body,
            mesh=mesh,
            out_type=jax.ShapeDtypeStruct((_NW, 48 * _LANES), jnp.float32),
            compiler_params=pltpu.CompilerParams(needs_layout_passes=False),
            scratch_types=[
                pltpu.VMEM((per_w,), jnp.float32),
                pltpu.VMEM((48 * _LANES,), jnp.float32),
            ],
        )(conf_h))
    partials = jnp.concatenate(parts, axis=0).reshape(4 * _NW, 48, _LANES)

    out15 = jax.ShapeDtypeStruct((_NBINS,), jnp.float32)
    outs = pl.pallas_call(
        _tc_finish_body,
        out_shape=[out15, out15,
                   jax.ShapeDtypeStruct((_NBINS,), jnp.int32),
                   out15, out15],
    )(partials)
    return tuple(outs)

# --- scband reference (transcript-rebuilt; emitter-appended) ---
"""Pipeline reference for scband-reliability-diagram-59889023975970 (READ-ONLY COPY).

The authoritative reference and input builder live on the scoring server;
editing this copy changes nothing except your own understanding.
"""

import jax, jax.numpy as jnp
import numpy as np

NUMBER_BINS = 15
NUM_CLASSES = 32
N = 2097152

def setup_inputs(seed: int = 0) -> dict:
    key = jax.random.key(seed)
    k1, k2 = jax.random.split(key)
    outputs = jax.random.normal(k1, (N, NUM_CLASSES), dtype=jnp.float32)
    labels = jax.random.randint(k2, (N,), 0, NUM_CLASSES, dtype=jnp.int64)
    return {"outputs": outputs, "labels": labels}

def reference(outputs, labels):
    # _maybe_normalize with model.is_normalized=False -> softmax
    probs = jax.nn.softmax(outputs, axis=-1)
    # confidence, predicted_class = torch.max(outputs, dim=-1)
    confidence = jnp.max(probs, axis=-1)
    predicted_class = jnp.argmax(probs, axis=-1)
    correct_prediction = (labels == predicted_class).astype(jnp.float32)
    # _scalar_to_unit_histogram_bins
    bin_size = 1.0 / NUMBER_BINS
    bins = jnp.floor(confidence / bin_size).astype(jnp.int32)
    bins = jnp.where(bins == NUMBER_BINS, NUMBER_BINS - 1, bins)
    # bin_counts.add_(torch.bincount(bins, minlength=number_bins))
    bin_counts = jnp.bincount(bins, length=NUMBER_BINS)
    # confidence_bins.index_add_(0, bins, confidence)
    confidence_bins = jnp.zeros((NUMBER_BINS,), dtype=jnp.float32).at[bins].add(confidence)
    # accuracy_bins.index_add_(0, bins, correct_prediction)
    accuracy_bins = jnp.zeros((NUMBER_BINS,), dtype=jnp.float32).at[bins].add(correct_prediction)
    # score(): per-bin means (nan where empty)
    nonzero = bin_counts != 0
    counts_f = bin_counts.astype(jnp.float32)
    mean_confidence = jnp.where(nonzero, confidence_bins / jnp.where(nonzero, counts_f, 1.0), jnp.nan)
    mean_accuracy = jnp.where(nonzero, accuracy_bins / jnp.where(nonzero, counts_f, 1.0), jnp.nan)
    return (confidence_bins, accuracy_bins, bin_counts, mean_confidence, mean_accuracy)

if __name__ == "__main__":
    import jax
    _d = setup_inputs()
    print(jax.jit(kernel)(*tuple(_d.values())))

</pallas_src>

<mosaic_0001>
#map = affine_map<(d0, d1) -> (0)>
#map1 = affine_map<(d0, d1) -> (0, 0)>
module attributes {stable_mosaic.version = 14 : i64} {
  func.func @_sc_bin_body(%arg0: i32, %arg1: i32, %arg2: memref<524288xf32, #tpu.memory_space<hbm>>, %arg3: memref<32x768xf32, #tpu.memory_space<hbm>>, %arg4: memref<16384xf32, #tpu.memory_space<vmem>>, %arg5: memref<768xf32, #tpu.memory_space<vmem>>) attributes {dimension_semantics = [#tpu.dimension_semantics<core_parallel>, #tpu.dimension_semantics<subcore_parallel>], iteration_bounds = array<i64: 2, 16>, scalar_prefetch = 0 : i64, scratch_operands = 2 : i64, tpu.core_type = #tpu.core_type<sc_vector_subcore>, window_params = [{transform_indices = #map}, {transform_indices = #map1}]} {
    %mul3A = arith.constant 2 : i32
    %mul3A_0 = arith.muli %arg1, %mul3A : i32
    %add3A = arith.addi %mul3A_0, %arg0 : i32
    %mul3A_1 = arith.constant 16384 : i32
    %mul3A_2 = arith.muli %add3A, %mul3A_1 : i32
    "tpu.region"() ({
      %run_scoped3A = tpu.sem_alloc : memref<!tpu.dma_semaphore, #tpu.memory_space<semaphore_mem>>
      %dma_start3A = tpu.memref_slice %arg2[%mul3A_2] : memref<524288xf32, #tpu.memory_space<hbm>> -> memref<16384xf32, #tpu.memory_space<hbm>>
      %dma_start3A_107 = tpu.memref_slice %arg2[%mul3A_2] : memref<524288xf32, #tpu.memory_space<hbm>> -> memref<16384xf32, #tpu.memory_space<hbm>>
      tpu.enqueue_dma source(%dma_start3A_107 : memref<16384xf32, #tpu.memory_space<hbm>>) target(%arg4 : memref<16384xf32, #tpu.memory_space<vmem>>) target_semaphore(%run_scoped3A : memref<!tpu.dma_semaphore, #tpu.memory_space<semaphore_mem>>)
      %dma_wait3A = tpu.memref_slice %arg2[%mul3A_2] : memref<524288xf32, #tpu.memory_space<hbm>> -> memref<16384xf32, #tpu.memory_space<hbm>>
      %dma_wait3A_108 = tpu.memref_slice %arg2[%mul3A_2] : memref<524288xf32, #tpu.memory_space<hbm>> -> memref<16384xf32, #tpu.memory_space<hbm>>
      tpu.wait_dma2 semaphore(%run_scoped3A : memref<!tpu.dma_semaphore, #tpu.memory_space<semaphore_mem>>) src(%dma_wait3A_108 : memref<16384xf32, #tpu.memory_space<hbm>>) dst(%arg4 : memref<16384xf32, #tpu.memory_space<vmem>>)
      tpu.yield
    }) : () -> ()
    %broadcast_in_dim3A = arith.constant 0.000000e+00 : f32
    %broadcast_in_dim3A_3 = vector.broadcast %broadcast_in_dim3A : f32 to vector<16xf32>
    %swap3A = arith.constant 0 : index
    %swap3A_4 = tpu.vector_load %arg5[%swap3A] {strides = array<i32>} : memref<768xf32, #tpu.memory_space<vmem>>, vector<16xf32>,
    tpu.vector_store %arg5[%swap3A], %broadcast_in_dim3A_3 {strides = array<i32>} : memref<768xf32, #tpu.memory_space<vmem>>, vector<16xf32>,
    %swap3A_5 = arith.constant 16 : index
    %swap3A_6 = tpu.vector_load %arg5[%swap3A_5] {strides = array<i32>} : memref<768xf32, #tpu.memory_space<vmem>>, vector<16xf32>,
    tpu.vector_store %arg5[%swap3A_5], %broadcast_in_dim3A_3 {strides = array<i32>} : memref<768xf32, #tpu.memory_space<vmem>>, vector<16xf32>,
    %swap3A_7 = arith.constant 32 : index
    %swap3A_8 = tpu.vector_load %arg5[%swap3A_7] {strides = array<i32>} : memref<768xf32, #tpu.memory_space<vmem>>, vector<16xf32>,
    tpu.vector_store %arg5[%swap3A_7], %broadcast_in_dim3A_3 {strides = array<i32>} : memref<768xf32, #tpu.memory_space<vmem>>, vector<16xf32>,
    %swap3A_9 = arith.constant 48 : index
    %swap3A_10 = tpu.vector_load %arg5[%swap3A_9] {strides = array<i32>} : memref<768xf32, #tpu.memory_space<vmem>>, vector<16xf32>,
    tpu.vector_store %arg5[%swap3A_9], %broadcast_in_dim3A_3 {strides = array<i32>} : memref<768xf32, #tpu.memory_space<vmem>>, vector<16xf32>,
    %swap3A_11 = arith.constant 64 : index
    %swap3A_12 = tpu.vector_load %arg5[%swap3A_11] {strides = array<i32>} : memref<768xf32, #tpu.memory_space<vmem>>, vector<16xf32>,
    tpu.vector_store %arg5[%swap3A_11], %broadcast_in_dim3A_3 {strides = array<i32>} : memref<768xf32, #tpu.memory_space<vmem>>, vector<16xf32>,
    %swap3A_13 = arith.constant 80 : index
    %swap3A_14 = tpu.vector_load %arg5[%swap3A_13] {strides = array<i32>} : memref<768xf32, #tpu.memory_space<vmem>>, vector<16xf32>,
    tpu.vector_store %arg5[%swap3A_13], %broadcast_in_dim3A_3 {strides = array<i32>} : memref<768xf32, #tpu.memory_space<vmem>>, vector<16xf32>,
    %swap3A_15 = arith.constant 96 : index
    %swap3A_16 = tpu.vector_load %arg5[%swap3A_15] {strides = array<i32>} : memref<768xf32, #tpu.memory_space<vmem>>, vector<16xf32>,
    tpu.vector_store %arg5[%swap3A_15], %broadcast_in_dim3A_3 {strides = array<i32>} : memref<768xf32, #tpu.memory_space<vmem>>, vector<16xf32>,
    %swap3A_17 = arith.constant 112 : index
    %swap3A_18 = tpu.vector_load %arg5[%swap3A_17] {strides = array<i32>} : memref<768xf32, #tpu.memory_space<vmem>>, vector<16xf32>,
    tpu.vector_store %arg5[%swap3A_17], %broadcast_in_dim3A_3 {strides = array<i32>} : memref<768xf32, #tpu.memory_space<vmem>>, vector<16xf32>,
    %swap3A_19 = arith.constant 128 : index
    %swap3A_20 = tpu.vector_load %arg5[%swap3A_19] {strides = array<i32>} : memref<768xf32, #tpu.memory_space<vmem>>, vector<16xf32>,
    tpu.vector_store %arg5[%swap3A_19], %broadcast_in_dim3A_3 {strides = array<i32>} : memref<768xf32, #tpu.memory_space<vmem>>, vector<16xf32>,
    %swap3A_21 = arith.constant 144 : index
    %swap3A_22 = tpu.vector_load %arg5[%swap3A_21] {strides = array<i32>} : memref<768xf32, #tpu.memory_space<vmem>>, vector<16xf32>,
    tpu.vector_store %arg5[%swap3A_21], %broadcast_in_dim3A_3 {strides = array<i32>} : memref<768xf32, #tpu.memory_space<vmem>>, vector<16xf32>,
    %swap3A_23 = arith.constant 160 : index
    %swap3A_24 = tpu.vector_load %arg5[%swap3A_23] {strides = array<i32>} : memref<768xf32, #tpu.memory_space<vmem>>, vector<16xf32>,
    tpu.vector_store %arg5[%swap3A_23], %broadcast_in_dim3A_3 {strides = array<i32>} : memref<768xf32, #tpu.memory_space<vmem>>, vector<16xf32>,
    %swap3A_25 = arith.constant 176 : index
    %swap3A_26 = tpu.vector_load %arg5[%swap3A_25] {strides = array<i32>} : memref<768xf32, #tpu.memory_space<vmem>>, vector<16xf32>,
    tpu.vector_store %arg5[%swap3A_25], %broadcast_in_dim3A_3 {strides = array<i32>} : memref<768xf32, #tpu.memory_space<vmem>>, vector<16xf32>,
    %swap3A_27 = arith.constant 192 : index
    %swap3A_28 = tpu.vector_load %arg5[%swap3A_27] {strides = array<i32>} : memref<768xf32, #tpu.memory_space<vmem>>, vector<16xf32>,
    tpu.vector_store %arg5[%swap3A_27], %broadcast_in_dim3A_3 {strides = array<i32>} : memref<768xf32, #tpu.memory_space<vmem>>, vector<16xf32>,
    %swap3A_29 = arith.constant 208 : index
    %swap3A_30 = tpu.vector_load %arg5[%swap3A_29] {strides = array<i32>} : memref<768xf32, #tpu.memory_space<vmem>>, vector<16xf32>,
    tpu.vector_store %arg5[%swap3A_29], %broadcast_in_dim3A_3 {strides = array<i32>} : memref<768xf32, #tpu.memory_space<vmem>>, vector<16xf32>,
    %swap3A_31 = arith.constant 224 : index
    %swap3A_32 = tpu.vector_load %arg5[%swap3A_31] {strides = array<i32>} : memref<768xf32, #tpu.memory_space<vmem>>, vector<16xf32>,
    tpu.vector_store %arg5[%swap3A_31], %broadcast_in_dim3A_3 {strides = array<i32>} : memref<768xf32, #tpu.memory_space<vmem>>, vector<16xf32>,
    %swap3A_33 = arith.constant 240 : index
    %swap3A_34 = tpu.vector_load %arg5[%swap3A_33] {strides = array<i32>} : memref<768xf32, #tpu.memory_space<vmem>>, vector<16xf32>,
    tpu.vector_store %arg5[%swap3A_33], %broadcast_in_dim3A_3 {strides = array<i32>} : memref<768xf32, #tpu.memory_space<vmem>>, vector<16xf32>,
    %swap3A_35 = arith.constant 256 : index
    %swap3A_36 = tpu.vector_load %arg5[%swap3A_35] {strides = array<i32>} : memref<768xf32, #tpu.memory_space<vmem>>, vector<16xf32>,
    tpu.vector_store %arg5[%swap3A_35], %broadcast_in_dim3A_3 {strides = array<i32>} : memref<768xf32, #tpu.memory_space<vmem>>, vector<16xf32>,
    %swap3A_37 = arith.constant 272 : index
    %swap3A_38 = tpu.vector_load %arg5[%swap3A_37] {strides = array<i32>} : memref<768xf32, #tpu.memory_space<vmem>>, vector<16xf32>,
    tpu.vector_store %arg5[%swap3A_37], %broadcast_in_dim3A_3 {strides = array<i32>} : memref<768xf32, #tpu.memory_space<vmem>>, vector<16xf32>,
    %swap3A_39 = arith.constant 288 : index
    %swap3A_40 = tpu.vector_load %arg5[%swap3A_39] {strides = array<i32>} : memref<768xf32, #tpu.memory_space<vmem>>, vector<16xf32>,
    tpu.vector_store %arg5[%swap3A_39], %broadcast_in_dim3A_3 {strides = array<i32>} : memref<768xf32, #tpu.memory_space<vmem>>, vector<16xf32>,
    %swap3A_41 = arith.constant 304 : index
    %swap3A_42 = tpu.vector_load %arg5[%swap3A_41] {strides = array<i32>} : memref<768xf32, #tpu.memory_space<vmem>>, vector<16xf32>,
    tpu.vector_store %arg5[%swap3A_41], %broadcast_in_dim3A_3 {strides = array<i32>} : memref<768xf32, #tpu.memory_space<vmem>>, vector<16xf32>,
    %swap3A_43 = arith.constant 320 : index
    %swap3A_44 = tpu.vector_load %arg5[%swap3A_43] {strides = array<i32>} : memref<768xf32, #tpu.memory_space<vmem>>, vector<16xf32>,
    tpu.vector_store %arg5[%swap3A_43], %broadcast_in_dim3A_3 {strides = array<i32>} : memref<768xf32, #tpu.memory_space<vmem>>, vector<16xf32>,
    %swap3A_45 = arith.constant 336 : index
    %swap3A_46 = tpu.vector_load %arg5[%swap3A_45] {strides = array<i32>} : memref<768xf32, #tpu.memory_space<vmem>>, vector<16xf32>,
    tpu.vector_store %arg5[%swap3A_45], %broadcast_in_dim3A_3 {strides = array<i32>} : memref<768xf32, #tpu.memory_space<vmem>>, vector<16xf32>,
    %swap3A_47 = arith.constant 352 : index
    %swap3A_48 = tpu.vector_load %arg5[%swap3A_47] {strides = array<i32>} : memref<768xf32, #tpu.memory_space<vmem>>, vector<16xf32>,
    tpu.vector_store %arg5[%swap3A_47], %broadcast_in_dim3A_3 {strides = array<i32>} : memref<768xf32, #tpu.memory_space<vmem>>, vector<16xf32>,
    %swap3A_49 = arith.constant 368 : index
    %swap3A_50 = tpu.vector_load %arg5[%swap3A_49] {strides = array<i32>} : memref<768xf32, #tpu.memory_space<vmem>>, vector<16xf32>,
    tpu.vector_store %arg5[%swap3A_49], %broadcast_in_dim3A_3 {strides = array<i32>} : memref<768xf32, #tpu.memory_space<vmem>>, vector<16xf32>,
    %swap3A_51 = arith.constant 384 : index
    %swap3A_52 = tpu.vector_load %arg5[%swap3A_51] {strides = array<i32>} : memref<768xf32, #tpu.memory_space<vmem>>, vector<16xf32>,
    tpu.vector_store %arg5[%swap3A_51], %broadcast_in_dim3A_3 {strides = array<i32>} : memref<768xf32, #tpu.memory_space<vmem>>, vector<16xf32>,
    %swap3A_53 = arith.constant 400 : index
    %swap3A_54 = tpu.vector_load %arg5[%swap3A_53] {strides = array<i32>} : memref<768xf32, #tpu.memory_space<vmem>>, vector<16xf32>,
    tpu.vector_store %arg5[%swap3A_53], %broadcast_in_dim3A_3 {strides = array<i32>} : memref<768xf32, #tpu.memory_space<vmem>>, vector<16xf32>,
    %swap3A_55 = arith.constant 416 : index
    %swap3A_56 = tpu.vector_load %arg5[%swap3A_55] {strides = array<i32>} : memref<768xf32, #tpu.memory_space<vmem>>, vector<16xf32>,
    tpu.vector_store %arg5[%swap3A_55], %broadcast_in_dim3A_3 {strides = array<i32>} : memref<768xf32, #tpu.memory_space<vmem>>, vector<16xf32>,
    %swap3A_57 = arith.constant 432 : index
    %swap3A_58 = tpu.vector_load %arg5[%swap3A_57] {strides = array<i32>} : memref<768xf32, #tpu.memory_space<vmem>>, vector<16xf32>,
    tpu.vector_store %arg5[%swap3A_57], %broadcast_in_dim3A_3 {strides = array<i32>} : memref<768xf32, #tpu.memory_space<vmem>>, vector<16xf32>,
    %swap3A_59 = arith.constant 448 : index
    %swap3A_60 = tpu.vector_load %arg5[%swap3A_59] {strides = array<i32>} : memref<768xf32, #tpu.memory_space<vmem>>, vector<16xf32>,
    tpu.vector_store %arg5[%swap3A_59], %broadcast_in_dim3A_3 {strides = array<i32>} : memref<768xf32, #tpu.memory_space<vmem>>, vector<16xf32>,
    %swap3A_61 = arith.constant 464 : index
    %swap3A_62 = tpu.vector_load %arg5[%swap3A_61] {strides = array<i32>} : memref<768xf32, #tpu.memory_space<vmem>>, vector<16xf32>,
    tpu.vector_store %arg5[%swap3A_61], %broadcast_in_dim3A_3 {strides = array<i32>} : memref<768xf32, #tpu.memory_space<vmem>>, vector<16xf32>,
    %swap3A_63 = arith.constant 480 : index
    %swap3A_64 = tpu.vector_load %arg5[%swap3A_63] {strides = array<i32>} : memref<768xf32, #tpu.memory_space<vmem>>, vector<16xf32>,
    tpu.vector_store %arg5[%swap3A_63], %broadcast_in_dim3A_3 {strides = array<i32>} : memref<768xf32, #tpu.memory_space<vmem>>, vector<16xf32>,
    %swap3A_65 = arith.constant 496 : index
    %swap3A_66 = tpu.vector_load %arg5[%swap3A_65] {strides = array<i32>} : memref<768xf32, #tpu.memory_space<vmem>>, vector<16xf32>,
    tpu.vector_store %arg5[%swap3A_65], %broadcast_in_dim3A_3 {strides = array<i32>} : memref<768xf32, #tpu.memory_space<vmem>>, vector<16xf32>,
    %swap3A_67 = arith.constant 512 : index
    %swap3A_68 = tpu.vector_load %arg5[%swap3A_67] {strides = array<i32>} : memref<768xf32, #tpu.memory_space<vmem>>, vector<16xf32>,
    tpu.vector_store %arg5[%swap3A_67], %broadcast_in_dim3A_3 {strides = array<i32>} : memref<768xf32, #tpu.memory_space<vmem>>, vector<16xf32>,
    %swap3A_69 = arith.constant 528 : index
    %swap3A_70 = tpu.vector_load %arg5[%swap3A_69] {strides = array<i32>} : memref<768xf32, #tpu.memory_space<vmem>>, vector<16xf32>,
    tpu.vector_store %arg5[%swap3A_69], %broadcast_in_dim3A_3 {strides = array<i32>} : memref<768xf32, #tpu.memory_space<vmem>>, vector<16xf32>,
    %swap3A_71 = arith.constant 544 : index
    %swap3A_72 = tpu.vector_load %arg5[%swap3A_71] {strides = array<i32>} : memref<768xf32, #tpu.memory_space<vmem>>, vector<16xf32>,
    tpu.vector_store %arg5[%swap3A_71], %broadcast_in_dim3A_3 {strides = array<i32>} : memref<768xf32, #tpu.memory_space<vmem>>, vector<16xf32>,
    %swap3A_73 = arith.constant 560 : index
    %swap3A_74 = tpu.vector_load %arg5[%swap3A_73] {strides = array<i32>} : memref<768xf32, #tpu.memory_space<vmem>>, vector<16xf32>,
    tpu.vector_store %arg5[%swap3A_73], %broadcast_in_dim3A_3 {strides = array<i32>} : memref<768xf32, #tpu.memory_space<vmem>>, vector<16xf32>,
    %swap3A_75 = arith.constant 576 : index
    %swap3A_76 = tpu.vector_load %arg5[%swap3A_75] {strides = array<i32>} : memref<768xf32, #tpu.memory_space<vmem>>, vector<16xf32>,
    tpu.vector_store %arg5[%swap3A_75], %broadcast_in_dim3A_3 {strides = array<i32>} : memref<768xf32, #tpu.memory_space<vmem>>, vector<16xf32>,
    %swap3A_77 = arith.constant 592 : index
    %swap3A_78 = tpu.vector_load %arg5[%swap3A_77] {strides = array<i32>} : memref<768xf32, #tpu.memory_space<vmem>>, vector<16xf32>,
    tpu.vector_store %arg5[%swap3A_77], %broadcast_in_dim3A_3 {strides = array<i32>} : memref<768xf32, #tpu.memory_space<vmem>>, vector<16xf32>,
    %swap3A_79 = arith.constant 608 : index
    %swap3A_80 = tpu.vector_load %arg5[%swap3A_79] {strides = array<i32>} : memref<768xf32, #tpu.memory_space<vmem>>, vector<16xf32>,
    tpu.vector_store %arg5[%swap3A_79], %broadcast_in_dim3A_3 {strides = array<i32>} : memref<768xf32, #tpu.memory_space<vmem>>, vector<16xf32>,
    %swap3A_81 = arith.constant 624 : index
    %swap3A_82 = tpu.vector_load %arg5[%swap3A_81] {strides = array<i32>} : memref<768xf32, #tpu.memory_space<vmem>>, vector<16xf32>,
    tpu.vector_store %arg5[%swap3A_81], %broadcast_in_dim3A_3 {strides = array<i32>} : memref<768xf32, #tpu.memory_space<vmem>>, vector<16xf32>,
    %swap3A_83 = arith.constant 640 : index
    %swap3A_84 = tpu.vector_load %arg5[%swap3A_83] {strides = array<i32>} : memref<768xf32, #tpu.memory_space<vmem>>, vector<16xf32>,
    tpu.vector_store %arg5[%swap3A_83], %broadcast_in_dim3A_3 {strides = array<i32>} : memref<768xf32, #tpu.memory_space<vmem>>, vector<16xf32>,
    %swap3A_85 = arith.constant 656 : index
    %swap3A_86 = tpu.vector_load %arg5[%swap3A_85] {strides = array<i32>} : memref<768xf32, #tpu.memory_space<vmem>>, vector<16xf32>,
    tpu.vector_store %arg5[%swap3A_85], %broadcast_in_dim3A_3 {strides = array<i32>} : memref<768xf32, #tpu.memory_space<vmem>>, vector<16xf32>,
    %swap3A_87 = arith.constant 672 : index
    %swap3A_88 = tpu.vector_load %arg5[%swap3A_87] {strides = array<i32>} : memref<768xf32, #tpu.memory_space<vmem>>, vector<16xf32>,
    tpu.vector_store %arg5[%swap3A_87], %broadcast_in_dim3A_3 {strides = array<i32>} : memref<768xf32, #tpu.memory_space<vmem>>, vector<16xf32>,
    %swap3A_89 = arith.constant 688 : index
    %swap3A_90 = tpu.vector_load %arg5[%swap3A_89] {strides = array<i32>} : memref<768xf32, #tpu.memory_space<vmem>>, vector<16xf32>,
    tpu.vector_store %arg5[%swap3A_89], %broadcast_in_dim3A_3 {strides = array<i32>} : memref<768xf32, #tpu.memory_space<vmem>>, vector<16xf32>,
    %swap3A_91 = arith.constant 704 : index
    %swap3A_92 = tpu.vector_load %arg5[%swap3A_91] {strides = array<i32>} : memref<768xf32, #tpu.memory_space<vmem>>, vector<16xf32>,
    tpu.vector_store %arg5[%swap3A_91], %broadcast_in_dim3A_3 {strides = array<i32>} : memref<768xf32, #tpu.memory_space<vmem>>, vector<16xf32>,
    %swap3A_93 = arith.constant 720 : index
    %swap3A_94 = tpu.vector_load %arg5[%swap3A_93] {strides = array<i32>} : memref<768xf32, #tpu.memory_space<vmem>>, vector<16xf32>,
    tpu.vector_store %arg5[%swap3A_93], %broadcast_in_dim3A_3 {strides = array<i32>} : memref<768xf32, #tpu.memory_space<vmem>>, vector<16xf32>,
    %swap3A_95 = arith.constant 736 : index
    %swap3A_96 = tpu.vector_load %arg5[%swap3A_95] {strides = array<i32>} : memref<768xf32, #tpu.memory_space<vmem>>, vector<16xf32>,
    tpu.vector_store %arg5[%swap3A_95], %broadcast_in_dim3A_3 {strides = array<i32>} : memref<768xf32, #tpu.memory_space<vmem>>, vector<16xf32>,
    %swap3A_97 = arith.constant 752 : index
    %swap3A_98 = tpu.vector_load %arg5[%swap3A_97] {strides = array<i32>} : memref<768xf32, #tpu.memory_space<vmem>>, vector<16xf32>,
    tpu.vector_store %arg5[%swap3A_97], %broadcast_in_dim3A_3 {strides = array<i32>} : memref<768xf32, #tpu.memory_space<vmem>>, vector<16xf32>,
    %iota3A = tpu.iota {dimensions = array<i32: 0>} : vector<16xi32>
    %broadcast_in_dim3A_99 = arith.constant 1.000000e+00 : f32
    %broadcast_in_dim3A_100 = vector.broadcast %broadcast_in_dim3A_99 : f32 to vector<16xf32>
    %scan3A = arith.constant 0 : i32
    %scan3A_101 = arith.constant 0.0666666701 : f32
    %scan3A_102 = arith.constant 0 : i32
    %scan3A_103 = arith.constant 64 : i32
    %scan3A_104 = arith.addi %scan3A_102, %scan3A_103 : i32
    %scan3A_105 = arith.constant 1 : i32
    scf.for %scan3A_107 = %scan3A_102 to %scan3A_104 step %scan3A_105  : i32 {
      %mul3A_108 = arith.constant 256 : i32
      %mul3A_109 = arith.muli %scan3A_107, %mul3A_108 : i32
      %add3A_110 = arith.constant 0 : i32
      %add3A_111 = arith.addi %mul3A_109, %add3A_110 : i32
      %get3A = arith.index_cast %add3A_111 : i32 to index
      %get3A_112 = tpu.vector_load %arg4[%get3A] {strides = array<i32>} : memref<16384xf32, #tpu.memory_space<vmem>>, vector<16xf32>,
      %abs3A = math.absf %get3A_112 : vector<16xf32>
      %div3A = vector.broadcast %scan3A_101 : f32 to vector<16xf32>
      %div3A_113 = arith.divf %abs3A, %div3A : vector<16xf32>
      %convert_element_type3A = arith.fptosi %div3A_113 : vector<16xf32> to vector<16xi32>
      %min3A = arith.constant 14 : i32
      %min3A_114 = vector.broadcast %min3A : i32 to vector<16xi32>
      %min3A_115 = arith.minsi %convert_element_type3A, %min3A_114 : vector<16xi32>
      %lt3A = arith.constant 0.000000e+00 : f32
      %lt3A_116 = vector.broadcast %lt3A : f32 to vector<16xf32>
      %lt3A_117 = arith.cmpf olt, %get3A_112, %lt3A_116 : vector<16xf32>
      %add3A_118 = arith.constant 15 : i32
      %add3A_119 = vector.broadcast %add3A_118 : i32 to vector<16xi32>
      %add3A_120 = arith.addi %min3A_115, %add3A_119 : vector<16xi32>
      %select_n3A = arith.select %lt3A_117, %add3A_120, %min3A_115 : vector<16xi1>, vector<16xi32>
      %mul3A_121 = arith.constant 16 : i32
      %mul3A_122 = vector.broadcast %mul3A_121 : i32 to vector<16xi32>
      %mul3A_123 = arith.muli %select_n3A, %mul3A_122 : vector<16xi32>
      %add3A_124 = arith.addi %mul3A_123, %iota3A : vector<16xi32>
      tpu.vector_store_idx %arg5[%add3A_124], %broadcast_in_dim3A_100 {add = true} : memref<768xf32, #tpu.memory_space<vmem>>[vector<16xi32>], vector<16xf32>,
      %add3A_125 = arith.constant 30 : i32
      %add3A_126 = vector.broadcast %add3A_125 : i32 to vector<16xi32>
      %add3A_127 = arith.addi %min3A_115, %add3A_126 : vector<16xi32>
      %mul3A_128 = arith.constant 16 : i32
      %mul3A_129 = vector.broadcast %mul3A_128 : i32 to vector<16xi32>
      %mul3A_130 = arith.muli %add3A_127, %mul3A_129 : vector<16xi32>
      %add3A_131 = arith.addi %mul3A_130, %iota3A : vector<16xi32>
      tpu.vector_store_idx %arg5[%add3A_131], %abs3A {add = true} : memref<768xf32, #tpu.memory_space<vmem>>[vector<16xi32>], vector<16xf32>,
      %add3A_132 = arith.constant 16 : i32
      %add3A_133 = arith.addi %mul3A_109, %add3A_132 : i32
      %get3A_134 = arith.index_cast %add3A_133 : i32 to index
      %get3A_135 = tpu.vector_load %arg4[%get3A_134] {strides = array<i32>} : memref<16384xf32, #tpu.memory_space<vmem>>, vector<16xf32>,
      %abs3A_136 = math.absf %get3A_135 : vector<16xf32>
      %div3A_137 = vector.broadcast %scan3A_101 : f32 to vector<16xf32>
      %div3A_138 = arith.divf %abs3A_136, %div3A_137 : vector<16xf32>
      %convert_element_type3A_139 = arith.fptosi %div3A_138 : vector<16xf32> to vector<16xi32>
      %min3A_140 = arith.constant 14 : i32
      %min3A_141 = vector.broadcast %min3A_140 : i32 to vector<16xi32>
      %min3A_142 = arith.minsi %convert_element_type3A_139, %min3A_141 : vector<16xi32>
      %lt3A_143 = arith.constant 0.000000e+00 : f32
      %lt3A_144 = vector.broadcast %lt3A_143 : f32 to vector<16xf32>
      %lt3A_145 = arith.cmpf olt, %get3A_135, %lt3A_144 : vector<16xf32>
      %add3A_146 = arith.constant 15 : i32
      %add3A_147 = vector.broadcast %add3A_146 : i32 to vector<16xi32>
      %add3A_148 = arith.addi %min3A_142, %add3A_147 : vector<16xi32>
      %select_n3A_149 = arith.select %lt3A_145, %add3A_148, %min3A_142 : vector<16xi1>, vector<16xi32>
      %mul3A_150 = arith.constant 16 : i32
      %mul3A_151 = vector.broadcast %mul3A_150 : i32 to vector<16xi32>
      %mul3A_152 = arith.muli %select_n3A_149, %mul3A_151 : vector<16xi32>
      %add3A_153 = arith.addi %mul3A_152, %iota3A : vector<16xi32>
      tpu.vector_store_idx %arg5[%add3A_153], %broadcast_in_dim3A_100 {add = true} : memref<768xf32, #tpu.memory_space<vmem>>[vector<16xi32>], vector<16xf32>,
      %add3A_154 = arith.constant 30 : i32
      %add3A_155 = vector.broadcast %add3A_154 : i32 to vector<16xi32>
      %add3A_156 = arith.addi %min3A_142, %add3A_155 : vector<16xi32>
      %mul3A_157 = arith.constant 16 : i32
      %mul3A_158 = vector.broadcast %mul3A_157 : i32 to vector<16xi32>
      %mul3A_159 = arith.muli %add3A_156, %mul3A_158 : vector<16xi32>
      %add3A_160 = arith.addi %mul3A_159, %iota3A : vector<16xi32>
      tpu.vector_store_idx %arg5[%add3A_160], %abs3A_136 {add = true} : memref<768xf32, #tpu.memory_space<vmem>>[vector<16xi32>], vector<16xf32>,
      %add3A_161 = arith.constant 32 : i32
      %add3A_162 = arith.addi %mul3A_109, %add3A_161 : i32
      %get3A_163 = arith.index_cast %add3A_162 : i32 to index
      %get3A_164 = tpu.vector_load %arg4[%get3A_163] {strides = array<i32>} : memref<16384xf32, #tpu.memory_space<vmem>>, vector<16xf32>,
      %abs3A_165 = math.absf %get3A_164 : vector<16xf32>
      %div3A_166 = vector.broadcast %scan3A_101 : f32 to vector<16xf32>
      %div3A_167 = arith.divf %abs3A_165, %div3A_166 : vector<16xf32>
      %convert_element_type3A_168 = arith.fptosi %div3A_167 : vector<16xf32> to vector<16xi32>
      %min3A_169 = arith.constant 14 : i32
      %min3A_170 = vector.broadcast %min3A_169 : i32 to vector<16xi32>
      %min3A_171 = arith.minsi %convert_element_type3A_168, %min3A_170 : vector<16xi32>
      %lt3A_172 = arith.constant 0.000000e+00 : f32
      %lt3A_173 = vector.broadcast %lt3A_172 : f32 to vector<16xf32>
      %lt3A_174 = arith.cmpf olt, %get3A_164, %lt3A_173 : vector<16xf32>
      %add3A_175 = arith.constant 15 : i32
      %add3A_176 = vector.broadcast %add3A_175 : i32 to vector<16xi32>
      %add3A_177 = arith.addi %min3A_171, %add3A_176 : vector<16xi32>
      %select_n3A_178 = arith.select %lt3A_174, %add3A_177, %min3A_171 : vector<16xi1>, vector<16xi32>
      %mul3A_179 = arith.constant 16 : i32
      %mul3A_180 = vector.broadcast %mul3A_179 : i32 to vector<16xi32>
      %mul3A_181 = arith.muli %select_n3A_178, %mul3A_180 : vector<16xi32>
      %add3A_182 = arith.addi %mul3A_181, %iota3A : vector<16xi32>
      tpu.vector_store_idx %arg5[%add3A_182], %broadcast_in_dim3A_100 {add = true} : memref<768xf32, #tpu.memory_space<vmem>>[vector<16xi32>], vector<16xf32>,
      %add3A_183 = arith.constant 30 : i32
      %add3A_184 = vector.broadcast %add3A_183 : i32 to vector<16xi32>
      %add3A_185 = arith.addi %min3A_171, %add3A_184 : vector<16xi32>
      %mul3A_186 = arith.constant 16 : i32
      %mul3A_187 = vector.broadcast %mul3A_186 : i32 to vector<16xi32>
      %mul3A_188 = arith.muli %add3A_185, %mul3A_187 : vector<16xi32>
      %add3A_189 = arith.addi %mul3A_188, %iota3A : vector<16xi32>
      tpu.vector_store_idx %arg5[%add3A_189], %abs3A_165 {add = true} : memref<768xf32, #tpu.memory_space<vmem>>[vector<16xi32>], vector<16xf32>,
      %add3A_190 = arith.constant 48 : i32
      %add3A_191 = arith.addi %mul3A_109, %add3A_190 : i32
      %get3A_192 = arith.index_cast %add3A_191 : i32 to index
      %get3A_193 = tpu.vector_load %arg4[%get3A_192] {strides = array<i32>} : memref<16384xf32, #tpu.memory_space<vmem>>, vector<16xf32>,
      %abs3A_194 = math.absf %get3A_193 : vector<16xf32>
      %div3A_195 = vector.broadcast %scan3A_101 : f32 to vector<16xf32>
      %div3A_196 = arith.divf %abs3A_194, %div3A_195 : vector<16xf32>
      %convert_element_type3A_197 = arith.fptosi %div3A_196 : vector<16xf32> to vector<16xi32>
      %min3A_198 = arith.constant 14 : i32
      %min3A_199 = vector.broadcast %min3A_198 : i32 to vector<16xi32>
      %min3A_200 = arith.minsi %convert_element_type3A_197, %min3A_199 : vector<16xi32>
      %lt3A_201 = arith.constant 0.000000e+00 : f32
      %lt3A_202 = vector.broadcast %lt3A_201 : f32 to vector<16xf32>
      %lt3A_203 = arith.cmpf olt, %get3A_193, %lt3A_202 : vector<16xf32>
      %add3A_204 = arith.constant 15 : i32
      %add3A_205 = vector.broadcast %add3A_204 : i32 to vector<16xi32>
      %add3A_206 = arith.addi %min3A_200, %add3A_205 : vector<16xi32>
      %select_n3A_207 = arith.select %lt3A_203, %add3A_206, %min3A_200 : vector<16xi1>, vector<16xi32>
      %mul3A_208 = arith.constant 16 : i32
      %mul3A_209 = vector.broadcast %mul3A_208 : i32 to vector<16xi32>
      %mul3A_210 = arith.muli %select_n3A_207, %mul3A_209 : vector<16xi32>
      %add3A_211 = arith.addi %mul3A_210, %iota3A : vector<16xi32>
      tpu.vector_store_idx %arg5[%add3A_211], %broadcast_in_dim3A_100 {add = true} : memref<768xf32, #tpu.memory_space<vmem>>[vector<16xi32>], vector<16xf32>,
      %add3A_212 = arith.constant 30 : i32
      %add3A_213 = vector.broadcast %add3A_212 : i32 to vector<16xi32>
      %add3A_214 = arith.addi %min3A_200, %add3A_213 : vector<16xi32>
      %mul3A_215 = arith.constant 16 : i32
      %mul3A_216 = vector.broadcast %mul3A_215 : i32 to vector<16xi32>
      %mul3A_217 = arith.muli %add3A_214, %mul3A_216 : vector<16xi32>
      %add3A_218 = arith.addi %mul3A_217, %iota3A : vector<16xi32>
      tpu.vector_store_idx %arg5[%add3A_218], %abs3A_194 {add = true} : memref<768xf32, #tpu.memory_space<vmem>>[vector<16xi32>], vector<16xf32>,
      %add3A_219 = arith.constant 64 : i32
      %add3A_220 = arith.addi %mul3A_109, %add3A_219 : i32
      %get3A_221 = arith.index_cast %add3A_220 : i32 to index
      %get3A_222 = tpu.vector_load %arg4[%get3A_221] {strides = array<i32>} : memref<16384xf32, #tpu.memory_space<vmem>>, vector<16xf32>,
      %abs3A_223 = math.absf %get3A_222 : vector<16xf32>
      %div3A_224 = vector.broadcast %scan3A_101 : f32 to vector<16xf32>
      %div3A_225 = arith.divf %abs3A_223, %div3A_224 : vector<16xf32>
      %convert_element_type3A_226 = arith.fptosi %div3A_225 : vector<16xf32> to vector<16xi32>
      %min3A_227 = arith.constant 14 : i32
      %min3A_228 = vector.broadcast %min3A_227 : i32 to vector<16xi32>
      %min3A_229 = arith.minsi %convert_element_type3A_226, %min3A_228 : vector<16xi32>
      %lt3A_230 = arith.constant 0.000000e+00 : f32
      %lt3A_231 = vector.broadcast %lt3A_230 : f32 to vector<16xf32>
      %lt3A_232 = arith.cmpf olt, %get3A_222, %lt3A_231 : vector<16xf32>
      %add3A_233 = arith.constant 15 : i32
      %add3A_234 = vector.broadcast %add3A_233 : i32 to vector<16xi32>
      %add3A_235 = arith.addi %min3A_229, %add3A_234 : vector<16xi32>
      %select_n3A_236 = arith.select %lt3A_232, %add3A_235, %min3A_229 : vector<16xi1>, vector<16xi32>
      %mul3A_237 = arith.constant 16 : i32
      %mul3A_238 = vector.broadcast %mul3A_237 : i32 to vector<16xi32>
      %mul3A_239 = arith.muli %select_n3A_236, %mul3A_238 : vector<16xi32>
      %add3A_240 = arith.addi %mul3A_239, %iota3A : vector<16xi32>
      tpu.vector_store_idx %arg5[%add3A_240], %broadcast_in_dim3A_100 {add = true} : memref<768xf32, #tpu.memory_space<vmem>>[vector<16xi32>], vector<16xf32>,
      %add3A_241 = arith.constant 30 : i32
      %add3A_242 = vector.broadcast %add3A_241 : i32 to vector<16xi32>
      %add3A_243 = arith.addi %min3A_229, %add3A_242 : vector<16xi32>
      %mul3A_244 = arith.constant 16 : i32
      %mul3A_245 = vector.broadcast %mul3A_244 : i32 to vector<16xi32>
      %mul3A_246 = arith.muli %add3A_243, %mul3A_245 : vector<16xi32>
      %add3A_247 = arith.addi %mul3A_246, %iota3A : vector<16xi32>
      tpu.vector_store_idx %arg5[%add3A_247], %abs3A_223 {add = true} : memref<768xf32, #tpu.memory_space<vmem>>[vector<16xi32>], vector<16xf32>,
      %add3A_248 = arith.constant 80 : i32
      %add3A_249 = arith.addi %mul3A_109, %add3A_248 : i32
      %get3A_250 = arith.index_cast %add3A_249 : i32 to index
      %get3A_251 = tpu.vector_load %arg4[%get3A_250] {strides = array<i32>} : memref<16384xf32, #tpu.memory_space<vmem>>, vector<16xf32>,
      %abs3A_252 = math.absf %get3A_251 : vector<16xf32>
      %div3A_253 = vector.broadcast %scan3A_101 : f32 to vector<16xf32>
      %div3A_254 = arith.divf %abs3A_252, %div3A_253 : vector<16xf32>
      %convert_element_type3A_255 = arith.fptosi %div3A_254 : vector<16xf32> to vector<16xi32>
      %min3A_256 = arith.constant 14 : i32
      %min3A_257 = vector.broadcast %min3A_256 : i32 to vector<16xi32>
      %min3A_258 = arith.minsi %convert_element_type3A_255, %min3A_257 : vector<16xi32>
      %lt3A_259 = arith.constant 0.000000e+00 : f32
      %lt3A_260 = vector.broadcast %lt3A_259 : f32 to vector<16xf32>
      %lt3A_261 = arith.cmpf olt, %get3A_251, %lt3A_260 : vector<16xf32>
      %add3A_262 = arith.constant 15 : i32
      %add3A_263 = vector.broadcast %add3A_262 : i32 to vector<16xi32>
      %add3A_264 = arith.addi %min3A_258, %add3A_263 : vector<16xi32>
      %select_n3A_265 = arith.select %lt3A_261, %add3A_264, %min3A_258 : vector<16xi1>, vector<16xi32>
      %mul3A_266 = arith.constant 16 : i32
      %mul3A_267 = vector.broadcast %mul3A_266 : i32 to vector<16xi32>
      %mul3A_268 = arith.muli %select_n3A_265, %mul3A_267 : vector<16xi32>
      %add3A_269 = arith.addi %mul3A_268, %iota3A : vector<16xi32>
      tpu.vector_store_idx %arg5[%add3A_269], %broadcast_in_dim3A_100 {add = true} : memref<768xf32, #tpu.memory_space<vmem>>[vector<16xi32>], vector<16xf32>,
      %add3A_270 = arith.constant 30 : i32
      %add3A_271 = vector.broadcast %add3A_270 : i32 to vector<16xi32>
      %add3A_272 = arith.addi %min3A_258, %add3A_271 : vector<16xi32>
      %mul3A_273 = arith.constant 16 : i32
      %mul3A_274 = vector.broadcast %mul3A_273 : i32 to vector<16xi32>
      %mul3A_275 = arith.muli %add3A_272, %mul3A_274 : vector<16xi32>
      %add3A_276 = arith.addi %mul3A_275, %iota3A : vector<16xi32>
      tpu.vector_store_idx %arg5[%add3A_276], %abs3A_252 {add = true} : memref<768xf32, #tpu.memory_space<vmem>>[vector<16xi32>], vector<16xf32>,
      %add3A_277 = arith.constant 96 : i32
      %add3A_278 = arith.addi %mul3A_109, %add3A_277 : i32
      %get3A_279 = arith.index_cast %add3A_278 : i32 to index
      %get3A_280 = tpu.vector_load %arg4[%get3A_279] {strides = array<i32>} : memref<16384xf32, #tpu.memory_space<vmem>>, vector<16xf32>,
      %abs3A_281 = math.absf %get3A_280 : vector<16xf32>
      %div3A_282 = vector.broadcast %scan3A_101 : f32 to vector<16xf32>
      %div3A_283 = arith.divf %abs3A_281, %div3A_282 : vector<16xf32>
      %convert_element_type3A_284 = arith.fptosi %div3A_283 : vector<16xf32> to vector<16xi32>
      %min3A_285 = arith.constant 14 : i32
      %min3A_286 = vector.broadcast %min3A_285 : i32 to vector<16xi32>
      %min3A_287 = arith.minsi %convert_element_type3A_284, %min3A_286 : vector<16xi32>
      %lt3A_288 = arith.constant 0.000000e+00 : f32
      %lt3A_289 = vector.broadcast %lt3A_288 : f32 to vector<16xf32>
      %lt3A_290 = arith.cmpf olt, %get3A_280, %lt3A_289 : vector<16xf32>
      %add3A_291 = arith.constant 15 : i32
      %add3A_292 = vector.broadcast %add3A_291 : i32 to vector<16xi32>
      %add3A_293 = arith.addi %min3A_287, %add3A_292 : vector<16xi32>
      %select_n3A_294 = arith.select %lt3A_290, %add3A_293, %min3A_287 : vector<16xi1>, vector<16xi32>
      %mul3A_295 = arith.constant 16 : i32
      %mul3A_296 = vector.broadcast %mul3A_295 : i32 to vector<16xi32>
      %mul3A_297 = arith.muli %select_n3A_294, %mul3A_296 : vector<16xi32>
      %add3A_298 = arith.addi %mul3A_297, %iota3A : vector<16xi32>
      tpu.vector_store_idx %arg5[%add3A_298], %broadcast_in_dim3A_100 {add = true} : memref<768xf32, #tpu.memory_space<vmem>>[vector<16xi32>], vector<16xf32>,
      %add3A_299 = arith.constant 30 : i32
      %add3A_300 = vector.broadcast %add3A_299 : i32 to vector<16xi32>
      %add3A_301 = arith.addi %min3A_287, %add3A_300 : vector<16xi32>
      %mul3A_302 = arith.constant 16 : i32
      %mul3A_303 = vector.broadcast %mul3A_302 : i32 to vector<16xi32>
      %mul3A_304 = arith.muli %add3A_301, %mul3A_303 : vector<16xi32>
      %add3A_305 = arith.addi %mul3A_304, %iota3A : vector<16xi32>
      tpu.vector_store_idx %arg5[%add3A_305], %abs3A_281 {add = true} : memref<768xf32, #tpu.memory_space<vmem>>[vector<16xi32>], vector<16xf32>,
      %add3A_306 = arith.constant 112 : i32
      %add3A_307 = arith.addi %mul3A_109, %add3A_306 : i32
      %get3A_308 = arith.index_cast %add3A_307 : i32 to index
      %get3A_309 = tpu.vector_load %arg4[%get3A_308] {strides = array<i32>} : memref<16384xf32, #tpu.memory_space<vmem>>, vector<16xf32>,
      %abs3A_310 = math.absf %get3A_309 : vector<16xf32>
      %div3A_311 = vector.broadcast %scan3A_101 : f32 to vector<16xf32>
      %div3A_312 = arith.divf %abs3A_310, %div3A_311 : vector<16xf32>
      %convert_element_type3A_313 = arith.fptosi %div3A_312 : vector<16xf32> to vector<16xi32>
      %min3A_314 = arith.constant 14 : i32
      %min3A_315 = vector.broadcast %min3A_314 : i32 to vector<16xi32>
      %min3A_316 = arith.minsi %convert_element_type3A_313, %min3A_315 : vector<16xi32>
      %lt3A_317 = arith.constant 0.000000e+00 : f32
      %lt3A_318 = vector.broadcast %lt3A_317 : f32 to vector<16xf32>
      %lt3A_319 = arith.cmpf olt, %get3A_309, %lt3A_318 : vector<16xf32>
      %add3A_320 = arith.constant 15 : i32
      %add3A_321 = vector.broadcast %add3A_320 : i32 to vector<16xi32>
      %add3A_322 = arith.addi %min3A_316, %add3A_321 : vector<16xi32>
      %select_n3A_323 = arith.select %lt3A_319, %add3A_322, %min3A_316 : vector<16xi1>, vector<16xi32>
      %mul3A_324 = arith.constant 16 : i32
      %mul3A_325 = vector.broadcast %mul3A_324 : i32 to vector<16xi32>
      %mul3A_326 = arith.muli %select_n3A_323, %mul3A_325 : vector<16xi32>
      %add3A_327 = arith.addi %mul3A_326, %iota3A : vector<16xi32>
      tpu.vector_store_idx %arg5[%add3A_327], %broadcast_in_dim3A_100 {add = true} : memref<768xf32, #tpu.memory_space<vmem>>[vector<16xi32>], vector<16xf32>,
      %add3A_328 = arith.constant 30 : i32
      %add3A_329 = vector.broadcast %add3A_328 : i32 to vector<16xi32>
      %add3A_330 = arith.addi %min3A_316, %add3A_329 : vector<16xi32>
      %mul3A_331 = arith.constant 16 : i32
      %mul3A_332 = vector.broadcast %mul3A_331 : i32 to vector<16xi32>
      %mul3A_333 = arith.muli %add3A_330, %mul3A_332 : vector<16xi32>
      %add3A_334 = arith.addi %mul3A_333, %iota3A : vector<16xi32>
      tpu.vector_store_idx %arg5[%add3A_334], %abs3A_310 {add = true} : memref<768xf32, #tpu.memory_space<vmem>>[vector<16xi32>], vector<16xf32>,
      %add3A_335 = arith.constant 128 : i32
      %add3A_336 = arith.addi %mul3A_109, %add3A_335 : i32
      %get3A_337 = arith.index_cast %add3A_336 : i32 to index
      %get3A_338 = tpu.vector_load %arg4[%get3A_337] {strides = array<i32>} : memref<16384xf32, #tpu.memory_space<vmem>>, vector<16xf32>,
      %abs3A_339 = math.absf %get3A_338 : vector<16xf32>
      %div3A_340 = vector.broadcast %scan3A_101 : f32 to vector<16xf32>
      %div3A_341 = arith.divf %abs3A_339, %div3A_340 : vector<16xf32>
      %convert_element_type3A_342 = arith.fptosi %div3A_341 : vector<16xf32> to vector<16xi32>
      %min3A_343 = arith.constant 14 : i32
      %min3A_344 = vector.broadcast %min3A_343 : i32 to vector<16xi32>
      %min3A_345 = arith.minsi %convert_element_type3A_342, %min3A_344 : vector<16xi32>
      %lt3A_346 = arith.constant 0.000000e+00 : f32
      %lt3A_347 = vector.broadcast %lt3A_346 : f32 to vector<16xf32>
      %lt3A_348 = arith.cmpf olt, %get3A_338, %lt3A_347 : vector<16xf32>
      %add3A_349 = arith.constant 15 : i32
      %add3A_350 = vector.broadcast %add3A_349 : i32 to vector<16xi32>
      %add3A_351 = arith.addi %min3A_345, %add3A_350 : vector<16xi32>
      %select_n3A_352 = arith.select %lt3A_348, %add3A_351, %min3A_345 : vector<16xi1>, vector<16xi32>
      %mul3A_353 = arith.constant 16 : i32
      %mul3A_354 = vector.broadcast %mul3A_353 : i32 to vector<16xi32>
      %mul3A_355 = arith.muli %select_n3A_352, %mul3A_354 : vector<16xi32>
      %add3A_356 = arith.addi %mul3A_355, %iota3A : vector<16xi32>
      tpu.vector_store_idx %arg5[%add3A_356], %broadcast_in_dim3A_100 {add = true} : memref<768xf32, #tpu.memory_space<vmem>>[vector<16xi32>], vector<16xf32>,
      %add3A_357 = arith.constant 30 : i32
      %add3A_358 = vector.broadcast %add3A_357 : i32 to vector<16xi32>
      %add3A_359 = arith.addi %min3A_345, %add3A_358 : vector<16xi32>
      %mul3A_360 = arith.constant 16 : i32
      %mul3A_361 = vector.broadcast %mul3A_360 : i32 to vector<16xi32>
      %mul3A_362 = arith.muli %add3A_359, %mul3A_361 : vector<16xi32>
      %add3A_363 = arith.addi %mul3A_362, %iota3A : vector<16xi32>
      tpu.vector_store_idx %arg5[%add3A_363], %abs3A_339 {add = true} : memref<768xf32, #tpu.memory_space<vmem>>[vector<16xi32>], vector<16xf32>,
      %add3A_364 = arith.constant 144 : i32
      %add3A_365 = arith.addi %mul3A_109, %add3A_364 : i32
      %get3A_366 = arith.index_cast %add3A_365 : i32 to index
      %get3A_367 = tpu.vector_load %arg4[%get3A_366] {strides = array<i32>} : memref<16384xf32, #tpu.memory_space<vmem>>, vector<16xf32>,
      %abs3A_368 = math.absf %get3A_367 : vector<16xf32>
      %div3A_369 = vector.broadcast %scan3A_101 : f32 to vector<16xf32>
      %div3A_370 = arith.divf %abs3A_368, %div3A_369 : vector<16xf32>
      %convert_element_type3A_371 = arith.fptosi %div3A_370 : vector<16xf32> to vector<16xi32>
      %min3A_372 = arith.constant 14 : i32
      %min3A_373 = vector.broadcast %min3A_372 : i32 to vector<16xi32>
      %min3A_374 = arith.minsi %convert_element_type3A_371, %min3A_373 : vector<16xi32>
      %lt3A_375 = arith.constant 0.000000e+00 : f32
      %lt3A_376 = vector.broadcast %lt3A_375 : f32 to vector<16xf32>
      %lt3A_377 = arith.cmpf olt, %get3A_367, %lt3A_376 : vector<16xf32>
      %add3A_378 = arith.constant 15 : i32
      %add3A_379 = vector.broadcast %add3A_378 : i32 to vector<16xi32>
      %add3A_380 = arith.addi %min3A_374, %add3A_379 : vector<16xi32>
      %select_n3A_381 = arith.select %lt3A_377, %add3A_380, %min3A_374 : vector<16xi1>, vector<16xi32>
      %mul3A_382 = arith.constant 16 : i32
      %mul3A_383 = vector.broadcast %mul3A_382 : i32 to vector<16xi32>
      %mul3A_384 = arith.muli %select_n3A_381, %mul3A_383 : vector<16xi32>
      %add3A_385 = arith.addi %mul3A_384, %iota3A : vector<16xi32>
      tpu.vector_store_idx %arg5[%add3A_385], %broadcast_in_dim3A_100 {add = true} : memref<768xf32, #tpu.memory_space<vmem>>[vector<16xi32>], vector<16xf32>,
      %add3A_386 = arith.constant 30 : i32
      %add3A_387 = vector.broadcast %add3A_386 : i32 to vector<16xi32>
      %add3A_388 = arith.addi %min3A_374, %add3A_387 : vector<16xi32>
      %mul3A_389 = arith.constant 16 : i32
      %mul3A_390 = vector.broadcast %mul3A_389 : i32 to vector<16xi32>
      %mul3A_391 = arith.muli %add3A_388, %mul3A_390 : vector<16xi32>
      %add3A_392 = arith.addi %mul3A_391, %iota3A : vector<16xi32>
      tpu.vector_store_idx %arg5[%add3A_392], %abs3A_368 {add = true} : memref<768xf32, #tpu.memory_space<vmem>>[vector<16xi32>], vector<16xf32>,
      %add3A_393 = arith.constant 160 : i32
      %add3A_394 = arith.addi %mul3A_109, %add3A_393 : i32
      %get3A_395 = arith.index_cast %add3A_394 : i32 to index
      %get3A_396 = tpu.vector_load %arg4[%get3A_395] {strides = array<i32>} : memref<16384xf32, #tpu.memory_space<vmem>>, vector<16xf32>,
      %abs3A_397 = math.absf %get3A_396 : vector<16xf32>
      %div3A_398 = vector.broadcast %scan3A_101 : f32 to vector<16xf32>
      %div3A_399 = arith.divf %abs3A_397, %div3A_398 : vector<16xf32>
      %convert_element_type3A_400 = arith.fptosi %div3A_399 : vector<16xf32> to vector<16xi32>
      %min3A_401 = arith.constant 14 : i32
      %min3A_402 = vector.broadcast %min3A_401 : i32 to vector<16xi32>
      %min3A_403 = arith.minsi %convert_element_type3A_400, %min3A_402 : vector<16xi32>
      %lt3A_404 = arith.constant 0.000000e+00 : f32
      %lt3A_405 = vector.broadcast %lt3A_404 : f32 to vector<16xf32>
      %lt3A_406 = arith.cmpf olt, %get3A_396, %lt3A_405 : vector<16xf32>
      %add3A_407 = arith.constant 15 : i32
      %add3A_408 = vector.broadcast %add3A_407 : i32 to vector<16xi32>
      %add3A_409 = arith.addi %min3A_403, %add3A_408 : vector<16xi32>
      %select_n3A_410 = arith.select %lt3A_406, %add3A_409, %min3A_403 : vector<16xi1>, vector<16xi32>
      %mul3A_411 = arith.constant 16 : i32
      %mul3A_412 = vector.broadcast %mul3A_411 : i32 to vector<16xi32>
      %mul3A_413 = arith.muli %select_n3A_410, %mul3A_412 : vector<16xi32>
      %add3A_414 = arith.addi %mul3A_413, %iota3A : vector<16xi32>
      tpu.vector_store_idx %arg5[%add3A_414], %broadcast_in_dim3A_100 {add = true} : memref<768xf32, #tpu.memory_space<vmem>>[vector<16xi32>], vector<16xf32>,
      %add3A_415 = arith.constant 30 : i32
      %add3A_416 = vector.broadcast %add3A_415 : i32 to vector<16xi32>
      %add3A_417 = arith.addi %min3A_403, %add3A_416 : vector<16xi32>
      %mul3A_418 = arith.constant 16 : i32
      %mul3A_419 = vector.broadcast %mul3A_418 : i32 to vector<16xi32>
      %mul3A_420 = arith.muli %add3A_417, %mul3A_419 : vector<16xi32>
      %add3A_421 = arith.addi %mul3A_420, %iota3A : vector<16xi32>
      tpu.vector_store_idx %arg5[%add3A_421], %abs3A_397 {add = true} : memref<768xf32, #tpu.memory_space<vmem>>[vector<16xi32>], vector<16xf32>,
      %add3A_422 = arith.constant 176 : i32
      %add3A_423 = arith.addi %mul3A_109, %add3A_422 : i32
      %get3A_424 = arith.index_cast %add3A_423 : i32 to index
      %get3A_425 = tpu.vector_load %arg4[%get3A_424] {strides = array<i32>} : memref<16384xf32, #tpu.memory_space<vmem>>, vector<16xf32>,
      %abs3A_426 = math.absf %get3A_425 : vector<16xf32>
      %div3A_427 = vector.broadcast %scan3A_101 : f32 to vector<16xf32>
      %div3A_428 = arith.divf %abs3A_426, %div3A_427 : vector<16xf32>
      %convert_element_type3A_429 = arith.fptosi %div3A_428 : vector<16xf32> to vector<16xi32>
      %min3A_430 = arith.constant 14 : i32
      %min3A_431 = vector.broadcast %min3A_430 : i32 to vector<16xi32>
      %min3A_432 = arith.minsi %convert_element_type3A_429, %min3A_431 : vector<16xi32>
      %lt3A_433 = arith.constant 0.000000e+00 : f32
      %lt3A_434 = vector.broadcast %lt3A_433 : f32 to vector<16xf32>
      %lt3A_435 = arith.cmpf olt, %get3A_425, %lt3A_434 : vector<16xf32>
      %add3A_436 = arith.constant 15 : i32
      %add3A_437 = vector.broadcast %add3A_436 : i32 to vector<16xi32>
      %add3A_438 = arith.addi %min3A_432, %add3A_437 : vector<16xi32>
      %select_n3A_439 = arith.select %lt3A_435, %add3A_438, %min3A_432 : vector<16xi1>, vector<16xi32>
      %mul3A_440 = arith.constant 16 : i32
      %mul3A_441 = vector.broadcast %mul3A_440 : i32 to vector<16xi32>
      %mul3A_442 = arith.muli %select_n3A_439, %mul3A_441 : vector<16xi32>
      %add3A_443 = arith.addi %mul3A_442, %iota3A : vector<16xi32>
      tpu.vector_store_idx %arg5[%add3A_443], %broadcast_in_dim3A_100 {add = true} : memref<768xf32, #tpu.memory_space<vmem>>[vector<16xi32>], vector<16xf32>,
      %add3A_444 = arith.constant 30 : i32
      %add3A_445 = vector.broadcast %add3A_444 : i32 to vector<16xi32>
      %add3A_446 = arith.addi %min3A_432, %add3A_445 : vector<16xi32>
      %mul3A_447 = arith.constant 16 : i32
      %mul3A_448 = vector.broadcast %mul3A_447 : i32 to vector<16xi32>
      %mul3A_449 = arith.muli %add3A_446, %mul3A_448 : vector<16xi32>
      %add3A_450 = arith.addi %mul3A_449, %iota3A : vector<16xi32>
      tpu.vector_store_idx %arg5[%add3A_450], %abs3A_426 {add = true} : memref<768xf32, #tpu.memory_space<vmem>>[vector<16xi32>], vector<16xf32>,
      %add3A_451 = arith.constant 192 : i32
      %add3A_452 = arith.addi %mul3A_109, %add3A_451 : i32
      %get3A_453 = arith.index_cast %add3A_452 : i32 to index
      %get3A_454 = tpu.vector_load %arg4[%get3A_453] {strides = array<i32>} : memref<16384xf32, #tpu.memory_space<vmem>>, vector<16xf32>,
      %abs3A_455 = math.absf %get3A_454 : vector<16xf32>
      %div3A_456 = vector.broadcast %scan3A_101 : f32 to vector<16xf32>
      %div3A_457 = arith.divf %abs3A_455, %div3A_456 : vector<16xf32>
      %convert_element_type3A_458 = arith.fptosi %div3A_457 : vector<16xf32> to vector<16xi32>
      %min3A_459 = arith.constant 14 : i32
      %min3A_460 = vector.broadcast %min3A_459 : i32 to vector<16xi32>
      %min3A_461 = arith.minsi %convert_element_type3A_458, %min3A_460 : vector<16xi32>
      %lt3A_462 = arith.constant 0.000000e+00 : f32
      %lt3A_463 = vector.broadcast %lt3A_462 : f32 to vector<16xf32>
      %lt3A_464 = arith.cmpf olt, %get3A_454, %lt3A_463 : vector<16xf32>
      %add3A_465 = arith.constant 15 : i32
      %add3A_466 = vector.broadcast %add3A_465 : i32 to vector<16xi32>
      %add3A_467 = arith.addi %min3A_461, %add3A_466 : vector<16xi32>
      %select_n3A_468 = arith.select %lt3A_464, %add3A_467, %min3A_461 : vector<16xi1>, vector<16xi32>
      %mul3A_469 = arith.constant 16 : i32
      %mul3A_470 = vector.broadcast %mul3A_469 : i32 to vector<16xi32>
      %mul3A_471 = arith.muli %select_n3A_468, %mul3A_470 : vector<16xi32>
      %add3A_472 = arith.addi %mul3A_471, %iota3A : vector<16xi32>
      tpu.vector_store_idx %arg5[%add3A_472], %broadcast_in_dim3A_100 {add = true} : memref<768xf32, #tpu.memory_space<vmem>>[vector<16xi32>], vector<16xf32>,
      %add3A_473 = arith.constant 30 : i32
      %add3A_474 = vector.broadcast %add3A_473 : i32 to vector<16xi32>
      %add3A_475 = arith.addi %min3A_461, %add3A_474 : vector<16xi32>
      %mul3A_476 = arith.constant 16 : i32
      %mul3A_477 = vector.broadcast %mul3A_476 : i32 to vector<16xi32>
      %mul3A_478 = arith.muli %add3A_475, %mul3A_477 : vector<16xi32>
      %add3A_479 = arith.addi %mul3A_478, %iota3A : vector<16xi32>
      tpu.vector_store_idx %arg5[%add3A_479], %abs3A_455 {add = true} : memref<768xf32, #tpu.memory_space<vmem>>[vector<16xi32>], vector<16xf32>,
      %add3A_480 = arith.constant 208 : i32
      %add3A_481 = arith.addi %mul3A_109, %add3A_480 : i32
      %get3A_482 = arith.index_cast %add3A_481 : i32 to index
      %get3A_483 = tpu.vector_load %arg4[%get3A_482] {strides = array<i32>} : memref<16384xf32, #tpu.memory_space<vmem>>, vector<16xf32>,
      %abs3A_484 = math.absf %get3A_483 : vector<16xf32>
      %div3A_485 = vector.broadcast %scan3A_101 : f32 to vector<16xf32>
      %div3A_486 = arith.divf %abs3A_484, %div3A_485 : vector<16xf32>
      %convert_element_type3A_487 = arith.fptosi %div3A_486 : vector<16xf32> to vector<16xi32>
      %min3A_488 = arith.constant 14 : i32
      %min3A_489 = vector.broadcast %min3A_488 : i32 to vector<16xi32>
      %min3A_490 = arith.minsi %convert_element_type3A_487, %min3A_489 : vector<16xi32>
      %lt3A_491 = arith.constant 0.000000e+00 : f32
      %lt3A_492 = vector.broadcast %lt3A_491 : f32 to vector<16xf32>
      %lt3A_493 = arith.cmpf olt, %get3A_483, %lt3A_492 : vector<16xf32>
      %add3A_494 = arith.constant 15 : i32
      %add3A_495 = vector.broadcast %add3A_494 : i32 to vector<16xi32>
      %add3A_496 = arith.addi %min3A_490, %add3A_495 : vector<16xi32>
      %select_n3A_497 = arith.select %lt3A_493, %add3A_496, %min3A_490 : vector<16xi1>, vector<16xi32>
      %mul3A_498 = arith.constant 16 : i32
      %mul3A_499 = vector.broadcast %mul3A_498 : i32 to vector<16xi32>
      %mul3A_500 = arith.muli %select_n3A_497, %mul3A_499 : vector<16xi32>
      %add3A_501 = arith.addi %mul3A_500, %iota3A : vector<16xi32>
      tpu.vector_store_idx %arg5[%add3A_501], %broadcast_in_dim3A_100 {add = true} : memref<768xf32, #tpu.memory_space<vmem>>[vector<16xi32>], vector<16xf32>,
      %add3A_502 = arith.constant 30 : i32
      %add3A_503 = vector.broadcast %add3A_502 : i32 to vector<16xi32>
      %add3A_504 = arith.addi %min3A_490, %add3A_503 : vector<16xi32>
      %mul3A_505 = arith.constant 16 : i32
      %mul3A_506 = vector.broadcast %mul3A_505 : i32 to vector<16xi32>
      %mul3A_507 = arith.muli %add3A_504, %mul3A_506 : vector<16xi32>
      %add3A_508 = arith.addi %mul3A_507, %iota3A : vector<16xi32>
      tpu.vector_store_idx %arg5[%add3A_508], %abs3A_484 {add = true} : memref<768xf32, #tpu.memory_space<vmem>>[vector<16xi32>], vector<16xf32>,
      %add3A_509 = arith.constant 224 : i32
      %add3A_510 = arith.addi %mul3A_109, %add3A_509 : i32
      %get3A_511 = arith.index_cast %add3A_510 : i32 to index
      %get3A_512 = tpu.vector_load %arg4[%get3A_511] {strides = array<i32>} : memref<16384xf32, #tpu.memory_space<vmem>>, vector<16xf32>,
      %abs3A_513 = math.absf %get3A_512 : vector<16xf32>
      %div3A_514 = vector.broadcast %scan3A_101 : f32 to vector<16xf32>
      %div3A_515 = arith.divf %abs3A_513, %div3A_514 : vector<16xf32>
      %convert_element_type3A_516 = arith.fptosi %div3A_515 : vector<16xf32> to vector<16xi32>
      %min3A_517 = arith.constant 14 : i32
      %min3A_518 = vector.broadcast %min3A_517 : i32 to vector<16xi32>
      %min3A_519 = arith.minsi %convert_element_type3A_516, %min3A_518 : vector<16xi32>
      %lt3A_520 = arith.constant 0.000000e+00 : f32
      %lt3A_521 = vector.broadcast %lt3A_520 : f32 to vector<16xf32>
      %lt3A_522 = arith.cmpf olt, %get3A_512, %lt3A_521 : vector<16xf32>
      %add3A_523 = arith.constant 15 : i32
      %add3A_524 = vector.broadcast %add3A_523 : i32 to vector<16xi32>
      %add3A_525 = arith.addi %min3A_519, %add3A_524 : vector<16xi32>
      %select_n3A_526 = arith.select %lt3A_522, %add3A_525, %min3A_519 : vector<16xi1>, vector<16xi32>
      %mul3A_527 = arith.constant 16 : i32
      %mul3A_528 = vector.broadcast %mul3A_527 : i32 to vector<16xi32>
      %mul3A_529 = arith.muli %select_n3A_526, %mul3A_528 : vector<16xi32>
      %add3A_530 = arith.addi %mul3A_529, %iota3A : vector<16xi32>
      tpu.vector_store_idx %arg5[%add3A_530], %broadcast_in_dim3A_100 {add = true} : memref<768xf32, #tpu.memory_space<vmem>>[vector<16xi32>], vector<16xf32>,
      %add3A_531 = arith.constant 30 : i32
      %add3A_532 = vector.broadcast %add3A_531 : i32 to vector<16xi32>
      %add3A_533 = arith.addi %min3A_519, %add3A_532 : vector<16xi32>
      %mul3A_534 = arith.constant 16 : i32
      %mul3A_535 = vector.broadcast %mul3A_534 : i32 to vector<16xi32>
      %mul3A_536 = arith.muli %add3A_533, %mul3A_535 : vector<16xi32>
      %add3A_537 = arith.addi %mul3A_536, %iota3A : vector<16xi32>
      tpu.vector_store_idx %arg5[%add3A_537], %abs3A_513 {add = true} : memref<768xf32, #tpu.memory_space<vmem>>[vector<16xi32>], vector<16xf32>,
      %add3A_538 = arith.constant 240 : i32
      %add3A_539 = arith.addi %mul3A_109, %add3A_538 : i32
      %get3A_540 = arith.index_cast %add3A_539 : i32 to index
      %get3A_541 = tpu.vector_load %arg4[%get3A_540] {strides = array<i32>} : memref<16384xf32, #tpu.memory_space<vmem>>, vector<16xf32>,
      %abs3A_542 = math.absf %get3A_541 : vector<16xf32>
      %div3A_543 = vector.broadcast %scan3A_101 : f32 to vector<16xf32>
      %div3A_544 = arith.divf %abs3A_542, %div3A_543 : vector<16xf32>
      %convert_element_type3A_545 = arith.fptosi %div3A_544 : vector<16xf32> to vector<16xi32>
      %min3A_546 = arith.constant 14 : i32
      %min3A_547 = vector.broadcast %min3A_546 : i32 to vector<16xi32>
      %min3A_548 = arith.minsi %convert_element_type3A_545, %min3A_547 : vector<16xi32>
      %lt3A_549 = arith.constant 0.000000e+00 : f32
      %lt3A_550 = vector.broadcast %lt3A_549 : f32 to vector<16xf32>
      %lt3A_551 = arith.cmpf olt, %get3A_541, %lt3A_550 : vector<16xf32>
      %add3A_552 = arith.constant 15 : i32
      %add3A_553 = vector.broadcast %add3A_552 : i32 to vector<16xi32>
      %add3A_554 = arith.addi %min3A_548, %add3A_553 : vector<16xi32>
      %select_n3A_555 = arith.select %lt3A_551, %add3A_554, %min3A_548 : vector<16xi1>, vector<16xi32>
      %mul3A_556 = arith.constant 16 : i32
      %mul3A_557 = vector.broadcast %mul3A_556 : i32 to vector<16xi32>
      %mul3A_558 = arith.muli %select_n3A_555, %mul3A_557 : vector<16xi32>
      %add3A_559 = arith.addi %mul3A_558, %iota3A : vector<16xi32>
      tpu.vector_store_idx %arg5[%add3A_559], %broadcast_in_dim3A_100 {add = true} : memref<768xf32, #tpu.memory_space<vmem>>[vector<16xi32>], vector<16xf32>,
      %add3A_560 = arith.constant 30 : i32
      %add3A_561 = vector.broadcast %add3A_560 : i32 to vector<16xi32>
      %add3A_562 = arith.addi %min3A_548, %add3A_561 : vector<16xi32>
      %mul3A_563 = arith.constant 16 : i32
      %mul3A_564 = vector.broadcast %mul3A_563 : i32 to vector<16xi32>
      %mul3A_565 = arith.muli %add3A_562, %mul3A_564 : vector<16xi32>
      %add3A_566 = arith.addi %mul3A_565, %iota3A : vector<16xi32>
      tpu.vector_store_idx %arg5[%add3A_566], %abs3A_542 {add = true} : memref<768xf32, #tpu.memory_space<vmem>>[vector<16xi32>], vector<16xf32>,
    }
    %scan3A_106 = arith.constant 64 : i32
    "tpu.region"() ({
      %run_scoped3A = tpu.sem_alloc : memref<!tpu.dma_semaphore, #tpu.memory_space<semaphore_mem>>
      %dma_start3A = arith.constant 0 : i32
      %dma_start3A_107 = tpu.memref_slice %arg3[%add3A, %dma_start3A] : memref<32x768xf32, #tpu.memory_space<hbm>> -> memref<1x768xf32, #tpu.memory_space<hbm>>
      %dma_start3A_108 = tpu.memref_squeeze %dma_start3A_107 : memref<1x768xf32, #tpu.memory_space<hbm>> -> memref<768xf32, #tpu.memory_space<hbm>>
      %dma_start3A_109 = arith.constant 0 : i32
      %dma_start3A_110 = tpu.memref_slice %arg3[%add3A, %dma_start3A_109] : memref<32x768xf32, #tpu.memory_space<hbm>> -> memref<1x768xf32, #tpu.memory_space<hbm>>
      %dma_start3A_111 = tpu.memref_squeeze %dma_start3A_110 : memref<1x768xf32, #tpu.memory_space<hbm>> -> memref<768xf32, #tpu.memory_space<hbm>>
      tpu.enqueue_dma source(%arg5 : memref<768xf32, #tpu.memory_space<vmem>>) target(%dma_start3A_111 : memref<768xf32, #tpu.memory_space<hbm>>) target_semaphore(%run_scoped3A : memref<!tpu.dma_semaphore, #tpu.memory_space<semaphore_mem>>)
      %dma_wait3A = arith.constant 0 : i32
      %dma_wait3A_112 = tpu.memref_slice %arg3[%add3A, %dma_wait3A] : memref<32x768xf32, #tpu.memory_space<hbm>> -> memref<1x768xf32, #tpu.memory_space<hbm>>
      %dma_wait3A_113 = tpu.memref_squeeze %dma_wait3A_112 : memref<1x768xf32, #tpu.memory_space<hbm>> -> memref<768xf32, #tpu.memory_space<hbm>>
      %dma_wait3A_114 = arith.constant 0 : i32
      %dma_wait3A_115 = tpu.memref_slice %arg3[%add3A, %dma_wait3A_114] : memref<32x768xf32, #tpu.memory_space<hbm>> -> memref<1x768xf32, #tpu.memory_space<hbm>>
      %dma_wait3A_116 = tpu.memref_squeeze %dma_wait3A_115 : memref<1x768xf32, #tpu.memory_space<hbm>> -> memref<768xf32, #tpu.memory_space<hbm>>
      tpu.wait_dma2 semaphore(%run_scoped3A : memref<!tpu.dma_semaphore, #tpu.memory_space<semaphore_mem>>) src(%arg5 : memref<768xf32, #tpu.memory_space<vmem>>) dst(%dma_wait3A_116 : memref<768xf32, #tpu.memory_space<hbm>>)
      tpu.yield
    }) : () -> ()
    return
  }
}

#map = affine_map<(d0, d1) -> (0)>
#map1 = affine_map<(d0, d1) -> (0, 0)>
module attributes {stable_mosaic.version = 14 : i64} {
  func.func @_sc_bin_body(%arg0: i32, %arg1: i32, %arg2: memref<524288xf32, #tpu.memory_space<hbm>>, %arg3: memref<32x768xf32, #tpu.memory_space<hbm>>, %arg4: memref<16384xf32, #tpu.memory_space<vmem>>, %arg5: memref<768xf32, #tpu.memory_space<vmem>>) attributes {dimension_semantics = [#tpu.dimension_semantics<core_parallel>, #tpu.dimension_semantics<subcore_parallel>], iteration_bounds = array<i64: 2, 16>, scalar_prefetch = 0 : i64, scratch_operands = 2 : i64, tpu.core_type = #tpu.core_type<sc_vector_subcore>, window_params = [{transform_indices = #map}, {transform_indices = #map1}]} {
    %mul3A = arith.constant 2 : i32
    %mul3A_0 = arith.muli %arg1, %mul3A : i32
    %add3A = arith.addi %mul3A_0, %arg0 : i32
    %mul3A_1 = arith.constant 16384 : i32
    %mul3A_2 = arith.muli %add3A, %mul3A_1 : i32
    "tpu.region"() ({
      %run_scoped3A = tpu.sem_alloc : memref<!tpu.dma_semaphore, #tpu.memory_space<semaphore_mem>>
      %dma_start3A = tpu.memref_slice %arg2[%mul3A_2] : memref<524288xf32, #tpu.memory_space<hbm>> -> memref<16384xf32, #tpu.memory_space<hbm>>
      %dma_start3A_107 = tpu.memref_slice %arg2[%mul3A_2] : memref<524288xf32, #tpu.memory_space<hbm>> -> memref<16384xf32, #tpu.memory_space<hbm>>
      tpu.enqueue_dma source(%dma_start3A_107 : memref<16384xf32, #tpu.memory_space<hbm>>) target(%arg4 : memref<16384xf32, #tpu.memory_space<vmem>>) target_semaphore(%run_scoped3A : memref<!tpu.dma_semaphore, #tpu.memory_space<semaphore_mem>>)
      %dma_wait3A = tpu.memref_slice %arg2[%mul3A_2] : memref<524288xf32, #tpu.memory_space<hbm>> -> memref<16384xf32, #tpu.memory_space<hbm>>
      %dma_wait3A_108 = tpu.memref_slice %arg2[%mul3A_2] : memref<524288xf32, #tpu.memory_space<hbm>> -> memref<16384xf32, #tpu.memory_space<hbm>>
      tpu.wait_dma2 semaphore(%run_scoped3A : memref<!tpu.dma_semaphore, #tpu.memory_space<semaphore_mem>>) src(%dma_wait3A_108 : memref<16384xf32, #tpu.memory_space<hbm>>) dst(%arg4 : memref<16384xf32, #tpu.memory_space<vmem>>)
      tpu.yield
    }) : () -> ()
    %broadcast_in_dim3A = arith.constant 0.000000e+00 : f32
    %broadcast_in_dim3A_3 = vector.broadcast %broadcast_in_dim3A : f32 to vector<16xf32>
    %swap3A = arith.constant 0 : index
    %swap3A_4 = tpu.vector_load %arg5[%swap3A] {strides = array<i32>} : memref<768xf32, #tpu.memory_space<vmem>>, vector<16xf32>,
    tpu.vector_store %arg5[%swap3A], %broadcast_in_dim3A_3 {strides = array<i32>} : memref<768xf32, #tpu.memory_space<vmem>>, vector<16xf32>,
    %swap3A_5 = arith.constant 16 : index
    %swap3A_6 = tpu.vector_load %arg5[%swap3A_5] {strides = array<i32>} : memref<768xf32, #tpu.memory_space<vmem>>, vector<16xf32>,
    tpu.vector_store %arg5[%swap3A_5], %broadcast_in_dim3A_3 {strides = array<i32>} : memref<768xf32, #tpu.memory_space<vmem>>, vector<16xf32>,
    %swap3A_7 = arith.constant 32 : index
    %swap3A_8 = tpu.vector_load %arg5[%swap3A_7] {strides = array<i32>} : memref<768xf32, #tpu.memory_space<vmem>>, vector<16xf32>,
    tpu.vector_store %arg5[%swap3A_7], %broadcast_in_dim3A_3 {strides = array<i32>} : memref<768xf32, #tpu.memory_space<vmem>>, vector<16xf32>,
    %swap3A_9 = arith.constant 48 : index
    %swap3A_10 = tpu.vector_load %arg5[%swap3A_9] {strides = array<i32>} : memref<768xf32, #tpu.memory_space<vmem>>, vector<16xf32>,
    tpu.vector_store %arg5[%swap3A_9], %broadcast_in_dim3A_3 {strides = array<i32>} : memref<768xf32, #tpu.memory_space<vmem>>, vector<16xf32>,
    %swap3A_11 = arith.constant 64 : index
    %swap3A_12 = tpu.vector_load %arg5[%swap3A_11] {strides = array<i32>} : memref<768xf32, #tpu.memory_space<vmem>>, vector<16xf32>,
    tpu.vector_store %arg5[%swap3A_11], %broadcast_in_dim3A_3 {strides = array<i32>} : memref<768xf32, #tpu.memory_space<vmem>>, vector<16xf32>,
    %swap3A_13 = arith.constant 80 : index
    %swap3A_14 = tpu.vector_load %arg5[%swap3A_13] {strides = array<i32>} : memref<768xf32, #tpu.memory_space<vmem>>, vector<16xf32>,
    tpu.vector_store %arg5[%swap3A_13], %broadcast_in_dim3A_3 {strides = array<i32>} : memref<768xf32, #tpu.memory_space<vmem>>, vector<16xf32>,
    %swap3A_15 = arith.constant 96 : index
    %swap3A_16 = tpu.vector_load %arg5[%swap3A_15] {strides = array<i32>} : memref<768xf32, #tpu.memory_space<vmem>>, vector<16xf32>,
    tpu.vector_store %arg5[%swap3A_15], %broadcast_in_dim3A_3 {strides = array<i32>} : memref<768xf32, #tpu.memory_space<vmem>>, vector<16xf32>,
    %swap3A_17 = arith.constant 112 : index
    %swap3A_18 = tpu.vector_load %arg5[%swap3A_17] {strides = array<i32>} : memref<768xf32, #tpu.memory_space<vmem>>, vector<16xf32>,
    tpu.vector_store %arg5[%swap3A_17], %broadcast_in_dim3A_3 {strides = array<i32>} : memref<768xf32, #tpu.memory_space<vmem>>, vector<16xf32>,
    %swap3A_19 = arith.constant 128 : index
    %swap3A_20 = tpu.vector_load %arg5[%swap3A_19] {strides = array<i32>} : memref<768xf32, #tpu.memory_space<vmem>>, vector<16xf32>,
    tpu.vector_store %arg5[%swap3A_19], %broadcast_in_dim3A_3 {strides = array<i32>} : memref<768xf32, #tpu.memory_space<vmem>>, vector<16xf32>,
    %swap3A_21 = arith.constant 144 : index
    %swap3A_22 = tpu.vector_load %arg5[%swap3A_21] {strides = array<i32>} : memref<768xf32, #tpu.memory_space<vmem>>, vector<16xf32>,
    tpu.vector_store %arg5[%swap3A_21], %broadcast_in_dim3A_3 {strides = array<i32>} : memref<768xf32, #tpu.memory_space<vmem>>, vector<16xf32>,
    %swap3A_23 = arith.constant 160 : index
    %swap3A_24 = tpu.vector_load %arg5[%swap3A_23] {strides = array<i32>} : memref<768xf32, #tpu.memory_space<vmem>>, vector<16xf32>,
    tpu.vector_store %arg5[%swap3A_23], %broadcast_in_dim3A_3 {strides = array<i32>} : memref<768xf32, #tpu.memory_space<vmem>>, vector<16xf32>,
    %swap3A_25 = arith.constant 176 : index
    %swap3A_26 = tpu.vector_load %arg5[%swap3A_25] {strides = array<i32>} : memref<768xf32, #tpu.memory_space<vmem>>, vector<16xf32>,
    tpu.vector_store %arg5[%swap3A_25], %broadcast_in_dim3A_3 {strides = array<i32>} : memref<768xf32, #tpu.memory_space<vmem>>, vector<16xf32>,
    %swap3A_27 = arith.constant 192 : index
    %swap3A_28 = tpu.vector_load %arg5[%swap3A_27] {strides = array<i32>} : memref<768xf32, #tpu.memory_space<vmem>>, vector<16xf32>,
    tpu.vector_store %arg5[%swap3A_27], %broadcast_in_dim3A_3 {strides = array<i32>} : memref<768xf32, #tpu.memory_space<vmem>>, vector<16xf32>,
    %swap3A_29 = arith.constant 208 : index
    %swap3A_30 = tpu.vector_load %arg5[%swap3A_29] {strides = array<i32>} : memref<768xf32, #tpu.memory_space<vmem>>, vector<16xf32>,
    tpu.vector_store %arg5[%swap3A_29], %broadcast_in_dim3A_3 {strides = array<i32>} : memref<768xf32, #tpu.memory_space<vmem>>, vector<16xf32>,
    %swap3A_31 = arith.constant 224 : index
    %swap3A_32 = tpu.vector_load %arg5[%swap3A_31] {strides = array<i32>} : memref<768xf32, #tpu.memory_space<vmem>>, vector<16xf32>,
    tpu.vector_store %arg5[%swap3A_31], %broadcast_in_dim3A_3 {strides = array<i32>} : memref<768xf32, #tpu.memory_space<vmem>>, vector<16xf32>,
    %swap3A_33 = arith.constant 240 : index
    %swap3A_34 = tpu.vector_load %arg5[%swap3A_33] {strides = array<i32>} : memref<768xf32, #tpu.memory_space<vmem>>, vector<16xf32>,
    tpu.vector_store %arg5[%swap3A_33], %broadcast_in_dim3A_3 {strides = array<i32>} : memref<768xf32, #tpu.memory_space<vmem>>, vector<16xf32>,
    %swap3A_35 = arith.constant 256 : index
    %swap3A_36 = tpu.vector_load %arg5[%swap3A_35] {strides = array<i32>} : memref<768xf32, #tpu.memory_space<vmem>>, vector<16xf32>,
    tpu.vector_store %arg5[%swap3A_35], %broadcast_in_dim3A_3 {strides = array<i32>} : memref<768xf32, #tpu.memory_space<vmem>>, vector<16xf32>,
    %swap3A_37 = arith.constant 272 : index
    %swap3A_38 = tpu.vector_load %arg5[%swap3A_37] {strides = array<i32>} : memref<768xf32, #tpu.memory_space<vmem>>, vector<16xf32>,
    tpu.vector_store %arg5[%swap3A_37], %broadcast_in_dim3A_3 {strides = array<i32>} : memref<768xf32, #tpu.memory_space<vmem>>, vector<16xf32>,
    %swap3A_39 = arith.constant 288 : index
    %swap3A_40 = tpu.vector_load %arg5[%swap3A_39] {strides = array<i32>} : memref<768xf32, #tpu.memory_space<vmem>>, vector<16xf32>,
    tpu.vector_store %arg5[%swap3A_39], %broadcast_in_dim3A_3 {strides = array<i32>} : memref<768xf32, #tpu.memory_space<vmem>>, vector<16xf32>,
    %swap3A_41 = arith.constant 304 : index
    %swap3A_42 = tpu.vector_load %arg5[%swap3A_41] {strides = array<i32>} : memref<768xf32, #tpu.memory_space<vmem>>, vector<16xf32>,
    tpu.vector_store %arg5[%swap3A_41], %broadcast_in_dim3A_3 {strides = array<i32>} : memref<768xf32, #tpu.memory_space<vmem>>, vector<16xf32>,
    %swap3A_43 = arith.constant 320 : index
    %swap3A_44 = tpu.vector_load %arg5[%swap3A_43] {strides = array<i32>} : memref<768xf32, #tpu.memory_space<vmem>>, vector<16xf32>,
    tpu.vector_store %arg5[%swap3A_43], %broadcast_in_dim3A_3 {strides = array<i32>} : memref<768xf32, #tpu.memory_space<vmem>>, vector<16xf32>,
    %swap3A_45 = arith.constant 336 : index
    %swap3A_46 = tpu.vector_load %arg5[%swap3A_45] {strides = array<i32>} : memref<768xf32, #tpu.memory_space<vmem>>, vector<16xf32>,
    tpu.vector_store %arg5[%swap3A_45], %broadcast_in_dim3A_3 {strides = array<i32>} : memref<768xf32, #tpu.memory_space<vmem>>, vector<16xf32>,
    %swap3A_47 = arith.constant 352 : index
    %swap3A_48 = tpu.vector_load %arg5[%swap3A_47] {strides = array<i32>} : memref<768xf32, #tpu.memory_space<vmem>>, vector<16xf32>,
    tpu.vector_store %arg5[%swap3A_47], %broadcast_in_dim3A_3 {strides = array<i32>} : memref<768xf32, #tpu.memory_space<vmem>>, vector<16xf32>,
    %swap3A_49 = arith.constant 368 : index
    %swap3A_50 = tpu.vector_load %arg5[%swap3A_49] {strides = array<i32>} : memref<768xf32, #tpu.memory_space<vmem>>, vector<16xf32>,
    tpu.vector_store %arg5[%swap3A_49], %broadcast_in_dim3A_3 {strides = array<i32>} : memref<768xf32, #tpu.memory_space<vmem>>, vector<16xf32>,
    %swap3A_51 = arith.constant 384 : index
    %swap3A_52 = tpu.vector_load %arg5[%swap3A_51] {strides = array<i32>} : memref<768xf32, #tpu.memory_space<vmem>>, vector<16xf32>,
    tpu.vector_store %arg5[%swap3A_51], %broadcast_in_dim3A_3 {strides = array<i32>} : memref<768xf32, #tpu.memory_space<vmem>>, vector<16xf32>,
    %swap3A_53 = arith.constant 400 : index
    %swap3A_54 = tpu.vector_load %arg5[%swap3A_53] {strides = array<i32>} : memref<768xf32, #tpu.memory_space<vmem>>, vector<16xf32>,
    tpu.vector_store %arg5[%swap3A_53], %broadcast_in_dim3A_3 {strides = array<i32>} : memref<768xf32, #tpu.memory_space<vmem>>, vector<16xf32>,
    %swap3A_55 = arith.constant 416 : index
    %swap3A_56 = tpu.vector_load %arg5[%swap3A_55] {strides = array<i32>} : memref<768xf32, #tpu.memory_space<vmem>>, vector<16xf32>,
    tpu.vector_store %arg5[%swap3A_55], %broadcast_in_dim3A_3 {strides = array<i32>} : memref<768xf32, #tpu.memory_space<vmem>>, vector<16xf32>,
    %swap3A_57 = arith.constant 432 : index
    %swap3A_58 = tpu.vector_load %arg5[%swap3A_57] {strides = array<i32>} : memref<768xf32, #tpu.memory_space<vmem>>, vector<16xf32>,
    tpu.vector_store %arg5[%swap3A_57], %broadcast_in_dim3A_3 {strides = array<i32>} : memref<768xf32, #tpu.memory_space<vmem>>, vector<16xf32>,
    %swap3A_59 = arith.constant 448 : index
    %swap3A_60 = tpu.vector_load %arg5[%swap3A_59] {strides = array<i32>} : memref<768xf32, #tpu.memory_space<vmem>>, vector<16xf32>,
    tpu.vector_store %arg5[%swap3A_59], %broadcast_in_dim3A_3 {strides = array<i32>} : memref<768xf32, #tpu.memory_space<vmem>>, vector<16xf32>,
    %swap3A_61 = arith.constant 464 : index
    %swap3A_62 = tpu.vector_load %arg5[%swap3A_61] {strides = array<i32>} : memref<768xf32, #tpu.memory_space<vmem>>, vector<16xf32>,
    tpu.vector_store %arg5[%swap3A_61], %broadcast_in_dim3A_3 {strides = array<i32>} : memref<768xf32, #tpu.memory_space<vmem>>, vector<16xf32>,
    %swap3A_63 = arith.constant 480 : index
    %swap3A_64 = tpu.vector_load %arg5[%swap3A_63] {strides = array<i32>} : memref<768xf32, #tpu.memory_space<vmem>>, vector<16xf32>,
    tpu.vector_store %arg5[%swap3A_63], %broadcast_in_dim3A_3 {strides = array<i32>} : memref<768xf32, #tpu.memory_space<vmem>>, vector<16xf32>,
    %swap3A_65 = arith.constant 496 : index
    %swap3A_66 = tpu.vector_load %arg5[%swap3A_65] {strides = array<i32>} : memref<768xf32, #tpu.memory_space<vmem>>, vector<16xf32>,
    tpu.vector_store %arg5[%swap3A_65], %broadcast_in_dim3A_3 {strides = array<i32>} : memref<768xf32, #tpu.memory_space<vmem>>, vector<16xf32>,
    %swap3A_67 = arith.constant 512 : index
    %swap3A_68 = tpu.vector_load %arg5[%swap3A_67] {strides = array<i32>} : memref<768xf32, #tpu.memory_space<vmem>>, vector<16xf32>,
    tpu.vector_store %arg5[%swap3A_67], %broadcast_in_dim3A_3 {strides = array<i32>} : memref<768xf32, #tpu.memory_space<vmem>>, vector<16xf32>,
    %swap3A_69 = arith.constant 528 : index
    %swap3A_70 = tpu.vector_load %arg5[%swap3A_69] {strides = array<i32>} : memref<768xf32, #tpu.memory_space<vmem>>, vector<16xf32>,
    tpu.vector_store %arg5[%swap3A_69], %broadcast_in_dim3A_3 {strides = array<i32>} : memref<768xf32, #tpu.memory_space<vmem>>, vector<16xf32>,
    %swap3A_71 = arith.constant 544 : index
    %swap3A_72 = tpu.vector_load %arg5[%swap3A_71] {strides = array<i32>} : memref<768xf32, #tpu.memory_space<vmem>>, vector<16xf32>,
    tpu.vector_store %arg5[%swap3A_71], %broadcast_in_dim3A_3 {strides = array<i32>} : memref<768xf32, #tpu.memory_space<vmem>>, vector<16xf32>,
    %swap3A_73 = arith.constant 560 : index
    %swap3A_74 = tpu.vector_load %arg5[%swap3A_73] {strides = array<i32>} : memref<768xf32, #tpu.memory_space<vmem>>, vector<16xf32>,
    tpu.vector_store %arg5[%swap3A_73], %broadcast_in_dim3A_3 {strides = array<i32>} : memref<768xf32, #tpu.memory_space<vmem>>, vector<16xf32>,
    %swap3A_75 = arith.constant 576 : index
    %swap3A_76 = tpu.vector_load %arg5[%swap3A_75] {strides = array<i32>} : memref<768xf32, #tpu.memory_space<vmem>>, vector<16xf32>,
    tpu.vector_store %arg5[%swap3A_75], %broadcast_in_dim3A_3 {strides = array<i32>} : memref<768xf32, #tpu.memory_space<vmem>>, vector<16xf32>,
    %swap3A_77 = arith.constant 592 : index
    %swap3A_78 = tpu.vector_load %arg5[%swap3A_77] {strides = array<i32>} : memref<768xf32, #tpu.memory_space<vmem>>, vector<16xf32>,
    tpu.vector_store %arg5[%swap3A_77], %broadcast_in_dim3A_3 {strides = array<i32>} : memref<768xf32, #tpu.memory_space<vmem>>, vector<16xf32>,
    %swap3A_79 = arith.constant 608 : index
    %swap3A_80 = tpu.vector_load %arg5[%swap3A_79] {strides = array<i32>} : memref<768xf32, #tpu.memory_space<vmem>>, vector<16xf32>,
    tpu.vector_store %arg5[%swap3A_79], %broadcast_in_dim3A_3 {strides = array<i32>} : memref<768xf32, #tpu.memory_space<vmem>>, vector<16xf32>,
    %swap3A_81 = arith.constant 624 : index
    %swap3A_82 = tpu.vector_load %arg5[%swap3A_81] {strides = array<i32>} : memref<768xf32, #tpu.memory_space<vmem>>, vector<16xf32>,
    tpu.vector_store %arg5[%swap3A_81], %broadcast_in_dim3A_3 {strides = array<i32>} : memref<768xf32, #tpu.memory_space<vmem>>, vector<16xf32>,
    %swap3A_83 = arith.constant 640 : index
    %swap3A_84 = tpu.vector_load %arg5[%swap3A_83] {strides = array<i32>} : memref<768xf32, #tpu.memory_space<vmem>>, vector<16xf32>,
    tpu.vector_store %arg5[%swap3A_83], %broadcast_in_dim3A_3 {strides = array<i32>} : memref<768xf32, #tpu.memory_space<vmem>>, vector<16xf32>,
    %swap3A_85 = arith.constant 656 : index
    %swap3A_86 = tpu.vector_load %arg5[%swap3A_85] {strides = array<i32>} : memref<768xf32, #tpu.memory_space<vmem>>, vector<16xf32>,
    tpu.vector_store %arg5[%swap3A_85], %broadcast_in_dim3A_3 {strides = array<i32>} : memref<768xf32, #tpu.memory_space<vmem>>, vector<16xf32>,
    %swap3A_87 = arith.constant 672 : index
    %swap3A_88 = tpu.vector_load %arg5[%swap3A_87] {strides = array<i32>} : memref<768xf32, #tpu.memory_space<vmem>>, vector<16xf32>,
    tpu.vector_store %arg5[%swap3A_87], %broadcast_in_dim3A_3 {strides = array<i32>} : memref<768xf32, #tpu.memory_space<vmem>>, vector<16xf32>,
    %swap3A_89 = arith.constant 688 : index
    %swap3A_90 = tpu.vector_load %arg5[%swap3A_89] {strides = array<i32>} : memref<768xf32, #tpu.memory_space<vmem>>, vector<16xf32>,
    tpu.vector_store %arg5[%swap3A_89], %broadcast_in_dim3A_3 {strides = array<i32>} : memref<768xf32, #tpu.memory_space<vmem>>, vector<16xf32>,
    %swap3A_91 = arith.constant 704 : index
    %swap3A_92 = tpu.vector_load %arg5[%swap3A_91] {strides = array<i32>} : memref<768xf32, #tpu.memory_space<vmem>>, vector<16xf32>,
    tpu.vector_store %arg5[%swap3A_91], %broadcast_in_dim3A_3 {strides = array<i32>} : memref<768xf32, #tpu.memory_space<vmem>>, vector<16xf32>,
    %swap3A_93 = arith.constant 720 : index
    %swap3A_94 = tpu.vector_load %arg5[%swap3A_93] {strides = array<i32>} : memref<768xf32, #tpu.memory_space<vmem>>, vector<16xf32>,
    tpu.vector_store %arg5[%swap3A_93], %broadcast_in_dim3A_3 {strides = array<i32>} : memref<768xf32, #tpu.memory_space<vmem>>, vector<16xf32>,
    %swap3A_95 = arith.constant 736 : index
    %swap3A_96 = tpu.vector_load %arg5[%swap3A_95] {strides = array<i32>} : memref<768xf32, #tpu.memory_space<vmem>>, vector<16xf32>,
    tpu.vector_store %arg5[%swap3A_95], %broadcast_in_dim3A_3 {strides = array<i32>} : memref<768xf32, #tpu.memory_space<vmem>>, vector<16xf32>,
    %swap3A_97 = arith.constant 752 : index
    %swap3A_98 = tpu.vector_load %arg5[%swap3A_97] {strides = array<i32>} : memref<768xf32, #tpu.memory_space<vmem>>, vector<16xf32>,
    tpu.vector_store %arg5[%swap3A_97], %broadcast_in_dim3A_3 {strides = array<i32>} : memref<768xf32, #tpu.memory_space<vmem>>, vector<16xf32>,
    %iota3A = tpu.iota {dimensions = array<i32: 0>} : vector<16xi32>
    %broadcast_in_dim3A_99 = arith.constant 1.000000e+00 : f32
    %broadcast_in_dim3A_100 = vector.broadcast %broadcast_in_dim3A_99 : f32 to vector<16xf32>
    %scan3A = arith.constant 0 : i32
    %scan3A_101 = arith.constant 0.0666666701 : f32
    %scan3A_102 = arith.constant 0 : i32
    %scan3A_103 = arith.constant 64 : i32
    %scan3A_104 = arith.addi %scan3A_102, %scan3A_103 : i32
    %scan3A_105 = arith.constant 1 : i32
    scf.for %scan3A_107 = %scan3A_102 to %scan3A_104 step %scan3A_105  : i32 {
      %mul3A_108 = arith.constant 256 : i32
      %mul3A_109 = arith.muli %scan3A_107, %mul3A_108 : i32
      %add3A_110 = arith.constant 0 : i32
      %add3A_111 = arith.addi %mul3A_109, %add3A_110 : i32
      %get3A = arith.index_cast %add3A_111 : i32 to index
      %get3A_112 = tpu.vector_load %arg4[%get3A] {strides = array<i32>} : memref<16384xf32, #tpu.memory_space<vmem>>, vector<16xf32>,
      %abs3A = math.absf %get3A_112 : vector<16xf32>
      %div3A = vector.broadcast %scan3A_101 : f32 to vector<16xf32>
      %div3A_113 = arith.divf %abs3A, %div3A : vector<16xf32>
      %convert_element_type3A = arith.fptosi %div3A_113 : vector<16xf32> to vector<16xi32>
      %min3A = arith.constant 14 : i32
      %min3A_114 = vector.broadcast %min3A : i32 to vector<16xi32>
      %min3A_115 = arith.minsi %convert_element_type3A, %min3A_114 : vector<16xi32>
      %lt3A = arith.constant 0.000000e+00 : f32
      %lt3A_116 = vector.broadcast %lt3A : f32 to vector<16xf32>
      %lt3A_117 = arith.cmpf olt, %get3A_112, %lt3A_116 : vector<16xf32>
      %add3A_118 = arith.constant 15 : i32
      %add3A_119 = vector.broadcast %add3A_118 : i32 to vector<16xi32>
      %add3A_120 = arith.addi %min3A_115, %add3A_119 : vector<16xi32>
      %select_n3A = arith.select %lt3A_117, %add3A_120, %min3A_115 : vector<16xi1>, vector<16xi32>
      %mul3A_121 = arith.constant 16 : i32
      %mul3A_122 = vector.broadcast %mul3A_121 : i32 to vector<16xi32>
      %mul3A_123 = arith.muli %select_n3A, %mul3A_122 : vector<16xi32>
      %add3A_124 = arith.addi %mul3A_123, %iota3A : vector<16xi32>
      tpu.vector_store_idx %arg5[%add3A_124], %broadcast_in_dim3A_100 {add = true} : memref<768xf32, #tpu.memory_space<vmem>>[vector<16xi32>], vector<16xf32>,
      %add3A_125 = arith.constant 30 : i32
      %add3A_126 = vector.broadcast %add3A_125 : i32 to vector<16xi32>
      %add3A_127 = arith.addi %min3A_115, %add3A_126 : vector<16xi32>
      %mul3A_128 = arith.constant 16 : i32
      %mul3A_129 = vector.broadcast %mul3A_128 : i32 to vector<16xi32>
      %mul3A_130 = arith.muli %add3A_127, %mul3A_129 : vector<16xi32>
      %add3A_131 = arith.addi %mul3A_130, %iota3A : vector<16xi32>
      tpu.vector_store_idx %arg5[%add3A_131], %abs3A {add = true} : memref<768xf32, #tpu.memory_space<vmem>>[vector<16xi32>], vector<16xf32>,
      %add3A_132 = arith.constant 16 : i32
      %add3A_133 = arith.addi %mul3A_109, %add3A_132 : i32
      %get3A_134 = arith.index_cast %add3A_133 : i32 to index
      %get3A_135 = tpu.vector_load %arg4[%get3A_134] {strides = array<i32>} : memref<16384xf32, #tpu.memory_space<vmem>>, vector<16xf32>,
      %abs3A_136 = math.absf %get3A_135 : vector<16xf32>
      %div3A_137 = vector.broadcast %scan3A_101 : f32 to vector<16xf32>
      %div3A_138 = arith.divf %abs3A_136, %div3A_137 : vector<16xf32>
      %convert_element_type3A_139 = arith.fptosi %div3A_138 : vector<16xf32> to vector<16xi32>
      %min3A_140 = arith.constant 14 : i32
      %min3A_141 = vector.broadcast %min3A_140 : i32 to vector<16xi32>
      %min3A_142 = arith.minsi %convert_element_type3A_139, %min3A_141 : vector<16xi32>
      %lt3A_143 = arith.constant 0.000000e+00 : f32
      %lt3A_144 = vector.broadcast %lt3A_143 : f32 to vector<16xf32>
      %lt3A_145 = arith.cmpf olt, %get3A_135, %lt3A_144 : vector<16xf32>
      %add3A_146 = arith.constant 15 : i32
      %add3A_147 = vector.broadcast %add3A_146 : i32 to vector<16xi32>
      %add3A_148 = arith.addi %min3A_142, %add3A_147 : vector<16xi32>
      %select_n3A_149 = arith.select %lt3A_145, %add3A_148, %min3A_142 : vector<16xi1>, vector<16xi32>
      %mul3A_150 = arith.constant 16 : i32
      %mul3A_151 = vector.broadcast %mul3A_150 : i32 to vector<16xi32>
      %mul3A_152 = arith.muli %select_n3A_149, %mul3A_151 : vector<16xi32>
      %add3A_153 = arith.addi %mul3A_152, %iota3A : vector<16xi32>
      tpu.vector_store_idx %arg5[%add3A_153], %broadcast_in_dim3A_100 {add = true} : memref<768xf32, #tpu.memory_space<vmem>>[vector<16xi32>], vector<16xf32>,
      %add3A_154 = arith.constant 30 : i32
      %add3A_155 = vector.broadcast %add3A_154 : i32 to vector<16xi32>
      %add3A_156 = arith.addi %min3A_142, %add3A_155 : vector<16xi32>
      %mul3A_157 = arith.constant 16 : i32
      %mul3A_158 = vector.broadcast %mul3A_157 : i32 to vector<16xi32>
      %mul3A_159 = arith.muli %add3A_156, %mul3A_158 : vector<16xi32>
      %add3A_160 = arith.addi %mul3A_159, %iota3A : vector<16xi32>
      tpu.vector_store_idx %arg5[%add3A_160], %abs3A_136 {add = true} : memref<768xf32, #tpu.memory_space<vmem>>[vector<16xi32>], vector<16xf32>,
      %add3A_161 = arith.constant 32 : i32
      %add3A_162 = arith.addi %mul3A_109, %add3A_161 : i32
      %get3A_163 = arith.index_cast %add3A_162 : i32 to index
      %get3A_164 = tpu.vector_load %arg4[%get3A_163] {strides = array<i32>} : memref<16384xf32, #tpu.memory_space<vmem>>, vector<16xf32>,
      %abs3A_165 = math.absf %get3A_164 : vector<16xf32>
      %div3A_166 = vector.broadcast %scan3A_101 : f32 to vector<16xf32>
      %div3A_167 = arith.divf %abs3A_165, %div3A_166 : vector<16xf32>
      %convert_element_type3A_168 = arith.fptosi %div3A_167 : vector<16xf32> to vector<16xi32>
      %min3A_169 = arith.constant 14 : i32
      %min3A_170 = vector.broadcast %min3A_169 : i32 to vector<16xi32>
      %min3A_171 = arith.minsi %convert_element_type3A_168, %min3A_170 : vector<16xi32>
      %lt3A_172 = arith.constant 0.000000e+00 : f32
      %lt3A_173 = vector.broadcast %lt3A_172 : f32 to vector<16xf32>
      %lt3A_174 = arith.cmpf olt, %get3A_164, %lt3A_173 : vector<16xf32>
      %add3A_175 = arith.constant 15 : i32
      %add3A_176 = vector.broadcast %add3A_175 : i32 to vector<16xi32>
      %add3A_177 = arith.addi %min3A_171, %add3A_176 : vector<16xi32>
      %select_n3A_178 = arith.select %lt3A_174, %add3A_177, %min3A_171 : vector<16xi1>, vector<16xi32>
      %mul3A_179 = arith.constant 16 : i32
      %mul3A_180 = vector.broadcast %mul3A_179 : i32 to vector<16xi32>
      %mul3A_181 = arith.muli %select_n3A_178, %mul3A_180 : vector<16xi32>
      %add3A_182 = arith.addi %mul3A_181, %iota3A : vector<16xi32>
      tpu.vector_store_idx %arg5[%add3A_182], %broadcast_in_dim3A_100 {add = true} : memref<768xf32, #tpu.memory_space<vmem>>[vector<16xi32>], vector<16xf32>,
      %add3A_183 = arith.constant 30 : i32
      %add3A_184 = vector.broadcast %add3A_183 : i32 to vector<16xi32>
      %add3A_185 = arith.addi %min3A_171, %add3A_184 : vector<16xi32>
      %mul3A_186 = arith.constant 16 : i32
      %mul3A_187 = vector.broadcast %mul3A_186 : i32 to vector<16xi32>
      %mul3A_188 = arith.muli %add3A_185, %mul3A_187 : vector<16xi32>
      %add3A_189 = arith.addi %mul3A_188, %iota3A : vector<16xi32>
      tpu.vector_store_idx %arg5[%add3A_189], %abs3A_165 {add = true} : memref<768xf32, #tpu.memory_space<vmem>>[vector<16xi32>], vector<16xf32>,
      %add3A_190 = arith.constant 48 : i32
      %add3A_191 = arith.addi %mul3A_109, %add3A_190 : i32
      %get3A_192 = arith.index_cast %add3A_191 : i32 to index
      %get3A_193 = tpu.vector_load %arg4[%get3A_192] {strides = array<i32>} : memref<16384xf32, #tpu.memory_space<vmem>>, vector<16xf32>,
      %abs3A_194 = math.absf %get3A_193 : vector<16xf32>
      %div3A_195 = vector.broadcast %scan3A_101 : f32 to vector<16xf32>
      %div3A_196 = arith.divf %abs3A_194, %div3A_195 : vector<16xf32>
      %convert_element_type3A_197 = arith.fptosi %div3A_196 : vector<16xf32> to vector<16xi32>
      %min3A_198 = arith.constant 14 : i32
      %min3A_199 = vector.broadcast %min3A_198 : i32 to vector<16xi32>
      %min3A_200 = arith.minsi %convert_element_type3A_197, %min3A_199 : vector<16xi32>
      %lt3A_201 = arith.constant 0.000000e+00 : f32
      %lt3A_202 = vector.broadcast %lt3A_201 : f32 to vector<16xf32>
      %lt3A_203 = arith.cmpf olt, %get3A_193, %lt3A_202 : vector<16xf32>
      %add3A_204 = arith.constant 15 : i32
      %add3A_205 = vector.broadcast %add3A_204 : i32 to vector<16xi32>
      %add3A_206 = arith.addi %min3A_200, %add3A_205 : vector<16xi32>
      %select_n3A_207 = arith.select %lt3A_203, %add3A_206, %min3A_200 : vector<16xi1>, vector<16xi32>
      %mul3A_208 = arith.constant 16 : i32
      %mul3A_209 = vector.broadcast %mul3A_208 : i32 to vector<16xi32>
      %mul3A_210 = arith.muli %select_n3A_207, %mul3A_209 : vector<16xi32>
      %add3A_211 = arith.addi %mul3A_210, %iota3A : vector<16xi32>
      tpu.vector_store_idx %arg5[%add3A_211], %broadcast_in_dim3A_100 {add = true} : memref<768xf32, #tpu.memory_space<vmem>>[vector<16xi32>], vector<16xf32>,
      %add3A_212 = arith.constant 30 : i32
      %add3A_213 = vector.broadcast %add3A_212 : i32 to vector<16xi32>
      %add3A_214 = arith.addi %min3A_200, %add3A_213 : vector<16xi32>
      %mul3A_215 = arith.constant 16 : i32
      %mul3A_216 = vector.broadcast %mul3A_215 : i32 to vector<16xi32>
      %mul3A_217 = arith.muli %add3A_214, %mul3A_216 : vector<16xi32>
      %add3A_218 = arith.addi %mul3A_217, %iota3A : vector<16xi32>
      tpu.vector_store_idx %arg5[%add3A_218], %abs3A_194 {add = true} : memref<768xf32, #tpu.memory_space<vmem>>[vector<16xi32>], vector<16xf32>,
      %add3A_219 = arith.constant 64 : i32
      %add3A_220 = arith.addi %mul3A_109, %add3A_219 : i32
      %get3A_221 = arith.index_cast %add3A_220 : i32 to index
      %get3A_222 = tpu.vector_load %arg4[%get3A_221] {strides = array<i32>} : memref<16384xf32, #tpu.memory_space<vmem>>, vector<16xf32>,
      %abs3A_223 = math.absf %get3A_222 : vector<16xf32>
      %div3A_224 = vector.broadcast %scan3A_101 : f32 to vector<16xf32>
      %div3A_225 = arith.divf %abs3A_223, %div3A_224 : vector<16xf32>
      %convert_element_type3A_226 = arith.fptosi %div3A_225 : vector<16xf32> to vector<16xi32>
      %min3A_227 = arith.constant 14 : i32
      %min3A_228 = vector.broadcast %min3A_227 : i32 to vector<16xi32>
      %min3A_229 = arith.minsi %convert_element_type3A_226, %min3A_228 : vector<16xi32>
      %lt3A_230 = arith.constant 0.000000e+00 : f32
      %lt3A_231 = vector.broadcast %lt3A_230 : f32 to vector<16xf32>
      %lt3A_232 = arith.cmpf olt, %get3A_222, %lt3A_231 : vector<16xf32>
      %add3A_233 = arith.constant 15 : i32
      %add3A_234 = vector.broadcast %add3A_233 : i32 to vector<16xi32>
      %add3A_235 = arith.addi %min3A_229, %add3A_234 : vector<16xi32>
      %select_n3A_236 = arith.select %lt3A_232, %add3A_235, %min3A_229 : vector<16xi1>, vector<16xi32>
      %mul3A_237 = arith.constant 16 : i32
      %mul3A_238 = vector.broadcast %mul3A_237 : i32 to vector<16xi32>
      %mul3A_239 = arith.muli %select_n3A_236, %mul3A_238 : vector<16xi32>
      %add3A_240 = arith.addi %mul3A_239, %iota3A : vector<16xi32>
      tpu.vector_store_idx %arg5[%add3A_240], %broadcast_in_dim3A_100 {add = true} : memref<768xf32, #tpu.memory_space<vmem>>[vector<16xi32>], vector<16xf32>,
      %add3A_241 = arith.constant 30 : i32
      %add3A_242 = vector.broadcast %add3A_241 : i32 to vector<16xi32>
      %add3A_243 = arith.addi %min3A_229, %add3A_242 : vector<16xi32>
      %mul3A_244 = arith.constant 16 : i32
      %mul3A_245 = vector.broadcast %mul3A_244 : i32 to vector<16xi32>
      %mul3A_246 = arith.muli %add3A_243, %mul3A_245 : vector<16xi32>
      %add3A_247 = arith.addi %mul3A_246, %iota3A : vector<16xi32>
      tpu.vector_store_idx %arg5[%add3A_247], %abs3A_223 {add = true} : memref<768xf32, #tpu.memory_space<vmem>>[vector<16xi32>], vector<16xf32>,
      %add3A_248 = arith.constant 80 : i32
      %add3A_249 = arith.addi %mul3A_109, %add3A_248 : i32
      %get3A_250 = arith.index_cast %add3A_249 : i32 to index
      %get3A_251 = tpu.vector_load %arg4[%get3A_250] {strides = array<i32>} : memref<16384xf32, #tpu.memory_space<vmem>>, vector<16xf32>,
      %abs3A_252 = math.absf %get3A_251 : vector<16xf32>
      %div3A_253 = vector.broadcast %scan3A_101 : f32 to vector<16xf32>
      %div3A_254 = arith.divf %abs3A_252, %div3A_253 : vector<16xf32>
      %convert_element_type3A_255 = arith.fptosi %div3A_254 : vector<16xf32> to vector<16xi32>
      %min3A_256 = arith.constant 14 : i32
      %min3A_257 = vector.broadcast %min3A_256 : i32 to vector<16xi32>
      %min3A_258 = arith.minsi %convert_element_type3A_255, %min3A_257 : vector<16xi32>
      %lt3A_259 = arith.constant 0.000000e+00 : f32
      %lt3A_260 = vector.broadcast %lt3A_259 : f32 to vector<16xf32>
      %lt3A_261 = arith.cmpf olt, %get3A_251, %lt3A_260 : vector<16xf32>
      %add3A_262 = arith.constant 15 : i32
      %add3A_263 = vector.broadcast %add3A_262 : i32 to vector<16xi32>
      %add3A_264 = arith.addi %min3A_258, %add3A_263 : vector<16xi32>
      %select_n3A_265 = arith.select %lt3A_261, %add3A_264, %min3A_258 : vector<16xi1>, vector<16xi32>
      %mul3A_266 = arith.constant 16 : i32
      %mul3A_267 = vector.broadcast %mul3A_266 : i32 to vector<16xi32>
      %mul3A_268 = arith.muli %select_n3A_265, %mul3A_267 : vector<16xi32>
      %add3A_269 = arith.addi %mul3A_268, %iota3A : vector<16xi32>
      tpu.vector_store_idx %arg5[%add3A_269], %broadcast_in_dim3A_100 {add = true} : memref<768xf32, #tpu.memory_space<vmem>>[vector<16xi32>], vector<16xf32>,
      %add3A_270 = arith.constant 30 : i32
      %add3A_271 = vector.broadcast %add3A_270 : i32 to vector<16xi32>
      %add3A_272 = arith.addi %min3A_258, %add3A_271 : vector<16xi32>
      %mul3A_273 = arith.constant 16 : i32
      %mul3A_274 = vector.broadcast %mul3A_273 : i32 to vector<16xi32>
      %mul3A_275 = arith.muli %add3A_272, %mul3A_274 : vector<16xi32>
      %add3A_276 = arith.addi %mul3A_275, %iota3A : vector<16xi32>
      tpu.vector_store_idx %arg5[%add3A_276], %abs3A_252 {add = true} : memref<768xf32, #tpu.memory_space<vmem>>[vector<16xi32>], vector<16xf32>,
      %add3A_277 = arith.constant 96 : i32
      %add3A_278 = arith.addi %mul3A_109, %add3A_277 : i32
      %get3A_279 = arith.index_cast %add3A_278 : i32 to index
      %get3A_280 = tpu.vector_load %arg4[%get3A_279] {strides = array<i32>} : memref<16384xf32, #tpu.memory_space<vmem>>, vector<16xf32>,
      %abs3A_281 = math.absf %get3A_280 : vector<16xf32>
      %div3A_282 = vector.broadcast %scan3A_101 : f32 to vector<16xf32>
      %div3A_283 = arith.divf %abs3A_281, %div3A_282 : vector<16xf32>
      %convert_element_type3A_284 = arith.fptosi %div3A_283 : vector<16xf32> to vector<16xi32>
      %min3A_285 = arith.constant 14 : i32
      %min3A_286 = vector.broadcast %min3A_285 : i32 to vector<16xi32>
      %min3A_287 = arith.minsi %convert_element_type3A_284, %min3A_286 : vector<16xi32>
      %lt3A_288 = arith.constant 0.000000e+00 : f32
      %lt3A_289 = vector.broadcast %lt3A_288 : f32 to vector<16xf32>
      %lt3A_290 = arith.cmpf olt, %get3A_280, %lt3A_289 : vector<16xf32>
      %add3A_291 = arith.constant 15 : i32
      %add3A_292 = vector.broadcast %add3A_291 : i32 to vector<16xi32>
      %add3A_293 = arith.addi %min3A_287, %add3A_292 : vector<16xi32>
      %select_n3A_294 = arith.select %lt3A_290, %add3A_293, %min3A_287 : vector<16xi1>, vector<16xi32>
      %mul3A_295 = arith.constant 16 : i32
      %mul3A_296 = vector.broadcast %mul3A_295 : i32 to vector<16xi32>
      %mul3A_297 = arith.muli %select_n3A_294, %mul3A_296 : vector<16xi32>
      %add3A_298 = arith.addi %mul3A_297, %iota3A : vector<16xi32>
      tpu.vector_store_idx %arg5[%add3A_298], %broadcast_in_dim3A_100 {add = true} : memref<768xf32, #tpu.memory_space<vmem>>[vector<16xi32>], vector<16xf32>,
      %add3A_299 = arith.constant 30 : i32
      %add3A_300 = vector.broadcast %add3A_299 : i32 to vector<16xi32>
      %add3A_301 = arith.addi %min3A_287, %add3A_300 : vector<16xi32>
      %mul3A_302 = arith.constant 16 : i32
      %mul3A_303 = vector.broadcast %mul3A_302 : i32 to vector<16xi32>
      %mul3A_304 = arith.muli %add3A_301, %mul3A_303 : vector<16xi32>
      %add3A_305 = arith.addi %mul3A_304, %iota3A : vector<16xi32>
      tpu.vector_store_idx %arg5[%add3A_305], %abs3A_281 {add = true} : memref<768xf32, #tpu.memory_space<vmem>>[vector<16xi32>], vector<16xf32>,
      %add3A_306 = arith.constant 112 : i32
      %add3A_307 = arith.addi %mul3A_109, %add3A_306 : i32
      %get3A_308 = arith.index_cast %add3A_307 : i32 to index
      %get3A_309 = tpu.vector_load %arg4[%get3A_308] {strides = array<i32>} : memref<16384xf32, #tpu.memory_space<vmem>>, vector<16xf32>,
      %abs3A_310 = math.absf %get3A_309 : vector<16xf32>
      %div3A_311 = vector.broadcast %scan3A_101 : f32 to vector<16xf32>
      %div3A_312 = arith.divf %abs3A_310, %div3A_311 : vector<16xf32>
      %convert_element_type3A_313 = arith.fptosi %div3A_312 : vector<16xf32> to vector<16xi32>
      %min3A_314 = arith.constant 14 : i32
      %min3A_315 = vector.broadcast %min3A_314 : i32 to vector<16xi32>
      %min3A_316 = arith.minsi %convert_element_type3A_313, %min3A_315 : vector<16xi32>
      %lt3A_317 = arith.constant 0.000000e+00 : f32
      %lt3A_318 = vector.broadcast %lt3A_317 : f32 to vector<16xf32>
      %lt3A_319 = arith.cmpf olt, %get3A_309, %lt3A_318 : vector<16xf32>
      %add3A_320 = arith.constant 15 : i32
      %add3A_321 = vector.broadcast %add3A_320 : i32 to vector<16xi32>
      %add3A_322 = arith.addi %min3A_316, %add3A_321 : vector<16xi32>
      %select_n3A_323 = arith.select %lt3A_319, %add3A_322, %min3A_316 : vector<16xi1>, vector<16xi32>
      %mul3A_324 = arith.constant 16 : i32
      %mul3A_325 = vector.broadcast %mul3A_324 : i32 to vector<16xi32>
      %mul3A_326 = arith.muli %select_n3A_323, %mul3A_325 : vector<16xi32>
      %add3A_327 = arith.addi %mul3A_326, %iota3A : vector<16xi32>
      tpu.vector_store_idx %arg5[%add3A_327], %broadcast_in_dim3A_100 {add = true} : memref<768xf32, #tpu.memory_space<vmem>>[vector<16xi32>], vector<16xf32>,
      %add3A_328 = arith.constant 30 : i32
      %add3A_329 = vector.broadcast %add3A_328 : i32 to vector<16xi32>
      %add3A_330 = arith.addi %min3A_316, %add3A_329 : vector<16xi32>
      %mul3A_331 = arith.constant 16 : i32
      %mul3A_332 = vector.broadcast %mul3A_331 : i32 to vector<16xi32>
      %mul3A_333 = arith.muli %add3A_330, %mul3A_332 : vector<16xi32>
      %add3A_334 = arith.addi %mul3A_333, %iota3A : vector<16xi32>
      tpu.vector_store_idx %arg5[%add3A_334], %abs3A_310 {add = true} : memref<768xf32, #tpu.memory_space<vmem>>[vector<16xi32>], vector<16xf32>,
      %add3A_335 = arith.constant 128 : i32
      %add3A_336 = arith.addi %mul3A_109, %add3A_335 : i32
      %get3A_337 = arith.index_cast %add3A_336 : i32 to index
      %get3A_338 = tpu.vector_load %arg4[%get3A_337] {strides = array<i32>} : memref<16384xf32, #tpu.memory_space<vmem>>, vector<16xf32>,
      %abs3A_339 = math.absf %get3A_338 : vector<16xf32>
      %div3A_340 = vector.broadcast %scan3A_101 : f32 to vector<16xf32>
      %div3A_341 = arith.divf %abs3A_339, %div3A_340 : vector<16xf32>
      %convert_element_type3A_342 = arith.fptosi %div3A_341 : vector<16xf32> to vector<16xi32>
      %min3A_343 = arith.constant 14 : i32
      %min3A_344 = vector.broadcast %min3A_343 : i32 to vector<16xi32>
      %min3A_345 = arith.minsi %convert_element_type3A_342, %min3A_344 : vector<16xi32>
      %lt3A_346 = arith.constant 0.000000e+00 : f32
      %lt3A_347 = vector.broadcast %lt3A_346 : f32 to vector<16xf32>
      %lt3A_348 = arith.cmpf olt, %get3A_338, %lt3A_347 : vector<16xf32>
      %add3A_349 = arith.constant 15 : i32
      %add3A_350 = vector.broadcast %add3A_349 : i32 to vector<16xi32>
      %add3A_351 = arith.addi %min3A_345, %add3A_350 : vector<16xi32>
      %select_n3A_352 = arith.select %lt3A_348, %add3A_351, %min3A_345 : vector<16xi1>, vector<16xi32>
      %mul3A_353 = arith.constant 16 : i32
      %mul3A_354 = vector.broadcast %mul3A_353 : i32 to vector<16xi32>
      %mul3A_355 = arith.muli %select_n3A_352, %mul3A_354 : vector<16xi32>
      %add3A_356 = arith.addi %mul3A_355, %iota3A : vector<16xi32>
      tpu.vector_store_idx %arg5[%add3A_356], %broadcast_in_dim3A_100 {add = true} : memref<768xf32, #tpu.memory_space<vmem>>[vector<16xi32>], vector<16xf32>,
      %add3A_357 = arith.constant 30 : i32
      %add3A_358 = vector.broadcast %add3A_357 : i32 to vector<16xi32>
      %add3A_359 = arith.addi %min3A_345, %add3A_358 : vector<16xi32>
      %mul3A_360 = arith.constant 16 : i32
      %mul3A_361 = vector.broadcast %mul3A_360 : i32 to vector<16xi32>
      %mul3A_362 = arith.muli %add3A_359, %mul3A_361 : vector<16xi32>
      %add3A_363 = arith.addi %mul3A_362, %iota3A : vector<16xi32>
      tpu.vector_store_idx %arg5[%add3A_363], %abs3A_339 {add = true} : memref<768xf32, #tpu.memory_space<vmem>>[vector<16xi32>], vector<16xf32>,
      %add3A_364 = arith.constant 144 : i32
      %add3A_365 = arith.addi %mul3A_109, %add3A_364 : i32
      %get3A_366 = arith.index_cast %add3A_365 : i32 to index
      %get3A_367 = tpu.vector_load %arg4[%get3A_366] {strides = array<i32>} : memref<16384xf32, #tpu.memory_space<vmem>>, vector<16xf32>,
      %abs3A_368 = math.absf %get3A_367 : vector<16xf32>
      %div3A_369 = vector.broadcast %scan3A_101 : f32 to vector<16xf32>
      %div3A_370 = arith.divf %abs3A_368, %div3A_369 : vector<16xf32>
      %convert_element_type3A_371 = arith.fptosi %div3A_370 : vector<16xf32> to vector<16xi32>
      %min3A_372 = arith.constant 14 : i32
      %min3A_373 = vector.broadcast %min3A_372 : i32 to vector<16xi32>
      %min3A_374 = arith.minsi %convert_element_type3A_371, %min3A_373 : vector<16xi32>
      %lt3A_375 = arith.constant 0.000000e+00 : f32
      %lt3A_376 = vector.broadcast %lt3A_375 : f32 to vector<16xf32>
      %lt3A_377 = arith.cmpf olt, %get3A_367, %lt3A_376 : vector<16xf32>
      %add3A_378 = arith.constant 15 : i32
      %add3A_379 = vector.broadcast %add3A_378 : i32 to vector<16xi32>
      %add3A_380 = arith.addi %min3A_374, %add3A_379 : vector<16xi32>
      %select_n3A_381 = arith.select %lt3A_377, %add3A_380, %min3A_374 : vector<16xi1>, vector<16xi32>
      %mul3A_382 = arith.constant 16 : i32
      %mul3A_383 = vector.broadcast %mul3A_382 : i32 to vector<16xi32>
      %mul3A_384 = arith.muli %select_n3A_381, %mul3A_383 : vector<16xi32>
      %add3A_385 = arith.addi %mul3A_384, %iota3A : vector<16xi32>
      tpu.vector_store_idx %arg5[%add3A_385], %broadcast_in_dim3A_100 {add = true} : memref<768xf32, #tpu.memory_space<vmem>>[vector<16xi32>], vector<16xf32>,
      %add3A_386 = arith.constant 30 : i32
      %add3A_387 = vector.broadcast %add3A_386 : i32 to vector<16xi32>
      %add3A_388 = arith.addi %min3A_374, %add3A_387 : vector<16xi32>
      %mul3A_389 = arith.constant 16 : i32
      %mul3A_390 = vector.broadcast %mul3A_389 : i32 to vector<16xi32>
      %mul3A_391 = arith.muli %add3A_388, %mul3A_390 : vector<16xi32>
      %add3A_392 = arith.addi %mul3A_391, %iota3A : vector<16xi32>
      tpu.vector_store_idx %arg5[%add3A_392], %abs3A_368 {add = true} : memref<768xf32, #tpu.memory_space<vmem>>[vector<16xi32>], vector<16xf32>,
      %add3A_393 = arith.constant 160 : i32
      %add3A_394 = arith.addi %mul3A_109, %add3A_393 : i32
      %get3A_395 = arith.index_cast %add3A_394 : i32 to index
      %get3A_396 = tpu.vector_load %arg4[%get3A_395] {strides = array<i32>} : memref<16384xf32, #tpu.memory_space<vmem>>, vector<16xf32>,
      %abs3A_397 = math.absf %get3A_396 : vector<16xf32>
      %div3A_398 = vector.broadcast %scan3A_101 : f32 to vector<16xf32>
      %div3A_399 = arith.divf %abs3A_397, %div3A_398 : vector<16xf32>
      %convert_element_type3A_400 = arith.fptosi %div3A_399 : vector<16xf32> to vector<16xi32>
      %min3A_401 = arith.constant 14 : i32
      %min3A_402 = vector.broadcast %min3A_401 : i32 to vector<16xi32>
      %min3A_403 = arith.minsi %convert_element_type3A_400, %min3A_402 : vector<16xi32>
      %lt3A_404 = arith.constant 0.000000e+00 : f32
      %lt3A_405 = vector.broadcast %lt3A_404 : f32 to vector<16xf32>
      %lt3A_406 = arith.cmpf olt, %get3A_396, %lt3A_405 : vector<16xf32>
      %add3A_407 = arith.constant 15 : i32
      %add3A_408 = vector.broadcast %add3A_407 : i32 to vector<16xi32>
      %add3A_409 = arith.addi %min3A_403, %add3A_408 : vector<16xi32>
      %select_n3A_410 = arith.select %lt3A_406, %add3A_409, %min3A_403 : vector<16xi1>, vector<16xi32>
      %mul3A_411 = arith.constant 16 : i32
      %mul3A_412 = vector.broadcast %mul3A_411 : i32 to vector<16xi32>
      %mul3A_413 = arith.muli %select_n3A_410, %mul3A_412 : vector<16xi32>
      %add3A_414 = arith.addi %mul3A_413, %iota3A : vector<16xi32>
      tpu.vector_store_idx %arg5[%add3A_414], %broadcast_in_dim3A_100 {add = true} : memref<768xf32, #tpu.memory_space<vmem>>[vector<16xi32>], vector<16xf32>,
      %add3A_415 = arith.constant 30 : i32
      %add3A_416 = vector.broadcast %add3A_415 : i32 to vector<16xi32>
      %add3A_417 = arith.addi %min3A_403, %add3A_416 : vector<16xi32>
      %mul3A_418 = arith.constant 16 : i32
      %mul3A_419 = vector.broadcast %mul3A_418 : i32 to vector<16xi32>
      %mul3A_420 = arith.muli %add3A_417, %mul3A_419 : vector<16xi32>
      %add3A_421 = arith.addi %mul3A_420, %iota3A : vector<16xi32>
      tpu.vector_store_idx %arg5[%add3A_421], %abs3A_397 {add = true} : memref<768xf32, #tpu.memory_space<vmem>>[vector<16xi32>], vector<16xf32>,
      %add3A_422 = arith.constant 176 : i32
      %add3A_423 = arith.addi %mul3A_109, %add3A_422 : i32
      %get3A_424 = arith.index_cast %add3A_423 : i32 to index
      %get3A_425 = tpu.vector_load %arg4[%get3A_424] {strides = array<i32>} : memref<16384xf32, #tpu.memory_space<vmem>>, vector<16xf32>,
      %abs3A_426 = math.absf %get3A_425 : vector<16xf32>
      %div3A_427 = vector.broadcast %scan3A_101 : f32 to vector<16xf32>
      %div3A_428 = arith.divf %abs3A_426, %div3A_427 : vector<16xf32>
      %convert_element_type3A_429 = arith.fptosi %div3A_428 : vector<16xf32> to vector<16xi32>
      %min3A_430 = arith.constant 14 : i32
      %min3A_431 = vector.broadcast %min3A_430 : i32 to vector<16xi32>
      %min3A_432 = arith.minsi %convert_element_type3A_429, %min3A_431 : vector<16xi32>
      %lt3A_433 = arith.constant 0.000000e+00 : f32
      %lt3A_434 = vector.broadcast %lt3A_433 : f32 to vector<16xf32>
      %lt3A_435 = arith.cmpf olt, %get3A_425, %lt3A_434 : vector<16xf32>
      %add3A_436 = arith.constant 15 : i32
      %add3A_437 = vector.broadcast %add3A_436 : i32 to vector<16xi32>
      %add3A_438 = arith.addi %min3A_432, %add3A_437 : vector<16xi32>
      %select_n3A_439 = arith.select %lt3A_435, %add3A_438, %min3A_432 : vector<16xi1>, vector<16xi32>
      %mul3A_440 = arith.constant 16 : i32
      %mul3A_441 = vector.broadcast %mul3A_440 : i32 to vector<16xi32>
      %mul3A_442 = arith.muli %select_n3A_439, %mul3A_441 : vector<16xi32>
      %add3A_443 = arith.addi %mul3A_442, %iota3A : vector<16xi32>
      tpu.vector_store_idx %arg5[%add3A_443], %broadcast_in_dim3A_100 {add = true} : memref<768xf32, #tpu.memory_space<vmem>>[vector<16xi32>], vector<16xf32>,
      %add3A_444 = arith.constant 30 : i32
      %add3A_445 = vector.broadcast %add3A_444 : i32 to vector<16xi32>
      %add3A_446 = arith.addi %min3A_432, %add3A_445 : vector<16xi32>
      %mul3A_447 = arith.constant 16 : i32
      %mul3A_448 = vector.broadcast %mul3A_447 : i32 to vector<16xi32>
      %mul3A_449 = arith.muli %add3A_446, %mul3A_448 : vector<16xi32>
      %add3A_450 = arith.addi %mul3A_449, %iota3A : vector<16xi32>
      tpu.vector_store_idx %arg5[%add3A_450], %abs3A_426 {add = true} : memref<768xf32, #tpu.memory_space<vmem>>[vector<16xi32>], vector<16xf32>,
      %add3A_451 = arith.constant 192 : i32
      %add3A_452 = arith.addi %mul3A_109, %add3A_451 : i32
      %get3A_453 = arith.index_cast %add3A_452 : i32 to index
      %get3A_454 = tpu.vector_load %arg4[%get3A_453] {strides = array<i32>} : memref<16384xf32, #tpu.memory_space<vmem>>, vector<16xf32>,
      %abs3A_455 = math.absf %get3A_454 : vector<16xf32>
      %div3A_456 = vector.broadcast %scan3A_101 : f32 to vector<16xf32>
      %div3A_457 = arith.divf %abs3A_455, %div3A_456 : vector<16xf32>
      %convert_element_type3A_458 = arith.fptosi %div3A_457 : vector<16xf32> to vector<16xi32>
      %min3A_459 = arith.constant 14 : i32
      %min3A_460 = vector.broadcast %min3A_459 : i32 to vector<16xi32>
      %min3A_461 = arith.minsi %convert_element_type3A_458, %min3A_460 : vector<16xi32>
      %lt3A_462 = arith.constant 0.000000e+00 : f32
      %lt3A_463 = vector.broadcast %lt3A_462 : f32 to vector<16xf32>
      %lt3A_464 = arith.cmpf olt, %get3A_454, %lt3A_463 : vector<16xf32>
      %add3A_465 = arith.constant 15 : i32
      %add3A_466 = vector.broadcast %add3A_465 : i32 to vector<16xi32>
      %add3A_467 = arith.addi %min3A_461, %add3A_466 : vector<16xi32>
      %select_n3A_468 = arith.select %lt3A_464, %add3A_467, %min3A_461 : vector<16xi1>, vector<16xi32>
      %mul3A_469 = arith.constant 16 : i32
      %mul3A_470 = vector.broadcast %mul3A_469 : i32 to vector<16xi32>
      %mul3A_471 = arith.muli %select_n3A_468, %mul3A_470 : vector<16xi32>
      %add3A_472 = arith.addi %mul3A_471, %iota3A : vector<16xi32>
      tpu.vector_store_idx %arg5[%add3A_472], %broadcast_in_dim3A_100 {add = true} : memref<768xf32, #tpu.memory_space<vmem>>[vector<16xi32>], vector<16xf32>,
      %add3A_473 = arith.constant 30 : i32
      %add3A_474 = vector.broadcast %add3A_473 : i32 to vector<16xi32>
      %add3A_475 = arith.addi %min3A_461, %add3A_474 : vector<16xi32>
      %mul3A_476 = arith.constant 16 : i32
      %mul3A_477 = vector.broadcast %mul3A_476 : i32 to vector<16xi32>
      %mul3A_478 = arith.muli %add3A_475, %mul3A_477 : vector<16xi32>
      %add3A_479 = arith.addi %mul3A_478, %iota3A : vector<16xi32>
      tpu.vector_store_idx %arg5[%add3A_479], %abs3A_455 {add = true} : memref<768xf32, #tpu.memory_space<vmem>>[vector<16xi32>], vector<16xf32>,
      %add3A_480 = arith.constant 208 : i32
      %add3A_481 = arith.addi %mul3A_109, %add3A_480 : i32
      %get3A_482 = arith.index_cast %add3A_481 : i32 to index
      %get3A_483 = tpu.vector_load %arg4[%get3A_482] {strides = array<i32>} : memref<16384xf32, #tpu.memory_space<vmem>>, vector<16xf32>,
      %abs3A_484 = math.absf %get3A_483 : vector<16xf32>
      %div3A_485 = vector.broadcast %scan3A_101 : f32 to vector<16xf32>
      %div3A_486 = arith.divf %abs3A_484, %div3A_485 : vector<16xf32>
      %convert_element_type3A_487 = arith.fptosi %div3A_486 : vector<16xf32> to vector<16xi32>
      %min3A_488 = arith.constant 14 : i32
      %min3A_489 = vector.broadcast %min3A_488 : i32 to vector<16xi32>
      %min3A_490 = arith.minsi %convert_element_type3A_487, %min3A_489 : vector<16xi32>
      %lt3A_491 = arith.constant 0.000000e+00 : f32
      %lt3A_492 = vector.broadcast %lt3A_491 : f32 to vector<16xf32>
      %lt3A_493 = arith.cmpf olt, %get3A_483, %lt3A_492 : vector<16xf32>
      %add3A_494 = arith.constant 15 : i32
      %add3A_495 = vector.broadcast %add3A_494 : i32 to vector<16xi32>
      %add3A_496 = arith.addi %min3A_490, %add3A_495 : vector<16xi32>
      %select_n3A_497 = arith.select %lt3A_493, %add3A_496, %min3A_490 : vector<16xi1>, vector<16xi32>
      %mul3A_498 = arith.constant 16 : i32
      %mul3A_499 = vector.broadcast %mul3A_498 : i32 to vector<16xi32>
      %mul3A_500 = arith.muli %select_n3A_497, %mul3A_499 : vector<16xi32>
      %add3A_501 = arith.addi %mul3A_500, %iota3A : vector<16xi32>
      tpu.vector_store_idx %arg5[%add3A_501], %broadcast_in_dim3A_100 {add = true} : memref<768xf32, #tpu.memory_space<vmem>>[vector<16xi32>], vector<16xf32>,
      %add3A_502 = arith.constant 30 : i32
      %add3A_503 = vector.broadcast %add3A_502 : i32 to vector<16xi32>
      %add3A_504 = arith.addi %min3A_490, %add3A_503 : vector<16xi32>
      %mul3A_505 = arith.constant 16 : i32
      %mul3A_506 = vector.broadcast %mul3A_505 : i32 to vector<16xi32>
      %mul3A_507 = arith.muli %add3A_504, %mul3A_506 : vector<16xi32>
      %add3A_508 = arith.addi %mul3A_507, %iota3A : vector<16xi32>
      tpu.vector_store_idx %arg5[%add3A_508], %abs3A_484 {add = true} : memref<768xf32, #tpu.memory_space<vmem>>[vector<16xi32>], vector<16xf32>,
      %add3A_509 = arith.constant 224 : i32
      %add3A_510 = arith.addi %mul3A_109, %add3A_509 : i32
      %get3A_511 = arith.index_cast %add3A_510 : i32 to index
      %get3A_512 = tpu.vector_load %arg4[%get3A_511] {strides = array<i32>} : memref<16384xf32, #tpu.memory_space<vmem>>, vector<16xf32>,
      %abs3A_513 = math.absf %get3A_512 : vector<16xf32>
      %div3A_514 = vector.broadcast %scan3A_101 : f32 to vector<16xf32>
      %div3A_515 = arith.divf %abs3A_513, %div3A_514 : vector<16xf32>
      %convert_element_type3A_516 = arith.fptosi %div3A_515 : vector<16xf32> to vector<16xi32>
      %min3A_517 = arith.constant 14 : i32
      %min3A_518 = vector.broadcast %min3A_517 : i32 to vector<16xi32>
      %min3A_519 = arith.minsi %convert_element_type3A_516, %min3A_518 : vector<16xi32>
      %lt3A_520 = arith.constant 0.000000e+00 : f32
      %lt3A_521 = vector.broadcast %lt3A_520 : f32 to vector<16xf32>
      %lt3A_522 = arith.cmpf olt, %get3A_512, %lt3A_521 : vector<16xf32>
      %add3A_523 = arith.constant 15 : i32
      %add3A_524 = vector.broadcast %add3A_523 : i32 to vector<16xi32>
      %add3A_525 = arith.addi %min3A_519, %add3A_524 : vector<16xi32>
      %select_n3A_526 = arith.select %lt3A_522, %add3A_525, %min3A_519 : vector<16xi1>, vector<16xi32>
      %mul3A_527 = arith.constant 16 : i32
      %mul3A_528 = vector.broadcast %mul3A_527 : i32 to vector<16xi32>
      %mul3A_529 = arith.muli %select_n3A_526, %mul3A_528 : vector<16xi32>
      %add3A_530 = arith.addi %mul3A_529, %iota3A : vector<16xi32>
      tpu.vector_store_idx %arg5[%add3A_530], %broadcast_in_dim3A_100 {add = true} : memref<768xf32, #tpu.memory_space<vmem>>[vector<16xi32>], vector<16xf32>,
      %add3A_531 = arith.constant 30 : i32
      %add3A_532 = vector.broadcast %add3A_531 : i32 to vector<16xi32>
      %add3A_533 = arith.addi %min3A_519, %add3A_532 : vector<16xi32>
      %mul3A_534 = arith.constant 16 : i32
      %mul3A_535 = vector.broadcast %mul3A_534 : i32 to vector<16xi32>
      %mul3A_536 = arith.muli %add3A_533, %mul3A_535 : vector<16xi32>
      %add3A_537 = arith.addi %mul3A_536, %iota3A : vector<16xi32>
      tpu.vector_store_idx %arg5[%add3A_537], %abs3A_513 {add = true} : memref<768xf32, #tpu.memory_space<vmem>>[vector<16xi32>], vector<16xf32>,
      %add3A_538 = arith.constant 240 : i32
      %add3A_539 = arith.addi %mul3A_109, %add3A_538 : i32
      %get3A_540 = arith.index_cast %add3A_539 : i32 to index
      %get3A_541 = tpu.vector_load %arg4[%get3A_540] {strides = array<i32>} : memref<16384xf32, #tpu.memory_space<vmem>>, vector<16xf32>,
      %abs3A_542 = math.absf %get3A_541 : vector<16xf32>
      %div3A_543 = vector.broadcast %scan3A_101 : f32 to vector<16xf32>
      %div3A_544 = arith.divf %abs3A_542, %div3A_543 : vector<16xf32>
      %convert_element_type3A_545 = arith.fptosi %div3A_544 : vector<16xf32> to vector<16xi32>
      %min3A_546 = arith.constant 14 : i32
      %min3A_547 = vector.broadcast %min3A_546 : i32 to vector<16xi32>
      %min3A_548 = arith.minsi %convert_element_type3A_545, %min3A_547 : vector<16xi32>
      %lt3A_549 = arith.constant 0.000000e+00 : f32
      %lt3A_550 = vector.broadcast %lt3A_549 : f32 to vector<16xf32>
      %lt3A_551 = arith.cmpf olt, %get3A_541, %lt3A_550 : vector<16xf32>
      %add3A_552 = arith.constant 15 : i32
      %add3A_553 = vector.broadcast %add3A_552 : i32 to vector<16xi32>
      %add3A_554 = arith.addi %min3A_548, %add3A_553 : vector<16xi32>
      %select_n3A_555 = arith.select %lt3A_551, %add3A_554, %min3A_548 : vector<16xi1>, vector<16xi32>
      %mul3A_556 = arith.constant 16 : i32
      %mul3A_557 = vector.broadcast %mul3A_556 : i32 to vector<16xi32>
      %mul3A_558 = arith.muli %select_n3A_555, %mul3A_557 : vector<16xi32>
      %add3A_559 = arith.addi %mul3A_558, %iota3A : vector<16xi32>
      tpu.vector_store_idx %arg5[%add3A_559], %broadcast_in_dim3A_100 {add = true} : memref<768xf32, #tpu.memory_space<vmem>>[vector<16xi32>], vector<16xf32>,
      %add3A_560 = arith.constant 30 : i32
      %add3A_561 = vector.broadcast %add3A_560 : i32 to vector<16xi32>
      %add3A_562 = arith.addi %min3A_548, %add3A_561 : vector<16xi32>
      %mul3A_563 = arith.constant 16 : i32
      %mul3A_564 = vector.broadcast %mul3A_563 : i32 to vector<16xi32>
      %mul3A_565 = arith.muli %add3A_562, %mul3A_564 : vector<16xi32>
      %add3A_566 = arith.addi %mul3A_565, %iota3A : vector<16xi32>
      tpu.vector_store_idx %arg5[%add3A_566], %abs3A_542 {add = true} : memref<768xf32, #tpu.memory_space<vmem>>[vector<16xi32>], vector<16xf32>,
    }
    %scan3A_106 = arith.constant 64 : i32
    "tpu.region"() ({
      %run_scoped3A = tpu.sem_alloc : memref<!tpu.dma_semaphore, #tpu.memory_space<semaphore_mem>>
      %dma_start3A = arith.constant 0 : i32
      %dma_start3A_107 = tpu.memref_slice %arg3[%add3A, %dma_start3A] : memref<32x768xf32, #tpu.memory_space<hbm>> -> memref<1x768xf32, #tpu.memory_space<hbm>>
      %dma_start3A_108 = tpu.memref_squeeze %dma_start3A_107 : memref<1x768xf32, #tpu.memory_space<hbm>> -> memref<768xf32, #tpu.memory_space<hbm>>
      %dma_start3A_109 = arith.constant 0 : i32
      %dma_start3A_110 = tpu.memref_slice %arg3[%add3A, %dma_start3A_109] : memref<32x768xf32, #tpu.memory_space<hbm>> -> memref<1x768xf32, #tpu.memory_space<hbm>>
      %dma_start3A_111 = tpu.memref_squeeze %dma_start3A_110 : memref<1x768xf32, #tpu.memory_space<hbm>> -> memref<768xf32, #tpu.memory_space<hbm>>
      tpu.enqueue_dma source(%arg5 : memref<768xf32, #tpu.memory_space<vmem>>) target(%dma_start3A_111 : memref<768xf32, #tpu.memory_space<hbm>>) target_semaphore(%run_scoped3A : memref<!tpu.dma_semaphore, #tpu.memory_space<semaphore_mem>>)
      %dma_wait3A = arith.constant 0 : i32
      %dma_wait3A_112 = tpu.memref_slice %arg3[%add3A, %dma_wait3A] : memref<32x768xf32, #tpu.memory_space<hbm>> -> memref<1x768xf32, #tpu.memory_space<hbm>>
      %dma_wait3A_113 = tpu.memref_squeeze %dma_wait3A_112 : memref<1x768xf32, #tpu.memory_space<hbm>> -> memref<768xf32, #tpu.memory_space<hbm>>
      %dma_wait3A_114 = arith.constant 0 : i32
      %dma_wait3A_115 = tpu.memref_slice %arg3[%add3A, %dma_wait3A_114] : memref<32x768xf32, #tpu.memory_space<hbm>> -> memref<1x768xf32, #tpu.memory_space<hbm>>
      %dma_wait3A_116 = tpu.memref_squeeze %dma_wait3A_115 : memref<1x768xf32, #tpu.memory_space<hbm>> -> memref<768xf32, #tpu.memory_space<hbm>>
      tpu.wait_dma2 semaphore(%run_scoped3A : memref<!tpu.dma_semaphore, #tpu.memory_space<semaphore_mem>>) src(%arg5 : memref<768xf32, #tpu.memory_space<vmem>>) dst(%dma_wait3A_116 : memref<768xf32, #tpu.memory_space<hbm>>)
      tpu.yield
    }) : () -> ()
    return
  }
}

#map = affine_map<(d0, d1) -> (0)>
#map1 = affine_map<(d0, d1) -> (0, 0)>
module attributes {stable_mosaic.version = 14 : i64} {
  func.func @_sc_bin_body(%arg0: i32, %arg1: i32, %arg2: memref<524288xf32, #tpu.memory_space<hbm>>, %arg3: memref<32x768xf32, #tpu.memory_space<hbm>>, %arg4: memref<16384xf32, #tpu.memory_space<vmem>>, %arg5: memref<768xf32, #tpu.memory_space<vmem>>) attributes {dimension_semantics = [#tpu.dimension_semantics<core_parallel>, #tpu.dimension_semantics<subcore_parallel>], iteration_bounds = array<i64: 2, 16>, scalar_prefetch = 0 : i64, scratch_operands = 2 : i64, tpu.core_type = #tpu.core_type<sc_vector_subcore>, window_params = [{transform_indices = #map}, {transform_indices = #map1}]} {
    %mul3A = arith.constant 2 : i32
    %mul3A_0 = arith.muli %arg1, %mul3A : i32
    %add3A = arith.addi %mul3A_0, %arg0 : i32
    %mul3A_1 = arith.constant 16384 : i32
    %mul3A_2 = arith.muli %add3A, %mul3A_1 : i32
    "tpu.region"() ({
      %run_scoped3A = tpu.sem_alloc : memref<!tpu.dma_semaphore, #tpu.memory_space<semaphore_mem>>
      %dma_start3A = tpu.memref_slice %arg2[%mul3A_2] : memref<524288xf32, #tpu.memory_space<hbm>> -> memref<16384xf32, #tpu.memory_space<hbm>>
      %dma_start3A_107 = tpu.memref_slice %arg2[%mul3A_2] : memref<524288xf32, #tpu.memory_space<hbm>> -> memref<16384xf32, #tpu.memory_space<hbm>>
      tpu.enqueue_dma source(%dma_start3A_107 : memref<16384xf32, #tpu.memory_space<hbm>>) target(%arg4 : memref<16384xf32, #tpu.memory_space<vmem>>) target_semaphore(%run_scoped3A : memref<!tpu.dma_semaphore, #tpu.memory_space<semaphore_mem>>)
      %dma_wait3A = tpu.memref_slice %arg2[%mul3A_2] : memref<524288xf32, #tpu.memory_space<hbm>> -> memref<16384xf32, #tpu.memory_space<hbm>>
      %dma_wait3A_108 = tpu.memref_slice %arg2[%mul3A_2] : memref<524288xf32, #tpu.memory_space<hbm>> -> memref<16384xf32, #tpu.memory_space<hbm>>
      tpu.wait_dma2 semaphore(%run_scoped3A : memref<!tpu.dma_semaphore, #tpu.memory_space<semaphore_mem>>) src(%dma_wait3A_108 : memref<16384xf32, #tpu.memory_space<hbm>>) dst(%arg4 : memref<16384xf32, #tpu.memory_space<vmem>>)
      tpu.yield
    }) : () -> ()
    %broadcast_in_dim3A = arith.constant 0.000000e+00 : f32
    %broadcast_in_dim3A_3 = vector.broadcast %broadcast_in_dim3A : f32 to vector<16xf32>
    %swap3A = arith.constant 0 : index
    %swap3A_4 = tpu.vector_load %arg5[%swap3A] {strides = array<i32>} : memref<768xf32, #tpu.memory_space<vmem>>, vector<16xf32>,
    tpu.vector_store %arg5[%swap3A], %broadcast_in_dim3A_3 {strides = array<i32>} : memref<768xf32, #tpu.memory_space<vmem>>, vector<16xf32>,
    %swap3A_5 = arith.constant 16 : index
    %swap3A_6 = tpu.vector_load %arg5[%swap3A_5] {strides = array<i32>} : memref<768xf32, #tpu.memory_space<vmem>>, vector<16xf32>,
    tpu.vector_store %arg5[%swap3A_5], %broadcast_in_dim3A_3 {strides = array<i32>} : memref<768xf32, #tpu.memory_space<vmem>>, vector<16xf32>,
    %swap3A_7 = arith.constant 32 : index
    %swap3A_8 = tpu.vector_load %arg5[%swap3A_7] {strides = array<i32>} : memref<768xf32, #tpu.memory_space<vmem>>, vector<16xf32>,
    tpu.vector_store %arg5[%swap3A_7], %broadcast_in_dim3A_3 {strides = array<i32>} : memref<768xf32, #tpu.memory_space<vmem>>, vector<16xf32>,
    %swap3A_9 = arith.constant 48 : index
    %swap3A_10 = tpu.vector_load %arg5[%swap3A_9] {strides = array<i32>} : memref<768xf32, #tpu.memory_space<vmem>>, vector<16xf32>,
    tpu.vector_store %arg5[%swap3A_9], %broadcast_in_dim3A_3 {strides = array<i32>} : memref<768xf32, #tpu.memory_space<vmem>>, vector<16xf32>,
    %swap3A_11 = arith.constant 64 : index
    %swap3A_12 = tpu.vector_load %arg5[%swap3A_11] {strides = array<i32>} : memref<768xf32, #tpu.memory_space<vmem>>, vector<16xf32>,
    tpu.vector_store %arg5[%swap3A_11], %broadcast_in_dim3A_3 {strides = array<i32>} : memref<768xf32, #tpu.memory_space<vmem>>, vector<16xf32>,
    %swap3A_13 = arith.constant 80 : index
    %swap3A_14 = tpu.vector_load %arg5[%swap3A_13] {strides = array<i32>} : memref<768xf32, #tpu.memory_space<vmem>>, vector<16xf32>,
    tpu.vector_store %arg5[%swap3A_13], %broadcast_in_dim3A_3 {strides = array<i32>} : memref<768xf32, #tpu.memory_space<vmem>>, vector<16xf32>,
    %swap3A_15 = arith.constant 96 : index
    %swap3A_16 = tpu.vector_load %arg5[%swap3A_15] {strides = array<i32>} : memref<768xf32, #tpu.memory_space<vmem>>, vector<16xf32>,
    tpu.vector_store %arg5[%swap3A_15], %broadcast_in_dim3A_3 {strides = array<i32>} : memref<768xf32, #tpu.memory_space<vmem>>, vector<16xf32>,
    %swap3A_17 = arith.constant 112 : index
    %swap3A_18 = tpu.vector_load %arg5[%swap3A_17] {strides = array<i32>} : memref<768xf32, #tpu.memory_space<vmem>>, vector<16xf32>,
    tpu.vector_store %arg5[%swap3A_17], %broadcast_in_dim3A_3 {strides = array<i32>} : memref<768xf32, #tpu.memory_space<vmem>>, vector<16xf32>,
    %swap3A_19 = arith.constant 128 : index
    %swap3A_20 = tpu.vector_load %arg5[%swap3A_19] {strides = array<i32>} : memref<768xf32, #tpu.memory_space<vmem>>, vector<16xf32>,
    tpu.vector_store %arg5[%swap3A_19], %broadcast_in_dim3A_3 {strides = array<i32>} : memref<768xf32, #tpu.memory_space<vmem>>, vector<16xf32>,
    %swap3A_21 = arith.constant 144 : index
    %swap3A_22 = tpu.vector_load %arg5[%swap3A_21] {strides = array<i32>} : memref<768xf32, #tpu.memory_space<vmem>>, vector<16xf32>,
    tpu.vector_store %arg5[%swap3A_21], %broadcast_in_dim3A_3 {strides = array<i32>} : memref<768xf32, #tpu.memory_space<vmem>>, vector<16xf32>,
    %swap3A_23 = arith.constant 160 : index
    %swap3A_24 = tpu.vector_load %arg5[%swap3A_23] {strides = array<i32>} : memref<768xf32, #tpu.memory_space<vmem>>, vector<16xf32>,
    tpu.vector_store %arg5[%swap3A_23], %broadcast_in_dim3A_3 {strides = array<i32>} : memref<768xf32, #tpu.memory_space<vmem>>, vector<16xf32>,
    %swap3A_25 = arith.constant 176 : index
    %swap3A_26 = tpu.vector_load %arg5[%swap3A_25] {strides = array<i32>} : memref<768xf32, #tpu.memory_space<vmem>>, vector<16xf32>,
    tpu.vector_store %arg5[%swap3A_25], %broadcast_in_dim3A_3 {strides = array<i32>} : memref<768xf32, #tpu.memory_space<vmem>>, vector<16xf32>,
    %swap3A_27 = arith.constant 192 : index
    %swap3A_28 = tpu.vector_load %arg5[%swap3A_27] {strides = array<i32>} : memref<768xf32, #tpu.memory_space<vmem>>, vector<16xf32>,
    tpu.vector_store %arg5[%swap3A_27], %broadcast_in_dim3A_3 {strides = array<i32>} : memref<768xf32, #tpu.memory_space<vmem>>, vector<16xf32>,
    %swap3A_29 = arith.constant 208 : index
    %swap3A_30 = tpu.vector_load %arg5[%swap3A_29] {strides = array<i32>} : memref<768xf32, #tpu.memory_space<vmem>>, vector<16xf32>,
    tpu.vector_store %arg5[%swap3A_29], %broadcast_in_dim3A_3 {strides = array<i32>} : memref<768xf32, #tpu.memory_space<vmem>>, vector<16xf32>,
    %swap3A_31 = arith.constant 224 : index
    %swap3A_32 = tpu.vector_load %arg5[%swap3A_31] {strides = array<i32>} : memref<768xf32, #tpu.memory_space<vmem>>, vector<16xf32>,
    tpu.vector_store %arg5[%swap3A_31], %broadcast_in_dim3A_3 {strides = array<i32>} : memref<768xf32, #tpu.memory_space<vmem>>, vector<16xf32>,
    %swap3A_33 = arith.constant 240 : index
    %swap3A_34 = tpu.vector_load %arg5[%swap3A_33] {strides = array<i32>} : memref<768xf32, #tpu.memory_space<vmem>>, vector<16xf32>,
    tpu.vector_store %arg5[%swap3A_33], %broadcast_in_dim3A_3 {strides = array<i32>} : memref<768xf32, #tpu.memory_space<vmem>>, vector<16xf32>,
    %swap3A_35 = arith.constant 256 : index
    %swap3A_36 = tpu.vector_load %arg5[%swap3A_35] {strides = array<i32>} : memref<768xf32, #tpu.memory_space<vmem>>, vector<16xf32>,
    tpu.vector_store %arg5[%swap3A_35], %broadcast_in_dim3A_3 {strides = array<i32>} : memref<768xf32, #tpu.memory_space<vmem>>, vector<16xf32>,
    %swap3A_37 = arith.constant 272 : index
    %swap3A_38 = tpu.vector_load %arg5[%swap3A_37] {strides = array<i32>} : memref<768xf32, #tpu.memory_space<vmem>>, vector<16xf32>,
    tpu.vector_store %arg5[%swap3A_37], %broadcast_in_dim3A_3 {strides = array<i32>} : memref<768xf32, #tpu.memory_space<vmem>>, vector<16xf32>,
    %swap3A_39 = arith.constant 288 : index
    %swap3A_40 = tpu.vector_load %arg5[%swap3A_39] {strides = array<i32>} : memref<768xf32, #tpu.memory_space<vmem>>, vector<16xf32>,
    tpu.vector_store %arg5[%swap3A_39], %broadcast_in_dim3A_3 {strides = array<i32>} : memref<768xf32, #tpu.memory_space<vmem>>, vector<16xf32>,
    %swap3A_41 = arith.constant 304 : index
    %swap3A_42 = tpu.vector_load %arg5[%swap3A_41] {strides = array<i32>} : memref<768xf32, #tpu.memory_space<vmem>>, vector<16xf32>,
    tpu.vector_store %arg5[%swap3A_41], %broadcast_in_dim3A_3 {strides = array<i32>} : memref<768xf32, #tpu.memory_space<vmem>>, vector<16xf32>,
    %swap3A_43 = arith.constant 320 : index
    %swap3A_44 = tpu.vector_load %arg5[%swap3A_43] {strides = array<i32>} : memref<768xf32, #tpu.memory_space<vmem>>, vector<16xf32>,
    tpu.vector_store %arg5[%swap3A_43], %broadcast_in_dim3A_3 {strides = array<i32>} : memref<768xf32, #tpu.memory_space<vmem>>, vector<16xf32>,
    %swap3A_45 = arith.constant 336 : index
    %swap3A_46 = tpu.vector_load %arg5[%swap3A_45] {strides = array<i32>} : memref<768xf32, #tpu.memory_space<vmem>>, vector<16xf32>,
    tpu.vector_store %arg5[%swap3A_45], %broadcast_in_dim3A_3 {strides = array<i32>} : memref<768xf32, #tpu.memory_space<vmem>>, vector<16xf32>,
    %swap3A_47 = arith.constant 352 : index
    %swap3A_48 = tpu.vector_load %arg5[%swap3A_47] {strides = array<i32>} : memref<768xf32, #tpu.memory_space<vmem>>, vector<16xf32>,
    tpu.vector_store %arg5[%swap3A_47], %broadcast_in_dim3A_3 {strides = array<i32>} : memref<768xf32, #tpu.memory_space<vmem>>, vector<16xf32>,
    %swap3A_49 = arith.constant 368 : index
    %swap3A_50 = tpu.vector_load %arg5[%swap3A_49] {strides = array<i32>} : memref<768xf32, #tpu.memory_space<vmem>>, vector<16xf32>,
    tpu.vector_store %arg5[%swap3A_49], %broadcast_in_dim3A_3 {strides = array<i32>} : memref<768xf32, #tpu.memory_space<vmem>>, vector<16xf32>,
    %swap3A_51 = arith.constant 384 : index
    %swap3A_52 = tpu.vector_load %arg5[%swap3A_51] {strides = array<i32>} : memref<768xf32, #tpu.memory_space<vmem>>, vector<16xf32>,
    tpu.vector_store %arg5[%swap3A_51], %broadcast_in_dim3A_3 {strides = array<i32>} : memref<768xf32, #tpu.memory_space<vmem>>, vector<16xf32>,
    %swap3A_53 = arith.constant 400 : index
    %swap3A_54 = tpu.vector_load %arg5[%swap3A_53] {strides = array<i32>} : memref<768xf32, #tpu.memory_space<vmem>>, vector<16xf32>,
    tpu.vector_store %arg5[%swap3A_53], %broadcast_in_dim3A_3 {strides = array<i32>} : memref<768xf32, #tpu.memory_space<vmem>>, vector<16xf32>,
    %swap3A_55 = arith.constant 416 : index
    %swap3A_56 = tpu.vector_load %arg5[%swap3A_55] {strides = array<i32>} : memref<768xf32, #tpu.memory_space<vmem>>, vector<16xf32>,
    tpu.vector_store %arg5[%swap3A_55], %broadcast_in_dim3A_3 {strides = array<i32>} : memref<768xf32, #tpu.memory_space<vmem>>, vector<16xf32>,
    %swap3A_57 = arith.constant 432 : index
    %swap3A_58 = tpu.vector_load %arg5[%swap3A_57] {strides = array<i32>} : memref<768xf32, #tpu.memory_space<vmem>>, vector<16xf32>,
    tpu.vector_store %arg5[%swap3A_57], %broadcast_in_dim3A_3 {strides = array<i32>} : memref<768xf32, #tpu.memory_space<vmem>>, vector<16xf32>,
    %swap3A_59 = arith.constant 448 : index
    %swap3A_60 = tpu.vector_load %arg5[%swap3A_59] {strides = array<i32>} : memref<768xf32, #tpu.memory_space<vmem>>, vector<16xf32>,
    tpu.vector_store %arg5[%swap3A_59], %broadcast_in_dim3A_3 {strides = array<i32>} : memref<768xf32, #tpu.memory_space<vmem>>, vector<16xf32>,
    %swap3A_61 = arith.constant 464 : index
    %swap3A_62 = tpu.vector_load %arg5[%swap3A_61] {strides = array<i32>} : memref<768xf32, #tpu.memory_space<vmem>>, vector<16xf32>,
    tpu.vector_store %arg5[%swap3A_61], %broadcast_in_dim3A_3 {strides = array<i32>} : memref<768xf32, #tpu.memory_space<vmem>>, vector<16xf32>,
    %swap3A_63 = arith.constant 480 : index
    %swap3A_64 = tpu.vector_load %arg5[%swap3A_63] {strides = array<i32>} : memref<768xf32, #tpu.memory_space<vmem>>, vector<16xf32>,
    tpu.vector_store %arg5[%swap3A_63], %broadcast_in_dim3A_3 {strides = array<i32>} : memref<768xf32, #tpu.memory_space<vmem>>, vector<16xf32>,
    %swap3A_65 = arith.constant 496 : index
    %swap3A_66 = tpu.vector_load %arg5[%swap3A_65] {strides = array<i32>} : memref<768xf32, #tpu.memory_space<vmem>>, vector<16xf32>,
    tpu.vector_store %arg5[%swap3A_65], %broadcast_in_dim3A_3 {strides = array<i32>} : memref<768xf32, #tpu.memory_space<vmem>>, vector<16xf32>,
    %swap3A_67 = arith.constant 512 : index
    %swap3A_68 = tpu.vector_load %arg5[%swap3A_67] {strides = array<i32>} : memref<768xf32, #tpu.memory_space<vmem>>, vector<16xf32>,
    tpu.vector_store %arg5[%swap3A_67], %broadcast_in_dim3A_3 {strides = array<i32>} : memref<768xf32, #tpu.memory_space<vmem>>, vector<16xf32>,
    %swap3A_69 = arith.constant 528 : index
    %swap3A_70 = tpu.vector_load %arg5[%swap3A_69] {strides = array<i32>} : memref<768xf32, #tpu.memory_space<vmem>>, vector<16xf32>,
    tpu.vector_store %arg5[%swap3A_69], %broadcast_in_dim3A_3 {strides = array<i32>} : memref<768xf32, #tpu.memory_space<vmem>>, vector<16xf32>,
    %swap3A_71 = arith.constant 544 : index
    %swap3A_72 = tpu.vector_load %arg5[%swap3A_71] {strides = array<i32>} : memref<768xf32, #tpu.memory_space<vmem>>, vector<16xf32>,
    tpu.vector_store %arg5[%swap3A_71], %broadcast_in_dim3A_3 {strides = array<i32>} : memref<768xf32, #tpu.memory_space<vmem>>, vector<16xf32>,
    %swap3A_73 = arith.constant 560 : index
    %swap3A_74 = tpu.vector_load %arg5[%swap3A_73] {strides = array<i32>} : memref<768xf32, #tpu.memory_space<vmem>>, vector<16xf32>,
    tpu.vector_store %arg5[%swap3A_73], %broadcast_in_dim3A_3 {strides = array<i32>} : memref<768xf32, #tpu.memory_space<vmem>>, vector<16xf32>,
    %swap3A_75 = arith.constant 576 : index
    %swap3A_76 = tpu.vector_load %arg5[%swap3A_75] {strides = array<i32>} : memref<768xf32, #tpu.memory_space<vmem>>, vector<16xf32>,
    tpu.vector_store %arg5[%swap3A_75], %broadcast_in_dim3A_3 {strides = array<i32>} : memref<768xf32, #tpu.memory_space<vmem>>, vector<16xf32>,
    %swap3A_77 = arith.constant 592 : index
    %swap3A_78 = tpu.vector_load %arg5[%swap3A_77] {strides = array<i32>} : memref<768xf32, #tpu.memory_space<vmem>>, vector<16xf32>,
    tpu.vector_store %arg5[%swap3A_77], %broadcast_in_dim3A_3 {strides = array<i32>} : memref<768xf32, #tpu.memory_space<vmem>>, vector<16xf32>,
    %swap3A_79 = arith.constant 608 : index
    %swap3A_80 = tpu.vector_load %arg5[%swap3A_79] {strides = array<i32>} : memref<768xf32, #tpu.memory_space<vmem>>, vector<16xf32>,
    tpu.vector_store %arg5[%swap3A_79], %broadcast_in_dim3A_3 {strides = array<i32>} : memref<768xf32, #tpu.memory_space<vmem>>, vector<16xf32>,
    %swap3A_81 = arith.constant 624 : index
    %swap3A_82 = tpu.vector_load %arg5[%swap3A_81] {strides = array<i32>} : memref<768xf32, #tpu.memory_space<vmem>>, vector<16xf32>,
    tpu.vector_store %arg5[%swap3A_81], %broadcast_in_dim3A_3 {strides = array<i32>} : memref<768xf32, #tpu.memory_space<vmem>>, vector<16xf32>,
    %swap3A_83 = arith.constant 640 : index
    %swap3A_84 = tpu.vector_load %arg5[%swap3A_83] {strides = array<i32>} : memref<768xf32, #tpu.memory_space<vmem>>, vector<16xf32>,
    tpu.vector_store %arg5[%swap3A_83], %broadcast_in_dim3A_3 {strides = array<i32>} : memref<768xf32, #tpu.memory_space<vmem>>, vector<16xf32>,
    %swap3A_85 = arith.constant 656 : index
    %swap3A_86 = tpu.vector_load %arg5[%swap3A_85] {strides = array<i32>} : memref<768xf32, #tpu.memory_space<vmem>>, vector<16xf32>,
    tpu.vector_store %arg5[%swap3A_85], %broadcast_in_dim3A_3 {strides = array<i32>} : memref<768xf32, #tpu.memory_space<vmem>>, vector<16xf32>,
    %swap3A_87 = arith.constant 672 : index
    %swap3A_88 = tpu.vector_load %arg5[%swap3A_87] {strides = array<i32>} : memref<768xf32, #tpu.memory_space<vmem>>, vector<16xf32>,
    tpu.vector_store %arg5[%swap3A_87], %broadcast_in_dim3A_3 {strides = array<i32>} : memref<768xf32, #tpu.memory_space<vmem>>, vector<16xf32>,
    %swap3A_89 = arith.constant 688 : index
    %swap3A_90 = tpu.vector_load %arg5[%swap3A_89] {strides = array<i32>} : memref<768xf32, #tpu.memory_space<vmem>>, vector<16xf32>,
    tpu.vector_store %arg5[%swap3A_89], %broadcast_in_dim3A_3 {strides = array<i32>} : memref<768xf32, #tpu.memory_space<vmem>>, vector<16xf32>,
    %swap3A_91 = arith.constant 704 : index
    %swap3A_92 = tpu.vector_load %arg5[%swap3A_91] {strides = array<i32>} : memref<768xf32, #tpu.memory_space<vmem>>, vector<16xf32>,
    tpu.vector_store %arg5[%swap3A_91], %broadcast_in_dim3A_3 {strides = array<i32>} : memref<768xf32, #tpu.memory_space<vmem>>, vector<16xf32>,
    %swap3A_93 = arith.constant 720 : index
    %swap3A_94 = tpu.vector_load %arg5[%swap3A_93] {strides = array<i32>} : memref<768xf32, #tpu.memory_space<vmem>>, vector<16xf32>,
    tpu.vector_store %arg5[%swap3A_93], %broadcast_in_dim3A_3 {strides = array<i32>} : memref<768xf32, #tpu.memory_space<vmem>>, vector<16xf32>,
    %swap3A_95 = arith.constant 736 : index
    %swap3A_96 = tpu.vector_load %arg5[%swap3A_95] {strides = array<i32>} : memref<768xf32, #tpu.memory_space<vmem>>, vector<16xf32>,
    tpu.vector_store %arg5[%swap3A_95], %broadcast_in_dim3A_3 {strides = array<i32>} : memref<768xf32, #tpu.memory_space<vmem>>, vector<16xf32>,
    %swap3A_97 = arith.constant 752 : index
    %swap3A_98 = tpu.vector_load %arg5[%swap3A_97] {strides = array<i32>} : memref<768xf32, #tpu.memory_space<vmem>>, vector<16xf32>,
    tpu.vector_store %arg5[%swap3A_97], %broadcast_in_dim3A_3 {strides = array<i32>} : memref<768xf32, #tpu.memory_space<vmem>>, vector<16xf32>,
    %iota3A = tpu.iota {dimensions = array<i32: 0>} : vector<16xi32>
    %broadcast_in_dim3A_99 = arith.constant 1.000000e+00 : f32
    %broadcast_in_dim3A_100 = vector.broadcast %broadcast_in_dim3A_99 : f32 to vector<16xf32>
    %scan3A = arith.constant 0 : i32
    %scan3A_101 = arith.constant 0.0666666701 : f32
    %scan3A_102 = arith.constant 0 : i32
    %scan3A_103 = arith.constant 64 : i32
    %scan3A_104 = arith.addi %scan3A_102, %scan3A_103 : i32
    %scan3A_105 = arith.constant 1 : i32
    scf.for %scan3A_107 = %scan3A_102 to %scan3A_104 step %scan3A_105  : i32 {
      %mul3A_108 = arith.constant 256 : i32
      %mul3A_109 = arith.muli %scan3A_107, %mul3A_108 : i32
      %add3A_110 = arith.constant 0 : i32
      %add3A_111 = arith.addi %mul3A_109, %add3A_110 : i32
      %get3A = arith.index_cast %add3A_111 : i32 to index
      %get3A_112 = tpu.vector_load %arg4[%get3A] {strides = array<i32>} : memref<16384xf32, #tpu.memory_space<vmem>>, vector<16xf32>,
      %abs3A = math.absf %get3A_112 : vector<16xf32>
      %div3A = vector.broadcast %scan3A_101 : f32 to vector<16xf32>
      %div3A_113 = arith.divf %abs3A, %div3A : vector<16xf32>
      %convert_element_type3A = arith.fptosi %div3A_113 : vector<16xf32> to vector<16xi32>
      %min3A = arith.constant 14 : i32
      %min3A_114 = vector.broadcast %min3A : i32 to vector<16xi32>
      %min3A_115 = arith.minsi %convert_element_type3A, %min3A_114 : vector<16xi32>
      %lt3A = arith.constant 0.000000e+00 : f32
      %lt3A_116 = vector.broadcast %lt3A : f32 to vector<16xf32>
      %lt3A_117 = arith.cmpf olt, %get3A_112, %lt3A_116 : vector<16xf32>
      %add3A_118 = arith.constant 15 : i32
      %add3A_119 = vector.broadcast %add3A_118 : i32 to vector<16xi32>
      %add3A_120 = arith.addi %min3A_115, %add3A_119 : vector<16xi32>
      %select_n3A = arith.select %lt3A_117, %add3A_120, %min3A_115 : vector<16xi1>, vector<16xi32>
      %mul3A_121 = arith.constant 16 : i32
      %mul3A_122 = vector.broadcast %mul3A_121 : i32 to vector<16xi32>
      %mul3A_123 = arith.muli %select_n3A, %mul3A_122 : vector<16xi32>
      %add3A_124 = arith.addi %mul3A_123, %iota3A : vector<16xi32>
      tpu.vector_store_idx %arg5[%add3A_124], %broadcast_in_dim3A_100 {add = true} : memref<768xf32, #tpu.memory_space<vmem>>[vector<16xi32>], vector<16xf32>,
      %add3A_125 = arith.constant 30 : i32
      %add3A_126 = vector.broadcast %add3A_125 : i32 to vector<16xi32>
      %add3A_127 = arith.addi %min3A_115, %add3A_126 : vector<16xi32>
      %mul3A_128 = arith.constant 16 : i32
      %mul3A_129 = vector.broadcast %mul3A_128 : i32 to vector<16xi32>
      %mul3A_130 = arith.muli %add3A_127, %mul3A_129 : vector<16xi32>
      %add3A_131 = arith.addi %mul3A_130, %iota3A : vector<16xi32>
      tpu.vector_store_idx %arg5[%add3A_131], %abs3A {add = true} : memref<768xf32, #tpu.memory_space<vmem>>[vector<16xi32>], vector<16xf32>,
      %add3A_132 = arith.constant 16 : i32
      %add3A_133 = arith.addi %mul3A_109, %add3A_132 : i32
      %get3A_134 = arith.index_cast %add3A_133 : i32 to index
      %get3A_135 = tpu.vector_load %arg4[%get3A_134] {strides = array<i32>} : memref<16384xf32, #tpu.memory_space<vmem>>, vector<16xf32>,
      %abs3A_136 = math.absf %get3A_135 : vector<16xf32>
      %div3A_137 = vector.broadcast %scan3A_101 : f32 to vector<16xf32>
      %div3A_138 = arith.divf %abs3A_136, %div3A_137 : vector<16xf32>
      %convert_element_type3A_139 = arith.fptosi %div3A_138 : vector<16xf32> to vector<16xi32>
      %min3A_140 = arith.constant 14 : i32
      %min3A_141 = vector.broadcast %min3A_140 : i32 to vector<16xi32>
      %min3A_142 = arith.minsi %convert_element_type3A_139, %min3A_141 : vector<16xi32>
      %lt3A_143 = arith.constant 0.000000e+00 : f32
      %lt3A_144 = vector.broadcast %lt3A_143 : f32 to vector<16xf32>
      %lt3A_145 = arith.cmpf olt, %get3A_135, %lt3A_144 : vector<16xf32>
      %add3A_146 = arith.constant 15 : i32
      %add3A_147 = vector.broadcast %add3A_146 : i32 to vector<16xi32>
      %add3A_148 = arith.addi %min3A_142, %add3A_147 : vector<16xi32>
      %select_n3A_149 = arith.select %lt3A_145, %add3A_148, %min3A_142 : vector<16xi1>, vector<16xi32>
      %mul3A_150 = arith.constant 16 : i32
      %mul3A_151 = vector.broadcast %mul3A_150 : i32 to vector<16xi32>
      %mul3A_152 = arith.muli %select_n3A_149, %mul3A_151 : vector<16xi32>
      %add3A_153 = arith.addi %mul3A_152, %iota3A : vector<16xi32>
      tpu.vector_store_idx %arg5[%add3A_153], %broadcast_in_dim3A_100 {add = true} : memref<768xf32, #tpu.memory_space<vmem>>[vector<16xi32>], vector<16xf32>,
      %add3A_154 = arith.constant 30 : i32
      %add3A_155 = vector.broadcast %add3A_154 : i32 to vector<16xi32>
      %add3A_156 = arith.addi %min3A_142, %add3A_155 : vector<16xi32>
      %mul3A_157 = arith.constant 16 : i32
      %mul3A_158 = vector.broadcast %mul3A_157 : i32 to vector<16xi32>
      %mul3A_159 = arith.muli %add3A_156, %mul3A_158 : vector<16xi32>
      %add3A_160 = arith.addi %mul3A_159, %iota3A : vector<16xi32>
      tpu.vector_store_idx %arg5[%add3A_160], %abs3A_136 {add = true} : memref<768xf32, #tpu.memory_space<vmem>>[vector<16xi32>], vector<16xf32>,
      %add3A_161 = arith.constant 32 : i32
      %add3A_162 = arith.addi %mul3A_109, %add3A_161 : i32
      %get3A_163 = arith.index_cast %add3A_162 : i32 to index
      %get3A_164 = tpu.vector_load %arg4[%get3A_163] {strides = array<i32>} : memref<16384xf32, #tpu.memory_space<vmem>>, vector<16xf32>,
      %abs3A_165 = math.absf %get3A_164 : vector<16xf32>
      %div3A_166 = vector.broadcast %scan3A_101 : f32 to vector<16xf32>
      %div3A_167 = arith.divf %abs3A_165, %div3A_166 : vector<16xf32>
      %convert_element_type3A_168 = arith.fptosi %div3A_167 : vector<16xf32> to vector<16xi32>
      %min3A_169 = arith.constant 14 : i32
      %min3A_170 = vector.broadcast %min3A_169 : i32 to vector<16xi32>
      %min3A_171 = arith.minsi %convert_element_type3A_168, %min3A_170 : vector<16xi32>
      %lt3A_172 = arith.constant 0.000000e+00 : f32
      %lt3A_173 = vector.broadcast %lt3A_172 : f32 to vector<16xf32>
      %lt3A_174 = arith.cmpf olt, %get3A_164, %lt3A_173 : vector<16xf32>
      %add3A_175 = arith.constant 15 : i32
      %add3A_176 = vector.broadcast %add3A_175 : i32 to vector<16xi32>
      %add3A_177 = arith.addi %min3A_171, %add3A_176 : vector<16xi32>
      %select_n3A_178 = arith.select %lt3A_174, %add3A_177, %min3A_171 : vector<16xi1>, vector<16xi32>
      %mul3A_179 = arith.constant 16 : i32
      %mul3A_180 = vector.broadcast %mul3A_179 : i32 to vector<16xi32>
      %mul3A_181 = arith.muli %select_n3A_178, %mul3A_180 : vector<16xi32>
      %add3A_182 = arith.addi %mul3A_181, %iota3A : vector<16xi32>
      tpu.vector_store_idx %arg5[%add3A_182], %broadcast_in_dim3A_100 {add = true} : memref<768xf32, #tpu.memory_space<vmem>>[vector<16xi32>], vector<16xf32>,
      %add3A_183 = arith.constant 30 : i32
      %add3A_184 = vector.broadcast %add3A_183 : i32 to vector<16xi32>
      %add3A_185 = arith.addi %min3A_171, %add3A_184 : vector<16xi32>
      %mul3A_186 = arith.constant 16 : i32
      %mul3A_187 = vector.broadcast %mul3A_186 : i32 to vector<16xi32>
      %mul3A_188 = arith.muli %add3A_185, %mul3A_187 : vector<16xi32>
      %add3A_189 = arith.addi %mul3A_188, %iota3A : vector<16xi32>
      tpu.vector_store_idx %arg5[%add3A_189], %abs3A_165 {add = true} : memref<768xf32, #tpu.memory_space<vmem>>[vector<16xi32>], vector<16xf32>,
      %add3A_190 = arith.constant 48 : i32
      %add3A_191 = arith.addi %mul3A_109, %add3A_190 : i32
      %get3A_192 = arith.index_cast %add3A_191 : i32 to index
      %get3A_193 = tpu.vector_load %arg4[%get3A_192] {strides = array<i32>} : memref<16384xf32, #tpu.memory_space<vmem>>, vector<16xf32>,
      %abs3A_194 = math.absf %get3A_193 : vector<16xf32>
      %div3A_195 = vector.broadcast %scan3A_101 : f32 to vector<16xf32>
      %div3A_196 = arith.divf %abs3A_194, %div3A_195 : vector<16xf32>
      %convert_element_type3A_197 = arith.fptosi %div3A_196 : vector<16xf32> to vector<16xi32>
      %min3A_198 = arith.constant 14 : i32
      %min3A_199 = vector.broadcast %min3A_198 : i32 to vector<16xi32>
      %min3A_200 = arith.minsi %convert_element_type3A_197, %min3A_199 : vector<16xi32>
      %lt3A_201 = arith.constant 0.000000e+00 : f32
      %lt3A_202 = vector.broadcast %lt3A_201 : f32 to vector<16xf32>
      %lt3A_203 = arith.cmpf olt, %get3A_193, %lt3A_202 : vector<16xf32>
      %add3A_204 = arith.constant 15 : i32
      %add3A_205 = vector.broadcast %add3A_204 : i32 to vector<16xi32>
      %add3A_206 = arith.addi %min3A_200, %add3A_205 : vector<16xi32>
      %select_n3A_207 = arith.select %lt3A_203, %add3A_206, %min3A_200 : vector<16xi1>, vector<16xi32>
      %mul3A_208 = arith.constant 16 : i32
      %mul3A_209 = vector.broadcast %mul3A_208 : i32 to vector<16xi32>
      %mul3A_210 = arith.muli %select_n3A_207, %mul3A_209 : vector<16xi32>
      %add3A_211 = arith.addi %mul3A_210, %iota3A : vector<16xi32>
      tpu.vector_store_idx %arg5[%add3A_211], %broadcast_in_dim3A_100 {add = true} : memref<768xf32, #tpu.memory_space<vmem>>[vector<16xi32>], vector<16xf32>,
      %add3A_212 = arith.constant 30 : i32
      %add3A_213 = vector.broadcast %add3A_212 : i32 to vector<16xi32>
      %add3A_214 = arith.addi %min3A_200, %add3A_213 : vector<16xi32>
      %mul3A_215 = arith.constant 16 : i32
      %mul3A_216 = vector.broadcast %mul3A_215 : i32 to vector<16xi32>
      %mul3A_217 = arith.muli %add3A_214, %mul3A_216 : vector<16xi32>
      %add3A_218 = arith.addi %mul3A_217, %iota3A : vector<16xi32>
      tpu.vector_store_idx %arg5[%add3A_218], %abs3A_194 {add = true} : memref<768xf32, #tpu.memory_space<vmem>>[vector<16xi32>], vector<16xf32>,
      %add3A_219 = arith.constant 64 : i32
      %add3A_220 = arith.addi %mul3A_109, %add3A_219 : i32
      %get3A_221 = arith.index_cast %add3A_220 : i32 to index
      %get3A_222 = tpu.vector_load %arg4[%get3A_221] {strides = array<i32>} : memref<16384xf32, #tpu.memory_space<vmem>>, vector<16xf32>,
      %abs3A_223 = math.absf %get3A_222 : vector<16xf32>
      %div3A_224 = vector.broadcast %scan3A_101 : f32 to vector<16xf32>
      %div3A_225 = arith.divf %abs3A_223, %div3A_224 : vector<16xf32>
      %convert_element_type3A_226 = arith.fptosi %div3A_225 : vector<16xf32> to vector<16xi32>
      %min3A_227 = arith.constant 14 : i32
      %min3A_228 = vector.broadcast %min3A_227 : i32 to vector<16xi32>
      %min3A_229 = arith.minsi %convert_element_type3A_226, %min3A_228 : vector<16xi32>
      %lt3A_230 = arith.constant 0.000000e+00 : f32
      %lt3A_231 = vector.broadcast %lt3A_230 : f32 to vector<16xf32>
      %lt3A_232 = arith.cmpf olt, %get3A_222, %lt3A_231 : vector<16xf32>
      %add3A_233 = arith.constant 15 : i32
      %add3A_234 = vector.broadcast %add3A_233 : i32 to vector<16xi32>
      %add3A_235 = arith.addi %min3A_229, %add3A_234 : vector<16xi32>
      %select_n3A_236 = arith.select %lt3A_232, %add3A_235, %min3A_229 : vector<16xi1>, vector<16xi32>
      %mul3A_237 = arith.constant 16 : i32
      %mul3A_238 = vector.broadcast %mul3A_237 : i32 to vector<16xi32>
      %mul3A_239 = arith.muli %select_n3A_236, %mul3A_238 : vector<16xi32>
      %add3A_240 = arith.addi %mul3A_239, %iota3A : vector<16xi32>
      tpu.vector_store_idx %arg5[%add3A_240], %broadcast_in_dim3A_100 {add = true} : memref<768xf32, #tpu.memory_space<vmem>>[vector<16xi32>], vector<16xf32>,
      %add3A_241 = arith.constant 30 : i32
      %add3A_242 = vector.broadcast %add3A_241 : i32 to vector<16xi32>
      %add3A_243 = arith.addi %min3A_229, %add3A_242 : vector<16xi32>
      %mul3A_244 = arith.constant 16 : i32
      %mul3A_245 = vector.broadcast %mul3A_244 : i32 to vector<16xi32>
      %mul3A_246 = arith.muli %add3A_243, %mul3A_245 : vector<16xi32>
      %add3A_247 = arith.addi %mul3A_246, %iota3A : vector<16xi32>
      tpu.vector_store_idx %arg5[%add3A_247], %abs3A_223 {add = true} : memref<768xf32, #tpu.memory_space<vmem>>[vector<16xi32>], vector<16xf32>,
      %add3A_248 = arith.constant 80 : i32
      %add3A_249 = arith.addi %mul3A_109, %add3A_248 : i32
      %get3A_250 = arith.index_cast %add3A_249 : i32 to index
      %get3A_251 = tpu.vector_load %arg4[%get3A_250] {strides = array<i32>} : memref<16384xf32, #tpu.memory_space<vmem>>, vector<16xf32>,
      %abs3A_252 = math.absf %get3A_251 : vector<16xf32>
      %div3A_253 = vector.broadcast %scan3A_101 : f32 to vector<16xf32>
      %div3A_254 = arith.divf %abs3A_252, %div3A_253 : vector<16xf32>
      %convert_element_type3A_255 = arith.fptosi %div3A_254 : vector<16xf32> to vector<16xi32>
      %min3A_256 = arith.constant 14 : i32
      %min3A_257 = vector.broadcast %min3A_256 : i32 to vector<16xi32>
      %min3A_258 = arith.minsi %convert_element_type3A_255, %min3A_257 : vector<16xi32>
      %lt3A_259 = arith.constant 0.000000e+00 : f32
      %lt3A_260 = vector.broadcast %lt3A_259 : f32 to vector<16xf32>
      %lt3A_261 = arith.cmpf olt, %get3A_251, %lt3A_260 : vector<16xf32>
      %add3A_262 = arith.constant 15 : i32
      %add3A_263 = vector.broadcast %add3A_262 : i32 to vector<16xi32>
      %add3A_264 = arith.addi %min3A_258, %add3A_263 : vector<16xi32>
      %select_n3A_265 = arith.select %lt3A_261, %add3A_264, %min3A_258 : vector<16xi1>, vector<16xi32>
      %mul3A_266 = arith.constant 16 : i32
      %mul3A_267 = vector.broadcast %mul3A_266 : i32 to vector<16xi32>
      %mul3A_268 = arith.muli %select_n3A_265, %mul3A_267 : vector<16xi32>
      %add3A_269 = arith.addi %mul3A_268, %iota3A : vector<16xi32>
      tpu.vector_store_idx %arg5[%add3A_269], %broadcast_in_dim3A_100 {add = true} : memref<768xf32, #tpu.memory_space<vmem>>[vector<16xi32>], vector<16xf32>,
      %add3A_270 = arith.constant 30 : i32
      %add3A_271 = vector.broadcast %add3A_270 : i32 to vector<16xi32>
      %add3A_272 = arith.addi %min3A_258, %add3A_271 : vector<16xi32>
      %mul3A_273 = arith.constant 16 : i32
      %mul3A_274 = vector.broadcast %mul3A_273 : i32 to vector<16xi32>
      %mul3A_275 = arith.muli %add3A_272, %mul3A_274 : vector<16xi32>
      %add3A_276 = arith.addi %mul3A_275, %iota3A : vector<16xi32>
      tpu.vector_store_idx %arg5[%add3A_276], %abs3A_252 {add = true} : memref<768xf32, #tpu.memory_space<vmem>>[vector<16xi32>], vector<16xf32>,
      %add3A_277 = arith.constant 96 : i32
      %add3A_278 = arith.addi %mul3A_109, %add3A_277 : i32
      %get3A_279 = arith.index_cast %add3A_278 : i32 to index
      %get3A_280 = tpu.vector_load %arg4[%get3A_279] {strides = array<i32>} : memref<16384xf32, #tpu.memory_space<vmem>>, vector<16xf32>,
      %abs3A_281 = math.absf %get3A_280 : vector<16xf32>
      %div3A_282 = vector.broadcast %scan3A_101 : f32 to vector<16xf32>
      %div3A_283 = arith.divf %abs3A_281, %div3A_282 : vector<16xf32>
      %convert_element_type3A_284 = arith.fptosi %div3A_283 : vector<16xf32> to vector<16xi32>
      %min3A_285 = arith.constant 14 : i32
      %min3A_286 = vector.broadcast %min3A_285 : i32 to vector<16xi32>
      %min3A_287 = arith.minsi %convert_element_type3A_284, %min3A_286 : vector<16xi32>
      %lt3A_288 = arith.constant 0.000000e+00 : f32
      %lt3A_289 = vector.broadcast %lt3A_288 : f32 to vector<16xf32>
      %lt3A_290 = arith.cmpf olt, %get3A_280, %lt3A_289 : vector<16xf32>
      %add3A_291 = arith.constant 15 : i32
      %add3A_292 = vector.broadcast %add3A_291 : i32 to vector<16xi32>
      %add3A_293 = arith.addi %min3A_287, %add3A_292 : vector<16xi32>
      %select_n3A_294 = arith.select %lt3A_290, %add3A_293, %min3A_287 : vector<16xi1>, vector<16xi32>
      %mul3A_295 = arith.constant 16 : i32
      %mul3A_296 = vector.broadcast %mul3A_295 : i32 to vector<16xi32>
      %mul3A_297 = arith.muli %select_n3A_294, %mul3A_296 : vector<16xi32>
      %add3A_298 = arith.addi %mul3A_297, %iota3A : vector<16xi32>
      tpu.vector_store_idx %arg5[%add3A_298], %broadcast_in_dim3A_100 {add = true} : memref<768xf32, #tpu.memory_space<vmem>>[vector<16xi32>], vector<16xf32>,
      %add3A_299 = arith.constant 30 : i32
      %add3A_300 = vector.broadcast %add3A_299 : i32 to vector<16xi32>
      %add3A_301 = arith.addi %min3A_287, %add3A_300 : vector<16xi32>
      %mul3A_302 = arith.constant 16 : i32
      %mul3A_303 = vector.broadcast %mul3A_302 : i32 to vector<16xi32>
      %mul3A_304 = arith.muli %add3A_301, %mul3A_303 : vector<16xi32>
      %add3A_305 = arith.addi %mul3A_304, %iota3A : vector<16xi32>
      tpu.vector_store_idx %arg5[%add3A_305], %abs3A_281 {add = true} : memref<768xf32, #tpu.memory_space<vmem>>[vector<16xi32>], vector<16xf32>,
      %add3A_306 = arith.constant 112 : i32
      %add3A_307 = arith.addi %mul3A_109, %add3A_306 : i32
      %get3A_308 = arith.index_cast %add3A_307 : i32 to index
      %get3A_309 = tpu.vector_load %arg4[%get3A_308] {strides = array<i32>} : memref<16384xf32, #tpu.memory_space<vmem>>, vector<16xf32>,
      %abs3A_310 = math.absf %get3A_309 : vector<16xf32>
      %div3A_311 = vector.broadcast %scan3A_101 : f32 to vector<16xf32>
      %div3A_312 = arith.divf %abs3A_310, %div3A_311 : vector<16xf32>
      %convert_element_type3A_313 = arith.fptosi %div3A_312 : vector<16xf32> to vector<16xi32>
      %min3A_314 = arith.constant 14 : i32
      %min3A_315 = vector.broadcast %min3A_314 : i32 to vector<16xi32>
      %min3A_316 = arith.minsi %convert_element_type3A_313, %min3A_315 : vector<16xi32>
      %lt3A_317 = arith.constant 0.000000e+00 : f32
      %lt3A_318 = vector.broadcast %lt3A_317 : f32 to vector<16xf32>
      %lt3A_319 = arith.cmpf olt, %get3A_309, %lt3A_318 : vector<16xf32>
      %add3A_320 = arith.constant 15 : i32
      %add3A_321 = vector.broadcast %add3A_320 : i32 to vector<16xi32>
      %add3A_322 = arith.addi %min3A_316, %add3A_321 : vector<16xi32>
      %select_n3A_323 = arith.select %lt3A_319, %add3A_322, %min3A_316 : vector<16xi1>, vector<16xi32>
      %mul3A_324 = arith.constant 16 : i32
      %mul3A_325 = vector.broadcast %mul3A_324 : i32 to vector<16xi32>
      %mul3A_326 = arith.muli %select_n3A_323, %mul3A_325 : vector<16xi32>
      %add3A_327 = arith.addi %mul3A_326, %iota3A : vector<16xi32>
      tpu.vector_store_idx %arg5[%add3A_327], %broadcast_in_dim3A_100 {add = true} : memref<768xf32, #tpu.memory_space<vmem>>[vector<16xi32>], vector<16xf32>,
      %add3A_328 = arith.constant 30 : i32
      %add3A_329 = vector.broadcast %add3A_328 : i32 to vector<16xi32>
      %add3A_330 = arith.addi %min3A_316, %add3A_329 : vector<16xi32>
      %mul3A_331 = arith.constant 16 : i32
      %mul3A_332 = vector.broadcast %mul3A_331 : i32 to vector<16xi32>
      %mul3A_333 = arith.muli %add3A_330, %mul3A_332 : vector<16xi32>
      %add3A_334 = arith.addi %mul3A_333, %iota3A : vector<16xi32>
      tpu.vector_store_idx %arg5[%add3A_334], %abs3A_310 {add = true} : memref<768xf32, #tpu.memory_space<vmem>>[vector<16xi32>], vector<16xf32>,
      %add3A_335 = arith.constant 128 : i32
      %add3A_336 = arith.addi %mul3A_109, %add3A_335 : i32
      %get3A_337 = arith.index_cast %add3A_336 : i32 to index
      %get3A_338 = tpu.vector_load %arg4[%get3A_337] {strides = array<i32>} : memref<16384xf32, #tpu.memory_space<vmem>>, vector<16xf32>,
      %abs3A_339 = math.absf %get3A_338 : vector<16xf32>
      %div3A_340 = vector.broadcast %scan3A_101 : f32 to vector<16xf32>
      %div3A_341 = arith.divf %abs3A_339, %div3A_340 : vector<16xf32>
      %convert_element_type3A_342 = arith.fptosi %div3A_341 : vector<16xf32> to vector<16xi32>
      %min3A_343 = arith.constant 14 : i32
      %min3A_344 = vector.broadcast %min3A_343 : i32 to vector<16xi32>
      %min3A_345 = arith.minsi %convert_element_type3A_342, %min3A_344 : vector<16xi32>
      %lt3A_346 = arith.constant 0.000000e+00 : f32
      %lt3A_347 = vector.broadcast %lt3A_346 : f32 to vector<16xf32>
      %lt3A_348 = arith.cmpf olt, %get3A_338, %lt3A_347 : vector<16xf32>
      %add3A_349 = arith.constant 15 : i32
      %add3A_350 = vector.broadcast %add3A_349 : i32 to vector<16xi32>
      %add3A_351 = arith.addi %min3A_345, %add3A_350 : vector<16xi32>
      %select_n3A_352 = arith.select %lt3A_348, %add3A_351, %min3A_345 : vector<16xi1>, vector<16xi32>
      %mul3A_353 = arith.constant 16 : i32
      %mul3A_354 = vector.broadcast %mul3A_353 : i32 to vector<16xi32>
      %mul3A_355 = arith.muli %select_n3A_352, %mul3A_354 : vector<16xi32>
      %add3A_356 = arith.addi %mul3A_355, %iota3A : vector<16xi32>
      tpu.vector_store_idx %arg5[%add3A_356], %broadcast_in_dim3A_100 {add = true} : memref<768xf32, #tpu.memory_space<vmem>>[vector<16xi32>], vector<16xf32>,
      %add3A_357 = arith.constant 30 : i32
      %add3A_358 = vector.broadcast %add3A_357 : i32 to vector<16xi32>
      %add3A_359 = arith.addi %min3A_345, %add3A_358 : vector<16xi32>
      %mul3A_360 = arith.constant 16 : i32
      %mul3A_361 = vector.broadcast %mul3A_360 : i32 to vector<16xi32>
      %mul3A_362 = arith.muli %add3A_359, %mul3A_361 : vector<16xi32>
      %add3A_363 = arith.addi %mul3A_362, %iota3A : vector<16xi32>
      tpu.vector_store_idx %arg5[%add3A_363], %abs3A_339 {add = true} : memref<768xf32, #tpu.memory_space<vmem>>[vector<16xi32>], vector<16xf32>,
      %add3A_364 = arith.constant 144 : i32
      %add3A_365 = arith.addi %mul3A_109, %add3A_364 : i32
      %get3A_366 = arith.index_cast %add3A_365 : i32 to index
      %get3A_367 = tpu.vector_load %arg4[%get3A_366] {strides = array<i32>} : memref<16384xf32, #tpu.memory_space<vmem>>, vector<16xf32>,
      %abs3A_368 = math.absf %get3A_367 : vector<16xf32>
      %div3A_369 = vector.broadcast %scan3A_101 : f32 to vector<16xf32>
      %div3A_370 = arith.divf %abs3A_368, %div3A_369 : vector<16xf32>
      %convert_element_type3A_371 = arith.fptosi %div3A_370 : vector<16xf32> to vector<16xi32>
      %min3A_372 = arith.constant 14 : i32
      %min3A_373 = vector.broadcast %min3A_372 : i32 to vector<16xi32>
      %min3A_374 = arith.minsi %convert_element_type3A_371, %min3A_373 : vector<16xi32>
      %lt3A_375 = arith.constant 0.000000e+00 : f32
      %lt3A_376 = vector.broadcast %lt3A_375 : f32 to vector<16xf32>
      %lt3A_377 = arith.cmpf olt, %get3A_367, %lt3A_376 : vector<16xf32>
      %add3A_378 = arith.constant 15 : i32
      %add3A_379 = vector.broadcast %add3A_378 : i32 to vector<16xi32>
      %add3A_380 = arith.addi %min3A_374, %add3A_379 : vector<16xi32>
      %select_n3A_381 = arith.select %lt3A_377, %add3A_380, %min3A_374 : vector<16xi1>, vector<16xi32>
      %mul3A_382 = arith.constant 16 : i32
      %mul3A_383 = vector.broadcast %mul3A_382 : i32 to vector<16xi32>
      %mul3A_384 = arith.muli %select_n3A_381, %mul3A_383 : vector<16xi32>
      %add3A_385 = arith.addi %mul3A_384, %iota3A : vector<16xi32>
      tpu.vector_store_idx %arg5[%add3A_385], %broadcast_in_dim3A_100 {add = true} : memref<768xf32, #tpu.memory_space<vmem>>[vector<16xi32>], vector<16xf32>,
      %add3A_386 = arith.constant 30 : i32
      %add3A_387 = vector.broadcast %add3A_386 : i32 to vector<16xi32>
      %add3A_388 = arith.addi %min3A_374, %add3A_387 : vector<16xi32>
      %mul3A_389 = arith.constant 16 : i32
      %mul3A_390 = vector.broadcast %mul3A_389 : i32 to vector<16xi32>
      %mul3A_391 = arith.muli %add3A_388, %mul3A_390 : vector<16xi32>
      %add3A_392 = arith.addi %mul3A_391, %iota3A : vector<16xi32>
      tpu.vector_store_idx %arg5[%add3A_392], %abs3A_368 {add = true} : memref<768xf32, #tpu.memory_space<vmem>>[vector<16xi32>], vector<16xf32>,
      %add3A_393 = arith.constant 160 : i32
      %add3A_394 = arith.addi %mul3A_109, %add3A_393 : i32
      %get3A_395 = arith.index_cast %add3A_394 : i32 to index
      %get3A_396 = tpu.vector_load %arg4[%get3A_395] {strides = array<i32>} : memref<16384xf32, #tpu.memory_space<vmem>>, vector<16xf32>,
      %abs3A_397 = math.absf %get3A_396 : vector<16xf32>
      %div3A_398 = vector.broadcast %scan3A_101 : f32 to vector<16xf32>
      %div3A_399 = arith.divf %abs3A_397, %div3A_398 : vector<16xf32>
      %convert_element_type3A_400 = arith.fptosi %div3A_399 : vector<16xf32> to vector<16xi32>
      %min3A_401 = arith.constant 14 : i32
      %min3A_402 = vector.broadcast %min3A_401 : i32 to vector<16xi32>
      %min3A_403 = arith.minsi %convert_element_type3A_400, %min3A_402 : vector<16xi32>
      %lt3A_404 = arith.constant 0.000000e+00 : f32
      %lt3A_405 = vector.broadcast %lt3A_404 : f32 to vector<16xf32>
      %lt3A_406 = arith.cmpf olt, %get3A_396, %lt3A_405 : vector<16xf32>
      %add3A_407 = arith.constant 15 : i32
      %add3A_408 = vector.broadcast %add3A_407 : i32 to vector<16xi32>
      %add3A_409 = arith.addi %min3A_403, %add3A_408 : vector<16xi32>
      %select_n3A_410 = arith.select %lt3A_406, %add3A_409, %min3A_403 : vector<16xi1>, vector<16xi32>
      %mul3A_411 = arith.constant 16 : i32
      %mul3A_412 = vector.broadcast %mul3A_411 : i32 to vector<16xi32>
      %mul3A_413 = arith.muli %select_n3A_410, %mul3A_412 : vector<16xi32>
      %add3A_414 = arith.addi %mul3A_413, %iota3A : vector<16xi32>
      tpu.vector_store_idx %arg5[%add3A_414], %broadcast_in_dim3A_100 {add = true} : memref<768xf32, #tpu.memory_space<vmem>>[vector<16xi32>], vector<16xf32>,
      %add3A_415 = arith.constant 30 : i32
      %add3A_416 = vector.broadcast %add3A_415 : i32 to vector<16xi32>
      %add3A_417 = arith.addi %min3A_403, %add3A_416 : vector<16xi32>
      %mul3A_418 = arith.constant 16 : i32
      %mul3A_419 = vector.broadcast %mul3A_418 : i32 to vector<16xi32>
      %mul3A_420 = arith.muli %add3A_417, %mul3A_419 : vector<16xi32>
      %add3A_421 = arith.addi %mul3A_420, %iota3A : vector<16xi32>
      tpu.vector_store_idx %arg5[%add3A_421], %abs3A_397 {add = true} : memref<768xf32, #tpu.memory_space<vmem>>[vector<16xi32>], vector<16xf32>,
      %add3A_422 = arith.constant 176 : i32
      %add3A_423 = arith.addi %mul3A_109, %add3A_422 : i32
      %get3A_424 = arith.index_cast %add3A_423 : i32 to index
      %get3A_425 = tpu.vector_load %arg4[%get3A_424] {strides = array<i32>} : memref<16384xf32, #tpu.memory_space<vmem>>, vector<16xf32>,
      %abs3A_426 = math.absf %get3A_425 : vector<16xf32>
      %div3A_427 = vector.broadcast %scan3A_101 : f32 to vector<16xf32>
      %div3A_428 = arith.divf %abs3A_426, %div3A_427 : vector<16xf32>
      %convert_element_type3A_429 = arith.fptosi %div3A_428 : vector<16xf32> to vector<16xi32>
      %min3A_430 = arith.constant 14 : i32
      %min3A_431 = vector.broadcast %min3A_430 : i32 to vector<16xi32>
      %min3A_432 = arith.minsi %convert_element_type3A_429, %min3A_431 : vector<16xi32>
      %lt3A_433 = arith.constant 0.000000e+00 : f32
      %lt3A_434 = vector.broadcast %lt3A_433 : f32 to vector<16xf32>
      %lt3A_435 = arith.cmpf olt, %get3A_425, %lt3A_434 : vector<16xf32>
      %add3A_436 = arith.constant 15 : i32
      %add3A_437 = vector.broadcast %add3A_436 : i32 to vector<16xi32>
      %add3A_438 = arith.addi %min3A_432, %add3A_437 : vector<16xi32>
      %select_n3A_439 = arith.select %lt3A_435, %add3A_438, %min3A_432 : vector<16xi1>, vector<16xi32>
      %mul3A_440 = arith.constant 16 : i32
      %mul3A_441 = vector.broadcast %mul3A_440 : i32 to vector<16xi32>
      %mul3A_442 = arith.muli %select_n3A_439, %mul3A_441 : vector<16xi32>
      %add3A_443 = arith.addi %mul3A_442, %iota3A : vector<16xi32>
      tpu.vector_store_idx %arg5[%add3A_443], %broadcast_in_dim3A_100 {add = true} : memref<768xf32, #tpu.memory_space<vmem>>[vector<16xi32>], vector<16xf32>,
      %add3A_444 = arith.constant 30 : i32
      %add3A_445 = vector.broadcast %add3A_444 : i32 to vector<16xi32>
      %add3A_446 = arith.addi %min3A_432, %add3A_445 : vector<16xi32>
      %mul3A_447 = arith.constant 16 : i32
      %mul3A_448 = vector.broadcast %mul3A_447 : i32 to vector<16xi32>
      %mul3A_449 = arith.muli %add3A_446, %mul3A_448 : vector<16xi32>
      %add3A_450 = arith.addi %mul3A_449, %iota3A : vector<16xi32>
      tpu.vector_store_idx %arg5[%add3A_450], %abs3A_426 {add = true} : memref<768xf32, #tpu.memory_space<vmem>>[vector<16xi32>], vector<16xf32>,
      %add3A_451 = arith.constant 192 : i32
      %add3A_452 = arith.addi %mul3A_109, %add3A_451 : i32
      %get3A_453 = arith.index_cast %add3A_452 : i32 to index
      %get3A_454 = tpu.vector_load %arg4[%get3A_453] {strides = array<i32>} : memref<16384xf32, #tpu.memory_space<vmem>>, vector<16xf32>,
      %abs3A_455 = math.absf %get3A_454 : vector<16xf32>
      %div3A_456 = vector.broadcast %scan3A_101 : f32 to vector<16xf32>
      %div3A_457 = arith.divf %abs3A_455, %div3A_456 : vector<16xf32>
      %convert_element_type3A_458 = arith.fptosi %div3A_457 : vector<16xf32> to vector<16xi32>
      %min3A_459 = arith.constant 14 : i32
      %min3A_460 = vector.broadcast %min3A_459 : i32 to vector<16xi32>
      %min3A_461 = arith.minsi %convert_element_type3A_458, %min3A_460 : vector<16xi32>
      %lt3A_462 = arith.constant 0.000000e+00 : f32
      %lt3A_463 = vector.broadcast %lt3A_462 : f32 to vector<16xf32>
      %lt3A_464 = arith.cmpf olt, %get3A_454, %lt3A_463 : vector<16xf32>
      %add3A_465 = arith.constant 15 : i32
      %add3A_466 = vector.broadcast %add3A_465 : i32 to vector<16xi32>
      %add3A_467 = arith.addi %min3A_461, %add3A_466 : vector<16xi32>
      %select_n3A_468 = arith.select %lt3A_464, %add3A_467, %min3A_461 : vector<16xi1>, vector<16xi32>
      %mul3A_469 = arith.constant 16 : i32
      %mul3A_470 = vector.broadcast %mul3A_469 : i32 to vector<16xi32>
      %mul3A_471 = arith.muli %select_n3A_468, %mul3A_470 : vector<16xi32>
      %add3A_472 = arith.addi %mul3A_471, %iota3A : vector<16xi32>
      tpu.vector_store_idx %arg5[%add3A_472], %broadcast_in_dim3A_100 {add = true} : memref<768xf32, #tpu.memory_space<vmem>>[vector<16xi32>], vector<16xf32>,
      %add3A_473 = arith.constant 30 : i32
      %add3A_474 = vector.broadcast %add3A_473 : i32 to vector<16xi32>
      %add3A_475 = arith.addi %min3A_461, %add3A_474 : vector<16xi32>
      %mul3A_476 = arith.constant 16 : i32
      %mul3A_477 = vector.broadcast %mul3A_476 : i32 to vector<16xi32>
      %mul3A_478 = arith.muli %add3A_475, %mul3A_477 : vector<16xi32>
      %add3A_479 = arith.addi %mul3A_478, %iota3A : vector<16xi32>
      tpu.vector_store_idx %arg5[%add3A_479], %abs3A_455 {add = true} : memref<768xf32, #tpu.memory_space<vmem>>[vector<16xi32>], vector<16xf32>,
      %add3A_480 = arith.constant 208 : i32
      %add3A_481 = arith.addi %mul3A_109, %add3A_480 : i32
      %get3A_482 = arith.index_cast %add3A_481 : i32 to index
      %get3A_483 = tpu.vector_load %arg4[%get3A_482] {strides = array<i32>} : memref<16384xf32, #tpu.memory_space<vmem>>, vector<16xf32>,
      %abs3A_484 = math.absf %get3A_483 : vector<16xf32>
      %div3A_485 = vector.broadcast %scan3A_101 : f32 to vector<16xf32>
      %div3A_486 = arith.divf %abs3A_484, %div3A_485 : vector<16xf32>
      %convert_element_type3A_487 = arith.fptosi %div3A_486 : vector<16xf32> to vector<16xi32>
      %min3A_488 = arith.constant 14 : i32
      %min3A_489 = vector.broadcast %min3A_488 : i32 to vector<16xi32>
      %min3A_490 = arith.minsi %convert_element_type3A_487, %min3A_489 : vector<16xi32>
      %lt3A_491 = arith.constant 0.000000e+00 : f32
      %lt3A_492 = vector.broadcast %lt3A_491 : f32 to vector<16xf32>
      %lt3A_493 = arith.cmpf olt, %get3A_483, %lt3A_492 : vector<16xf32>
      %add3A_494 = arith.constant 15 : i32
      %add3A_495 = vector.broadcast %add3A_494 : i32 to vector<16xi32>
      %add3A_496 = arith.addi %min3A_490, %add3A_495 : vector<16xi32>
      %select_n3A_497 = arith.select %lt3A_493, %add3A_496, %min3A_490 : vector<16xi1>, vector<16xi32>
      %mul3A_498 = arith.constant 16 : i32
      %mul3A_499 = vector.broadcast %mul3A_498 : i32 to vector<16xi32>
      %mul3A_500 = arith.muli %select_n3A_497, %mul3A_499 : vector<16xi32>
      %add3A_501 = arith.addi %mul3A_500, %iota3A : vector<16xi32>
      tpu.vector_store_idx %arg5[%add3A_501], %broadcast_in_dim3A_100 {add = true} : memref<768xf32, #tpu.memory_space<vmem>>[vector<16xi32>], vector<16xf32>,
      %add3A_502 = arith.constant 30 : i32
      %add3A_503 = vector.broadcast %add3A_502 : i32 to vector<16xi32>
      %add3A_504 = arith.addi %min3A_490, %add3A_503 : vector<16xi32>
      %mul3A_505 = arith.constant 16 : i32
      %mul3A_506 = vector.broadcast %mul3A_505 : i32 to vector<16xi32>
      %mul3A_507 = arith.muli %add3A_504, %mul3A_506 : vector<16xi32>
      %add3A_508 = arith.addi %mul3A_507, %iota3A : vector<16xi32>
      tpu.vector_store_idx %arg5[%add3A_508], %abs3A_484 {add = true} : memref<768xf32, #tpu.memory_space<vmem>>[vector<16xi32>], vector<16xf32>,
      %add3A_509 = arith.constant 224 : i32
      %add3A_510 = arith.addi %mul3A_109, %add3A_509 : i32
      %get3A_511 = arith.index_cast %add3A_510 : i32 to index
      %get3A_512 = tpu.vector_load %arg4[%get3A_511] {strides = array<i32>} : memref<16384xf32, #tpu.memory_space<vmem>>, vector<16xf32>,
      %abs3A_513 = math.absf %get3A_512 : vector<16xf32>
      %div3A_514 = vector.broadcast %scan3A_101 : f32 to vector<16xf32>
      %div3A_515 = arith.divf %abs3A_513, %div3A_514 : vector<16xf32>
      %convert_element_type3A_516 = arith.fptosi %div3A_515 : vector<16xf32> to vector<16xi32>
      %min3A_517 = arith.constant 14 : i32
      %min3A_518 = vector.broadcast %min3A_517 : i32 to vector<16xi32>
      %min3A_519 = arith.minsi %convert_element_type3A_516, %min3A_518 : vector<16xi32>
      %lt3A_520 = arith.constant 0.000000e+00 : f32
      %lt3A_521 = vector.broadcast %lt3A_520 : f32 to vector<16xf32>
      %lt3A_522 = arith.cmpf olt, %get3A_512, %lt3A_521 : vector<16xf32>
      %add3A_523 = arith.constant 15 : i32
      %add3A_524 = vector.broadcast %add3A_523 : i32 to vector<16xi32>
      %add3A_525 = arith.addi %min3A_519, %add3A_524 : vector<16xi32>
      %select_n3A_526 = arith.select %lt3A_522, %add3A_525, %min3A_519 : vector<16xi1>, vector<16xi32>
      %mul3A_527 = arith.constant 16 : i32
      %mul3A_528 = vector.broadcast %mul3A_527 : i32 to vector<16xi32>
      %mul3A_529 = arith.muli %select_n3A_526, %mul3A_528 : vector<16xi32>
      %add3A_530 = arith.addi %mul3A_529, %iota3A : vector<16xi32>
      tpu.vector_store_idx %arg5[%add3A_530], %broadcast_in_dim3A_100 {add = true} : memref<768xf32, #tpu.memory_space<vmem>>[vector<16xi32>], vector<16xf32>,
      %add3A_531 = arith.constant 30 : i32
      %add3A_532 = vector.broadcast %add3A_531 : i32 to vector<16xi32>
      %add3A_533 = arith.addi %min3A_519, %add3A_532 : vector<16xi32>
      %mul3A_534 = arith.constant 16 : i32
      %mul3A_535 = vector.broadcast %mul3A_534 : i32 to vector<16xi32>
      %mul3A_536 = arith.muli %add3A_533, %mul3A_535 : vector<16xi32>
      %add3A_537 = arith.addi %mul3A_536, %iota3A : vector<16xi32>
      tpu.vector_store_idx %arg5[%add3A_537], %abs3A_513 {add = true} : memref<768xf32, #tpu.memory_space<vmem>>[vector<16xi32>], vector<16xf32>,
      %add3A_538 = arith.constant 240 : i32
      %add3A_539 = arith.addi %mul3A_109, %add3A_538 : i32
      %get3A_540 = arith.index_cast %add3A_539 : i32 to index
      %get3A_541 = tpu.vector_load %arg4[%get3A_540] {strides = array<i32>} : memref<16384xf32, #tpu.memory_space<vmem>>, vector<16xf32>,
      %abs3A_542 = math.absf %get3A_541 : vector<16xf32>
      %div3A_543 = vector.broadcast %scan3A_101 : f32 to vector<16xf32>
      %div3A_544 = arith.divf %abs3A_542, %div3A_543 : vector<16xf32>
      %convert_element_type3A_545 = arith.fptosi %div3A_544 : vector<16xf32> to vector<16xi32>
      %min3A_546 = arith.constant 14 : i32
      %min3A_547 = vector.broadcast %min3A_546 : i32 to vector<16xi32>
      %min3A_548 = arith.minsi %convert_element_type3A_545, %min3A_547 : vector<16xi32>
      %lt3A_549 = arith.constant 0.000000e+00 : f32
      %lt3A_550 = vector.broadcast %lt3A_549 : f32 to vector<16xf32>
      %lt3A_551 = arith.cmpf olt, %get3A_541, %lt3A_550 : vector<16xf32>
      %add3A_552 = arith.constant 15 : i32
      %add3A_553 = vector.broadcast %add3A_552 : i32 to vector<16xi32>
      %add3A_554 = arith.addi %min3A_548, %add3A_553 : vector<16xi32>
      %select_n3A_555 = arith.select %lt3A_551, %add3A_554, %min3A_548 : vector<16xi1>, vector<16xi32>
      %mul3A_556 = arith.constant 16 : i32
      %mul3A_557 = vector.broadcast %mul3A_556 : i32 to vector<16xi32>
      %mul3A_558 = arith.muli %select_n3A_555, %mul3A_557 : vector<16xi32>
      %add3A_559 = arith.addi %mul3A_558, %iota3A : vector<16xi32>
      tpu.vector_store_idx %arg5[%add3A_559], %broadcast_in_dim3A_100 {add = true} : memref<768xf32, #tpu.memory_space<vmem>>[vector<16xi32>], vector<16xf32>,
      %add3A_560 = arith.constant 30 : i32
      %add3A_561 = vector.broadcast %add3A_560 : i32 to vector<16xi32>
      %add3A_562 = arith.addi %min3A_548, %add3A_561 : vector<16xi32>
      %mul3A_563 = arith.constant 16 : i32
      %mul3A_564 = vector.broadcast %mul3A_563 : i32 to vector<16xi32>
      %mul3A_565 = arith.muli %add3A_562, %mul3A_564 : vector<16xi32>
      %add3A_566 = arith.addi %mul3A_565, %iota3A : vector<16xi32>
      tpu.vector_store_idx %arg5[%add3A_566], %abs3A_542 {add = true} : memref<768xf32, #tpu.memory_space<vmem>>[vector<16xi32>], vector<16xf32>,
    }
    %scan3A_106 = arith.constant 64 : i32
    "tpu.region"() ({
      %run_scoped3A = tpu.sem_alloc : memref<!tpu.dma_semaphore, #tpu.memory_space<semaphore_mem>>
      %dma_start3A = arith.constant 0 : i32
      %dma_start3A_107 = tpu.memref_slice %arg3[%add3A, %dma_start3A] : memref<32x768xf32, #tpu.memory_space<hbm>> -> memref<1x768xf32, #tpu.memory_space<hbm>>
      %dma_start3A_108 = tpu.memref_squeeze %dma_start3A_107 : memref<1x768xf32, #tpu.memory_space<hbm>> -> memref<768xf32, #tpu.memory_space<hbm>>
      %dma_start3A_109 = arith.constant 0 : i32
      %dma_start3A_110 = tpu.memref_slice %arg3[%add3A, %dma_start3A_109] : memref<32x768xf32, #tpu.memory_space<hbm>> -> memref<1x768xf32, #tpu.memory_space<hbm>>
      %dma_start3A_111 = tpu.memref_squeeze %dma_start3A_110 : memref<1x768xf32, #tpu.memory_space<hbm>> -> memref<768xf32, #tpu.memory_space<hbm>>
      tpu.enqueue_dma source(%arg5 : memref<768xf32, #tpu.memory_space<vmem>>) target(%dma_start3A_111 : memref<768xf32, #tpu.memory_space<hbm>>) target_semaphore(%run_scoped3A : memref<!tpu.dma_semaphore, #tpu.memory_space<semaphore_mem>>)
      %dma_wait3A = arith.constant 0 : i32
      %dma_wait3A_112 = tpu.memref_slice %arg3[%add3A, %dma_wait3A] : memref<32x768xf32, #tpu.memory_space<hbm>> -> memref<1x768xf32, #tpu.memory_space<hbm>>
      %dma_wait3A_113 = tpu.memref_squeeze %dma_wait3A_112 : memref<1x768xf32, #tpu.memory_space<hbm>> -> memref<768xf32, #tpu.memory_space<hbm>>
      %dma_wait3A_114 = arith.constant 0 : i32
      %dma_wait3A_115 = tpu.memref_slice %arg3[%add3A, %dma_wait3A_114] : memref<32x768xf32, #tpu.memory_space<hbm>> -> memref<1x768xf32, #tpu.memory_space<hbm>>
      %dma_wait3A_116 = tpu.memref_squeeze %dma_wait3A_115 : memref<1x768xf32, #tpu.memory_space<hbm>> -> memref<768xf32, #tpu.memory_space<hbm>>
      tpu.wait_dma2 semaphore(%run_scoped3A : memref<!tpu.dma_semaphore, #tpu.memory_space<semaphore_mem>>) src(%arg5 : memref<768xf32, #tpu.memory_space<vmem>>) dst(%dma_wait3A_116 : memref<768xf32, #tpu.memory_space<hbm>>)
      tpu.yield
    }) : () -> ()
    return
  }
}

#map = affine_map<(d0, d1) -> (0)>
#map1 = affine_map<(d0, d1) -> (0, 0)>
module attributes {stable_mosaic.version = 14 : i64} {
  func.func @_sc_bin_body(%arg0: i32, %arg1: i32, %arg2: memref<524288xf32, #tpu.memory_space<hbm>>, %arg3: memref<32x768xf32, #tpu.memory_space<hbm>>, %arg4: memref<16384xf32, #tpu.memory_space<vmem>>, %arg5: memref<768xf32, #tpu.memory_space<vmem>>) attributes {dimension_semantics = [#tpu.dimension_semantics<core_parallel>, #tpu.dimension_semantics<subcore_parallel>], iteration_bounds = array<i64: 2, 16>, scalar_prefetch = 0 : i64, scratch_operands = 2 : i64, tpu.core_type = #tpu.core_type<sc_vector_subcore>, window_params = [{transform_indices = #map}, {transform_indices = #map1}]} {
    %mul3A = arith.constant 2 : i32
    %mul3A_0 = arith.muli %arg1, %mul3A : i32
    %add3A = arith.addi %mul3A_0, %arg0 : i32
    %mul3A_1 = arith.constant 16384 : i32
    %mul3A_2 = arith.muli %add3A, %mul3A_1 : i32
    "tpu.region"() ({
      %run_scoped3A = tpu.sem_alloc : memref<!tpu.dma_semaphore, #tpu.memory_space<semaphore_mem>>
      %dma_start3A = tpu.memref_slice %arg2[%mul3A_2] : memref<524288xf32, #tpu.memory_space<hbm>> -> memref<16384xf32, #tpu.memory_space<hbm>>
      %dma_start3A_107 = tpu.memref_slice %arg2[%mul3A_2] : memref<524288xf32, #tpu.memory_space<hbm>> -> memref<16384xf32, #tpu.memory_space<hbm>>
      tpu.enqueue_dma source(%dma_start3A_107 : memref<16384xf32, #tpu.memory_space<hbm>>) target(%arg4 : memref<16384xf32, #tpu.memory_space<vmem>>) target_semaphore(%run_scoped3A : memref<!tpu.dma_semaphore, #tpu.memory_space<semaphore_mem>>)
      %dma_wait3A = tpu.memref_slice %arg2[%mul3A_2] : memref<524288xf32, #tpu.memory_space<hbm>> -> memref<16384xf32, #tpu.memory_space<hbm>>
      %dma_wait3A_108 = tpu.memref_slice %arg2[%mul3A_2] : memref<524288xf32, #tpu.memory_space<hbm>> -> memref<16384xf32, #tpu.memory_space<hbm>>
      tpu.wait_dma2 semaphore(%run_scoped3A : memref<!tpu.dma_semaphore, #tpu.memory_space<semaphore_mem>>) src(%dma_wait3A_108 : memref<16384xf32, #tpu.memory_space<hbm>>) dst(%arg4 : memref<16384xf32, #tpu.memory_space<vmem>>)
      tpu.yield
    }) : () -> ()
    %broadcast_in_dim3A = arith.constant 0.000000e+00 : f32
    %broadcast_in_dim3A_3 = vector.broadcast %broadcast_in_dim3A : f32 to vector<16xf32>
    %swap3A = arith.constant 0 : index
    %swap3A_4 = tpu.vector_load %arg5[%swap3A] {strides = array<i32>} : memref<768xf32, #tpu.memory_space<vmem>>, vector<16xf32>,
    tpu.vector_store %arg5[%swap3A], %broadcast_in_dim3A_3 {strides = array<i32>} : memref<768xf32, #tpu.memory_space<vmem>>, vector<16xf32>,
    %swap3A_5 = arith.constant 16 : index
    %swap3A_6 = tpu.vector_load %arg5[%swap3A_5] {strides = array<i32>} : memref<768xf32, #tpu.memory_space<vmem>>, vector<16xf32>,
    tpu.vector_store %arg5[%swap3A_5], %broadcast_in_dim3A_3 {strides = array<i32>} : memref<768xf32, #tpu.memory_space<vmem>>, vector<16xf32>,
    %swap3A_7 = arith.constant 32 : index
    %swap3A_8 = tpu.vector_load %arg5[%swap3A_7] {strides = array<i32>} : memref<768xf32, #tpu.memory_space<vmem>>, vector<16xf32>,
    tpu.vector_store %arg5[%swap3A_7], %broadcast_in_dim3A_3 {strides = array<i32>} : memref<768xf32, #tpu.memory_space<vmem>>, vector<16xf32>,
    %swap3A_9 = arith.constant 48 : index
    %swap3A_10 = tpu.vector_load %arg5[%swap3A_9] {strides = array<i32>} : memref<768xf32, #tpu.memory_space<vmem>>, vector<16xf32>,
    tpu.vector_store %arg5[%swap3A_9], %broadcast_in_dim3A_3 {strides = array<i32>} : memref<768xf32, #tpu.memory_space<vmem>>, vector<16xf32>,
    %swap3A_11 = arith.constant 64 : index
    %swap3A_12 = tpu.vector_load %arg5[%swap3A_11] {strides = array<i32>} : memref<768xf32, #tpu.memory_space<vmem>>, vector<16xf32>,
    tpu.vector_store %arg5[%swap3A_11], %broadcast_in_dim3A_3 {strides = array<i32>} : memref<768xf32, #tpu.memory_space<vmem>>, vector<16xf32>,
    %swap3A_13 = arith.constant 80 : index
    %swap3A_14 = tpu.vector_load %arg5[%swap3A_13] {strides = array<i32>} : memref<768xf32, #tpu.memory_space<vmem>>, vector<16xf32>,
    tpu.vector_store %arg5[%swap3A_13], %broadcast_in_dim3A_3 {strides = array<i32>} : memref<768xf32, #tpu.memory_space<vmem>>, vector<16xf32>,
    %swap3A_15 = arith.constant 96 : index
    %swap3A_16 = tpu.vector_load %arg5[%swap3A_15] {strides = array<i32>} : memref<768xf32, #tpu.memory_space<vmem>>, vector<16xf32>,
    tpu.vector_store %arg5[%swap3A_15], %broadcast_in_dim3A_3 {strides = array<i32>} : memref<768xf32, #tpu.memory_space<vmem>>, vector<16xf32>,
    %swap3A_17 = arith.constant 112 : index
    %swap3A_18 = tpu.vector_load %arg5[%swap3A_17] {strides = array<i32>} : memref<768xf32, #tpu.memory_space<vmem>>, vector<16xf32>,
    tpu.vector_store %arg5[%swap3A_17], %broadcast_in_dim3A_3 {strides = array<i32>} : memref<768xf32, #tpu.memory_space<vmem>>, vector<16xf32>,
    %swap3A_19 = arith.constant 128 : index
    %swap3A_20 = tpu.vector_load %arg5[%swap3A_19] {strides = array<i32>} : memref<768xf32, #tpu.memory_space<vmem>>, vector<16xf32>,
    tpu.vector_store %arg5[%swap3A_19], %broadcast_in_dim3A_3 {strides = array<i32>} : memref<768xf32, #tpu.memory_space<vmem>>, vector<16xf32>,
    %swap3A_21 = arith.constant 144 : index
    %swap3A_22 = tpu.vector_load %arg5[%swap3A_21] {strides = array<i32>} : memref<768xf32, #tpu.memory_space<vmem>>, vector<16xf32>,
    tpu.vector_store %arg5[%swap3A_21], %broadcast_in_dim3A_3 {strides = array<i32>} : memref<768xf32, #tpu.memory_space<vmem>>, vector<16xf32>,
    %swap3A_23 = arith.constant 160 : index
    %swap3A_24 = tpu.vector_load %arg5[%swap3A_23] {strides = array<i32>} : memref<768xf32, #tpu.memory_space<vmem>>, vector<16xf32>,
    tpu.vector_store %arg5[%swap3A_23], %broadcast_in_dim3A_3 {strides = array<i32>} : memref<768xf32, #tpu.memory_space<vmem>>, vector<16xf32>,
    %swap3A_25 = arith.constant 176 : index
    %swap3A_26 = tpu.vector_load %arg5[%swap3A_25] {strides = array<i32>} : memref<768xf32, #tpu.memory_space<vmem>>, vector<16xf32>,
    tpu.vector_store %arg5[%swap3A_25], %broadcast_in_dim3A_3 {strides = array<i32>} : memref<768xf32, #tpu.memory_space<vmem>>, vector<16xf32>,
    %swap3A_27 = arith.constant 192 : index
    %swap3A_28 = tpu.vector_load %arg5[%swap3A_27] {strides = array<i32>} : memref<768xf32, #tpu.memory_space<vmem>>, vector<16xf32>,
    tpu.vector_store %arg5[%swap3A_27], %broadcast_in_dim3A_3 {strides = array<i32>} : memref<768xf32, #tpu.memory_space<vmem>>, vector<16xf32>,
    %swap3A_29 = arith.constant 208 : index
    %swap3A_30 = tpu.vector_load %arg5[%swap3A_29] {strides = array<i32>} : memref<768xf32, #tpu.memory_space<vmem>>, vector<16xf32>,
    tpu.vector_store %arg5[%swap3A_29], %broadcast_in_dim3A_3 {strides = array<i32>} : memref<768xf32, #tpu.memory_space<vmem>>, vector<16xf32>,
    %swap3A_31 = arith.constant 224 : index
    %swap3A_32 = tpu.vector_load %arg5[%swap3A_31] {strides = array<i32>} : memref<768xf32, #tpu.memory_space<vmem>>, vector<16xf32>,
    tpu.vector_store %arg5[%swap3A_31], %broadcast_in_dim3A_3 {strides = array<i32>} : memref<768xf32, #tpu.memory_space<vmem>>, vector<16xf32>,
    %swap3A_33 = arith.constant 240 : index
    %swap3A_34 = tpu.vector_load %arg5[%swap3A_33] {strides = array<i32>} : memref<768xf32, #tpu.memory_space<vmem>>, vector<16xf32>,
    tpu.vector_store %arg5[%swap3A_33], %broadcast_in_dim3A_3 {strides = array<i32>} : memref<768xf32, #tpu.memory_space<vmem>>, vector<16xf32>,
    %swap3A_35 = arith.constant 256 : index
    %swap3A_36 = tpu.vector_load %arg5[%swap3A_35] {strides = array<i32>} : memref<768xf32, #tpu.memory_space<vmem>>, vector<16xf32>,
    tpu.vector_store %arg5[%swap3A_35], %broadcast_in_dim3A_3 {strides = array<i32>} : memref<768xf32, #tpu.memory_space<vmem>>, vector<16xf32>,
    %swap3A_37 = arith.constant 272 : index
    %swap3A_38 = tpu.vector_load %arg5[%swap3A_37] {strides = array<i32>} : memref<768xf32, #tpu.memory_space<vmem>>, vector<16xf32>,
    tpu.vector_store %arg5[%swap3A_37], %broadcast_in_dim3A_3 {strides = array<i32>} : memref<768xf32, #tpu.memory_space<vmem>>, vector<16xf32>,
    %swap3A_39 = arith.constant 288 : index
    %swap3A_40 = tpu.vector_load %arg5[%swap3A_39] {strides = array<i32>} : memref<768xf32, #tpu.memory_space<vmem>>, vector<16xf32>,
    tpu.vector_store %arg5[%swap3A_39], %broadcast_in_dim3A_3 {strides = array<i32>} : memref<768xf32, #tpu.memory_space<vmem>>, vector<16xf32>,
    %swap3A_41 = arith.constant 304 : index
    %swap3A_42 = tpu.vector_load %arg5[%swap3A_41] {strides = array<i32>} : memref<768xf32, #tpu.memory_space<vmem>>, vector<16xf32>,
    tpu.vector_store %arg5[%swap3A_41], %broadcast_in_dim3A_3 {strides = array<i32>} : memref<768xf32, #tpu.memory_space<vmem>>, vector<16xf32>,
    %swap3A_43 = arith.constant 320 : index
    %swap3A_44 = tpu.vector_load %arg5[%swap3A_43] {strides = array<i32>} : memref<768xf32, #tpu.memory_space<vmem>>, vector<16xf32>,
    tpu.vector_store %arg5[%swap3A_43], %broadcast_in_dim3A_3 {strides = array<i32>} : memref<768xf32, #tpu.memory_space<vmem>>, vector<16xf32>,
    %swap3A_45 = arith.constant 336 : index
    %swap3A_46 = tpu.vector_load %arg5[%swap3A_45] {strides = array<i32>} : memref<768xf32, #tpu.memory_space<vmem>>, vector<16xf32>,
    tpu.vector_store %arg5[%swap3A_45], %broadcast_in_dim3A_3 {strides = array<i32>} : memref<768xf32, #tpu.memory_space<vmem>>, vector<16xf32>,
    %swap3A_47 = arith.constant 352 : index
    %swap3A_48 = tpu.vector_load %arg5[%swap3A_47] {strides = array<i32>} : memref<768xf32, #tpu.memory_space<vmem>>, vector<16xf32>,
    tpu.vector_store %arg5[%swap3A_47], %broadcast_in_dim3A_3 {strides = array<i32>} : memref<768xf32, #tpu.memory_space<vmem>>, vector<16xf32>,
    %swap3A_49 = arith.constant 368 : index
    %swap3A_50 = tpu.vector_load %arg5[%swap3A_49] {strides = array<i32>} : memref<768xf32, #tpu.memory_space<vmem>>, vector<16xf32>,
    tpu.vector_store %arg5[%swap3A_49], %broadcast_in_dim3A_3 {strides = array<i32>} : memref<768xf32, #tpu.memory_space<vmem>>, vector<16xf32>,
    %swap3A_51 = arith.constant 384 : index
    %swap3A_52 = tpu.vector_load %arg5[%swap3A_51] {strides = array<i32>} : memref<768xf32, #tpu.memory_space<vmem>>, vector<16xf32>,
    tpu.vector_store %arg5[%swap3A_51], %broadcast_in_dim3A_3 {strides = array<i32>} : memref<768xf32, #tpu.memory_space<vmem>>, vector<16xf32>,
    %swap3A_53 = arith.constant 400 : index
    %swap3A_54 = tpu.vector_load %arg5[%swap3A_53] {strides = array<i32>} : memref<768xf32, #tpu.memory_space<vmem>>, vector<16xf32>,
    tpu.vector_store %arg5[%swap3A_53], %broadcast_in_dim3A_3 {strides = array<i32>} : memref<768xf32, #tpu.memory_space<vmem>>, vector<16xf32>,
    %swap3A_55 = arith.constant 416 : index
    %swap3A_56 = tpu.vector_load %arg5[%swap3A_55] {strides = array<i32>} : memref<768xf32, #tpu.memory_space<vmem>>, vector<16xf32>,
    tpu.vector_store %arg5[%swap3A_55], %broadcast_in_dim3A_3 {strides = array<i32>} : memref<768xf32, #tpu.memory_space<vmem>>, vector<16xf32>,
    %swap3A_57 = arith.constant 432 : index
    %swap3A_58 = tpu.vector_load %arg5[%swap3A_57] {strides = array<i32>} : memref<768xf32, #tpu.memory_space<vmem>>, vector<16xf32>,
    tpu.vector_store %arg5[%swap3A_57], %broadcast_in_dim3A_3 {strides = array<i32>} : memref<768xf32, #tpu.memory_space<vmem>>, vector<16xf32>,
    %swap3A_59 = arith.constant 448 : index
    %swap3A_60 = tpu.vector_load %arg5[%swap3A_59] {strides = array<i32>} : memref<768xf32, #tpu.memory_space<vmem>>, vector<16xf32>,
    tpu.vector_store %arg5[%swap3A_59], %broadcast_in_dim3A_3 {strides = array<i32>} : memref<768xf32, #tpu.memory_space<vmem>>, vector<16xf32>,
    %swap3A_61 = arith.constant 464 : index
    %swap3A_62 = tpu.vector_load %arg5[%swap3A_61] {strides = array<i32>} : memref<768xf32, #tpu.memory_space<vmem>>, vector<16xf32>,
    tpu.vector_store %arg5[%swap3A_61], %broadcast_in_dim3A_3 {strides = array<i32>} : memref<768xf32, #tpu.memory_space<vmem>>, vector<16xf32>,
    %swap3A_63 = arith.constant 480 : index
    %swap3A_64 = tpu.vector_load %arg5[%swap3A_63] {strides = array<i32>} : memref<768xf32, #tpu.memory_space<vmem>>, vector<16xf32>,
    tpu.vector_store %arg5[%swap3A_63], %broadcast_in_dim3A_3 {strides = array<i32>} : memref<768xf32, #tpu.memory_space<vmem>>, vector<16xf32>,
    %swap3A_65 = arith.constant 496 : index
    %swap3A_66 = tpu.vector_load %arg5[%swap3A_65] {strides = array<i32>} : memref<768xf32, #tpu.memory_space<vmem>>, vector<16xf32>,
    tpu.vector_store %arg5[%swap3A_65], %broadcast_in_dim3A_3 {strides = array<i32>} : memref<768xf32, #tpu.memory_space<vmem>>, vector<16xf32>,
    %swap3A_67 = arith.constant 512 : index
    %swap3A_68 = tpu.vector_load %arg5[%swap3A_67] {strides = array<i32>} : memref<768xf32, #tpu.memory_space<vmem>>, vector<16xf32>,
    tpu.vector_store %arg5[%swap3A_67], %broadcast_in_dim3A_3 {strides = array<i32>} : memref<768xf32, #tpu.memory_space<vmem>>, vector<16xf32>,
    %swap3A_69 = arith.constant 528 : index
    %swap3A_70 = tpu.vector_load %arg5[%swap3A_69] {strides = array<i32>} : memref<768xf32, #tpu.memory_space<vmem>>, vector<16xf32>,
    tpu.vector_store %arg5[%swap3A_69], %broadcast_in_dim3A_3 {strides = array<i32>} : memref<768xf32, #tpu.memory_space<vmem>>, vector<16xf32>,
    %swap3A_71 = arith.constant 544 : index
    %swap3A_72 = tpu.vector_load %arg5[%swap3A_71] {strides = array<i32>} : memref<768xf32, #tpu.memory_space<vmem>>, vector<16xf32>,
    tpu.vector_store %arg5[%swap3A_71], %broadcast_in_dim3A_3 {strides = array<i32>} : memref<768xf32, #tpu.memory_space<vmem>>, vector<16xf32>,
    %swap3A_73 = arith.constant 560 : index
    %swap3A_74 = tpu.vector_load %arg5[%swap3A_73] {strides = array<i32>} : memref<768xf32, #tpu.memory_space<vmem>>, vector<16xf32>,
    tpu.vector_store %arg5[%swap3A_73], %broadcast_in_dim3A_3 {strides = array<i32>} : memref<768xf32, #tpu.memory_space<vmem>>, vector<16xf32>,
    %swap3A_75 = arith.constant 576 : index
    %swap3A_76 = tpu.vector_load %arg5[%swap3A_75] {strides = array<i32>} : memref<768xf32, #tpu.memory_space<vmem>>, vector<16xf32>,
    tpu.vector_store %arg5[%swap3A_75], %broadcast_in_dim3A_3 {strides = array<i32>} : memref<768xf32, #tpu.memory_space<vmem>>, vector<16xf32>,
    %swap3A_77 = arith.constant 592 : index
    %swap3A_78 = tpu.vector_load %arg5[%swap3A_77] {strides = array<i32>} : memref<768xf32, #tpu.memory_space<vmem>>, vector<16xf32>,
    tpu.vector_store %arg5[%swap3A_77], %broadcast_in_dim3A_3 {strides = array<i32>} : memref<768xf32, #tpu.memory_space<vmem>>, vector<16xf32>,
    %swap3A_79 = arith.constant 608 : index
    %swap3A_80 = tpu.vector_load %arg5[%swap3A_79] {strides = array<i32>} : memref<768xf32, #tpu.memory_space<vmem>>, vector<16xf32>,
    tpu.vector_store %arg5[%swap3A_79], %broadcast_in_dim3A_3 {strides = array<i32>} : memref<768xf32, #tpu.memory_space<vmem>>, vector<16xf32>,
    %swap3A_81 = arith.constant 624 : index
    %swap3A_82 = tpu.vector_load %arg5[%swap3A_81] {strides = array<i32>} : memref<768xf32, #tpu.memory_space<vmem>>, vector<16xf32>,
    tpu.vector_store %arg5[%swap3A_81], %broadcast_in_dim3A_3 {strides = array<i32>} : memref<768xf32, #tpu.memory_space<vmem>>, vector<16xf32>,
    %swap3A_83 = arith.constant 640 : index
    %swap3A_84 = tpu.vector_load %arg5[%swap3A_83] {strides = array<i32>} : memref<768xf32, #tpu.memory_space<vmem>>, vector<16xf32>,
    tpu.vector_store %arg5[%swap3A_83], %broadcast_in_dim3A_3 {strides = array<i32>} : memref<768xf32, #tpu.memory_space<vmem>>, vector<16xf32>,
    %swap3A_85 = arith.constant 656 : index
    %swap3A_86 = tpu.vector_load %arg5[%swap3A_85] {strides = array<i32>} : memref<768xf32, #tpu.memory_space<vmem>>, vector<16xf32>,
    tpu.vector_store %arg5[%swap3A_85], %broadcast_in_dim3A_3 {strides = array<i32>} : memref<768xf32, #tpu.memory_space<vmem>>, vector<16xf32>,
    %swap3A_87 = arith.constant 672 : index
    %swap3A_88 = tpu.vector_load %arg5[%swap3A_87] {strides = array<i32>} : memref<768xf32, #tpu.memory_space<vmem>>, vector<16xf32>,
    tpu.vector_store %arg5[%swap3A_87], %broadcast_in_dim3A_3 {strides = array<i32>} : memref<768xf32, #tpu.memory_space<vmem>>, vector<16xf32>,
    %swap3A_89 = arith.constant 688 : index
    %swap3A_90 = tpu.vector_load %arg5[%swap3A_89] {strides = array<i32>} : memref<768xf32, #tpu.memory_space<vmem>>, vector<16xf32>,
    tpu.vector_store %arg5[%swap3A_89], %broadcast_in_dim3A_3 {strides = array<i32>} : memref<768xf32, #tpu.memory_space<vmem>>, vector<16xf32>,
    %swap3A_91 = arith.constant 704 : index
    %swap3A_92 = tpu.vector_load %arg5[%swap3A_91] {strides = array<i32>} : memref<768xf32, #tpu.memory_space<vmem>>, vector<16xf32>,
    tpu.vector_store %arg5[%swap3A_91], %broadcast_in_dim3A_3 {strides = array<i32>} : memref<768xf32, #tpu.memory_space<vmem>>, vector<16xf32>,
    %swap3A_93 = arith.constant 720 : index
    %swap3A_94 = tpu.vector_load %arg5[%swap3A_93] {strides = array<i32>} : memref<768xf32, #tpu.memory_space<vmem>>, vector<16xf32>,
    tpu.vector_store %arg5[%swap3A_93], %broadcast_in_dim3A_3 {strides = array<i32>} : memref<768xf32, #tpu.memory_space<vmem>>, vector<16xf32>,
    %swap3A_95 = arith.constant 736 : index
    %swap3A_96 = tpu.vector_load %arg5[%swap3A_95] {strides = array<i32>} : memref<768xf32, #tpu.memory_space<vmem>>, vector<16xf32>,
    tpu.vector_store %arg5[%swap3A_95], %broadcast_in_dim3A_3 {strides = array<i32>} : memref<768xf32, #tpu.memory_space<vmem>>, vector<16xf32>,
    %swap3A_97 = arith.constant 752 : index
    %swap3A_98 = tpu.vector_load %arg5[%swap3A_97] {strides = array<i32>} : memref<768xf32, #tpu.memory_space<vmem>>, vector<16xf32>,
    tpu.vector_store %arg5[%swap3A_97], %broadcast_in_dim3A_3 {strides = array<i32>} : memref<768xf32, #tpu.memory_space<vmem>>, vector<16xf32>,
    %iota3A = tpu.iota {dimensions = array<i32: 0>} : vector<16xi32>
    %broadcast_in_dim3A_99 = arith.constant 1.000000e+00 : f32
    %broadcast_in_dim3A_100 = vector.broadcast %broadcast_in_dim3A_99 : f32 to vector<16xf32>
    %scan3A = arith.constant 0 : i32
    %scan3A_101 = arith.constant 0.0666666701 : f32
    %scan3A_102 = arith.constant 0 : i32
    %scan3A_103 = arith.constant 64 : i32
    %scan3A_104 = arith.addi %scan3A_102, %scan3A_103 : i32
    %scan3A_105 = arith.constant 1 : i32
    scf.for %scan3A_107 = %scan3A_102 to %scan3A_104 step %scan3A_105  : i32 {
      %mul3A_108 = arith.constant 256 : i32
      %mul3A_109 = arith.muli %scan3A_107, %mul3A_108 : i32
      %add3A_110 = arith.constant 0 : i32
      %add3A_111 = arith.addi %mul3A_109, %add3A_110 : i32
      %get3A = arith.index_cast %add3A_111 : i32 to index
      %get3A_112 = tpu.vector_load %arg4[%get3A] {strides = array<i32>} : memref<16384xf32, #tpu.memory_space<vmem>>, vector<16xf32>,
      %abs3A = math.absf %get3A_112 : vector<16xf32>
      %div3A = vector.broadcast %scan3A_101 : f32 to vector<16xf32>
      %div3A_113 = arith.divf %abs3A, %div3A : vector<16xf32>
      %convert_element_type3A = arith.fptosi %div3A_113 : vector<16xf32> to vector<16xi32>
      %min3A = arith.constant 14 : i32
      %min3A_114 = vector.broadcast %min3A : i32 to vector<16xi32>
      %min3A_115 = arith.minsi %convert_element_type3A, %min3A_114 : vector<16xi32>
      %lt3A = arith.constant 0.000000e+00 : f32
      %lt3A_116 = vector.broadcast %lt3A : f32 to vector<16xf32>
      %lt3A_117 = arith.cmpf olt, %get3A_112, %lt3A_116 : vector<16xf32>
      %add3A_118 = arith.constant 15 : i32
      %add3A_119 = vector.broadcast %add3A_118 : i32 to vector<16xi32>
      %add3A_120 = arith.addi %min3A_115, %add3A_119 : vector<16xi32>
      %select_n3A = arith.select %lt3A_117, %add3A_120, %min3A_115 : vector<16xi1>, vector<16xi32>
      %mul3A_121 = arith.constant 16 : i32
      %mul3A_122 = vector.broadcast %mul3A_121 : i32 to vector<16xi32>
      %mul3A_123 = arith.muli %select_n3A, %mul3A_122 : vector<16xi32>
      %add3A_124 = arith.addi %mul3A_123, %iota3A : vector<16xi32>
      tpu.vector_store_idx %arg5[%add3A_124], %broadcast_in_dim3A_100 {add = true} : memref<768xf32, #tpu.memory_space<vmem>>[vector<16xi32>], vector<16xf32>,
      %add3A_125 = arith.constant 30 : i32
      %add3A_126 = vector.broadcast %add3A_125 : i32 to vector<16xi32>
      %add3A_127 = arith.addi %min3A_115, %add3A_126 : vector<16xi32>
      %mul3A_128 = arith.constant 16 : i32
      %mul3A_129 = vector.broadcast %mul3A_128 : i32 to vector<16xi32>
      %mul3A_130 = arith.muli %add3A_127, %mul3A_129 : vector<16xi32>
      %add3A_131 = arith.addi %mul3A_130, %iota3A : vector<16xi32>
      tpu.vector_store_idx %arg5[%add3A_131], %abs3A {add = true} : memref<768xf32, #tpu.memory_space<vmem>>[vector<16xi32>], vector<16xf32>,
      %add3A_132 = arith.constant 16 : i32
      %add3A_133 = arith.addi %mul3A_109, %add3A_132 : i32
      %get3A_134 = arith.index_cast %add3A_133 : i32 to index
      %get3A_135 = tpu.vector_load %arg4[%get3A_134] {strides = array<i32>} : memref<16384xf32, #tpu.memory_space<vmem>>, vector<16xf32>,
      %abs3A_136 = math.absf %get3A_135 : vector<16xf32>
      %div3A_137 = vector.broadcast %scan3A_101 : f32 to vector<16xf32>
      %div3A_138 = arith.divf %abs3A_136, %div3A_137 : vector<16xf32>
      %convert_element_type3A_139 = arith.fptosi %div3A_138 : vector<16xf32> to vector<16xi32>
      %min3A_140 = arith.constant 14 : i32
      %min3A_141 = vector.broadcast %min3A_140 : i32 to vector<16xi32>
      %min3A_142 = arith.minsi %convert_element_type3A_139, %min3A_141 : vector<16xi32>
      %lt3A_143 = arith.constant 0.000000e+00 : f32
      %lt3A_144 = vector.broadcast %lt3A_143 : f32 to vector<16xf32>
      %lt3A_145 = arith.cmpf olt, %get3A_135, %lt3A_144 : vector<16xf32>
      %add3A_146 = arith.constant 15 : i32
      %add3A_147 = vector.broadcast %add3A_146 : i32 to vector<16xi32>
      %add3A_148 = arith.addi %min3A_142, %add3A_147 : vector<16xi32>
      %select_n3A_149 = arith.select %lt3A_145, %add3A_148, %min3A_142 : vector<16xi1>, vector<16xi32>
      %mul3A_150 = arith.constant 16 : i32
      %mul3A_151 = vector.broadcast %mul3A_150 : i32 to vector<16xi32>
      %mul3A_152 = arith.muli %select_n3A_149, %mul3A_151 : vector<16xi32>
      %add3A_153 = arith.addi %mul3A_152, %iota3A : vector<16xi32>
      tpu.vector_store_idx %arg5[%add3A_153], %broadcast_in_dim3A_100 {add = true} : memref<768xf32, #tpu.memory_space<vmem>>[vector<16xi32>], vector<16xf32>,
      %add3A_154 = arith.constant 30 : i32
      %add3A_155 = vector.broadcast %add3A_154 : i32 to vector<16xi32>
      %add3A_156 = arith.addi %min3A_142, %add3A_155 : vector<16xi32>
      %mul3A_157 = arith.constant 16 : i32
      %mul3A_158 = vector.broadcast %mul3A_157 : i32 to vector<16xi32>
      %mul3A_159 = arith.muli %add3A_156, %mul3A_158 : vector<16xi32>
      %add3A_160 = arith.addi %mul3A_159, %iota3A : vector<16xi32>
      tpu.vector_store_idx %arg5[%add3A_160], %abs3A_136 {add = true} : memref<768xf32, #tpu.memory_space<vmem>>[vector<16xi32>], vector<16xf32>,
      %add3A_161 = arith.constant 32 : i32
      %add3A_162 = arith.addi %mul3A_109, %add3A_161 : i32
      %get3A_163 = arith.index_cast %add3A_162 : i32 to index
      %get3A_164 = tpu.vector_load %arg4[%get3A_163] {strides = array<i32>} : memref<16384xf32, #tpu.memory_space<vmem>>, vector<16xf32>,
      %abs3A_165 = math.absf %get3A_164 : vector<16xf32>
      %div3A_166 = vector.broadcast %scan3A_101 : f32 to vector<16xf32>
      %div3A_167 = arith.divf %abs3A_165, %div3A_166 : vector<16xf32>
      %convert_element_type3A_168 = arith.fptosi %div3A_167 : vector<16xf32> to vector<16xi32>
      %min3A_169 = arith.constant 14 : i32
      %min3A_170 = vector.broadcast %min3A_169 : i32 to vector<16xi32>
      %min3A_171 = arith.minsi %convert_element_type3A_168, %min3A_170 : vector<16xi32>
      %lt3A_172 = arith.constant 0.000000e+00 : f32
      %lt3A_173 = vector.broadcast %lt3A_172 : f32 to vector<16xf32>
      %lt3A_174 = arith.cmpf olt, %get3A_164, %lt3A_173 : vector<16xf32>
      %add3A_175 = arith.constant 15 : i32
      %add3A_176 = vector.broadcast %add3A_175 : i32 to vector<16xi32>
      %add3A_177 = arith.addi %min3A_171, %add3A_176 : vector<16xi32>
      %select_n3A_178 = arith.select %lt3A_174, %add3A_177, %min3A_171 : vector<16xi1>, vector<16xi32>
      %mul3A_179 = arith.constant 16 : i32
      %mul3A_180 = vector.broadcast %mul3A_179 : i32 to vector<16xi32>
      %mul3A_181 = arith.muli %select_n3A_178, %mul3A_180 : vector<16xi32>
      %add3A_182 = arith.addi %mul3A_181, %iota3A : vector<16xi32>
      tpu.vector_store_idx %arg5[%add3A_182], %broadcast_in_dim3A_100 {add = true} : memref<768xf32, #tpu.memory_space<vmem>>[vector<16xi32>], vector<16xf32>,
      %add3A_183 = arith.constant 30 : i32
      %add3A_184 = vector.broadcast %add3A_183 : i32 to vector<16xi32>
      %add3A_185 = arith.addi %min3A_171, %add3A_184 : vector<16xi32>
      %mul3A_186 = arith.constant 16 : i32
      %mul3A_187 = vector.broadcast %mul3A_186 : i32 to vector<16xi32>
      %mul3A_188 = arith.muli %add3A_185, %mul3A_187 : vector<16xi32>
      %add3A_189 = arith.addi %mul3A_188, %iota3A : vector<16xi32>
      tpu.vector_store_idx %arg5[%add3A_189], %abs3A_165 {add = true} : memref<768xf32, #tpu.memory_space<vmem>>[vector<16xi32>], vector<16xf32>,
      %add3A_190 = arith.constant 48 : i32
      %add3A_191 = arith.addi %mul3A_109, %add3A_190 : i32
      %get3A_192 = arith.index_cast %add3A_191 : i32 to index
      %get3A_193 = tpu.vector_load %arg4[%get3A_192] {strides = array<i32>} : memref<16384xf32, #tpu.memory_space<vmem>>, vector<16xf32>,
      %abs3A_194 = math.absf %get3A_193 : vector<16xf32>
      %div3A_195 = vector.broadcast %scan3A_101 : f32 to vector<16xf32>
      %div3A_196 = arith.divf %abs3A_194, %div3A_195 : vector<16xf32>
      %convert_element_type3A_197 = arith.fptosi %div3A_196 : vector<16xf32> to vector<16xi32>
      %min3A_198 = arith.constant 14 : i32
      %min3A_199 = vector.broadcast %min3A_198 : i32 to vector<16xi32>
      %min3A_200 = arith.minsi %convert_element_type3A_197, %min3A_199 : vector<16xi32>
      %lt3A_201 = arith.constant 0.000000e+00 : f32
      %lt3A_202 = vector.broadcast %lt3A_201 : f32 to vector<16xf32>
      %lt3A_203 = arith.cmpf olt, %get3A_193, %lt3A_202 : vector<16xf32>
      %add3A_204 = arith.constant 15 : i32
      %add3A_205 = vector.broadcast %add3A_204 : i32 to vector<16xi32>
      %add3A_206 = arith.addi %min3A_200, %add3A_205 : vector<16xi32>
      %select_n3A_207 = arith.select %lt3A_203, %add3A_206, %min3A_200 : vector<16xi1>, vector<16xi32>
      %mul3A_208 = arith.constant 16 : i32
      %mul3A_209 = vector.broadcast %mul3A_208 : i32 to vector<16xi32>
      %mul3A_210 = arith.muli %select_n3A_207, %mul3A_209 : vector<16xi32>
      %add3A_211 = arith.addi %mul3A_210, %iota3A : vector<16xi32>
      tpu.vector_store_idx %arg5[%add3A_211], %broadcast_in_dim3A_100 {add = true} : memref<768xf32, #tpu.memory_space<vmem>>[vector<16xi32>], vector<16xf32>,
      %add3A_212 = arith.constant 30 : i32
      %add3A_213 = vector.broadcast %add3A_212 : i32 to vector<16xi32>
      %add3A_214 = arith.addi %min3A_200, %add3A_213 : vector<16xi32>
      %mul3A_215 = arith.constant 16 : i32
      %mul3A_216 = vector.broadcast %mul3A_215 : i32 to vector<16xi32>
      %mul3A_217 = arith.muli %add3A_214, %mul3A_216 : vector<16xi32>
      %add3A_218 = arith.addi %mul3A_217, %iota3A : vector<16xi32>
      tpu.vector_store_idx %arg5[%add3A_218], %abs3A_194 {add = true} : memref<768xf32, #tpu.memory_space<vmem>>[vector<16xi32>], vector<16xf32>,
      %add3A_219 = arith.constant 64 : i32
      %add3A_220 = arith.addi %mul3A_109, %add3A_219 : i32
      %get3A_221 = arith.index_cast %add3A_220 : i32 to index
      %get3A_222 = tpu.vector_load %arg4[%get3A_221] {strides = array<i32>} : memref<16384xf32, #tpu.memory_space<vmem>>, vector<16xf32>,
      %abs3A_223 = math.absf %get3A_222 : vector<16xf32>
      %div3A_224 = vector.broadcast %scan3A_101 : f32 to vector<16xf32>
      %div3A_225 = arith.divf %abs3A_223, %div3A_224 : vector<16xf32>
      %convert_element_type3A_226 = arith.fptosi %div3A_225 : vector<16xf32> to vector<16xi32>
      %min3A_227 = arith.constant 14 : i32
      %min3A_228 = vector.broadcast %min3A_227 : i32 to vector<16xi32>
      %min3A_229 = arith.minsi %convert_element_type3A_226, %min3A_228 : vector<16xi32>
      %lt3A_230 = arith.constant 0.000000e+00 : f32
      %lt3A_231 = vector.broadcast %lt3A_230 : f32 to vector<16xf32>
      %lt3A_232 = arith.cmpf olt, %get3A_222, %lt3A_231 : vector<16xf32>
      %add3A_233 = arith.constant 15 : i32
      %add3A_234 = vector.broadcast %add3A_233 : i32 to vector<16xi32>
      %add3A_235 = arith.addi %min3A_229, %add3A_234 : vector<16xi32>
      %select_n3A_236 = arith.select %lt3A_232, %add3A_235, %min3A_229 : vector<16xi1>, vector<16xi32>
      %mul3A_237 = arith.constant 16 : i32
      %mul3A_238 = vector.broadcast %mul3A_237 : i32 to vector<16xi32>
      %mul3A_239 = arith.muli %select_n3A_236, %mul3A_238 : vector<16xi32>
      %add3A_240 = arith.addi %mul3A_239, %iota3A : vector<16xi32>
      tpu.vector_store_idx %arg5[%add3A_240], %broadcast_in_dim3A_100 {add = true} : memref<768xf32, #tpu.memory_space<vmem>>[vector<16xi32>], vector<16xf32>,
      %add3A_241 = arith.constant 30 : i32
      %add3A_242 = vector.broadcast %add3A_241 : i32 to vector<16xi32>
      %add3A_243 = arith.addi %min3A_229, %add3A_242 : vector<16xi32>
      %mul3A_244 = arith.constant 16 : i32
      %mul3A_245 = vector.broadcast %mul3A_244 : i32 to vector<16xi32>
      %mul3A_246 = arith.muli %add3A_243, %mul3A_245 : vector<16xi32>
      %add3A_247 = arith.addi %mul3A_246, %iota3A : vector<16xi32>
      tpu.vector_store_idx %arg5[%add3A_247], %abs3A_223 {add = true} : memref<768xf32, #tpu.memory_space<vmem>>[vector<16xi32>], vector<16xf32>,
      %add3A_248 = arith.constant 80 : i32
      %add3A_249 = arith.addi %mul3A_109, %add3A_248 : i32
      %get3A_250 = arith.index_cast %add3A_249 : i32 to index
      %get3A_251 = tpu.vector_load %arg4[%get3A_250] {strides = array<i32>} : memref<16384xf32, #tpu.memory_space<vmem>>, vector<16xf32>,
      %abs3A_252 = math.absf %get3A_251 : vector<16xf32>
      %div3A_253 = vector.broadcast %scan3A_101 : f32 to vector<16xf32>
      %div3A_254 = arith.divf %abs3A_252, %div3A_253 : vector<16xf32>
      %convert_element_type3A_255 = arith.fptosi %div3A_254 : vector<16xf32> to vector<16xi32>
      %min3A_256 = arith.constant 14 : i32
      %min3A_257 = vector.broadcast %min3A_256 : i32 to vector<16xi32>
      %min3A_258 = arith.minsi %convert_element_type3A_255, %min3A_257 : vector<16xi32>
      %lt3A_259 = arith.constant 0.000000e+00 : f32
      %lt3A_260 = vector.broadcast %lt3A_259 : f32 to vector<16xf32>
      %lt3A_261 = arith.cmpf olt, %get3A_251, %lt3A_260 : vector<16xf32>
      %add3A_262 = arith.constant 15 : i32
      %add3A_263 = vector.broadcast %add3A_262 : i32 to vector<16xi32>
      %add3A_264 = arith.addi %min3A_258, %add3A_263 : vector<16xi32>
      %select_n3A_265 = arith.select %lt3A_261, %add3A_264, %min3A_258 : vector<16xi1>, vector<16xi32>
      %mul3A_266 = arith.constant 16 : i32
      %mul3A_267 = vector.broadcast %mul3A_266 : i32 to vector<16xi32>
      %mul3A_268 = arith.muli %select_n3A_265, %mul3A_267 : vector<16xi32>
      %add3A_269 = arith.addi %mul3A_268, %iota3A : vector<16xi32>
      tpu.vector_store_idx %arg5[%add3A_269], %broadcast_in_dim3A_100 {add = true} : memref<768xf32, #tpu.memory_space<vmem>>[vector<16xi32>], vector<16xf32>,
      %add3A_270 = arith.constant 30 : i32
      %add3A_271 = vector.broadcast %add3A_270 : i32 to vector<16xi32>
      %add3A_272 = arith.addi %min3A_258, %add3A_271 : vector<16xi32>
      %mul3A_273 = arith.constant 16 : i32
      %mul3A_274 = vector.broadcast %mul3A_273 : i32 to vector<16xi32>
      %mul3A_275 = arith.muli %add3A_272, %mul3A_274 : vector<16xi32>
      %add3A_276 = arith.addi %mul3A_275, %iota3A : vector<16xi32>
      tpu.vector_store_idx %arg5[%add3A_276], %abs3A_252 {add = true} : memref<768xf32, #tpu.memory_space<vmem>>[vector<16xi32>], vector<16xf32>,
      %add3A_277 = arith.constant 96 : i32
      %add3A_278 = arith.addi %mul3A_109, %add3A_277 : i32
      %get3A_279 = arith.index_cast %add3A_278 : i32 to index
      %get3A_280 = tpu.vector_load %arg4[%get3A_279] {strides = array<i32>} : memref<16384xf32, #tpu.memory_space<vmem>>, vector<16xf32>,
      %abs3A_281 = math.absf %get3A_280 : vector<16xf32>
      %div3A_282 = vector.broadcast %scan3A_101 : f32 to vector<16xf32>
      %div3A_283 = arith.divf %abs3A_281, %div3A_282 : vector<16xf32>
      %convert_element_type3A_284 = arith.fptosi %div3A_283 : vector<16xf32> to vector<16xi32>
      %min3A_285 = arith.constant 14 : i32
      %min3A_286 = vector.broadcast %min3A_285 : i32 to vector<16xi32>
      %min3A_287 = arith.minsi %convert_element_type3A_284, %min3A_286 : vector<16xi32>
      %lt3A_288 = arith.constant 0.000000e+00 : f32
      %lt3A_289 = vector.broadcast %lt3A_288 : f32 to vector<16xf32>
      %lt3A_290 = arith.cmpf olt, %get3A_280, %lt3A_289 : vector<16xf32>
      %add3A_291 = arith.constant 15 : i32
      %add3A_292 = vector.broadcast %add3A_291 : i32 to vector<16xi32>
      %add3A_293 = arith.addi %min3A_287, %add3A_292 : vector<16xi32>
      %select_n3A_294 = arith.select %lt3A_290, %add3A_293, %min3A_287 : vector<16xi1>, vector<16xi32>
      %mul3A_295 = arith.constant 16 : i32
      %mul3A_296 = vector.broadcast %mul3A_295 : i32 to vector<16xi32>
      %mul3A_297 = arith.muli %select_n3A_294, %mul3A_296 : vector<16xi32>
      %add3A_298 = arith.addi %mul3A_297, %iota3A : vector<16xi32>
      tpu.vector_store_idx %arg5[%add3A_298], %broadcast_in_dim3A_100 {add = true} : memref<768xf32, #tpu.memory_space<vmem>>[vector<16xi32>], vector<16xf32>,
      %add3A_299 = arith.constant 30 : i32
      %add3A_300 = vector.broadcast %add3A_299 : i32 to vector<16xi32>
      %add3A_301 = arith.addi %min3A_287, %add3A_300 : vector<16xi32>
      %mul3A_302 = arith.constant 16 : i32
      %mul3A_303 = vector.broadcast %mul3A_302 : i32 to vector<16xi32>
      %mul3A_304 = arith.muli %add3A_301, %mul3A_303 : vector<16xi32>
      %add3A_305 = arith.addi %mul3A_304, %iota3A : vector<16xi32>
      tpu.vector_store_idx %arg5[%add3A_305], %abs3A_281 {add = true} : memref<768xf32, #tpu.memory_space<vmem>>[vector<16xi32>], vector<16xf32>,
      %add3A_306 = arith.constant 112 : i32
      %add3A_307 = arith.addi %mul3A_109, %add3A_306 : i32
      %get3A_308 = arith.index_cast %add3A_307 : i32 to index
      %get3A_309 = tpu.vector_load %arg4[%get3A_308] {strides = array<i32>} : memref<16384xf32, #tpu.memory_space<vmem>>, vector<16xf32>,
      %abs3A_310 = math.absf %get3A_309 : vector<16xf32>
      %div3A_311 = vector.broadcast %scan3A_101 : f32 to vector<16xf32>
      %div3A_312 = arith.divf %abs3A_310, %div3A_311 : vector<16xf32>
      %convert_element_type3A_313 = arith.fptosi %div3A_312 : vector<16xf32> to vector<16xi32>
      %min3A_314 = arith.constant 14 : i32
      %min3A_315 = vector.broadcast %min3A_314 : i32 to vector<16xi32>
      %min3A_316 = arith.minsi %convert_element_type3A_313, %min3A_315 : vector<16xi32>
      %lt3A_317 = arith.constant 0.000000e+00 : f32
      %lt3A_318 = vector.broadcast %lt3A_317 : f32 to vector<16xf32>
      %lt3A_319 = arith.cmpf olt, %get3A_309, %lt3A_318 : vector<16xf32>
      %add3A_320 = arith.constant 15 : i32
      %add3A_321 = vector.broadcast %add3A_320 : i32 to vector<16xi32>
      %add3A_322 = arith.addi %min3A_316, %add3A_321 : vector<16xi32>
      %select_n3A_323 = arith.select %lt3A_319, %add3A_322, %min3A_316 : vector<16xi1>, vector<16xi32>
      %mul3A_324 = arith.constant 16 : i32
      %mul3A_325 = vector.broadcast %mul3A_324 : i32 to vector<16xi32>
      %mul3A_326 = arith.muli %select_n3A_323, %mul3A_325 : vector<16xi32>
      %add3A_327 = arith.addi %mul3A_326, %iota3A : vector<16xi32>
      tpu.vector_store_idx %arg5[%add3A_327], %broadcast_in_dim3A_100 {add = true} : memref<768xf32, #tpu.memory_space<vmem>>[vector<16xi32>], vector<16xf32>,
      %add3A_328 = arith.constant 30 : i32
      %add3A_329 = vector.broadcast %add3A_328 : i32 to vector<16xi32>
      %add3A_330 = arith.addi %min3A_316, %add3A_329 : vector<16xi32>
      %mul3A_331 = arith.constant 16 : i32
      %mul3A_332 = vector.broadcast %mul3A_331 : i32 to vector<16xi32>
      %mul3A_333 = arith.muli %add3A_330, %mul3A_332 : vector<16xi32>
      %add3A_334 = arith.addi %mul3A_333, %iota3A : vector<16xi32>
      tpu.vector_store_idx %arg5[%add3A_334], %abs3A_310 {add = true} : memref<768xf32, #tpu.memory_space<vmem>>[vector<16xi32>], vector<16xf32>,
      %add3A_335 = arith.constant 128 : i32
      %add3A_336 = arith.addi %mul3A_109, %add3A_335 : i32
      %get3A_337 = arith.index_cast %add3A_336 : i32 to index
      %get3A_338 = tpu.vector_load %arg4[%get3A_337] {strides = array<i32>} : memref<16384xf32, #tpu.memory_space<vmem>>, vector<16xf32>,
      %abs3A_339 = math.absf %get3A_338 : vector<16xf32>
      %div3A_340 = vector.broadcast %scan3A_101 : f32 to vector<16xf32>
      %div3A_341 = arith.divf %abs3A_339, %div3A_340 : vector<16xf32>
      %convert_element_type3A_342 = arith.fptosi %div3A_341 : vector<16xf32> to vector<16xi32>
      %min3A_343 = arith.constant 14 : i32
      %min3A_344 = vector.broadcast %min3A_343 : i32 to vector<16xi32>
      %min3A_345 = arith.minsi %convert_element_type3A_342, %min3A_344 : vector<16xi32>
      %lt3A_346 = arith.constant 0.000000e+00 : f32
      %lt3A_347 = vector.broadcast %lt3A_346 : f32 to vector<16xf32>
      %lt3A_348 = arith.cmpf olt, %get3A_338, %lt3A_347 : vector<16xf32>
      %add3A_349 = arith.constant 15 : i32
      %add3A_350 = vector.broadcast %add3A_349 : i32 to vector<16xi32>
      %add3A_351 = arith.addi %min3A_345, %add3A_350 : vector<16xi32>
      %select_n3A_352 = arith.select %lt3A_348, %add3A_351, %min3A_345 : vector<16xi1>, vector<16xi32>
      %mul3A_353 = arith.constant 16 : i32
      %mul3A_354 = vector.broadcast %mul3A_353 : i32 to vector<16xi32>
      %mul3A_355 = arith.muli %select_n3A_352, %mul3A_354 : vector<16xi32>
      %add3A_356 = arith.addi %mul3A_355, %iota3A : vector<16xi32>
      tpu.vector_store_idx %arg5[%add3A_356], %broadcast_in_dim3A_100 {add = true} : memref<768xf32, #tpu.memory_space<vmem>>[vector<16xi32>], vector<16xf32>,
      %add3A_357 = arith.constant 30 : i32
      %add3A_358 = vector.broadcast %add3A_357 : i32 to vector<16xi32>
      %add3A_359 = arith.addi %min3A_345, %add3A_358 : vector<16xi32>
      %mul3A_360 = arith.constant 16 : i32
      %mul3A_361 = vector.broadcast %mul3A_360 : i32 to vector<16xi32>
      %mul3A_362 = arith.muli %add3A_359, %mul3A_361 : vector<16xi32>
      %add3A_363 = arith.addi %mul3A_362, %iota3A : vector<16xi32>
      tpu.vector_store_idx %arg5[%add3A_363], %abs3A_339 {add = true} : memref<768xf32, #tpu.memory_space<vmem>>[vector<16xi32>], vector<16xf32>,
      %add3A_364 = arith.constant 144 : i32
      %add3A_365 = arith.addi %mul3A_109, %add3A_364 : i32
      %get3A_366 = arith.index_cast %add3A_365 : i32 to index
      %get3A_367 = tpu.vector_load %arg4[%get3A_366] {strides = array<i32>} : memref<16384xf32, #tpu.memory_space<vmem>>, vector<16xf32>,
      %abs3A_368 = math.absf %get3A_367 : vector<16xf32>
      %div3A_369 = vector.broadcast %scan3A_101 : f32 to vector<16xf32>
      %div3A_370 = arith.divf %abs3A_368, %div3A_369 : vector<16xf32>
      %convert_element_type3A_371 = arith.fptosi %div3A_370 : vector<16xf32> to vector<16xi32>
      %min3A_372 = arith.constant 14 : i32
      %min3A_373 = vector.broadcast %min3A_372 : i32 to vector<16xi32>
      %min3A_374 = arith.minsi %convert_element_type3A_371, %min3A_373 : vector<16xi32>
      %lt3A_375 = arith.constant 0.000000e+00 : f32
      %lt3A_376 = vector.broadcast %lt3A_375 : f32 to vector<16xf32>
      %lt3A_377 = arith.cmpf olt, %get3A_367, %lt3A_376 : vector<16xf32>
      %add3A_378 = arith.constant 15 : i32
      %add3A_379 = vector.broadcast %add3A_378 : i32 to vector<16xi32>
      %add3A_380 = arith.addi %min3A_374, %add3A_379 : vector<16xi32>
      %select_n3A_381 = arith.select %lt3A_377, %add3A_380, %min3A_374 : vector<16xi1>, vector<16xi32>
      %mul3A_382 = arith.constant 16 : i32
      %mul3A_383 = vector.broadcast %mul3A_382 : i32 to vector<16xi32>
      %mul3A_384 = arith.muli %select_n3A_381, %mul3A_383 : vector<16xi32>
      %add3A_385 = arith.addi %mul3A_384, %iota3A : vector<16xi32>
      tpu.vector_store_idx %arg5[%add3A_385], %broadcast_in_dim3A_100 {add = true} : memref<768xf32, #tpu.memory_space<vmem>>[vector<16xi32>], vector<16xf32>,
      %add3A_386 = arith.constant 30 : i32
      %add3A_387 = vector.broadcast %add3A_386 : i32 to vector<16xi32>
      %add3A_388 = arith.addi %min3A_374, %add3A_387 : vector<16xi32>
      %mul3A_389 = arith.constant 16 : i32
      %mul3A_390 = vector.broadcast %mul3A_389 : i32 to vector<16xi32>
      %mul3A_391 = arith.muli %add3A_388, %mul3A_390 : vector<16xi32>
      %add3A_392 = arith.addi %mul3A_391, %iota3A : vector<16xi32>
      tpu.vector_store_idx %arg5[%add3A_392], %abs3A_368 {add = true} : memref<768xf32, #tpu.memory_space<vmem>>[vector<16xi32>], vector<16xf32>,
      %add3A_393 = arith.constant 160 : i32
      %add3A_394 = arith.addi %mul3A_109, %add3A_393 : i32
      %get3A_395 = arith.index_cast %add3A_394 : i32 to index
      %get3A_396 = tpu.vector_load %arg4[%get3A_395] {strides = array<i32>} : memref<16384xf32, #tpu.memory_space<vmem>>, vector<16xf32>,
      %abs3A_397 = math.absf %get3A_396 : vector<16xf32>
      %div3A_398 = vector.broadcast %scan3A_101 : f32 to vector<16xf32>
      %div3A_399 = arith.divf %abs3A_397, %div3A_398 : vector<16xf32>
      %convert_element_type3A_400 = arith.fptosi %div3A_399 : vector<16xf32> to vector<16xi32>
      %min3A_401 = arith.constant 14 : i32
      %min3A_402 = vector.broadcast %min3A_401 : i32 to vector<16xi32>
      %min3A_403 = arith.minsi %convert_element_type3A_400, %min3A_402 : vector<16xi32>
      %lt3A_404 = arith.constant 0.000000e+00 : f32
      %lt3A_405 = vector.broadcast %lt3A_404 : f32 to vector<16xf32>
      %lt3A_406 = arith.cmpf olt, %get3A_396, %lt3A_405 : vector<16xf32>
      %add3A_407 = arith.constant 15 : i32
      %add3A_408 = vector.broadcast %add3A_407 : i32 to vector<16xi32>
      %add3A_409 = arith.addi %min3A_403, %add3A_408 : vector<16xi32>
      %select_n3A_410 = arith.select %lt3A_406, %add3A_409, %min3A_403 : vector<16xi1>, vector<16xi32>
      %mul3A_411 = arith.constant 16 : i32
      %mul3A_412 = vector.broadcast %mul3A_411 : i32 to vector<16xi32>
      %mul3A_413 = arith.muli %select_n3A_410, %mul3A_412 : vector<16xi32>
      %add3A_414 = arith.addi %mul3A_413, %iota3A : vector<16xi32>
      tpu.vector_store_idx %arg5[%add3A_414], %broadcast_in_dim3A_100 {add = true} : memref<768xf32, #tpu.memory_space<vmem>>[vector<16xi32>], vector<16xf32>,
      %add3A_415 = arith.constant 30 : i32
      %add3A_416 = vector.broadcast %add3A_415 : i32 to vector<16xi32>
      %add3A_417 = arith.addi %min3A_403, %add3A_416 : vector<16xi32>
      %mul3A_418 = arith.constant 16 : i32
      %mul3A_419 = vector.broadcast %mul3A_418 : i32 to vector<16xi32>
      %mul3A_420 = arith.muli %add3A_417, %mul3A_419 : vector<16xi32>
      %add3A_421 = arith.addi %mul3A_420, %iota3A : vector<16xi32>
      tpu.vector_store_idx %arg5[%add3A_421], %abs3A_397 {add = true} : memref<768xf32, #tpu.memory_space<vmem>>[vector<16xi32>], vector<16xf32>,
      %add3A_422 = arith.constant 176 : i32
      %add3A_423 = arith.addi %mul3A_109, %add3A_422 : i32
      %get3A_424 = arith.index_cast %add3A_423 : i32 to index
      %get3A_425 = tpu.vector_load %arg4[%get3A_424] {strides = array<i32>} : memref<16384xf32, #tpu.memory_space<vmem>>, vector<16xf32>,
      %abs3A_426 = math.absf %get3A_425 : vector<16xf32>
      %div3A_427 = vector.broadcast %scan3A_101 : f32 to vector<16xf32>
      %div3A_428 = arith.divf %abs3A_426, %div3A_427 : vector<16xf32>
      %convert_element_type3A_429 = arith.fptosi %div3A_428 : vector<16xf32> to vector<16xi32>
      %min3A_430 = arith.constant 14 : i32
      %min3A_431 = vector.broadcast %min3A_430 : i32 to vector<16xi32>
      %min3A_432 = arith.minsi %convert_element_type3A_429, %min3A_431 : vector<16xi32>
      %lt3A_433 = arith.constant 0.000000e+00 : f32
      %lt3A_434 = vector.broadcast %lt3A_433 : f32 to vector<16xf32>
      %lt3A_435 = arith.cmpf olt, %get3A_425, %lt3A_434 : vector<16xf32>
      %add3A_436 = arith.constant 15 : i32
      %add3A_437 = vector.broadcast %add3A_436 : i32 to vector<16xi32>
      %add3A_438 = arith.addi %min3A_432, %add3A_437 : vector<16xi32>
      %select_n3A_439 = arith.select %lt3A_435, %add3A_438, %min3A_432 : vector<16xi1>, vector<16xi32>
      %mul3A_440 = arith.constant 16 : i32
      %mul3A_441 = vector.broadcast %mul3A_440 : i32 to vector<16xi32>
      %mul3A_442 = arith.muli %select_n3A_439, %mul3A_441 : vector<16xi32>
      %add3A_443 = arith.addi %mul3A_442, %iota3A : vector<16xi32>
      tpu.vector_store_idx %arg5[%add3A_443], %broadcast_in_dim3A_100 {add = true} : memref<768xf32, #tpu.memory_space<vmem>>[vector<16xi32>], vector<16xf32>,
      %add3A_444 = arith.constant 30 : i32
      %add3A_445 = vector.broadcast %add3A_444 : i32 to vector<16xi32>
      %add3A_446 = arith.addi %min3A_432, %add3A_445 : vector<16xi32>
      %mul3A_447 = arith.constant 16 : i32
      %mul3A_448 = vector.broadcast %mul3A_447 : i32 to vector<16xi32>
      %mul3A_449 = arith.muli %add3A_446, %mul3A_448 : vector<16xi32>
      %add3A_450 = arith.addi %mul3A_449, %iota3A : vector<16xi32>
      tpu.vector_store_idx %arg5[%add3A_450], %abs3A_426 {add = true} : memref<768xf32, #tpu.memory_space<vmem>>[vector<16xi32>], vector<16xf32>,
      %add3A_451 = arith.constant 192 : i32
      %add3A_452 = arith.addi %mul3A_109, %add3A_451 : i32
      %get3A_453 = arith.index_cast %add3A_452 : i32 to index
      %get3A_454 = tpu.vector_load %arg4[%get3A_453] {strides = array<i32>} : memref<16384xf32, #tpu.memory_space<vmem>>, vector<16xf32>,
      %abs3A_455 = math.absf %get3A_454 : vector<16xf32>
      %div3A_456 = vector.broadcast %scan3A_101 : f32 to vector<16xf32>
      %div3A_457 = arith.divf %abs3A_455, %div3A_456 : vector<16xf32>
      %convert_element_type3A_458 = arith.fptosi %div3A_457 : vector<16xf32> to vector<16xi32>
      %min3A_459 = arith.constant 14 : i32
      %min3A_460 = vector.broadcast %min3A_459 : i32 to vector<16xi32>
      %min3A_461 = arith.minsi %convert_element_type3A_458, %min3A_460 : vector<16xi32>
      %lt3A_462 = arith.constant 0.000000e+00 : f32
      %lt3A_463 = vector.broadcast %lt3A_462 : f32 to vector<16xf32>
      %lt3A_464 = arith.cmpf olt, %get3A_454, %lt3A_463 : vector<16xf32>
      %add3A_465 = arith.constant 15 : i32
      %add3A_466 = vector.broadcast %add3A_465 : i32 to vector<16xi32>
      %add3A_467 = arith.addi %min3A_461, %add3A_466 : vector<16xi32>
      %select_n3A_468 = arith.select %lt3A_464, %add3A_467, %min3A_461 : vector<16xi1>, vector<16xi32>
      %mul3A_469 = arith.constant 16 : i32
      %mul3A_470 = vector.broadcast %mul3A_469 : i32 to vector<16xi32>
      %mul3A_471 = arith.muli %select_n3A_468, %mul3A_470 : vector<16xi32>
      %add3A_472 = arith.addi %mul3A_471, %iota3A : vector<16xi32>
      tpu.vector_store_idx %arg5[%add3A_472], %broadcast_in_dim3A_100 {add = true} : memref<768xf32, #tpu.memory_space<vmem>>[vector<16xi32>], vector<16xf32>,
      %add3A_473 = arith.constant 30 : i32
      %add3A_474 = vector.broadcast %add3A_473 : i32 to vector<16xi32>
      %add3A_475 = arith.addi %min3A_461, %add3A_474 : vector<16xi32>
      %mul3A_476 = arith.constant 16 : i32
      %mul3A_477 = vector.broadcast %mul3A_476 : i32 to vector<16xi32>
      %mul3A_478 = arith.muli %add3A_475, %mul3A_477 : vector<16xi32>
      %add3A_479 = arith.addi %mul3A_478, %iota3A : vector<16xi32>
      tpu.vector_store_idx %arg5[%add3A_479], %abs3A_455 {add = true} : memref<768xf32, #tpu.memory_space<vmem>>[vector<16xi32>], vector<16xf32>,
      %add3A_480 = arith.constant 208 : i32
      %add3A_481 = arith.addi %mul3A_109, %add3A_480 : i32
      %get3A_482 = arith.index_cast %add3A_481 : i32 to index
      %get3A_483 = tpu.vector_load %arg4[%get3A_482] {strides = array<i32>} : memref<16384xf32, #tpu.memory_space<vmem>>, vector<16xf32>,
      %abs3A_484 = math.absf %get3A_483 : vector<16xf32>
      %div3A_485 = vector.broadcast %scan3A_101 : f32 to vector<16xf32>
      %div3A_486 = arith.divf %abs3A_484, %div3A_485 : vector<16xf32>
      %convert_element_type3A_487 = arith.fptosi %div3A_486 : vector<16xf32> to vector<16xi32>
      %min3A_488 = arith.constant 14 : i32
      %min3A_489 = vector.broadcast %min3A_488 : i32 to vector<16xi32>
      %min3A_490 = arith.minsi %convert_element_type3A_487, %min3A_489 : vector<16xi32>
      %lt3A_491 = arith.constant 0.000000e+00 : f32
      %lt3A_492 = vector.broadcast %lt3A_491 : f32 to vector<16xf32>
      %lt3A_493 = arith.cmpf olt, %get3A_483, %lt3A_492 : vector<16xf32>
      %add3A_494 = arith.constant 15 : i32
      %add3A_495 = vector.broadcast %add3A_494 : i32 to vector<16xi32>
      %add3A_496 = arith.addi %min3A_490, %add3A_495 : vector<16xi32>
      %select_n3A_497 = arith.select %lt3A_493, %add3A_496, %min3A_490 : vector<16xi1>, vector<16xi32>
      %mul3A_498 = arith.constant 16 : i32
      %mul3A_499 = vector.broadcast %mul3A_498 : i32 to vector<16xi32>
      %mul3A_500 = arith.muli %select_n3A_497, %mul3A_499 : vector<16xi32>
      %add3A_501 = arith.addi %mul3A_500, %iota3A : vector<16xi32>
      tpu.vector_store_idx %arg5[%add3A_501], %broadcast_in_dim3A_100 {add = true} : memref<768xf32, #tpu.memory_space<vmem>>[vector<16xi32>], vector<16xf32>,
      %add3A_502 = arith.constant 30 : i32
      %add3A_503 = vector.broadcast %add3A_502 : i32 to vector<16xi32>
      %add3A_504 = arith.addi %min3A_490, %add3A_503 : vector<16xi32>
      %mul3A_505 = arith.constant 16 : i32
      %mul3A_506 = vector.broadcast %mul3A_505 : i32 to vector<16xi32>
      %mul3A_507 = arith.muli %add3A_504, %mul3A_506 : vector<16xi32>
      %add3A_508 = arith.addi %mul3A_507, %iota3A : vector<16xi32>
      tpu.vector_store_idx %arg5[%add3A_508], %abs3A_484 {add = true} : memref<768xf32, #tpu.memory_space<vmem>>[vector<16xi32>], vector<16xf32>,
      %add3A_509 = arith.constant 224 : i32
      %add3A_510 = arith.addi %mul3A_109, %add3A_509 : i32
      %get3A_511 = arith.index_cast %add3A_510 : i32 to index
      %get3A_512 = tpu.vector_load %arg4[%get3A_511] {strides = array<i32>} : memref<16384xf32, #tpu.memory_space<vmem>>, vector<16xf32>,
      %abs3A_513 = math.absf %get3A_512 : vector<16xf32>
      %div3A_514 = vector.broadcast %scan3A_101 : f32 to vector<16xf32>
      %div3A_515 = arith.divf %abs3A_513, %div3A_514 : vector<16xf32>
      %convert_element_type3A_516 = arith.fptosi %div3A_515 : vector<16xf32> to vector<16xi32>
      %min3A_517 = arith.constant 14 : i32
      %min3A_518 = vector.broadcast %min3A_517 : i32 to vector<16xi32>
      %min3A_519 = arith.minsi %convert_element_type3A_516, %min3A_518 : vector<16xi32>
      %lt3A_520 = arith.constant 0.000000e+00 : f32
      %lt3A_521 = vector.broadcast %lt3A_520 : f32 to vector<16xf32>
      %lt3A_522 = arith.cmpf olt, %get3A_512, %lt3A_521 : vector<16xf32>
      %add3A_523 = arith.constant 15 : i32
      %add3A_524 = vector.broadcast %add3A_523 : i32 to vector<16xi32>
      %add3A_525 = arith.addi %min3A_519, %add3A_524 : vector<16xi32>
      %select_n3A_526 = arith.select %lt3A_522, %add3A_525, %min3A_519 : vector<16xi1>, vector<16xi32>
      %mul3A_527 = arith.constant 16 : i32
      %mul3A_528 = vector.broadcast %mul3A_527 : i32 to vector<16xi32>
      %mul3A_529 = arith.muli %select_n3A_526, %mul3A_528 : vector<16xi32>
      %add3A_530 = arith.addi %mul3A_529, %iota3A : vector<16xi32>
      tpu.vector_store_idx %arg5[%add3A_530], %broadcast_in_dim3A_100 {add = true} : memref<768xf32, #tpu.memory_space<vmem>>[vector<16xi32>], vector<16xf32>,
      %add3A_531 = arith.constant 30 : i32
      %add3A_532 = vector.broadcast %add3A_531 : i32 to vector<16xi32>
      %add3A_533 = arith.addi %min3A_519, %add3A_532 : vector<16xi32>
      %mul3A_534 = arith.constant 16 : i32
      %mul3A_535 = vector.broadcast %mul3A_534 : i32 to vector<16xi32>
      %mul3A_536 = arith.muli %add3A_533, %mul3A_535 : vector<16xi32>
      %add3A_537 = arith.addi %mul3A_536, %iota3A : vector<16xi32>
      tpu.vector_store_idx %arg5[%add3A_537], %abs3A_513 {add = true} : memref<768xf32, #tpu.memory_space<vmem>>[vector<16xi32>], vector<16xf32>,
      %add3A_538 = arith.constant 240 : i32
      %add3A_539 = arith.addi %mul3A_109, %add3A_538 : i32
      %get3A_540 = arith.index_cast %add3A_539 : i32 to index
      %get3A_541 = tpu.vector_load %arg4[%get3A_540] {strides = array<i32>} : memref<16384xf32, #tpu.memory_space<vmem>>, vector<16xf32>,
      %abs3A_542 = math.absf %get3A_541 : vector<16xf32>
      %div3A_543 = vector.broadcast %scan3A_101 : f32 to vector<16xf32>
      %div3A_544 = arith.divf %abs3A_542, %div3A_543 : vector<16xf32>
      %convert_element_type3A_545 = arith.fptosi %div3A_544 : vector<16xf32> to vector<16xi32>
      %min3A_546 = arith.constant 14 : i32
      %min3A_547 = vector.broadcast %min3A_546 : i32 to vector<16xi32>
      %min3A_548 = arith.minsi %convert_element_type3A_545, %min3A_547 : vector<16xi32>
      %lt3A_549 = arith.constant 0.000000e+00 : f32
      %lt3A_550 = vector.broadcast %lt3A_549 : f32 to vector<16xf32>
      %lt3A_551 = arith.cmpf olt, %get3A_541, %lt3A_550 : vector<16xf32>
      %add3A_552 = arith.constant 15 : i32
      %add3A_553 = vector.broadcast %add3A_552 : i32 to vector<16xi32>
      %add3A_554 = arith.addi %min3A_548, %add3A_553 : vector<16xi32>
      %select_n3A_555 = arith.select %lt3A_551, %add3A_554, %min3A_548 : vector<16xi1>, vector<16xi32>
      %mul3A_556 = arith.constant 16 : i32
      %mul3A_557 = vector.broadcast %mul3A_556 : i32 to vector<16xi32>
      %mul3A_558 = arith.muli %select_n3A_555, %mul3A_557 : vector<16xi32>
      %add3A_559 = arith.addi %mul3A_558, %iota3A : vector<16xi32>
      tpu.vector_store_idx %arg5[%add3A_559], %broadcast_in_dim3A_100 {add = true} : memref<768xf32, #tpu.memory_space<vmem>>[vector<16xi32>], vector<16xf32>,
      %add3A_560 = arith.constant 30 : i32
      %add3A_561 = vector.broadcast %add3A_560 : i32 to vector<16xi32>
      %add3A_562 = arith.addi %min3A_548, %add3A_561 : vector<16xi32>
      %mul3A_563 = arith.constant 16 : i32
      %mul3A_564 = vector.broadcast %mul3A_563 : i32 to vector<16xi32>
      %mul3A_565 = arith.muli %add3A_562, %mul3A_564 : vector<16xi32>
      %add3A_566 = arith.addi %mul3A_565, %iota3A : vector<16xi32>
      tpu.vector_store_idx %arg5[%add3A_566], %abs3A_542 {add = true} : memref<768xf32, #tpu.memory_space<vmem>>[vector<16xi32>], vector<16xf32>,
    }
    %scan3A_106 = arith.constant 64 : i32
    "tpu.region"() ({
      %run_scoped3A = tpu.sem_alloc : memref<!tpu.dma_semaphore, #tpu.memory_space<semaphore_mem>>
      %dma_start3A = arith.constant 0 : i32
      %dma_start3A_107 = tpu.memref_slice %arg3[%add3A, %dma_start3A] : memref<32x768xf32, #tpu.memory_space<hbm>> -> memref<1x768xf32, #tpu.memory_space<hbm>>
      %dma_start3A_108 = tpu.memref_squeeze %dma_start3A_107 : memref<1x768xf32, #tpu.memory_space<hbm>> -> memref<768xf32, #tpu.memory_space<hbm>>
      %dma_start3A_109 = arith.constant 0 : i32
      %dma_start3A_110 = tpu.memref_slice %arg3[%add3A, %dma_start3A_109] : memref<32x768xf32, #tpu.memory_space<hbm>> -> memref<1x768xf32, #tpu.memory_space<hbm>>
      %dma_start3A_111 = tpu.memref_squeeze %dma_start3A_110 : memref<1x768xf32, #tpu.memory_space<hbm>> -> memref<768xf32, #tpu.memory_space<hbm>>
      tpu.enqueue_dma source(%arg5 : memref<768xf32, #tpu.memory_space<vmem>>) target(%dma_start3A_111 : memref<768xf32, #tpu.memory_space<hbm>>) target_semaphore(%run_scoped3A : memref<!tpu.dma_semaphore, #tpu.memory_space<semaphore_mem>>)
      %dma_wait3A = arith.constant 0 : i32
      %dma_wait3A_112 = tpu.memref_slice %arg3[%add3A, %dma_wait3A] : memref<32x768xf32, #tpu.memory_space<hbm>> -> memref<1x768xf32, #tpu.memory_space<hbm>>
      %dma_wait3A_113 = tpu.memref_squeeze %dma_wait3A_112 : memref<1x768xf32, #tpu.memory_space<hbm>> -> memref<768xf32, #tpu.memory_space<hbm>>
      %dma_wait3A_114 = arith.constant 0 : i32
      %dma_wait3A_115 = tpu.memref_slice %arg3[%add3A, %dma_wait3A_114] : memref<32x768xf32, #tpu.memory_space<hbm>> -> memref<1x768xf32, #tpu.memory_space<hbm>>
      %dma_wait3A_116 = tpu.memref_squeeze %dma_wait3A_115 : memref<1x768xf32, #tpu.memory_space<hbm>> -> memref<768xf32, #tpu.memory_space<hbm>>
      tpu.wait_dma2 semaphore(%run_scoped3A : memref<!tpu.dma_semaphore, #tpu.memory_space<semaphore_mem>>) src(%arg5 : memref<768xf32, #tpu.memory_space<vmem>>) dst(%dma_wait3A_116 : memref<768xf32, #tpu.memory_space<hbm>>)
      tpu.yield
    }) : () -> ()
    return
  }
}

module attributes {stable_mosaic.version = 14 : i64} {
  func.func @_tc_dense_body(%arg0: i32, %arg1: memref<32x65536xf32, #tpu.memory_space<vmem>>, %arg2: memref<65536xi32, #tpu.memory_space<vmem>>, %arg3: memref<65536xf32, #tpu.memory_space<vmem>>) attributes {dimension_semantics = [#tpu.dimension_semantics<arbitrary>], iteration_bounds = array<i64: 8>, scalar_prefetch = 0 : i64, scratch_operands = 0 : i64, tpu.core_type = #tpu.core_type<tc>, window_params = [{transform_indices = @transform_0, window_bounds = array<i64: 32, 65536>}, {transform_indices = @transform_1, window_bounds = array<i64: 65536>}, {transform_indices = @transform_2, window_bounds = array<i64: 65536>}]} {
    %get3A = arith.constant 0 : index
    %get3A_0 = arith.constant 0 : index
    %get3A_1 = vector.load %arg1[%get3A, %get3A_0] : memref<32x65536xf32, #tpu.memory_space<vmem>>, vector<32x65536xf32>
    %exp3A = math.exp %get3A_1 : vector<32x65536xf32>
    %reduce_max3A = arith.constant dense<0xFF800000> : vector<65536xf32>
    %reduce_max3A_2 = vector.multi_reduction <maximumf>, %get3A_1, %reduce_max3A [0] : vector<32x65536xf32> to vector<65536xf32>
    %reduce_sum3A = arith.constant dense<0.000000e+00> : vector<65536xf32>
    %reduce_sum3A_3 = vector.multi_reduction <add>, %exp3A, %reduce_sum3A [0] : vector<32x65536xf32> to vector<65536xf32>
    %iota3A = tpu.iota {dimensions = array<i32: 0>} : vector<32x65536xi32>
    %get3A_4 = arith.constant 0 : index
    %get3A_5 = vector.load %arg2[%get3A_4] : memref<65536xi32, #tpu.memory_space<vmem>>, vector<65536xi32>
    %broadcast_in_dim3A = vector.shape_cast %get3A_5 : vector<65536xi32> to vector<1x65536xi32>
    %eq3A = vector.broadcast %broadcast_in_dim3A : vector<1x65536xi32> to vector<32x65536xi32>
    %eq3A_6 = arith.cmpi eq, %iota3A, %eq3A : vector<32x65536xi32>
    %jit3A = arith.constant 0xFF800000 : f32
    %broadcast_in_dim3A_7 = vector.broadcast %jit3A : f32 to vector<32x65536xf32>
    %select_n3A = arith.select %eq3A_6, %get3A_1, %broadcast_in_dim3A_7 : vector<32x65536xi1>, vector<32x65536xf32>
    %reduce_max3A_8 = arith.constant dense<0xFF800000> : vector<65536xf32>
    %reduce_max3A_9 = vector.multi_reduction <maximumf>, %select_n3A, %reduce_max3A_8 [0] : vector<32x65536xf32> to vector<65536xf32>
    %exp3A_10 = math.exp %reduce_max3A_2 : vector<65536xf32>
    %div3A = arith.divf %exp3A_10, %reduce_sum3A_3 : vector<65536xf32>
    %eq3A_11 = arith.cmpf oeq, %reduce_max3A_9, %reduce_max3A_2 : vector<65536xf32>
    %neg3A = arith.constant 0.000000e+00 : f32
    %neg3A_12 = vector.broadcast %neg3A : f32 to vector<65536xf32>
    %neg3A_13 = arith.subf %neg3A_12, %div3A : vector<65536xf32>
    %select_n3A_14 = arith.select %eq3A_11, %neg3A_13, %div3A : vector<65536xi1>, vector<65536xf32>
    %swap3A = arith.constant 0 : index
    %swap3A_15 = vector.load %arg3[%swap3A] : memref<65536xf32, #tpu.memory_space<vmem>>, vector<65536xf32>
    tpu.vector_store %arg3[%swap3A], %select_n3A_14 {strides = array<i32>} : memref<65536xf32, #tpu.memory_space<vmem>>, vector<65536xf32>,
    return
  }
  func.func @transform_0(%arg0: i32) -> (i32, i32) {
    %add3A = arith.constant 24 : i32
    %add3A_0 = arith.addi %arg0, %add3A : i32
    %c0_i32 = arith.constant 0 : i32
    %c0_i32_1 = arith.constant 0 : i32
    return %c0_i32, %add3A_0 : i32, i32
  }
  func.func @transform_1(%arg0: i32) -> i32 {
    %add3A = arith.constant 24 : i32
    %add3A_0 = arith.addi %arg0, %add3A : i32
    %c0_i32 = arith.constant 0 : i32
    return %add3A_0 : i32
  }
  func.func @transform_2(%arg0: i32) -> i32 {
    %c0_i32 = arith.constant 0 : i32
    return %arg0 : i32
  }
}

module attributes {stable_mosaic.version = 14 : i64} {
  func.func @_tc_dense_body(%arg0: i32, %arg1: memref<32x65536xf32, #tpu.memory_space<vmem>>, %arg2: memref<65536xi32, #tpu.memory_space<vmem>>, %arg3: memref<65536xf32, #tpu.memory_space<vmem>>) attributes {dimension_semantics = [#tpu.dimension_semantics<arbitrary>], iteration_bounds = array<i64: 8>, scalar_prefetch = 0 : i64, scratch_operands = 0 : i64, tpu.core_type = #tpu.core_type<tc>, window_params = [{transform_indices = @transform_0, window_bounds = array<i64: 32, 65536>}, {transform_indices = @transform_1, window_bounds = array<i64: 65536>}, {transform_indices = @transform_2, window_bounds = array<i64: 65536>}]} {
    %get3A = arith.constant 0 : index
    %get3A_0 = arith.constant 0 : index
    %get3A_1 = vector.load %arg1[%get3A, %get3A_0] : memref<32x65536xf32, #tpu.memory_space<vmem>>, vector<32x65536xf32>
    %exp3A = math.exp %get3A_1 : vector<32x65536xf32>
    %reduce_max3A = arith.constant dense<0xFF800000> : vector<65536xf32>
    %reduce_max3A_2 = vector.multi_reduction <maximumf>, %get3A_1, %reduce_max3A [0] : vector<32x65536xf32> to vector<65536xf32>
    %reduce_sum3A = arith.constant dense<0.000000e+00> : vector<65536xf32>
    %reduce_sum3A_3 = vector.multi_reduction <add>, %exp3A, %reduce_sum3A [0] : vector<32x65536xf32> to vector<65536xf32>
    %iota3A = tpu.iota {dimensions = array<i32: 0>} : vector<32x65536xi32>
    %get3A_4 = arith.constant 0 : index
    %get3A_5 = vector.load %arg2[%get3A_4] : memref<65536xi32, #tpu.memory_space<vmem>>, vector<65536xi32>
    %broadcast_in_dim3A = vector.shape_cast %get3A_5 : vector<65536xi32> to vector<1x65536xi32>
    %eq3A = vector.broadcast %broadcast_in_dim3A : vector<1x65536xi32> to vector<32x65536xi32>
    %eq3A_6 = arith.cmpi eq, %iota3A, %eq3A : vector<32x65536xi32>
    %jit3A = arith.constant 0xFF800000 : f32
    %broadcast_in_dim3A_7 = vector.broadcast %jit3A : f32 to vector<32x65536xf32>
    %select_n3A = arith.select %eq3A_6, %get3A_1, %broadcast_in_dim3A_7 : vector<32x65536xi1>, vector<32x65536xf32>
    %reduce_max3A_8 = arith.constant dense<0xFF800000> : vector<65536xf32>
    %reduce_max3A_9 = vector.multi_reduction <maximumf>, %select_n3A, %reduce_max3A_8 [0] : vector<32x65536xf32> to vector<65536xf32>
    %exp3A_10 = math.exp %reduce_max3A_2 : vector<65536xf32>
    %div3A = arith.divf %exp3A_10, %reduce_sum3A_3 : vector<65536xf32>
    %eq3A_11 = arith.cmpf oeq, %reduce_max3A_9, %reduce_max3A_2 : vector<65536xf32>
    %neg3A = arith.constant 0.000000e+00 : f32
    %neg3A_12 = vector.broadcast %neg3A : f32 to vector<65536xf32>
    %neg3A_13 = arith.subf %neg3A_12, %div3A : vector<65536xf32>
    %select_n3A_14 = arith.select %eq3A_11, %neg3A_13, %div3A : vector<65536xi1>, vector<65536xf32>
    %swap3A = arith.constant 0 : index
    %swap3A_15 = vector.load %arg3[%swap3A] : memref<65536xf32, #tpu.memory_space<vmem>>, vector<65536xf32>
    tpu.vector_store %arg3[%swap3A], %select_n3A_14 {strides = array<i32>} : memref<65536xf32, #tpu.memory_space<vmem>>, vector<65536xf32>,
    return
  }
  func.func @transform_0(%arg0: i32) -> (i32, i32) {
    %add3A = arith.constant 8 : i32
    %add3A_0 = arith.addi %arg0, %add3A : i32
    %c0_i32 = arith.constant 0 : i32
    %c0_i32_1 = arith.constant 0 : i32
    return %c0_i32, %add3A_0 : i32, i32
  }
  func.func @transform_1(%arg0: i32) -> i32 {
    %add3A = arith.constant 8 : i32
    %add3A_0 = arith.addi %arg0, %add3A : i32
    %c0_i32 = arith.constant 0 : i32
    return %add3A_0 : i32
  }
  func.func @transform_2(%arg0: i32) -> i32 {
    %c0_i32 = arith.constant 0 : i32
    return %arg0 : i32
  }
}

module attributes {stable_mosaic.version = 14 : i64} {
  func.func @_tc_dense_body(%arg0: i32, %arg1: memref<32x65536xf32, #tpu.memory_space<vmem>>, %arg2: memref<65536xi32, #tpu.memory_space<vmem>>, %arg3: memref<65536xf32, #tpu.memory_space<vmem>>) attributes {dimension_semantics = [#tpu.dimension_semantics<arbitrary>], iteration_bounds = array<i64: 8>, scalar_prefetch = 0 : i64, scratch_operands = 0 : i64, tpu.core_type = #tpu.core_type<tc>, window_params = [{transform_indices = @transform_0, window_bounds = array<i64: 32, 65536>}, {transform_indices = @transform_1, window_bounds = array<i64: 65536>}, {transform_indices = @transform_2, window_bounds = array<i64: 65536>}]} {
    %get3A = arith.constant 0 : index
    %get3A_0 = arith.constant 0 : index
    %get3A_1 = vector.load %arg1[%get3A, %get3A_0] : memref<32x65536xf32, #tpu.memory_space<vmem>>, vector<32x65536xf32>
    %exp3A = math.exp %get3A_1 : vector<32x65536xf32>
    %reduce_max3A = arith.constant dense<0xFF800000> : vector<65536xf32>
    %reduce_max3A_2 = vector.multi_reduction <maximumf>, %get3A_1, %reduce_max3A [0] : vector<32x65536xf32> to vector<65536xf32>
    %reduce_sum3A = arith.constant dense<0.000000e+00> : vector<65536xf32>
    %reduce_sum3A_3 = vector.multi_reduction <add>, %exp3A, %reduce_sum3A [0] : vector<32x65536xf32> to vector<65536xf32>
    %iota3A = tpu.iota {dimensions = array<i32: 0>} : vector<32x65536xi32>
    %get3A_4 = arith.constant 0 : index
    %get3A_5 = vector.load %arg2[%get3A_4] : memref<65536xi32, #tpu.memory_space<vmem>>, vector<65536xi32>
    %broadcast_in_dim3A = vector.shape_cast %get3A_5 : vector<65536xi32> to vector<1x65536xi32>
    %eq3A = vector.broadcast %broadcast_in_dim3A : vector<1x65536xi32> to vector<32x65536xi32>
    %eq3A_6 = arith.cmpi eq, %iota3A, %eq3A : vector<32x65536xi32>
    %jit3A = arith.constant 0xFF800000 : f32
    %broadcast_in_dim3A_7 = vector.broadcast %jit3A : f32 to vector<32x65536xf32>
    %select_n3A = arith.select %eq3A_6, %get3A_1, %broadcast_in_dim3A_7 : vector<32x65536xi1>, vector<32x65536xf32>
    %reduce_max3A_8 = arith.constant dense<0xFF800000> : vector<65536xf32>
    %reduce_max3A_9 = vector.multi_reduction <maximumf>, %select_n3A, %reduce_max3A_8 [0] : vector<32x65536xf32> to vector<65536xf32>
    %exp3A_10 = math.exp %reduce_max3A_2 : vector<65536xf32>
    %div3A = arith.divf %exp3A_10, %reduce_sum3A_3 : vector<65536xf32>
    %eq3A_11 = arith.cmpf oeq, %reduce_max3A_9, %reduce_max3A_2 : vector<65536xf32>
    %neg3A = arith.constant 0.000000e+00 : f32
    %neg3A_12 = vector.broadcast %neg3A : f32 to vector<65536xf32>
    %neg3A_13 = arith.subf %neg3A_12, %div3A : vector<65536xf32>
    %select_n3A_14 = arith.select %eq3A_11, %neg3A_13, %div3A : vector<65536xi1>, vector<65536xf32>
    %swap3A = arith.constant 0 : index
    %swap3A_15 = vector.load %arg3[%swap3A] : memref<65536xf32, #tpu.memory_space<vmem>>, vector<65536xf32>
    tpu.vector_store %arg3[%swap3A], %select_n3A_14 {strides = array<i32>} : memref<65536xf32, #tpu.memory_space<vmem>>, vector<65536xf32>,
    return
  }
  func.func @transform_0(%arg0: i32) -> (i32, i32) {
    %add3A = arith.constant 0 : i32
    %add3A_0 = arith.addi %arg0, %add3A : i32
    %c0_i32 = arith.constant 0 : i32
    %c0_i32_1 = arith.constant 0 : i32
    return %c0_i32, %add3A_0 : i32, i32
  }
  func.func @transform_1(%arg0: i32) -> i32 {
    %add3A = arith.constant 0 : i32
    %add3A_0 = arith.addi %arg0, %add3A : i32
    %c0_i32 = arith.constant 0 : i32
    return %add3A_0 : i32
  }
  func.func @transform_2(%arg0: i32) -> i32 {
    %c0_i32 = arith.constant 0 : i32
    return %arg0 : i32
  }
}

module attributes {stable_mosaic.version = 14 : i64} {
  func.func @_tc_dense_body(%arg0: i32, %arg1: memref<32x65536xf32, #tpu.memory_space<vmem>>, %arg2: memref<65536xi32, #tpu.memory_space<vmem>>, %arg3: memref<65536xf32, #tpu.memory_space<vmem>>) attributes {dimension_semantics = [#tpu.dimension_semantics<arbitrary>], iteration_bounds = array<i64: 8>, scalar_prefetch = 0 : i64, scratch_operands = 0 : i64, tpu.core_type = #tpu.core_type<tc>, window_params = [{transform_indices = @transform_0, window_bounds = array<i64: 32, 65536>}, {transform_indices = @transform_1, window_bounds = array<i64: 65536>}, {transform_indices = @transform_2, window_bounds = array<i64: 65536>}]} {
    %get3A = arith.constant 0 : index
    %get3A_0 = arith.constant 0 : index
    %get3A_1 = vector.load %arg1[%get3A, %get3A_0] : memref<32x65536xf32, #tpu.memory_space<vmem>>, vector<32x65536xf32>
    %exp3A = math.exp %get3A_1 : vector<32x65536xf32>
    %reduce_max3A = arith.constant dense<0xFF800000> : vector<65536xf32>
    %reduce_max3A_2 = vector.multi_reduction <maximumf>, %get3A_1, %reduce_max3A [0] : vector<32x65536xf32> to vector<65536xf32>
    %reduce_sum3A = arith.constant dense<0.000000e+00> : vector<65536xf32>
    %reduce_sum3A_3 = vector.multi_reduction <add>, %exp3A, %reduce_sum3A [0] : vector<32x65536xf32> to vector<65536xf32>
    %iota3A = tpu.iota {dimensions = array<i32: 0>} : vector<32x65536xi32>
    %get3A_4 = arith.constant 0 : index
    %get3A_5 = vector.load %arg2[%get3A_4] : memref<65536xi32, #tpu.memory_space<vmem>>, vector<65536xi32>
    %broadcast_in_dim3A = vector.shape_cast %get3A_5 : vector<65536xi32> to vector<1x65536xi32>
    %eq3A = vector.broadcast %broadcast_in_dim3A : vector<1x65536xi32> to vector<32x65536xi32>
    %eq3A_6 = arith.cmpi eq, %iota3A, %eq3A : vector<32x65536xi32>
    %jit3A = arith.constant 0xFF800000 : f32
    %broadcast_in_dim3A_7 = vector.broadcast %jit3A : f32 to vector<32x65536xf32>
    %select_n3A = arith.select %eq3A_6, %get3A_1, %broadcast_in_dim3A_7 : vector<32x65536xi1>, vector<32x65536xf32>
    %reduce_max3A_8 = arith.constant dense<0xFF800000> : vector<65536xf32>
    %reduce_max3A_9 = vector.multi_reduction <maximumf>, %select_n3A, %reduce_max3A_8 [0] : vector<32x65536xf32> to vector<65536xf32>
    %exp3A_10 = math.exp %reduce_max3A_2 : vector<65536xf32>
    %div3A = arith.divf %exp3A_10, %reduce_sum3A_3 : vector<65536xf32>
    %eq3A_11 = arith.cmpf oeq, %reduce_max3A_9, %reduce_max3A_2 : vector<65536xf32>
    %neg3A = arith.constant 0.000000e+00 : f32
    %neg3A_12 = vector.broadcast %neg3A : f32 to vector<65536xf32>
    %neg3A_13 = arith.subf %neg3A_12, %div3A : vector<65536xf32>
    %select_n3A_14 = arith.select %eq3A_11, %neg3A_13, %div3A : vector<65536xi1>, vector<65536xf32>
    %swap3A = arith.constant 0 : index
    %swap3A_15 = vector.load %arg3[%swap3A] : memref<65536xf32, #tpu.memory_space<vmem>>, vector<65536xf32>
    tpu.vector_store %arg3[%swap3A], %select_n3A_14 {strides = array<i32>} : memref<65536xf32, #tpu.memory_space<vmem>>, vector<65536xf32>,
    return
  }
  func.func @transform_0(%arg0: i32) -> (i32, i32) {
    %add3A = arith.constant 16 : i32
    %add3A_0 = arith.addi %arg0, %add3A : i32
    %c0_i32 = arith.constant 0 : i32
    %c0_i32_1 = arith.constant 0 : i32
    return %c0_i32, %add3A_0 : i32, i32
  }
  func.func @transform_1(%arg0: i32) -> i32 {
    %add3A = arith.constant 16 : i32
    %add3A_0 = arith.addi %arg0, %add3A : i32
    %c0_i32 = arith.constant 0 : i32
    return %add3A_0 : i32
  }
  func.func @transform_2(%arg0: i32) -> i32 {
    %c0_i32 = arith.constant 0 : i32
    return %arg0 : i32
  }
}

module attributes {stable_mosaic.version = 14 : i64} {
  func.func @_tc_finish_body(%arg0: memref<128x48x16xf32, #tpu.memory_space<vmem>>, %arg1: memref<15xf32, #tpu.memory_space<vmem>>, %arg2: memref<15xf32, #tpu.memory_space<vmem>>, %arg3: memref<15xi32, #tpu.memory_space<vmem>>, %arg4: memref<15xf32, #tpu.memory_space<vmem>>, %arg5: memref<15xf32, #tpu.memory_space<vmem>>) attributes {dimension_semantics = [], scalar_prefetch = 0 : i64, scratch_operands = 0 : i64, tpu.core_type = #tpu.core_type<tc>} {
    %get3A = arith.constant 0 : index
    %get3A_0 = arith.constant 0 : index
    %get3A_1 = arith.constant 0 : index
    %get3A_2 = vector.load %arg0[%get3A, %get3A_0, %get3A_1] : memref<128x48x16xf32, #tpu.memory_space<vmem>>, vector<128x48x16xf32>
    %reduce_sum3A = arith.constant dense<0.000000e+00> : vector<48x16xf32>
    %reduce_sum3A_3 = vector.multi_reduction <add>, %get3A_2, %reduce_sum3A [0] : vector<128x48x16xf32> to vector<48x16xf32>
    %reduce_sum3A_4 = arith.constant dense<0.000000e+00> : vector<48xf32>
    %reduce_sum3A_5 = vector.multi_reduction <add>, %reduce_sum3A_3, %reduce_sum3A_4 [1] : vector<48x16xf32> to vector<48xf32>
    %slice3A = vector.extract_strided_slice %reduce_sum3A_5 {offsets = [15], sizes = [15], strides = [1]} : vector<48xf32> to vector<15xf32>
    %slice3A_6 = vector.extract_strided_slice %reduce_sum3A_5 {offsets = [0], sizes = [15], strides = [1]} : vector<48xf32> to vector<15xf32>
    %add3A = arith.addf %slice3A_6, %slice3A : vector<15xf32>
    %slice3A_7 = vector.extract_strided_slice %reduce_sum3A_5 {offsets = [30], sizes = [15], strides = [1]} : vector<48xf32> to vector<15xf32>
    %gt3A = arith.constant 0.000000e+00 : f32
    %gt3A_8 = vector.broadcast %gt3A : f32 to vector<15xf32>
    %gt3A_9 = arith.cmpf ogt, %add3A, %gt3A_8 : vector<15xf32>
    %jit3A = arith.constant 1.000000e+00 : f32
    %broadcast_in_dim3A = vector.broadcast %jit3A : f32 to vector<15xf32>
    %select_n3A = arith.select %gt3A_9, %add3A, %broadcast_in_dim3A : vector<15xi1>, vector<15xf32>
    %swap3A = arith.constant 0 : index
    %swap3A_10 = vector.load %arg1[%swap3A] : memref<15xf32, #tpu.memory_space<vmem>>, vector<15xf32>
    tpu.vector_store %arg1[%swap3A], %slice3A_7 {strides = array<i32>} : memref<15xf32, #tpu.memory_space<vmem>>, vector<15xf32>,
    %swap3A_11 = arith.constant 0 : index
    %swap3A_12 = vector.load %arg2[%swap3A_11] : memref<15xf32, #tpu.memory_space<vmem>>, vector<15xf32>
    tpu.vector_store %arg2[%swap3A_11], %slice3A {strides = array<i32>} : memref<15xf32, #tpu.memory_space<vmem>>, vector<15xf32>,
    %convert_element_type3A = arith.fptosi %add3A : vector<15xf32> to vector<15xi32>
    %swap3A_13 = arith.constant 0 : index
    %swap3A_14 = vector.load %arg3[%swap3A_13] : memref<15xi32, #tpu.memory_space<vmem>>, vector<15xi32>
    tpu.vector_store %arg3[%swap3A_13], %convert_element_type3A {strides = array<i32>} : memref<15xi32, #tpu.memory_space<vmem>>, vector<15xi32>,
    %div3A = arith.divf %slice3A_7, %select_n3A : vector<15xf32>
    %jit3A_15 = arith.constant 0x7FC00000 : f32
    %broadcast_in_dim3A_16 = vector.broadcast %jit3A_15 : f32 to vector<15xf32>
    %select_n3A_17 = arith.select %gt3A_9, %div3A, %broadcast_in_dim3A_16 : vector<15xi1>, vector<15xf32>
    %swap3A_18 = arith.constant 0 : index
    %swap3A_19 = vector.load %arg4[%swap3A_18] : memref<15xf32, #tpu.memory_space<vmem>>, vector<15xf32>
    tpu.vector_store %arg4[%swap3A_18], %select_n3A_17 {strides = array<i32>} : memref<15xf32, #tpu.memory_space<vmem>>, vector<15xf32>,
    %div3A_20 = arith.divf %slice3A, %select_n3A : vector<15xf32>
    %jit3A_21 = arith.constant 0x7FC00000 : f32
    %broadcast_in_dim3A_22 = vector.broadcast %jit3A_21 : f32 to vector<15xf32>
    %select_n3A_23 = arith.select %gt3A_9, %div3A_20, %broadcast_in_dim3A_22 : vector<15xi1>, vector<15xf32>
    %swap3A_24 = arith.constant 0 : index
    %swap3A_25 = vector.load %arg5[%swap3A_24] : memref<15xf32, #tpu.memory_space<vmem>>, vector<15xf32>
    tpu.vector_store %arg5[%swap3A_24], %select_n3A_23 {strides = array<i32>} : memref<15xf32, #tpu.memory_space<vmem>>, vector<15xf32>,
    return
  }
}

</mosaic_0001>

<sc_bundles>
// kernel: kernel.11.cloned.1.call-start
scs
__scs_entry_jumppad:
0x0: {  	(pc) =	sbr.rel $0x88, $3  }
0x1: {  	(tag) =	ssettag $0x0;
	lr =	simm.s32 $0x1  }
0x2: {  	[smem:$0x3F9F] =	sst lr;
	_ =	strace $0xD0000000  }
0x3: {  	_ = 	snop  }
0x4: {  	_ = 	snop  }
0x5: {  	_ = 	snop  }
0x6: {  	_ = 	snop  }
0x7: {  	_ = 	snop  }
__scs_overlays_trampoline_lowered:
0x8: {  	[smem:$0x3FAE] =	sst s0  }
0x9: {  	[smem:$0x3FAF] =	sst s1  }
0xa: {  	[smem:$0x3FB0] =	sst s2  }
0xb: {  	[smem:$0x3FB1] =	sst s3  }
0xc: {  	[smem:$0x3FB2] =	sst s4  }
0xd: {  	[smem:$0x3FB3] =	sst s5  }
0xe: {  	[smem:$0x3FB4] =	sst s6  }
0xf: {  	[smem:$0x3FB5] =	sst s7  }
0x10: {  	[smem:$0x3FB6] =	sst s8  }
0x11: {  	[smem:$0x3FB7] =	sst s9;
	s0 =	simm.s32 @!p0 $0x0  }
0x12: {  	s1 =	sld [smem:$0x3F9D];
	s0 =	simm.s32 @p0 $0x1  }
0x13: {  	[smem:$0x3FB8] =	sst s0;
	s0 =	simm.s32 @!p1 $0x0  }
0x14: {  	s2 =	sld [smem:$0x3F9C];
	s0 =	simm.s32 @p1 $0x1  }
0x15: {  	[smem:$0x3FB9] =	sst s0;
	s0 =	simm.s32 @!p2 $0x0  }
0x16: {  	s3 =	sld [smem:$0x3FDB];
	s0 =	simm.s32 @p2 $0x1  }
0x17: {  	s4 =	simm.s32 $0x1BF5;
	[smem:$0x3FBB] =	sst s0  }
0x18: {  	s0 =	sld [smem:$0x3F9E];
	_ =	swait.ge [sflag:s4], $0x0  }
0x19: {  	s7 =	sld [smem:$0x3F9F]  }
0x1a: {  	s8 =	sadd.s32 $0xFFFFE003, lr  }
0x1b: {  	s9 =	sadd.s32 $0xFFFFFEF7, lr;
	s5 =	simm.s32 $0xFFFFFFFF;
	p2 =	slt.u32 s8, $0xFFFFF086  }
0x1c: {  	p1 =	slt.u32 s9, $0xF7A;
	s5 =	simm.s32 @!p2 $0x0  }
0x1d: {  	s5 =	simm.s32 @p1 $0x1;
	p0 =	seq.s32 s7, s2  }
0x1e: {  	s7 =	smul.u32 @!p0 $0xF7A, s2;
	p2 =	seq.s32 @!p0 s5, $0x0  }
0x1f: {  	s9 =	smul.u32 $0xF7A, s1;
	s8 =	simm.s32 @!p0 $0x1BF5;
	p2 =	por !p2, p0  }
0x20: {  	[sflag:s8] =	ssyncset.s32 @!p0 $0xFFFFF086;
	s6 =	sadd.s32 @!p0 s3, s7;
	s7 =	simm.s32 @!p0 $0x108  }
0x21: {  	s3 =	sadd.s32 s3, s9;
	s6 =	sadd.s32 @!p0 $0x88, s6;
	s7 =	simm.s32 @p2 $0x1082  }
0x22: {  	[simem:s7], [sflag:s8] =	dma.local @!p0 [hbm:s6], $0xF7A  }
0x23: {  	s9 =	sor.u32 $0xD0000000, s2;
	s6 =	simm.s32 $0x108;
	_ =	swait.ge @!p0 [sflag:s8], $0x0  }
0x24: {  	s3 =	sadd.s32 $0x88, s3;
	s6 =	simm.s32 @!p1 $0x1082;
	[sflag:s4] =	ssyncset.s32 $0xFFFFF086  }
0x25: {  	[simem:s6], [sflag:s4] =	dma.local [hbm:s3], $0xF7A  }
0x26: {  	[smem:$0x3F9F] =	sst s1;
	(tag) =	ssettag s2;
	_ =	strace s9  }
0x27: {  	s1 =	sld [smem:$0x3FAF]  }
0x28: {  	s2 =	sld [smem:$0x3FB0]  }
0x29: {  	s4 =	sld [smem:$0x3FB2]  }
0x2a: {  	p0 =	seq.s32 s5, $0x0;
	s5 =	sld [smem:$0x3FB3]  }
0x2b: {  	s6 =	sld [smem:$0x3FB4]  }
0x2c: {  	s7 =	sld [smem:$0x3FB5]  }
0x2d: {  	s3 =	simm.s32 $0x108;
	s8 =	sld [smem:$0x3FB6]  }
0x2e: {  	s3 =	simm.s32 @!p0 $0x1082;
	s9 =	sld [smem:$0x3FB7]  }
0x2f: {  	lr =	sadd.s32 s0, s3;
	s0 =	sld [smem:$0x3FAE]  }
0x30: {  	s3 =	sld [smem:$0x3FB1]  }
0x31: {  	[smem:$0x3FBA] =	sst s10  }
0x32: {  	s10 =	sld [smem:$0x3FB8];
	_ =	sdelay $0x3  }
0x33: {  	p0 =	seq.s32 s10, $0x1;
	s10 =	sld [smem:$0x3FBA];
	_ =	sdelay $0x3  }
0x34: {  	[smem:$0x3FBA] =	sst s10  }
0x35: {  	s10 =	sld [smem:$0x3FB9];
	_ =	sdelay $0x3  }
0x36: {  	p1 =	seq.s32 s10, $0x1;
	s10 =	sld [smem:$0x3FBA];
	_ =	sdelay $0x3  }
0x37: {  	[smem:$0x3FBA] =	sst s10  }
0x38: {  	s10 =	sld [smem:$0x3FBB]  }
0x39: {  	_ = 	snop;
	(pc) =	sbr.ind lr, $3  }
0x3a: {  	_ = 	snop  }
0x3b: {  	_ = 	snop  }
0x3c: {  	p2 =	seq.s32 s10, $0x1;
	s10 =	sld [smem:$0x3FBA]  }
0x3d: {  	_ =	shalt  }
0x3e: {  	_ =	shalt  }
0x3f: {  	_ =	shalt  }
0x40: {  	_ =	shalt  }
0x41: {  	_ =	shalt  }
0x42: {  	_ =	shalt  }
0x43: {  	_ =	shalt  }
0x44: {  	_ =	shalt  }
0x45: {  	_ =	shalt  }
0x46: {  	_ =	shalt  }
0x47: {  	_ =	shalt  }
0x48: {  	_ =	shalt  }
0x49: {  	_ =	shalt  }
0x4a: {  	_ =	shalt  }
0x4b: {  	_ =	shalt  }
0x4c: {  	_ =	shalt  }
0x4d: {  	_ =	shalt  }
0x4e: {  	_ =	shalt  }
0x4f: {  	_ =	shalt  }
0x50: {  	_ =	shalt  }
0x51: {  	_ =	shalt  }
0x52: {  	_ =	shalt  }
0x53: {  	_ =	shalt  }
0x54: {  	_ =	shalt  }
0x55: {  	_ =	shalt  }
0x56: {  	_ =	shalt  }
0x57: {  	_ =	shalt  }
0x58: {  	_ =	shalt  }
0x59: {  	_ =	shalt  }
0x5a: {  	_ =	shalt  }
0x5b: {  	_ =	shalt  }
0x5c: {  	_ =	shalt  }
0x5d: {  	_ =	shalt  }
0x5e: {  	_ =	shalt  }
0x5f: {  	_ =	shalt  }
0x60: {  	_ =	shalt  }
0x61: {  	_ =	shalt  }
0x62: {  	_ =	shalt  }
0x63: {  	_ =	shalt  }
0x64: {  	_ =	shalt  }
0x65: {  	_ =	shalt  }
0x66: {  	_ =	shalt  }
0x67: {  	_ =	shalt  }
0x68: {  	_ =	shalt  }
0x69: {  	_ =	shalt  }
0x6a: {  	_ =	shalt  }
0x6b: {  	_ =	shalt  }
0x6c: {  	_ =	shalt  }
0x6d: {  	_ =	shalt  }
0x6e: {  	_ =	shalt  }
0x6f: {  	_ =	shalt  }
0x70: {  	_ =	shalt  }
0x71: {  	_ =	shalt  }
0x72: {  	_ =	shalt  }
0x73: {  	_ =	shalt  }
0x74: {  	_ =	shalt  }
0x75: {  	_ =	shalt  }
0x76: {  	_ =	shalt  }
0x77: {  	_ =	shalt  }
0x78: {  	_ =	shalt  }
0x79: {  	_ =	shalt  }
0x7a: {  	_ =	shalt  }
0x7b: {  	_ =	shalt  }
0x7c: {  	_ =	shalt  }
0x7d: {  	_ =	shalt  }
0x7e: {  	_ =	shalt  }
0x7f: {  	_ =	shalt  }
0x80: {  	_ =	shalt  }
0x81: {  	_ =	shalt  }
0x82: {  	_ =	shalt  }
0x83: {  	_ =	shalt  }
0x84: {  	_ =	shalt  }
0x85: {  	_ =	shalt  }
0x86: {  	_ =	shalt  }
0x87: {  	_ =	shalt  }
.Lfunc_end0:
.L_simem_size_0:
called_computation_lowered:
.L_overlay_start_0:
0x88: {  	s2 =	sld [smem:$0x3FD9]  }
0x89: {  	s3 =	sld [smem:$0x3FFE];
	_ =	sdelay $0x1  }
0x8a: {  	s1 =	srdreg.scid  }
0x8b: {  	s0 =	sand.u32 $0x1, s1  }
0x8c: {  	s17 =	sshll.u32 s0, $0xA;
	s2 =	sadd.s32 s3, s2  }
0x8d: {  	s2 =	sadd.s32 s2, s17  }
0x8e: {  	[smem:$0x3FC6] =	sst s2  }
0x8f: {  	_ = 	snop  }
0x90: {  	(tm) =	ssettm $0x1  }
0x91: {  	s18 =	sld [smem:$0x3FFB];
	_ =	sdelay $0x3  }
0x92: {  	_ =	strace s18  }
0x93: {  	s2 =	sld [smem:$0x3FFC];
	_ =	sdelay $0x3  }
0x94: {  	_ =	strace s2  }
0x95: {  	s2 =	sld [smem:$0x3FFD];
	_ =	sdelay $0x3  }
0x96: {  	_ =	strace s2  }
0x97: {  	_ =	strace $0x8FFFFFFF  }
0x98: {  	s19 =	sld [smem:$0x3FDB];
	_ =	sdelay $0x1  }
0x99: {  	s20 =	simm.s32 $_scs_section_size  }
0x9a: {  	s4 =	simm.s32 $_size__tile_overlayer_lowered;
	s5 =	simm.s32 $_tile_overlayer_lowered  }
0x9b: {  	s6 =	simm.s32 $0x1BFF;
	s21 =	sshll.u32 s5, $0x1;
	s3 =	sadd.s32 s20, s19  }
0x9c: {  	s22 =	simm.s32 $0x0;
	s4 =	sshll.u32 s4, $0x1;
	s5 =	sadd.s32 s21, s3  }
0x9d: {  	[timem:s22], [sflag:s6] =	dma.local [hbm:s5], s4  }
0x9e: {  	_ =	swait.ge [sflag:s6], s4  }
0x9f: {  	s4 =	ssub.s32 $0x0, s4;
	[sflag:s6] =	ssyncset.done $0x0  }
0xa0: {  	[sflag:s6] =	ssyncadd.s32 s4;
	_ =	sdelay $0x1  }
0xa1: {  	s23 =	simm.s32 $0x1B8B  }
0xa2: {  	_ =	swait.ge [sflag:s23], $0x1  }
0xa3: {  	[sflag:s23] =	ssyncset.done $0x0  }
0xa4: {  	[sflag:s23] =	ssyncadd.s32 $0xFFFFFFFF  }
0xa5: {  	s4 =	sld [smem:$0x0]  }
0xa6: {  	s5 =	sand.u32 $0xFFFFFFFE, s1  }
0xa7: {  	p0 =	sne.s32 s1, s5  }
0xa8: {  	s5 =	sshll.u32 @p0 s5, $0xE  }
0xa9: {  	s5 =	sadd.s32 @p0 $0x11B8D, s5;
	s6 =	sshll.u32 @p0 s4, $0x11  }
0xaa: {  	s5 =	sor.u32 @p0 s6, s5  }
0xab: {  	[sflag:s5] =	ssyncadd.remote.s32 @p0 $0x1;
	_ =	sdelay $0x1  }
0xac: {  	s5 =	simm.s32 @p0 $0x1B8D  }
0xad: {  	_ =	swait.eq @p0 [sflag:s5], $0x1  }
0xae: {  	[sflag:s5] =	ssyncadd.s32 @p0 $0xFFFFFFFF  }
0xaf: {  	s6 =	sshll.u32 @!p0 s1, $0xE  }
0xb0: {  	s6 =	sor.u32 @!p0 $0x4000, s6;
	s5 =	simm.s32 @!p0 $0x1B8D  }
0xb1: {  	s4 =	sshll.u32 @!p0 s4, $0x11;
	s6 =	sadd.s32 @!p0 $0x11B8D, s6;
	_ =	swait.eq @!p0 [sflag:s5], $0x1  }
0xb2: {  	s4 =	sor.u32 @!p0 s4, s6;
	[sflag:s5] =	ssyncadd.s32 @!p0 $0xFFFFFFFF  }
0xb3: {  	s25 =	simm.s32 $0x1B8E;
	s24 =	sld [smem:$0x3FFE];
	[sflag:s4] =	ssyncadd.remote.s32 @!p0 $0x1  }
0xb4: {  	s26 =	simm.s32 $execute0_lowered;
	[smem:$0x3FD2] =	sst s25  }
0xb5: {  	s5 =	sshll.u32 s26, $0x1;
	_ =	strace $0x8000004F;
	[dreg:$0x1] =	wrdreg $0xFFFFFFFF  }
0xb6: {  	s28 =	simm.s32 $_size_execute0_lowered;
	s3 =	sadd.s32 s3, s5;
	[dreg:$0x0] =	wrdreg $0x0  }
0xb7: {  	s5 =	sshll.u32 s28, $0x1;
	[dreg:$0x2] =	wrdreg s3  }
0xb8: {  	[dreg:$0x3] =	wrdreg s5  }
0xb9: {  	[dreg:$0x4] =	wrdreg $0xC0  }
0xba: {  	_ =	task [dreg:s22], $0x5FFFF  }
0xbb: {  	[dreg:$0x1] =	wrdreg $0xFFFFFFFF  }
0xbc: {  	[dreg:$0x0] =	wrdreg $0x60  }
0xbd: {  	[dreg:$0x2] =	wrdreg s24  }
0xbe: {  	[dreg:$0x3] =	wrdreg $0x9  }
0xbf: {  	_ =	task.clear_ibuf [dreg:s22], $0x4FFFF;
	_ =	strace $0x9000004F  }
0xc0: {  	s29 =	simm.s32 $0x9;
	_ =	strace $0x80000051  }
0xc1: {  	_ =	swait.ge [sflag:s29], $0x1  }
0xc2: {  	[sflag:s29] =	ssyncadd.s32 $0xFFFFFFFF  }
0xc3: {  	_ =	strace $0x90000051  }
0xc4: {  	_ =	sfence  }
0xc5: {  	s30 =	sld [smem:$0x0];
	_ =	sdelay $0x2  }
0xc6: {  	s31 =	sshll.u32 s1, $0xD;
	s1 =	sshrl.u32 s1, $0x2  }
0xc7: {  	s4 =	sand.u32 $0x4000, s31;
	s1 =	sadd.s32 s1, s30  }
0xc8: {  	s0 =	sor.u32 s4, s0;
	s1 =	sshll.u32 s1, $0x11  }
0xc9: {  	s0 =	sor.u32 s1, s0  }
0xca: {  	s0 =	sadd.s32 $0x8F2B, s0  }
0xcb: {  	[sflag:s0] =	ssyncadd.remote.s32 $0x1  }
0xcc: {  	_ =	sfence.sel $0xFFFF  }
0xcd: {  	[dreg:$0x0] =	wrdreg $0xFFFFFFFF;
	(pc) =	sbr.abs _section_cstart, $3  }
0xce: {  	[dreg:$0x1] =	wrdreg $0xFFFFFFFF  }
0xcf: {  	_ =	task.clear_ibuf [dreg:s22], $0x2FFFF;
	_ =	strace $0x9FFFFFFF  }
0xd0: {  	(tm) =	ssettm $0x7FFFFFFF  }
0xd1: {  	_ =	shalt  }
tec
execute0_lowered:
.L_overlay_start_1:
0x0: {  	(tag) =	ssettag $0x1  }
0x1: {  	s3 =	rddreg [dreg:$0x0];
	s2 =	simm.s32 $0x0  }
0x2: {  	[smem:$0x7FF] =	sst s2  }
0x3: {  	s0 =	rddreg [dreg:$0x1];
	v0 =	vimm.f32 $6.666667010e-02;
	_ =	strace $0x80000050  }
0x4: {  	(erf) = vrcp.f32 v0  }
0x5: {  	s4 =	srdreg.scid;
	s1 =	stileid.u32  }
0x6: {  	s4 =	sand.u32 $0x1, s4;
	s5 =	sshll.u32 s1, $0x1  }
0x7: {  	s8 =	simm.s32 $0x80;
	s6 =	sshrl.u32 s1, $0x2;
	s5 =	sor.u32 s4, s5  }
0x8: {  	s9 =	simm.s32 $0x400;
	s6 =	smul.u32 $0x1800, s6;
	s7 =	sshll.u32 s5, $0x7  }
0x9: {  	s10 =	simm.s32 $0x0;
	s4 =	ssub.s32 $0x2, s4;
	s7 =	sand.u32 $0x380, s7  }
0xa: {  	s5 =	sshll.u32 s5, $0xB;
	s30 =	sshrl.u32 s4, $0x1;
	s6 =	sor.u32 s6, s7  }
0xb: {  	s5 =	sadd.s32 s5, s3;
	s31 =	ssub.s32 s4, s30;
	s6 =	sshrl.u32 s6, $0x3  }
0xc: {  	v0 =	vlaneseq.u32;
	s7 =	simm.s32 $0x4000;
	s6 =	sadd.s32 s6, s3;
	s3 =	sadd.s32 $0x33E00, s5  }
0xd: {  	v2 =	vimm.f32 $0.0e+00;
	v3 =	vimm.f32 $1.000000000e+00;
	v4 =	vor.u32 $0x1E0, v0;
	s5 =	smax.u32 s31, $0x1;
	s4 =	sadd.s32 $0x43E00, s6;
	s6 =	simm.s32 $0x1;
	v1 =	vpop (erf)  }
.LBB2_1:
0xe: {  	[tilespmem:s2], [sflag:$0x1] =	stream.linear.gather [hbm4b:s3+s2], $0x4000, $0x38;
	[tilespmem:$0x4300] =	vst v63  }
0xf: {  	_ =	swait.ge [sflag:s6], $0x4000  }
0x10: {  	[sflag:s6] =	ssyncset.done $0x0  }
0x11: {  	[sflag:s6] =	ssyncadd.s32 $0xFFFFC000  }
0x12: {  	[tilespmem:$0x4000] =	vst v2  }
0x13: {  	[tilespmem:$0x4010] =	vst v2  }
0x14: {  	[tilespmem:$0x4020] =	vst v2  }
0x15: {  	[tilespmem:$0x4030] =	vst v2  }
0x16: {  	[tilespmem:$0x4040] =	vst v2  }
0x17: {  	[tilespmem:$0x4050] =	vst v2  }
0x18: {  	[tilespmem:$0x4060] =	vst v2  }
0x19: {  	[tilespmem:$0x4070] =	vst v2  }
0x1a: {  	[tilespmem:$0x4080] =	vst v2  }
0x1b: {  	[tilespmem:$0x4090] =	vst v2  }
0x1c: {  	[tilespmem:$0x40A0] =	vst v2  }
0x1d: {  	[tilespmem:$0x40B0] =	vst v2  }
0x1e: {  	[tilespmem:$0x40C0] =	vst v2  }
0x1f: {  	[tilespmem:$0x40D0] =	vst v2  }
0x20: {  	[tilespmem:$0x40E0] =	vst v2  }
0x21: {  	[tilespmem:$0x40F0] =	vst v2  }
0x22: {  	[tilespmem:$0x4100] =	vst v2  }
0x23: {  	[tilespmem:$0x4110] =	vst v2  }
0x24: {  	[tilespmem:$0x4120] =	vst v2  }
0x25: {  	[tilespmem:$0x4130] =	vst v2  }
0x26: {  	[tilespmem:$0x4140] =	vst v2  }
0x27: {  	[tilespmem:$0x4150] =	vst v2  }
0x28: {  	[tilespmem:$0x4160] =	vst v2  }
0x29: {  	[tilespmem:$0x4170] =	vst v2  }
0x2a: {  	[tilespmem:$0x4180] =	vst v2  }
0x2b: {  	[tilespmem:$0x4190] =	vst v2  }
0x2c: {  	[tilespmem:$0x41A0] =	vst v2  }
0x2d: {  	[tilespmem:$0x41B0] =	vst v2  }
0x2e: {  	[tilespmem:$0x41C0] =	vst v2  }
0x2f: {  	[tilespmem:$0x41D0] =	vst v2  }
0x30: {  	[tilespmem:$0x41E0] =	vst v2  }
0x31: {  	[tilespmem:$0x41F0] =	vst v2  }
0x32: {  	[tilespmem:$0x4200] =	vst v2  }
0x33: {  	[tilespmem:$0x4210] =	vst v2  }
0x34: {  	[tilespmem:$0x4220] =	vst v2  }
0x35: {  	[tilespmem:$0x4230] =	vst v2  }
0x36: {  	[tilespmem:$0x4240] =	vst v2  }
0x37: {  	[tilespmem:$0x4250] =	vst v2  }
0x38: {  	[tilespmem:$0x4260] =	vst v2  }
0x39: {  	[tilespmem:$0x4270] =	vst v2  }
0x3a: {  	[tilespmem:$0x4280] =	vst v2  }
0x3b: {  	[tilespmem:$0x4290] =	vst v2  }
0x3c: {  	[tilespmem:$0x42A0] =	vst v2  }
0x3d: {  	[tilespmem:$0x42B0] =	vst v2  }
0x3e: {  	[tilespmem:$0x42C0] =	vst v2  }
0x3f: {  	[tilespmem:$0x42D0] =	vst v2  }
0x40: {  	[tilespmem:$0x42E0] =	vst v2  }
0x41: {  	s11 =	simm.s32 $0x0;
	[tilespmem:$0x42F0] =	vst v2  }
.LBB2_2:
0x42: {  	s12 =	sshra.s32 s11, $0x2  }
0x43: {  	v5 =	vld [tilespmem:s12+$0x0];
	_ =	sdelay $0x4  }
0x44: {  	v6 =	vand.u32 $0x7FFFFFFF, v5  }
0x45: {  	v7 =	vmul.f32 v6, v1;
	_ =	sdelay $0x1  }
0x46: {  	v7 =	vtrunc.f32 v7  }
0x47: {  	v7 =	vcvt.f32.s32 v7;
	_ =	sdelay $0x1  }
0x48: {  	vm0 =	vlt.s32 v7, $0xE  }
0x49: {  	v7 =	vnsel vm0, $0xE, v7  }
0x4a: {  	v7 =	vshll.u32 v7, $0x4  }
0x4b: {  	vm9 =	vlt.f32 v5, $0.0e+00;
	v5 =	vadd.s32 $0xF0, v7  }
0x4c: {  	v5 =	vsel vm9, v5, v7  }
0x4d: {  	v5 =	vor.u32 v0, v5  }
0x4e: {  	v7 =	vadd.s32 v4, v7;
	_ =	sdelay $0x3  }
0x4f: {  	[tilespmem:v5+s7+$0x0] =	vst.idx.add.f32.msk $0xffff, v3  }
0x50: {  	[tilespmem:v7+s7+$0x0] =	vst.idx.add.f32.msk $0xffff, v6  }
0x51: {  	v5 =	vld [tilespmem:s12+$0x10];
	_ =	sdelay $0x4  }
0x52: {  	v6 =	vand.u32 $0x7FFFFFFF, v5  }
0x53: {  	v7 =	vmul.f32 v6, v1;
	_ =	sdelay $0x1  }
0x54: {  	v7 =	vtrunc.f32 v7  }
0x55: {  	v7 =	vcvt.f32.s32 v7;
	_ =	sdelay $0x1  }
0x56: {  	vm10 =	vlt.s32 v7, $0xE  }
0x57: {  	v7 =	vnsel vm10, $0xE, v7  }
0x58: {  	v7 =	vshll.u32 v7, $0x4  }
0x59: {  	vm11 =	vlt.f32 v5, $0.0e+00;
	v5 =	vadd.s32 $0xF0, v7  }
0x5a: {  	v5 =	vsel vm11, v5, v7  }
0x5b: {  	v5 =	vor.u32 v0, v5  }
0x5c: {  	v7 =	vadd.s32 v4, v7;
	_ =	sdelay $0x3  }
0x5d: {  	[tilespmem:v5+s7+$0x0] =	vst.idx.add.f32.msk $0xffff, v3  }
0x5e: {  	[tilespmem:v7+s7+$0x0] =	vst.idx.add.f32.msk $0xffff, v6  }
0x5f: {  	v5 =	vld [tilespmem:s12+$0x20];
	_ =	sdelay $0x4  }
0x60: {  	v6 =	vand.u32 $0x7FFFFFFF, v5  }
0x61: {  	v7 =	vmul.f32 v6, v1;
	_ =	sdelay $0x1  }
0x62: {  	v7 =	vtrunc.f32 v7  }
0x63: {  	v7 =	vcvt.f32.s32 v7;
	_ =	sdelay $0x1  }
0x64: {  	vm12 =	vlt.s32 v7, $0xE  }
0x65: {  	v7 =	vnsel vm12, $0xE, v7  }
0x66: {  	v7 =	vshll.u32 v7, $0x4  }
0x67: {  	vm13 =	vlt.f32 v5, $0.0e+00;
	v5 =	vadd.s32 $0xF0, v7  }
0x68: {  	v5 =	vsel vm13, v5, v7  }
0x69: {  	v5 =	vor.u32 v0, v5  }
0x6a: {  	v7 =	vadd.s32 v4, v7;
	_ =	sdelay $0x3  }
0x6b: {  	[tilespmem:v5+s7+$0x0] =	vst.idx.add.f32.msk $0xffff, v3  }
0x6c: {  	[tilespmem:v7+s7+$0x0] =	vst.idx.add.f32.msk $0xffff, v6  }
0x6d: {  	v5 =	vld [tilespmem:s12+$0x30];
	_ =	sdelay $0x4  }
0x6e: {  	v6 =	vand.u32 $0x7FFFFFFF, v5  }
0x6f: {  	v7 =	vmul.f32 v6, v1;
	_ =	sdelay $0x1  }
0x70: {  	v7 =	vtrunc.f32 v7  }
0x71: {  	v7 =	vcvt.f32.s32 v7;
	_ =	sdelay $0x1  }
0x72: {  	vm14 =	vlt.s32 v7, $0xE  }
0x73: {  	v7 =	vnsel vm14, $0xE, v7  }
0x74: {  	v7 =	vshll.u32 v7, $0x4  }
0x75: {  	vm15 =	vlt.f32 v5, $0.0e+00;
	v5 =	vadd.s32 $0xF0, v7  }
0x76: {  	v5 =	vsel vm15, v5, v7  }
0x77: {  	v5 =	vor.u32 v0, v5  }
0x78: {  	v7 =	vadd.s32 v4, v7;
	_ =	sdelay $0x3  }
0x79: {  	[tilespmem:v5+s7+$0x0] =	vst.idx.add.f32.msk $0xffff, v3  }
0x7a: {  	[tilespmem:v7+s7+$0x0] =	vst.idx.add.f32.msk $0xffff, v6  }
0x7b: {  	v5 =	vld [tilespmem:s12+$0x40];
	_ =	sdelay $0x4  }
0x7c: {  	v6 =	vand.u32 $0x7FFFFFFF, v5  }
0x7d: {  	v7 =	vmul.f32 v6, v1;
	_ =	sdelay $0x1  }
0x7e: {  	v7 =	vtrunc.f32 v7  }
0x7f: {  	v7 =	vcvt.f32.s32 v7;
	_ =	sdelay $0x1  }
0x80: {  	vm4 =	vlt.s32 v7, $0xE  }
0x81: {  	v7 =	vnsel vm4, $0xE, v7  }
0x82: {  	v7 =	vshll.u32 v7, $0x4  }
0x83: {  	vm5 =	vlt.f32 v5, $0.0e+00;
	v5 =	vadd.s32 $0xF0, v7  }
0x84: {  	v5 =	vsel vm5, v5, v7  }
0x85: {  	v5 =	vor.u32 v0, v5  }
0x86: {  	v7 =	vadd.s32 v4, v7;
	_ =	sdelay $0x3  }
0x87: {  	[tilespmem:v5+s7+$0x0] =	vst.idx.add.f32.msk $0xffff, v3  }
0x88: {  	[tilespmem:v7+s7+$0x0] =	vst.idx.add.f32.msk $0xffff, v6  }
0x89: {  	v5 =	vld [tilespmem:s12+$0x50];
	_ =	sdelay $0x4  }
0x8a: {  	v6 =	vand.u32 $0x7FFFFFFF, v5  }
0x8b: {  	v7 =	vmul.f32 v6, v1;
	_ =	sdelay $0x1  }
0x8c: {  	v7 =	vtrunc.f32 v7  }
0x8d: {  	v7 =	vcvt.f32.s32 v7;
	_ =	sdelay $0x1  }
0x8e: {  	vm6 =	vlt.s32 v7, $0xE  }
0x8f: {  	v7 =	vnsel vm6, $0xE, v7  }
0x90: {  	v7 =	vshll.u32 v7, $0x4  }
0x91: {  	vm7 =	vlt.f32 v5, $0.0e+00;
	v5 =	vadd.s32 $0xF0, v7  }
0x92: {  	v5 =	vsel vm7, v5, v7  }
0x93: {  	v5 =	vor.u32 v0, v5  }
0x94: {  	v7 =	vadd.s32 v4, v7;
	_ =	sdelay $0x3  }
0x95: {  	[tilespmem:v5+s7+$0x0] =	vst.idx.add.f32.msk $0xffff, v3  }
0x96: {  	[tilespmem:v7+s7+$0x0] =	vst.idx.add.f32.msk $0xffff, v6  }
0x97: {  	v5 =	vld [tilespmem:s12+$0x60];
	_ =	sdelay $0x4  }
0x98: {  	v6 =	vand.u32 $0x7FFFFFFF, v5  }
0x99: {  	v7 =	vmul.f32 v6, v1;
	_ =	sdelay $0x1  }
0x9a: {  	v7 =	vtrunc.f32 v7  }
0x9b: {  	v7 =	vcvt.f32.s32 v7;
	_ =	sdelay $0x1  }
0x9c: {  	vm8 =	vlt.s32 v7, $0xE  }
0x9d: {  	v7 =	vnsel vm8, $0xE, v7  }
0x9e: {  	v7 =	vshll.u32 v7, $0x4  }
0x9f: {  	vm9 =	vlt.f32 v5, $0.0e+00;
	v5 =	vadd.s32 $0xF0, v7  }
0xa0: {  	v5 =	vsel vm9, v5, v7  }
0xa1: {  	v5 =	vor.u32 v0, v5  }
0xa2: {  	v7 =	vadd.s32 v4, v7;
	_ =	sdelay $0x3  }
0xa3: {  	[tilespmem:v5+s7+$0x0] =	vst.idx.add.f32.msk $0xffff, v3  }
0xa4: {  	[tilespmem:v7+s7+$0x0] =	vst.idx.add.f32.msk $0xffff, v6  }
0xa5: {  	v5 =	vld [tilespmem:s12+$0x70];
	_ =	sdelay $0x4  }
0xa6: {  	v6 =	vand.u32 $0x7FFFFFFF, v5  }
0xa7: {  	v7 =	vmul.f32 v6, v1;
	_ =	sdelay $0x1  }
0xa8: {  	v7 =	vtrunc.f32 v7  }
0xa9: {  	v7 =	vcvt.f32.s32 v7;
	_ =	sdelay $0x1  }
0xaa: {  	vm10 =	vlt.s32 v7, $0xE  }
0xab: {  	v7 =	vnsel vm10, $0xE, v7  }
0xac: {  	v7 =	vshll.u32 v7, $0x4  }
0xad: {  	vm11 =	vlt.f32 v5, $0.0e+00;
	v5 =	vadd.s32 $0xF0, v7  }
0xae: {  	v5 =	vsel vm11, v5, v7  }
0xaf: {  	v5 =	vor.u32 v0, v5  }
0xb0: {  	v7 =	vadd.s32 v4, v7;
	_ =	sdelay $0x3  }
0xb1: {  	[tilespmem:v5+s7+$0x0] =	vst.idx.add.f32.msk $0xffff, v3  }
0xb2: {  	[tilespmem:v7+s7+$0x0] =	vst.idx.add.f32.msk $0xffff, v6  }
0xb3: {  	v5 =	vld [tilespmem:s12+$0x80];
	_ =	sdelay $0x4  }
0xb4: {  	v6 =	vand.u32 $0x7FFFFFFF, v5  }
0xb5: {  	v7 =	vmul.f32 v6, v1;
	_ =	sdelay $0x1  }
0xb6: {  	v7 =	vtrunc.f32 v7  }
0xb7: {  	v7 =	vcvt.f32.s32 v7;
	_ =	sdelay $0x1  }
0xb8: {  	vm12 =	vlt.s32 v7, $0xE  }
0xb9: {  	v7 =	vnsel vm12, $0xE, v7  }
0xba: {  	v7 =	vshll.u32 v7, $0x4  }
0xbb: {  	vm13 =	vlt.f32 v5, $0.0e+00;
	v5 =	vadd.s32 $0xF0, v7  }
0xbc: {  	v5 =	vsel vm13, v5, v7  }
0xbd: {  	v5 =	vor.u32 v0, v5  }
0xbe: {  	v7 =	vadd.s32 v4, v7;
	_ =	sdelay $0x3  }
0xbf: {  	[tilespmem:v5+s7+$0x0] =	vst.idx.add.f32.msk $0xffff, v3  }
0xc0: {  	[tilespmem:v7+s7+$0x0] =	vst.idx.add.f32.msk $0xffff, v6  }
0xc1: {  	v5 =	vld [tilespmem:s12+$0x90];
	_ =	sdelay $0x4  }
0xc2: {  	v6 =	vand.u32 $0x7FFFFFFF, v5  }
0xc3: {  	v7 =	vmul.f32 v6, v1;
	_ =	sdelay $0x1  }
0xc4: {  	v7 =	vtrunc.f32 v7  }
0xc5: {  	v7 =	vcvt.f32.s32 v7;
	_ =	sdelay $0x1  }
0xc6: {  	vm14 =	vlt.s32 v7, $0xE  }
0xc7: {  	v7 =	vnsel vm14, $0xE, v7  }
0xc8: {  	v7 =	vshll.u32 v7, $0x4  }
0xc9: {  	vm15 =	vlt.f32 v5, $0.0e+00;
	v5 =	vadd.s32 $0xF0, v7  }
0xca: {  	v5 =	vsel vm15, v5, v7  }
0xcb: {  	v5 =	vor.u32 v0, v5  }
0xcc: {  	v7 =	vadd.s32 v4, v7;
	_ =	sdelay $0x3  }
0xcd: {  	[tilespmem:v5+s7+$0x0] =	vst.idx.add.f32.msk $0xffff, v3  }
0xce: {  	[tilespmem:v7+s7+$0x0] =	vst.idx.add.f32.msk $0xffff, v6  }
0xcf: {  	v5 =	vld [tilespmem:s12+$0xA0];
	_ =	sdelay $0x4  }
0xd0: {  	v6 =	vand.u32 $0x7FFFFFFF, v5  }
0xd1: {  	v7 =	vmul.f32 v6, v1;
	_ =	sdelay $0x1  }
0xd2: {  	v7 =	vtrunc.f32 v7  }
0xd3: {  	v7 =	vcvt.f32.s32 v7;
	_ =	sdelay $0x1  }
0xd4: {  	vm4 =	vlt.s32 v7, $0xE  }
0xd5: {  	v7 =	vnsel vm4, $0xE, v7  }
0xd6: {  	v7 =	vshll.u32 v7, $0x4  }
0xd7: {  	vm5 =	vlt.f32 v5, $0.0e+00;
	v5 =	vadd.s32 $0xF0, v7  }
0xd8: {  	v5 =	vsel vm5, v5, v7  }
0xd9: {  	v5 =	vor.u32 v0, v5  }
0xda: {  	v7 =	vadd.s32 v4, v7;
	_ =	sdelay $0x3  }
0xdb: {  	[tilespmem:v5+s7+$0x0] =	vst.idx.add.f32.msk $0xffff, v3  }
0xdc: {  	[tilespmem:v7+s7+$0x0] =	vst.idx.add.f32.msk $0xffff, v6  }
0xdd: {  	v5 =	vld [tilespmem:s12+$0xB0];
	_ =	sdelay $0x4  }
0xde: {  	v6 =	vand.u32 $0x7FFFFFFF, v5  }
0xdf: {  	v7 =	vmul.f32 v6, v1;
	_ =	sdelay $0x1  }
0xe0: {  	v7 =	vtrunc.f32 v7  }
0xe1: {  	v7 =	vcvt.f32.s32 v7;
	_ =	sdelay $0x1  }
0xe2: {  	vm6 =	vlt.s32 v7, $0xE  }
0xe3: {  	v7 =	vnsel vm6, $0xE, v7  }
0xe4: {  	v7 =	vshll.u32 v7, $0x4  }
0xe5: {  	vm7 =	vlt.f32 v5, $0.0e+00;
	v5 =	vadd.s32 $0xF0, v7  }
0xe6: {  	v5 =	vsel vm7, v5, v7  }
0xe7: {  	v5 =	vor.u32 v0, v5  }
0xe8: {  	v7 =	vadd.s32 v4, v7;
	_ =	sdelay $0x3  }
0xe9: {  	[tilespmem:v5+s7+$0x0] =	vst.idx.add.f32.msk $0xffff, v3  }
0xea: {  	[tilespmem:v7+s7+$0x0] =	vst.idx.add.f32.msk $0xffff, v6  }
0xeb: {  	v5 =	vld [tilespmem:s12+$0xC0];
	_ =	sdelay $0x4  }
0xec: {  	v6 =	vand.u32 $0x7FFFFFFF, v5  }
0xed: {  	v7 =	vmul.f32 v6, v1;
	_ =	sdelay $0x1  }
0xee: {  	v7 =	vtrunc.f32 v7  }
0xef: {  	v7 =	vcvt.f32.s32 v7;
	_ =	sdelay $0x1  }
0xf0: {  	vm8 =	vlt.s32 v7, $0xE  }
0xf1: {  	v7 =	vnsel vm8, $0xE, v7  }
0xf2: {  	v7 =	vshll.u32 v7, $0x4  }
0xf3: {  	vm9 =	vlt.f32 v5, $0.0e+00;
	v5 =	vadd.s32 $0xF0, v7  }
0xf4: {  	v5 =	vsel vm9, v5, v7  }
0xf5: {  	v5 =	vor.u32 v0, v5  }
0xf6: {  	v7 =	vadd.s32 v4, v7;
	_ =	sdelay $0x3  }
0xf7: {  	[tilespmem:v5+s7+$0x0] =	vst.idx.add.f32.msk $0xffff, v3  }
0xf8: {  	[tilespmem:v7+s7+$0x0] =	vst.idx.add.f32.msk $0xffff, v6  }
0xf9: {  	v5 =	vld [tilespmem:s12+$0xD0];
	_ =	sdelay $0x4  }
0xfa: {  	v6 =	vand.u32 $0x7FFFFFFF, v5  }
0xfb: {  	v7 =	vmul.f32 v6, v1;
	_ =	sdelay $0x1  }
0xfc: {  	v7 =	vtrunc.f32 v7  }
0xfd: {  	v7 =	vcvt.f32.s32 v7;
	_ =	sdelay $0x1  }
0xfe: {  	vm10 =	vlt.s32 v7, $0xE  }
0xff: {  	v7 =	vnsel vm10, $0xE, v7  }
0x100: {  	v7 =	vshll.u32 v7, $0x4  }
0x101: {  	vm11 =	vlt.f32 v5, $0.0e+00;
	v5 =	vadd.s32 $0xF0, v7  }
0x102: {  	v5 =	vsel vm11, v5, v7  }
0x103: {  	v5 =	vor.u32 v0, v5  }
0x104: {  	v7 =	vadd.s32 v4, v7;
	_ =	sdelay $0x3  }
0x105: {  	[tilespmem:v5+s7+$0x0] =	vst.idx.add.f32.msk $0xffff, v3  }
0x106: {  	[tilespmem:v7+s7+$0x0] =	vst.idx.add.f32.msk $0xffff, v6  }
0x107: {  	v5 =	vld [tilespmem:s12+$0xE0];
	_ =	sdelay $0x4  }
0x108: {  	v6 =	vand.u32 $0x7FFFFFFF, v5  }
0x109: {  	v7 =	vmul.f32 v6, v1;
	_ =	sdelay $0x1  }
0x10a: {  	v7 =	vtrunc.f32 v7  }
0x10b: {  	v7 =	vcvt.f32.s32 v7;
	_ =	sdelay $0x1  }
0x10c: {  	vm12 =	vlt.s32 v7, $0xE  }
0x10d: {  	v7 =	vnsel vm12, $0xE, v7  }
0x10e: {  	v7 =	vshll.u32 v7, $0x4  }
0x10f: {  	vm13 =	vlt.f32 v5, $0.0e+00;
	v5 =	vadd.s32 $0xF0, v7  }
0x110: {  	v5 =	vsel vm13, v5, v7  }
0x111: {  	v5 =	vor.u32 v0, v5  }
0x112: {  	v7 =	vadd.s32 v4, v7;
	_ =	sdelay $0x3  }
0x113: {  	[tilespmem:v5+s7+$0x0] =	vst.idx.add.f32.msk $0xffff, v3  }
0x114: {  	[tilespmem:v7+s7+$0x0] =	vst.idx.add.f32.msk $0xffff, v6  }
0x115: {  	v5 =	vld [tilespmem:s12+$0xF0];
	_ =	sdelay $0x4  }
0x116: {  	v6 =	vand.u32 $0x7FFFFFFF, v5  }
0x117: {  	v7 =	vmul.f32 v6, v1;
	_ =	sdelay $0x1  }
0x118: {  	v7 =	vtrunc.f32 v7  }
0x119: {  	v7 =	vcvt.f32.s32 v7;
	_ =	sdelay $0x1  }
0x11a: {  	vm14 =	vlt.s32 v7, $0xE  }
0x11b: {  	v7 =	vnsel vm14, $0xE, v7  }
0x11c: {  	v7 =	vshll.u32 v7, $0x4  }
0x11d: {  	vm15 =	vlt.f32 v5, $0.0e+00;
	v5 =	vadd.s32 $0xF0, v7  }
0x11e: {  	v5 =	vsel vm15, v5, v7  }
0x11f: {  	v5 =	vor.u32 v0, v5  }
0x120: {  	p0 =	sne.s32 s11, $0xFC00;
	v7 =	vadd.s32 v4, v7  }
.Ltmp0:
0x121: {  	_ = 	snop;
	(pc) =	sbr.rel @p0 .LBB2_2-.Ltmp0, $3  }
0x122: {  	_ =	sdelay $0x1  }
0x123: {  	[tilespmem:v5+s7+$0x0] =	vst.idx.add.f32.msk $0xffff, v3  }
0x124: {  	s11 =	sadd.s32 $0x400, s11;
	[tilespmem:v7+s7+$0x0] =	vst.idx.add.f32.msk $0xffff, v6  }
0x125: {  	s10 =	sadd.s32 $0x1, s10  }
0x126: {  	p0 =	sne.s32 s10, s5  }
.Ltmp1:
0x127: {  	_ = 	snop;
	(pc) =	sbr.rel @p0 .LBB2_1-.Ltmp1, $4  }
0x128: {  	[hbm4b:s4+s8] =	stream.strided.scatter [tilespmem:s7], [sflag:$0x1], $0x300, s9, s8, $0x38;
	[tilespmem:$0x4300] =	vst v63  }
0x129: {  	_ =	swait.ge [sflag:s6], $0x300  }
0x12a: {  	[sflag:s6] =	ssyncset.done $0x0  }
0x12b: {  	[sflag:s6] =	ssyncadd.s32 $0xFFFFFD00  }
0x12c: {  	_ =	sfence.sel $0x180000  }
0x12d: {  	[bflag:$0x0] =	sbarrier.arrive $0xFFFF  }
0x12e: {  	p0 =	sne.s32 s1, $0x0;
	_ =	strace $0x90000050  }
0x12f: {  	s0 =	sadd.s32 @!p0 $0x100000, s0;
	[bflag:$0x2] =	sbarrier.arrive $0xFFFF  }
0x130: {  	[sflag:s0] =	ssyncadd.tile.s32 @!p0 $0x1;
	_ =	shalt  }
.Lfunc_end2:
_tile_overlayer_lowered:
.L_overlay_start_2:
0x131: {  	(tag) =	ssettag $0x2  }
0x132: {  	s0 =	rddreg [dreg:$0x0];
	s2 =	stileid.u32  }
0x133: {  	s1 =	rddreg [dreg:$0x1];
	p0 =	sne.s32 s2, $0x0  }
0x134: {  	s3 =	rddreg [dreg:$0x2];
	[bflag:$0x3] =	sbarrier.arrive $0xFFFF;
	s2 =	simm.s32 @!p0 $0x1C01  }
0x135: {  	[timem:s3], [sflag:s2] =	dma.local @!p0 [hbm:s0], s1  }
0x136: {  	s0 =	simm.s32 @!p0 $0x1  }
0x137: {  	_ =	swait.ge @!p0 [sflag:s0], s1  }
0x138: {  	s1 =	ssub.s32 @!p0 $0x0, s1;
	[sflag:s0] =	ssyncset.done @!p0 $0x0  }
0x139: {  	[sflag:s0] =	ssyncadd.s32 @!p0 s1  }
0x13a: {  	[bflag:$0x3] =	sbarrier.arrive $0xFFFF  }
0x13b: {  	_ =	shalt  }

// kernel: kernel.14.cloned.1.call-start
scs
__scs_entry_jumppad:
0x0: {  	(pc) =	sbr.rel $0x88, $3  }
0x1: {  	(tag) =	ssettag $0x0;
	lr =	simm.s32 $0x1  }
0x2: {  	[smem:$0x3F9F] =	sst lr;
	_ =	strace $0xD0000000  }
0x3: {  	_ = 	snop  }
0x4: {  	_ = 	snop  }
0x5: {  	_ = 	snop  }
0x6: {  	_ = 	snop  }
0x7: {  	_ = 	snop  }
__scs_overlays_trampoline_lowered:
0x8: {  	[smem:$0x3FAE] =	sst s0  }
0x9: {  	[smem:$0x3FAF] =	sst s1  }
0xa: {  	[smem:$0x3FB0] =	sst s2  }
0xb: {  	[smem:$0x3FB1] =	sst s3  }
0xc: {  	[smem:$0x3FB2] =	sst s4  }
0xd: {  	[smem:$0x3FB3] =	sst s5  }
0xe: {  	[smem:$0x3FB4] =	sst s6  }
0xf: {  	[smem:$0x3FB5] =	sst s7  }
0x10: {  	[smem:$0x3FB6] =	sst s8  }
0x11: {  	[smem:$0x3FB7] =	sst s9;
	s0 =	simm.s32 @!p0 $0x0  }
0x12: {  	s1 =	sld [smem:$0x3F9D];
	s0 =	simm.s32 @p0 $0x1  }
0x13: {  	[smem:$0x3FB8] =	sst s0;
	s0 =	simm.s32 @!p1 $0x0  }
0x14: {  	s2 =	sld [smem:$0x3F9C];
	s0 =	simm.s32 @p1 $0x1  }
0x15: {  	[smem:$0x3FB9] =	sst s0;
	s0 =	simm.s32 @!p2 $0x0  }
0x16: {  	s3 =	sld [smem:$0x3FDB];
	s0 =	simm.s32 @p2 $0x1  }
0x17: {  	s4 =	simm.s32 $0x1BF5;
	[smem:$0x3FBB] =	sst s0  }
0x18: {  	s0 =	sld [smem:$0x3F9E];
	_ =	swait.ge [sflag:s4], $0x0  }
0x19: {  	s7 =	sld [smem:$0x3F9F]  }
0x1a: {  	s8 =	sadd.s32 $0xFFFFE003, lr  }
0x1b: {  	s9 =	sadd.s32 $0xFFFFFEF7, lr;
	s5 =	simm.s32 $0xFFFFFFFF;
	p2 =	slt.u32 s8, $0xFFFFF086  }
0x1c: {  	p1 =	slt.u32 s9, $0xF7A;
	s5 =	simm.s32 @!p2 $0x0  }
0x1d: {  	s5 =	simm.s32 @p1 $0x1;
	p0 =	seq.s32 s7, s2  }
0x1e: {  	s7 =	smul.u32 @!p0 $0xF7A, s2;
	p2 =	seq.s32 @!p0 s5, $0x0  }
0x1f: {  	s9 =	smul.u32 $0xF7A, s1;
	s8 =	simm.s32 @!p0 $0x1BF5;
	p2 =	por !p2, p0  }
0x20: {  	[sflag:s8] =	ssyncset.s32 @!p0 $0xFFFFF086;
	s6 =	sadd.s32 @!p0 s3, s7;
	s7 =	simm.s32 @!p0 $0x108  }
0x21: {  	s3 =	sadd.s32 s3, s9;
	s6 =	sadd.s32 @!p0 $0x88, s6;
	s7 =	simm.s32 @p2 $0x1082  }
0x22: {  	[simem:s7], [sflag:s8] =	dma.local @!p0 [hbm:s6], $0xF7A  }
0x23: {  	s9 =	sor.u32 $0xD0000000, s2;
	s6 =	simm.s32 $0x108;
	_ =	swait.ge @!p0 [sflag:s8], $0x0  }
0x24: {  	s3 =	sadd.s32 $0x88, s3;
	s6 =	simm.s32 @!p1 $0x1082;
	[sflag:s4] =	ssyncset.s32 $0xFFFFF086  }
0x25: {  	[simem:s6], [sflag:s4] =	dma.local [hbm:s3], $0xF7A  }
0x26: {  	[smem:$0x3F9F] =	sst s1;
	(tag) =	ssettag s2;
	_ =	strace s9  }
0x27: {  	s1 =	sld [smem:$0x3FAF]  }
0x28: {  	s2 =	sld [smem:$0x3FB0]  }
0x29: {  	s4 =	sld [smem:$0x3FB2]  }
0x2a: {  	p0 =	seq.s32 s5, $0x0;
	s5 =	sld [smem:$0x3FB3]  }
0x2b: {  	s6 =	sld [smem:$0x3FB4]  }
0x2c: {  	s7 =	sld [smem:$0x3FB5]  }
0x2d: {  	s3 =	simm.s32 $0x108;
	s8 =	sld [smem:$0x3FB6]  }
0x2e: {  	s3 =	simm.s32 @!p0 $0x1082;
	s9 =	sld [smem:$0x3FB7]  }
0x2f: {  	lr =	sadd.s32 s0, s3;
	s0 =	sld [smem:$0x3FAE]  }
0x30: {  	s3 =	sld [smem:$0x3FB1]  }
0x31: {  	[smem:$0x3FBA] =	sst s10  }
0x32: {  	s10 =	sld [smem:$0x3FB8];
	_ =	sdelay $0x3  }
0x33: {  	p0 =	seq.s32 s10, $0x1;
	s10 =	sld [smem:$0x3FBA];
	_ =	sdelay $0x3  }
0x34: {  	[smem:$0x3FBA] =	sst s10  }
0x35: {  	s10 =	sld [smem:$0x3FB9];
	_ =	sdelay $0x3  }
0x36: {  	p1 =	seq.s32 s10, $0x1;
	s10 =	sld [smem:$0x3FBA];
	_ =	sdelay $0x3  }
0x37: {  	[smem:$0x3FBA] =	sst s10  }
0x38: {  	s10 =	sld [smem:$0x3FBB]  }
0x39: {  	_ = 	snop;
	(pc) =	sbr.ind lr, $3  }
0x3a: {  	_ = 	snop  }
0x3b: {  	_ = 	snop  }
0x3c: {  	p2 =	seq.s32 s10, $0x1;
	s10 =	sld [smem:$0x3FBA]  }
0x3d: {  	_ =	shalt  }
0x3e: {  	_ =	shalt  }
0x3f: {  	_ =	shalt  }
0x40: {  	_ =	shalt  }
0x41: {  	_ =	shalt  }
0x42: {  	_ =	shalt  }
0x43: {  	_ =	shalt  }
0x44: {  	_ =	shalt  }
0x45: {  	_ =	shalt  }
0x46: {  	_ =	shalt  }
0x47: {  	_ =	shalt  }
0x48: {  	_ =	shalt  }
0x49: {  	_ =	shalt  }
0x4a: {  	_ =	shalt  }
0x4b: {  	_ =	shalt  }
0x4c: {  	_ =	shalt  }
0x4d: {  	_ =	shalt  }
0x4e: {  	_ =	shalt  }
0x4f: {  	_ =	shalt  }
0x50: {  	_ =	shalt  }
0x51: {  	_ =	shalt  }
0x52: {  	_ =	shalt  }
0x53: {  	_ =	shalt  }
0x54: {  	_ =	shalt  }
0x55: {  	_ =	shalt  }
0x56: {  	_ =	shalt  }
0x57: {  	_ =	shalt  }
0x58: {  	_ =	shalt  }
0x59: {  	_ =	shalt  }
0x5a: {  	_ =	shalt  }
0x5b: {  	_ =	shalt  }
0x5c: {  	_ =	shalt  }
0x5d: {  	_ =	shalt  }
0x5e: {  	_ =	shalt  }
0x5f: {  	_ =	shalt  }
0x60: {  	_ =	shalt  }
0x61: {  	_ =	shalt  }
0x62: {  	_ =	shalt  }
0x63: {  	_ =	shalt  }
0x64: {  	_ =	shalt  }
0x65: {  	_ =	shalt  }
0x66: {  	_ =	shalt  }
0x67: {  	_ =	shalt  }
0x68: {  	_ =	shalt  }
0x69: {  	_ =	shalt  }
0x6a: {  	_ =	shalt  }
0x6b: {  	_ =	shalt  }
0x6c: {  	_ =	shalt  }
0x6d: {  	_ =	shalt  }
0x6e: {  	_ =	shalt  }
0x6f: {  	_ =	shalt  }
0x70: {  	_ =	shalt  }
0x71: {  	_ =	shalt  }
0x72: {  	_ =	shalt  }
0x73: {  	_ =	shalt  }
0x74: {  	_ =	shalt  }
0x75: {  	_ =	shalt  }
0x76: {  	_ =	shalt  }
0x77: {  	_ =	shalt  }
0x78: {  	_ =	shalt  }
0x79: {  	_ =	shalt  }
0x7a: {  	_ =	shalt  }
0x7b: {  	_ =	shalt  }
0x7c: {  	_ =	shalt  }
0x7d: {  	_ =	shalt  }
0x7e: {  	_ =	shalt  }
0x7f: {  	_ =	shalt  }
0x80: {  	_ =	shalt  }
0x81: {  	_ =	shalt  }
0x82: {  	_ =	shalt  }
0x83: {  	_ =	shalt  }
0x84: {  	_ =	shalt  }
0x85: {  	_ =	shalt  }
0x86: {  	_ =	shalt  }
0x87: {  	_ =	shalt  }
.Lfunc_end0:
.L_simem_size_0:
called_computation.1_lowered:
.L_overlay_start_0:
0x88: {  	s2 =	sld [smem:$0x3FD9]  }
0x89: {  	s3 =	sld [smem:$0x3FFE];
	_ =	sdelay $0x1  }
0x8a: {  	s1 =	srdreg.scid  }
0x8b: {  	s0 =	sand.u32 $0x1, s1  }
0x8c: {  	s17 =	sshll.u32 s0, $0xA;
	s2 =	sadd.s32 s3, s2  }
0x8d: {  	s2 =	sadd.s32 s2, s17  }
0x8e: {  	[smem:$0x3FC6] =	sst s2  }
0x8f: {  	_ = 	snop  }
0x90: {  	(tm) =	ssettm $0x1  }
0x91: {  	s18 =	sld [smem:$0x3FFB];
	_ =	sdelay $0x3  }
0x92: {  	_ =	strace s18  }
0x93: {  	s2 =	sld [smem:$0x3FFC];
	_ =	sdelay $0x3  }
0x94: {  	_ =	strace s2  }
0x95: {  	s2 =	sld [smem:$0x3FFD];
	_ =	sdelay $0x3  }
0x96: {  	_ =	strace s2  }
0x97: {  	_ =	strace $0x8FFFFFFF  }
0x98: {  	s19 =	sld [smem:$0x3FDB];
	_ =	sdelay $0x1  }
0x99: {  	s20 =	simm.s32 $_scs_section_size  }
0x9a: {  	s4 =	simm.s32 $_size__tile_overlayer_lowered;
	s5 =	simm.s32 $_tile_overlayer_lowered  }
0x9b: {  	s6 =	simm.s32 $0x1BFF;
	s21 =	sshll.u32 s5, $0x1;
	s3 =	sadd.s32 s20, s19  }
0x9c: {  	s22 =	simm.s32 $0x0;
	s4 =	sshll.u32 s4, $0x1;
	s5 =	sadd.s32 s21, s3  }
0x9d: {  	[timem:s22], [sflag:s6] =	dma.local [hbm:s5], s4  }
0x9e: {  	_ =	swait.ge [sflag:s6], s4  }
0x9f: {  	s4 =	ssub.s32 $0x0, s4;
	[sflag:s6] =	ssyncset.done $0x0  }
0xa0: {  	[sflag:s6] =	ssyncadd.s32 s4;
	_ =	sdelay $0x1  }
0xa1: {  	s23 =	simm.s32 $0x1B8B  }
0xa2: {  	_ =	swait.ge [sflag:s23], $0x1  }
0xa3: {  	[sflag:s23] =	ssyncset.done $0x0  }
0xa4: {  	[sflag:s23] =	ssyncadd.s32 $0xFFFFFFFF  }
0xa5: {  	s4 =	sld [smem:$0x0]  }
0xa6: {  	s5 =	sand.u32 $0xFFFFFFFE, s1  }
0xa7: {  	p0 =	sne.s32 s1, s5  }
0xa8: {  	s5 =	sshll.u32 @p0 s5, $0xE  }
0xa9: {  	s5 =	sadd.s32 @p0 $0x11B8D, s5;
	s6 =	sshll.u32 @p0 s4, $0x11  }
0xaa: {  	s5 =	sor.u32 @p0 s6, s5  }
0xab: {  	[sflag:s5] =	ssyncadd.remote.s32 @p0 $0x1;
	_ =	sdelay $0x1  }
0xac: {  	s5 =	simm.s32 @p0 $0x1B8D  }
0xad: {  	_ =	swait.eq @p0 [sflag:s5], $0x1  }
0xae: {  	[sflag:s5] =	ssyncadd.s32 @p0 $0xFFFFFFFF  }
0xaf: {  	s6 =	sshll.u32 @!p0 s1, $0xE  }
0xb0: {  	s6 =	sor.u32 @!p0 $0x4000, s6;
	s5 =	simm.s32 @!p0 $0x1B8D  }
0xb1: {  	s4 =	sshll.u32 @!p0 s4, $0x11;
	s6 =	sadd.s32 @!p0 $0x11B8D, s6;
	_ =	swait.eq @!p0 [sflag:s5], $0x1  }
0xb2: {  	s4 =	sor.u32 @!p0 s4, s6;
	[sflag:s5] =	ssyncadd.s32 @!p0 $0xFFFFFFFF  }
0xb3: {  	s25 =	simm.s32 $0x1B8E;
	s24 =	sld [smem:$0x3FFE];
	[sflag:s4] =	ssyncadd.remote.s32 @!p0 $0x1  }
0xb4: {  	s26 =	simm.s32 $execute0_lowered;
	[smem:$0x3FD2] =	sst s25  }
0xb5: {  	s5 =	sshll.u32 s26, $0x1;
	_ =	strace $0x8000004C;
	[dreg:$0x1] =	wrdreg $0xFFFFFFFF  }
0xb6: {  	s28 =	simm.s32 $_size_execute0_lowered;
	s3 =	sadd.s32 s3, s5;
	[dreg:$0x0] =	wrdreg $0x0  }
0xb7: {  	s5 =	sshll.u32 s28, $0x1;
	[dreg:$0x2] =	wrdreg s3  }
0xb8: {  	[dreg:$0x3] =	wrdreg s5  }
0xb9: {  	[dreg:$0x4] =	wrdreg $0xC0  }
0xba: {  	_ =	task [dreg:s22], $0x5FFFF  }
0xbb: {  	[dreg:$0x1] =	wrdreg $0xFFFFFFFF  }
0xbc: {  	[dreg:$0x0] =	wrdreg $0x60  }
0xbd: {  	[dreg:$0x2] =	wrdreg s24  }
0xbe: {  	[dreg:$0x3] =	wrdreg $0xA  }
0xbf: {  	_ =	task.clear_ibuf [dreg:s22], $0x4FFFF;
	_ =	strace $0x9000004C  }
0xc0: {  	s29 =	simm.s32 $0xA;
	_ =	strace $0x8000004E  }
0xc1: {  	_ =	swait.ge [sflag:s29], $0x1  }
0xc2: {  	[sflag:s29] =	ssyncadd.s32 $0xFFFFFFFF  }
0xc3: {  	_ =	strace $0x9000004E  }
0xc4: {  	_ =	sfence  }
0xc5: {  	s30 =	sld [smem:$0x0];
	_ =	sdelay $0x2  }
0xc6: {  	s31 =	sshll.u32 s1, $0xD;
	s1 =	sshrl.u32 s1, $0x2  }
0xc7: {  	s4 =	sand.u32 $0x4000, s31;
	s1 =	sadd.s32 s1, s30  }
0xc8: {  	s0 =	sor.u32 s4, s0;
	s1 =	sshll.u32 s1, $0x11  }
0xc9: {  	s0 =	sor.u32 s1, s0  }
0xca: {  	s0 =	sadd.s32 $0x8F2B, s0  }
0xcb: {  	[sflag:s0] =	ssyncadd.remote.s32 $0x1  }
0xcc: {  	_ =	sfence.sel $0xFFFF  }
0xcd: {  	[dreg:$0x0] =	wrdreg $0xFFFFFFFF;
	(pc) =	sbr.abs _section_cstart, $3  }
0xce: {  	[dreg:$0x1] =	wrdreg $0xFFFFFFFF  }
0xcf: {  	_ =	task.clear_ibuf [dreg:s22], $0x2FFFF;
	_ =	strace $0x9FFFFFFF  }
0xd0: {  	(tm) =	ssettm $0x7FFFFFFF  }
0xd1: {  	_ =	shalt  }
tec
execute0_lowered:
.L_overlay_start_1:
0x0: {  	(tag) =	ssettag $0x1  }
0x1: {  	s3 =	rddreg [dreg:$0x0];
	s2 =	simm.s32 $0x0  }
0x2: {  	[smem:$0x7FF] =	sst s2  }
0x3: {  	s0 =	rddreg [dreg:$0x1];
	v0 =	vimm.f32 $6.666667010e-02;
	_ =	strace $0x8000004D  }
0x4: {  	(erf) = vrcp.f32 v0  }
0x5: {  	s4 =	srdreg.scid;
	s1 =	stileid.u32  }
0x6: {  	s4 =	sand.u32 $0x1, s4;
	s5 =	sshll.u32 s1, $0x1  }
0x7: {  	s8 =	simm.s32 $0x80;
	s6 =	sshrl.u32 s1, $0x2;
	s5 =	sor.u32 s4, s5  }
0x8: {  	s9 =	simm.s32 $0x400;
	s6 =	smul.u32 $0x1800, s6;
	s7 =	sshll.u32 s5, $0x7  }
0x9: {  	s10 =	simm.s32 $0x0;
	s4 =	ssub.s32 $0x2, s4;
	s7 =	sand.u32 $0x380, s7  }
0xa: {  	s5 =	sshll.u32 s5, $0xB;
	s30 =	sshrl.u32 s4, $0x1;
	s6 =	sor.u32 s6, s7  }
0xb: {  	s5 =	sadd.s32 s5, s3;
	s31 =	ssub.s32 s4, s30;
	s6 =	sshrl.u32 s6, $0x3  }
0xc: {  	v0 =	vlaneseq.u32;
	s7 =	simm.s32 $0x4000;
	s6 =	sadd.s32 s6, s3;
	s3 =	sadd.s32 $0x23200, s5  }
0xd: {  	v2 =	vimm.f32 $0.0e+00;
	v3 =	vimm.f32 $1.000000000e+00;
	v4 =	vor.u32 $0x1E0, v0;
	s5 =	smax.u32 s31, $0x1;
	s4 =	sadd.s32 $0x33200, s6;
	s6 =	simm.s32 $0x1;
	v1 =	vpop (erf)  }
.LBB2_1:
0xe: {  	[tilespmem:s2], [sflag:$0x1] =	stream.linear.gather [hbm4b:s3+s2], $0x4000, $0x38;
	[tilespmem:$0x4300] =	vst v63  }
0xf: {  	_ =	swait.ge [sflag:s6], $0x4000  }
0x10: {  	[sflag:s6] =	ssyncset.done $0x0  }
0x11: {  	[sflag:s6] =	ssyncadd.s32 $0xFFFFC000  }
0x12: {  	[tilespmem:$0x4000] =	vst v2  }
0x13: {  	[tilespmem:$0x4010] =	vst v2  }
0x14: {  	[tilespmem:$0x4020] =	vst v2  }
0x15: {  	[tilespmem:$0x4030] =	vst v2  }
0x16: {  	[tilespmem:$0x4040] =	vst v2  }
0x17: {  	[tilespmem:$0x4050] =	vst v2  }
0x18: {  	[tilespmem:$0x4060] =	vst v2  }
0x19: {  	[tilespmem:$0x4070] =	vst v2  }
0x1a: {  	[tilespmem:$0x4080] =	vst v2  }
0x1b: {  	[tilespmem:$0x4090] =	vst v2  }
0x1c: {  	[tilespmem:$0x40A0] =	vst v2  }
0x1d: {  	[tilespmem:$0x40B0] =	vst v2  }
0x1e: {  	[tilespmem:$0x40C0] =	vst v2  }
0x1f: {  	[tilespmem:$0x40D0] =	vst v2  }
0x20: {  	[tilespmem:$0x40E0] =	vst v2  }
0x21: {  	[tilespmem:$0x40F0] =	vst v2  }
0x22: {  	[tilespmem:$0x4100] =	vst v2  }
0x23: {  	[tilespmem:$0x4110] =	vst v2  }
0x24: {  	[tilespmem:$0x4120] =	vst v2  }
0x25: {  	[tilespmem:$0x4130] =	vst v2  }
0x26: {  	[tilespmem:$0x4140] =	vst v2  }
0x27: {  	[tilespmem:$0x4150] =	vst v2  }
0x28: {  	[tilespmem:$0x4160] =	vst v2  }
0x29: {  	[tilespmem:$0x4170] =	vst v2  }
0x2a: {  	[tilespmem:$0x4180] =	vst v2  }
0x2b: {  	[tilespmem:$0x4190] =	vst v2  }
0x2c: {  	[tilespmem:$0x41A0] =	vst v2  }
0x2d: {  	[tilespmem:$0x41B0] =	vst v2  }
0x2e: {  	[tilespmem:$0x41C0] =	vst v2  }
0x2f: {  	[tilespmem:$0x41D0] =	vst v2  }
0x30: {  	[tilespmem:$0x41E0] =	vst v2  }
0x31: {  	[tilespmem:$0x41F0] =	vst v2  }
0x32: {  	[tilespmem:$0x4200] =	vst v2  }
0x33: {  	[tilespmem:$0x4210] =	vst v2  }
0x34: {  	[tilespmem:$0x4220] =	vst v2  }
0x35: {  	[tilespmem:$0x4230] =	vst v2  }
0x36: {  	[tilespmem:$0x4240] =	vst v2  }
0x37: {  	[tilespmem:$0x4250] =	vst v2  }
0x38: {  	[tilespmem:$0x4260] =	vst v2  }
0x39: {  	[tilespmem:$0x4270] =	vst v2  }
0x3a: {  	[tilespmem:$0x4280] =	vst v2  }
0x3b: {  	[tilespmem:$0x4290] =	vst v2  }
0x3c: {  	[tilespmem:$0x42A0] =	vst v2  }
0x3d: {  	[tilespmem:$0x42B0] =	vst v2  }
0x3e: {  	[tilespmem:$0x42C0] =	vst v2  }
0x3f: {  	[tilespmem:$0x42D0] =	vst v2  }
0x40: {  	[tilespmem:$0x42E0] =	vst v2  }
0x41: {  	s11 =	simm.s32 $0x0;
	[tilespmem:$0x42F0] =	vst v2  }
.LBB2_2:
0x42: {  	s12 =	sshra.s32 s11, $0x2  }
0x43: {  	v5 =	vld [tilespmem:s12+$0x0];
	_ =	sdelay $0x4  }
0x44: {  	v6 =	vand.u32 $0x7FFFFFFF, v5  }
0x45: {  	v7 =	vmul.f32 v6, v1;
	_ =	sdelay $0x1  }
0x46: {  	v7 =	vtrunc.f32 v7  }
0x47: {  	v7 =	vcvt.f32.s32 v7;
	_ =	sdelay $0x1  }
0x48: {  	vm0 =	vlt.s32 v7, $0xE  }
0x49: {  	v7 =	vnsel vm0, $0xE, v7  }
0x4a: {  	v7 =	vshll.u32 v7, $0x4  }
0x4b: {  	vm9 =	vlt.f32 v5, $0.0e+00;
	v5 =	vadd.s32 $0xF0, v7  }
0x4c: {  	v5 =	vsel vm9, v5, v7  }
0x4d: {  	v5 =	vor.u32 v0, v5  }
0x4e: {  	v7 =	vadd.s32 v4, v7;
	_ =	sdelay $0x3  }
0x4f: {  	[tilespmem:v5+s7+$0x0] =	vst.idx.add.f32.msk $0xffff, v3  }
0x50: {  	[tilespmem:v7+s7+$0x0] =	vst.idx.add.f32.msk $0xffff, v6  }
0x51: {  	v5 =	vld [tilespmem:s12+$0x10];
	_ =	sdelay $0x4  }
0x52: {  	v6 =	vand.u32 $0x7FFFFFFF, v5  }
0x53: {  	v7 =	vmul.f32 v6, v1;
	_ =	sdelay $0x1  }
0x54: {  	v7 =	vtrunc.f32 v7  }
0x55: {  	v7 =	vcvt.f32.s32 v7;
	_ =	sdelay $0x1  }
0x56: {  	vm10 =	vlt.s32 v7, $0xE  }
0x57: {  	v7 =	vnsel vm10, $0xE, v7  }
0x58: {  	v7 =	vshll.u32 v7, $0x4  }
0x59: {  	vm11 =	vlt.f32 v5, $0.0e+00;
	v5 =	vadd.s32 $0xF0, v7  }
0x5a: {  	v5 =	vsel vm11, v5, v7  }
0x5b: {  	v5 =	vor.u32 v0, v5  }
0x5c: {  	v7 =	vadd.s32 v4, v7;
	_ =	sdelay $0x3  }
0x5d: {  	[tilespmem:v5+s7+$0x0] =	vst.idx.add.f32.msk $0xffff, v3  }
0x5e: {  	[tilespmem:v7+s7+$0x0] =	vst.idx.add.f32.msk $0xffff, v6  }
0x5f: {  	v5 =	vld [tilespmem:s12+$0x20];
	_ =	sdelay $0x4  }
0x60: {  	v6 =	vand.u32 $0x7FFFFFFF, v5  }
0x61: {  	v7 =	vmul.f32 v6, v1;
	_ =	sdelay $0x1  }
0x62: {  	v7 =	vtrunc.f32 v7  }
0x63: {  	v7 =	vcvt.f32.s32 v7;
	_ =	sdelay $0x1  }
0x64: {  	vm12 =	vlt.s32 v7, $0xE  }
0x65: {  	v7 =	vnsel vm12, $0xE, v7  }
0x66: {  	v7 =	vshll.u32 v7, $0x4  }
0x67: {  	vm13 =	vlt.f32 v5, $0.0e+00;
	v5 =	vadd.s32 $0xF0, v7  }
0x68: {  	v5 =	vsel vm13, v5, v7  }
0x69: {  	v5 =	vor.u32 v0, v5  }
0x6a: {  	v7 =	vadd.s32 v4, v7;
	_ =	sdelay $0x3  }
0x6b: {  	[tilespmem:v5+s7+$0x0] =	vst.idx.add.f32.msk $0xffff, v3  }
0x6c: {  	[tilespmem:v7+s7+$0x0] =	vst.idx.add.f32.msk $0xffff, v6  }
0x6d: {  	v5 =	vld [tilespmem:s12+$0x30];
	_ =	sdelay $0x4  }
0x6e: {  	v6 =	vand.u32 $0x7FFFFFFF, v5  }
0x6f: {  	v7 =	vmul.f32 v6, v1;
	_ =	sdelay $0x1  }
0x70: {  	v7 =	vtrunc.f32 v7  }
0x71: {  	v7 =	vcvt.f32.s32 v7;
	_ =	sdelay $0x1  }
0x72: {  	vm14 =	vlt.s32 v7, $0xE  }
0x73: {  	v7 =	vnsel vm14, $0xE, v7  }
0x74: {  	v7 =	vshll.u32 v7, $0x4  }
0x75: {  	vm15 =	vlt.f32 v5, $0.0e+00;
	v5 =	vadd.s32 $0xF0, v7  }
0x76: {  	v5 =	vsel vm15, v5, v7  }
0x77: {  	v5 =	vor.u32 v0, v5  }
0x78: {  	v7 =	vadd.s32 v4, v7;
	_ =	sdelay $0x3  }
0x79: {  	[tilespmem:v5+s7+$0x0] =	vst.idx.add.f32.msk $0xffff, v3  }
0x7a: {  	[tilespmem:v7+s7+$0x0] =	vst.idx.add.f32.msk $0xffff, v6  }
0x7b: {  	v5 =	vld [tilespmem:s12+$0x40];
	_ =	sdelay $0x4  }
0x7c: {  	v6 =	vand.u32 $0x7FFFFFFF, v5  }
0x7d: {  	v7 =	vmul.f32 v6, v1;
	_ =	sdelay $0x1  }
0x7e: {  	v7 =	vtrunc.f32 v7  }
0x7f: {  	v7 =	vcvt.f32.s32 v7;
	_ =	sdelay $0x1  }
0x80: {  	vm4 =	vlt.s32 v7, $0xE  }
0x81: {  	v7 =	vnsel vm4, $0xE, v7  }
0x82: {  	v7 =	vshll.u32 v7, $0x4  }
0x83: {  	vm5 =	vlt.f32 v5, $0.0e+00;
	v5 =	vadd.s32 $0xF0, v7  }
0x84: {  	v5 =	vsel vm5, v5, v7  }
0x85: {  	v5 =	vor.u32 v0, v5  }
0x86: {  	v7 =	vadd.s32 v4, v7;
	_ =	sdelay $0x3  }
0x87: {  	[tilespmem:v5+s7+$0x0] =	vst.idx.add.f32.msk $0xffff, v3  }
0x88: {  	[tilespmem:v7+s7+$0x0] =	vst.idx.add.f32.msk $0xffff, v6  }
0x89: {  	v5 =	vld [tilespmem:s12+$0x50];
	_ =	sdelay $0x4  }
0x8a: {  	v6 =	vand.u32 $0x7FFFFFFF, v5  }
0x8b: {  	v7 =	vmul.f32 v6, v1;
	_ =	sdelay $0x1  }
0x8c: {  	v7 =	vtrunc.f32 v7  }
0x8d: {  	v7 =	vcvt.f32.s32 v7;
	_ =	sdelay $0x1  }
0x8e: {  	vm6 =	vlt.s32 v7, $0xE  }
0x8f: {  	v7 =	vnsel vm6, $0xE, v7  }
0x90: {  	v7 =	vshll.u32 v7, $0x4  }
0x91: {  	vm7 =	vlt.f32 v5, $0.0e+00;
	v5 =	vadd.s32 $0xF0, v7  }
0x92: {  	v5 =	vsel vm7, v5, v7  }
0x93: {  	v5 =	vor.u32 v0, v5  }
0x94: {  	v7 =	vadd.s32 v4, v7;
	_ =	sdelay $0x3  }
0x95: {  	[tilespmem:v5+s7+$0x0] =	vst.idx.add.f32.msk $0xffff, v3  }
0x96: {  	[tilespmem:v7+s7+$0x0] =	vst.idx.add.f32.msk $0xffff, v6  }
0x97: {  	v5 =	vld [tilespmem:s12+$0x60];
	_ =	sdelay $0x4  }
0x98: {  	v6 =	vand.u32 $0x7FFFFFFF, v5  }
0x99: {  	v7 =	vmul.f32 v6, v1;
	_ =	sdelay $0x1  }
0x9a: {  	v7 =	vtrunc.f32 v7  }
0x9b: {  	v7 =	vcvt.f32.s32 v7;
	_ =	sdelay $0x1  }
0x9c: {  	vm8 =	vlt.s32 v7, $0xE  }
0x9d: {  	v7 =	vnsel vm8, $0xE, v7  }
0x9e: {  	v7 =	vshll.u32 v7, $0x4  }
0x9f: {  	vm9 =	vlt.f32 v5, $0.0e+00;
	v5 =	vadd.s32 $0xF0, v7  }
0xa0: {  	v5 =	vsel vm9, v5, v7  }
0xa1: {  	v5 =	vor.u32 v0, v5  }
0xa2: {  	v7 =	vadd.s32 v4, v7;
	_ =	sdelay $0x3  }
0xa3: {  	[tilespmem:v5+s7+$0x0] =	vst.idx.add.f32.msk $0xffff, v3  }
0xa4: {  	[tilespmem:v7+s7+$0x0] =	vst.idx.add.f32.msk $0xffff, v6  }
0xa5: {  	v5 =	vld [tilespmem:s12+$0x70];
	_ =	sdelay $0x4  }
0xa6: {  	v6 =	vand.u32 $0x7FFFFFFF, v5  }
0xa7: {  	v7 =	vmul.f32 v6, v1;
	_ =	sdelay $0x1  }
0xa8: {  	v7 =	vtrunc.f32 v7  }
0xa9: {  	v7 =	vcvt.f32.s32 v7;
	_ =	sdelay $0x1  }
0xaa: {  	vm10 =	vlt.s32 v7, $0xE  }
0xab: {  	v7 =	vnsel vm10, $0xE, v7  }
0xac: {  	v7 =	vshll.u32 v7, $0x4  }
0xad: {  	vm11 =	vlt.f32 v5, $0.0e+00;
	v5 =	vadd.s32 $0xF0, v7  }
0xae: {  	v5 =	vsel vm11, v5, v7  }
0xaf: {  	v5 =	vor.u32 v0, v5  }
0xb0: {  	v7 =	vadd.s32 v4, v7;
	_ =	sdelay $0x3  }
0xb1: {  	[tilespmem:v5+s7+$0x0] =	vst.idx.add.f32.msk $0xffff, v3  }
0xb2: {  	[tilespmem:v7+s7+$0x0] =	vst.idx.add.f32.msk $0xffff, v6  }
0xb3: {  	v5 =	vld [tilespmem:s12+$0x80];
	_ =	sdelay $0x4  }
0xb4: {  	v6 =	vand.u32 $0x7FFFFFFF, v5  }
0xb5: {  	v7 =	vmul.f32 v6, v1;
	_ =	sdelay $0x1  }
0xb6: {  	v7 =	vtrunc.f32 v7  }
0xb7: {  	v7 =	vcvt.f32.s32 v7;
	_ =	sdelay $0x1  }
0xb8: {  	vm12 =	vlt.s32 v7, $0xE  }
0xb9: {  	v7 =	vnsel vm12, $0xE, v7  }
0xba: {  	v7 =	vshll.u32 v7, $0x4  }
0xbb: {  	vm13 =	vlt.f32 v5, $0.0e+00;
	v5 =	vadd.s32 $0xF0, v7  }
0xbc: {  	v5 =	vsel vm13, v5, v7  }
0xbd: {  	v5 =	vor.u32 v0, v5  }
0xbe: {  	v7 =	vadd.s32 v4, v7;
	_ =	sdelay $0x3  }
0xbf: {  	[tilespmem:v5+s7+$0x0] =	vst.idx.add.f32.msk $0xffff, v3  }
0xc0: {  	[tilespmem:v7+s7+$0x0] =	vst.idx.add.f32.msk $0xffff, v6  }
0xc1: {  	v5 =	vld [tilespmem:s12+$0x90];
	_ =	sdelay $0x4  }
0xc2: {  	v6 =	vand.u32 $0x7FFFFFFF, v5  }
0xc3: {  	v7 =	vmul.f32 v6, v1;
	_ =	sdelay $0x1  }
0xc4: {  	v7 =	vtrunc.f32 v7  }
0xc5: {  	v7 =	vcvt.f32.s32 v7;
	_ =	sdelay $0x1  }
0xc6: {  	vm14 =	vlt.s32 v7, $0xE  }
0xc7: {  	v7 =	vnsel vm14, $0xE, v7  }
0xc8: {  	v7 =	vshll.u32 v7, $0x4  }
0xc9: {  	vm15 =	vlt.f32 v5, $0.0e+00;
	v5 =	vadd.s32 $0xF0, v7  }
0xca: {  	v5 =	vsel vm15, v5, v7  }
0xcb: {  	v5 =	vor.u32 v0, v5  }
0xcc: {  	v7 =	vadd.s32 v4, v7;
	_ =	sdelay $0x3  }
0xcd: {  	[tilespmem:v5+s7+$0x0] =	vst.idx.add.f32.msk $0xffff, v3  }
0xce: {  	[tilespmem:v7+s7+$0x0] =	vst.idx.add.f32.msk $0xffff, v6  }
0xcf: {  	v5 =	vld [tilespmem:s12+$0xA0];
	_ =	sdelay $0x4  }
0xd0: {  	v6 =	vand.u32 $0x7FFFFFFF, v5  }
0xd1: {  	v7 =	vmul.f32 v6, v1;
	_ =	sdelay $0x1  }
0xd2: {  	v7 =	vtrunc.f32 v7  }
0xd3: {  	v7 =	vcvt.f32.s32 v7;
	_ =	sdelay $0x1  }
0xd4: {  	vm4 =	vlt.s32 v7, $0xE  }
0xd5: {  	v7 =	vnsel vm4, $0xE, v7  }
0xd6: {  	v7 =	vshll.u32 v7, $0x4  }
0xd7: {  	vm5 =	vlt.f32 v5, $0.0e+00;
	v5 =	vadd.s32 $0xF0, v7  }
0xd8: {  	v5 =	vsel vm5, v5, v7  }
0xd9: {  	v5 =	vor.u32 v0, v5  }
0xda: {  	v7 =	vadd.s32 v4, v7;
	_ =	sdelay $0x3  }
0xdb: {  	[tilespmem:v5+s7+$0x0] =	vst.idx.add.f32.msk $0xffff, v3  }
0xdc: {  	[tilespmem:v7+s7+$0x0] =	vst.idx.add.f32.msk $0xffff, v6  }
0xdd: {  	v5 =	vld [tilespmem:s12+$0xB0];
	_ =	sdelay $0x4  }
0xde: {  	v6 =	vand.u32 $0x7FFFFFFF, v5  }
0xdf: {  	v7 =	vmul.f32 v6, v1;
	_ =	sdelay $0x1  }
0xe0: {  	v7 =	vtrunc.f32 v7  }
0xe1: {  	v7 =	vcvt.f32.s32 v7;
	_ =	sdelay $0x1  }
0xe2: {  	vm6 =	vlt.s32 v7, $0xE  }
0xe3: {  	v7 =	vnsel vm6, $0xE, v7  }
0xe4: {  	v7 =	vshll.u32 v7, $0x4  }
0xe5: {  	vm7 =	vlt.f32 v5, $0.0e+00;
	v5 =	vadd.s32 $0xF0, v7  }
0xe6: {  	v5 =	vsel vm7, v5, v7  }
0xe7: {  	v5 =	vor.u32 v0, v5  }
0xe8: {  	v7 =	vadd.s32 v4, v7;
	_ =	sdelay $0x3  }
0xe9: {  	[tilespmem:v5+s7+$0x0] =	vst.idx.add.f32.msk $0xffff, v3  }
0xea: {  	[tilespmem:v7+s7+$0x0] =	vst.idx.add.f32.msk $0xffff, v6  }
0xeb: {  	v5 =	vld [tilespmem:s12+$0xC0];
	_ =	sdelay $0x4  }
0xec: {  	v6 =	vand.u32 $0x7FFFFFFF, v5  }
0xed: {  	v7 =	vmul.f32 v6, v1;
	_ =	sdelay $0x1  }
0xee: {  	v7 =	vtrunc.f32 v7  }
0xef: {  	v7 =	vcvt.f32.s32 v7;
	_ =	sdelay $0x1  }
0xf0: {  	vm8 =	vlt.s32 v7, $0xE  }
0xf1: {  	v7 =	vnsel vm8, $0xE, v7  }
0xf2: {  	v7 =	vshll.u32 v7, $0x4  }
0xf3: {  	vm9 =	vlt.f32 v5, $0.0e+00;
	v5 =	vadd.s32 $0xF0, v7  }
0xf4: {  	v5 =	vsel vm9, v5, v7  }
0xf5: {  	v5 =	vor.u32 v0, v5  }
0xf6: {  	v7 =	vadd.s32 v4, v7;
	_ =	sdelay $0x3  }
0xf7: {  	[tilespmem:v5+s7+$0x0] =	vst.idx.add.f32.msk $0xffff, v3  }
0xf8: {  	[tilespmem:v7+s7+$0x0] =	vst.idx.add.f32.msk $0xffff, v6  }
0xf9: {  	v5 =	vld [tilespmem:s12+$0xD0];
	_ =	sdelay $0x4  }
0xfa: {  	v6 =	vand.u32 $0x7FFFFFFF, v5  }
0xfb: {  	v7 =	vmul.f32 v6, v1;
	_ =	sdelay $0x1  }
0xfc: {  	v7 =	vtrunc.f32 v7  }
0xfd: {  	v7 =	vcvt.f32.s32 v7;
	_ =	sdelay $0x1  }
0xfe: {  	vm10 =	vlt.s32 v7, $0xE  }
0xff: {  	v7 =	vnsel vm10, $0xE, v7  }
0x100: {  	v7 =	vshll.u32 v7, $0x4  }
0x101: {  	vm11 =	vlt.f32 v5, $0.0e+00;
	v5 =	vadd.s32 $0xF0, v7  }
0x102: {  	v5 =	vsel vm11, v5, v7  }
0x103: {  	v5 =	vor.u32 v0, v5  }
0x104: {  	v7 =	vadd.s32 v4, v7;
	_ =	sdelay $0x3  }
0x105: {  	[tilespmem:v5+s7+$0x0] =	vst.idx.add.f32.msk $0xffff, v3  }
0x106: {  	[tilespmem:v7+s7+$0x0] =	vst.idx.add.f32.msk $0xffff, v6  }
0x107: {  	v5 =	vld [tilespmem:s12+$0xE0];
	_ =	sdelay $0x4  }
0x108: {  	v6 =	vand.u32 $0x7FFFFFFF, v5  }
0x109: {  	v7 =	vmul.f32 v6, v1;
	_ =	sdelay $0x1  }
0x10a: {  	v7 =	vtrunc.f32 v7  }
0x10b: {  	v7 =	vcvt.f32.s32 v7;
	_ =	sdelay $0x1  }
0x10c: {  	vm12 =	vlt.s32 v7, $0xE  }
0x10d: {  	v7 =	vnsel vm12, $0xE, v7  }
0x10e: {  	v7 =	vshll.u32 v7, $0x4  }
0x10f: {  	vm13 =	vlt.f32 v5, $0.0e+00;
	v5 =	vadd.s32 $0xF0, v7  }
0x110: {  	v5 =	vsel vm13, v5, v7  }
0x111: {  	v5 =	vor.u32 v0, v5  }
0x112: {  	v7 =	vadd.s32 v4, v7;
	_ =	sdelay $0x3  }
0x113: {  	[tilespmem:v5+s7+$0x0] =	vst.idx.add.f32.msk $0xffff, v3  }
0x114: {  	[tilespmem:v7+s7+$0x0] =	vst.idx.add.f32.msk $0xffff, v6  }
0x115: {  	v5 =	vld [tilespmem:s12+$0xF0];
	_ =	sdelay $0x4  }
0x116: {  	v6 =	vand.u32 $0x7FFFFFFF, v5  }
0x117: {  	v7 =	vmul.f32 v6, v1;
	_ =	sdelay $0x1  }
0x118: {  	v7 =	vtrunc.f32 v7  }
0x119: {  	v7 =	vcvt.f32.s32 v7;
	_ =	sdelay $0x1  }
0x11a: {  	vm14 =	vlt.s32 v7, $0xE  }
0x11b: {  	v7 =	vnsel vm14, $0xE, v7  }
0x11c: {  	v7 =	vshll.u32 v7, $0x4  }
0x11d: {  	vm15 =	vlt.f32 v5, $0.0e+00;
	v5 =	vadd.s32 $0xF0, v7  }
0x11e: {  	v5 =	vsel vm15, v5, v7  }
0x11f: {  	v5 =	vor.u32 v0, v5  }
0x120: {  	p0 =	sne.s32 s11, $0xFC00;
	v7 =	vadd.s32 v4, v7  }
.Ltmp0:
0x121: {  	_ = 	snop;
	(pc) =	sbr.rel @p0 .LBB2_2-.Ltmp0, $3  }
0x122: {  	_ =	sdelay $0x1  }
0x123: {  	[tilespmem:v5+s7+$0x0] =	vst.idx.add.f32.msk $0xffff, v3  }
0x124: {  	s11 =	sadd.s32 $0x400, s11;
	[tilespmem:v7+s7+$0x0] =	vst.idx.add.f32.msk $0xffff, v6  }
0x125: {  	s10 =	sadd.s32 $0x1, s10  }
0x126: {  	p0 =	sne.s32 s10, s5  }
.Ltmp1:
0x127: {  	_ = 	snop;
	(pc) =	sbr.rel @p0 .LBB2_1-.Ltmp1, $4  }
0x128: {  	[hbm4b:s4+s8] =	stream.strided.scatter [tilespmem:s7], [sflag:$0x1], $0x300, s9, s8, $0x38;
	[tilespmem:$0x4300] =	vst v63  }
0x129: {  	_ =	swait.ge [sflag:s6], $0x300  }
0x12a: {  	[sflag:s6] =	ssyncset.done $0x0  }
0x12b: {  	[sflag:s6] =	ssyncadd.s32 $0xFFFFFD00  }
0x12c: {  	_ =	sfence.sel $0x180000  }
0x12d: {  	[bflag:$0x0] =	sbarrier.arrive $0xFFFF  }
0x12e: {  	p0 =	sne.s32 s1, $0x0;
	_ =	strace $0x9000004D  }
0x12f: {  	s0 =	sadd.s32 @!p0 $0x100000, s0;
	[bflag:$0x2] =	sbarrier.arrive $0xFFFF  }
0x130: {  	[sflag:s0] =	ssyncadd.tile.s32 @!p0 $0x1;
	_ =	shalt  }
.Lfunc_end2:
_tile_overlayer_lowered:
.L_overlay_start_2:
0x131: {  	(tag) =	ssettag $0x2  }
0x132: {  	s0 =	rddreg [dreg:$0x0];
	s2 =	stileid.u32  }
0x133: {  	s1 =	rddreg [dreg:$0x1];
	p0 =	sne.s32 s2, $0x0  }
0x134: {  	s3 =	rddreg [dreg:$0x2];
	[bflag:$0x3] =	sbarrier.arrive $0xFFFF;
	s2 =	simm.s32 @!p0 $0x1C01  }
0x135: {  	[timem:s3], [sflag:s2] =	dma.local @!p0 [hbm:s0], s1  }
0x136: {  	s0 =	simm.s32 @!p0 $0x1  }
0x137: {  	_ =	swait.ge @!p0 [sflag:s0], s1  }
0x138: {  	s1 =	ssub.s32 @!p0 $0x0, s1;
	[sflag:s0] =	ssyncset.done @!p0 $0x0  }
0x139: {  	[sflag:s0] =	ssyncadd.s32 @!p0 s1  }
0x13a: {  	[bflag:$0x3] =	sbarrier.arrive $0xFFFF  }
0x13b: {  	_ =	shalt  }

// kernel: kernel.17.cloned.1.call-start
scs
__scs_entry_jumppad:
0x0: {  	(pc) =	sbr.rel $0x88, $3  }
0x1: {  	(tag) =	ssettag $0x0;
	lr =	simm.s32 $0x1  }
0x2: {  	[smem:$0x3F9F] =	sst lr;
	_ =	strace $0xD0000000  }
0x3: {  	_ = 	snop  }
0x4: {  	_ = 	snop  }
0x5: {  	_ = 	snop  }
0x6: {  	_ = 	snop  }
0x7: {  	_ = 	snop  }
__scs_overlays_trampoline_lowered:
0x8: {  	[smem:$0x3FAE] =	sst s0  }
0x9: {  	[smem:$0x3FAF] =	sst s1  }
0xa: {  	[smem:$0x3FB0] =	sst s2  }
0xb: {  	[smem:$0x3FB1] =	sst s3  }
0xc: {  	[smem:$0x3FB2] =	sst s4  }
0xd: {  	[smem:$0x3FB3] =	sst s5  }
0xe: {  	[smem:$0x3FB4] =	sst s6  }
0xf: {  	[smem:$0x3FB5] =	sst s7  }
0x10: {  	[smem:$0x3FB6] =	sst s8  }
0x11: {  	[smem:$0x3FB7] =	sst s9;
	s0 =	simm.s32 @!p0 $0x0  }
0x12: {  	s1 =	sld [smem:$0x3F9D];
	s0 =	simm.s32 @p0 $0x1  }
0x13: {  	[smem:$0x3FB8] =	sst s0;
	s0 =	simm.s32 @!p1 $0x0  }
0x14: {  	s2 =	sld [smem:$0x3F9C];
	s0 =	simm.s32 @p1 $0x1  }
0x15: {  	[smem:$0x3FB9] =	sst s0;
	s0 =	simm.s32 @!p2 $0x0  }
0x16: {  	s3 =	sld [smem:$0x3FDB];
	s0 =	simm.s32 @p2 $0x1  }
0x17: {  	s4 =	simm.s32 $0x1BF5;
	[smem:$0x3FBB] =	sst s0  }
0x18: {  	s0 =	sld [smem:$0x3F9E];
	_ =	swait.ge [sflag:s4], $0x0  }
0x19: {  	s7 =	sld [smem:$0x3F9F]  }
0x1a: {  	s8 =	sadd.s32 $0xFFFFE003, lr  }
0x1b: {  	s9 =	sadd.s32 $0xFFFFFEF7, lr;
	s5 =	simm.s32 $0xFFFFFFFF;
	p2 =	slt.u32 s8, $0xFFFFF086  }
0x1c: {  	p1 =	slt.u32 s9, $0xF7A;
	s5 =	simm.s32 @!p2 $0x0  }
0x1d: {  	s5 =	simm.s32 @p1 $0x1;
	p0 =	seq.s32 s7, s2  }
0x1e: {  	s7 =	smul.u32 @!p0 $0xF7A, s2;
	p2 =	seq.s32 @!p0 s5, $0x0  }
0x1f: {  	s9 =	smul.u32 $0xF7A, s1;
	s8 =	simm.s32 @!p0 $0x1BF5;
	p2 =	por !p2, p0  }
0x20: {  	[sflag:s8] =	ssyncset.s32 @!p0 $0xFFFFF086;
	s6 =	sadd.s32 @!p0 s3, s7;
	s7 =	simm.s32 @!p0 $0x108  }
0x21: {  	s3 =	sadd.s32 s3, s9;
	s6 =	sadd.s32 @!p0 $0x88, s6;
	s7 =	simm.s32 @p2 $0x1082  }
0x22: {  	[simem:s7], [sflag:s8] =	dma.local @!p0 [hbm:s6], $0xF7A  }
0x23: {  	s9 =	sor.u32 $0xD0000000, s2;
	s6 =	simm.s32 $0x108;
	_ =	swait.ge @!p0 [sflag:s8], $0x0  }
0x24: {  	s3 =	sadd.s32 $0x88, s3;
	s6 =	simm.s32 @!p1 $0x1082;
	[sflag:s4] =	ssyncset.s32 $0xFFFFF086  }
0x25: {  	[simem:s6], [sflag:s4] =	dma.local [hbm:s3], $0xF7A  }
0x26: {  	[smem:$0x3F9F] =	sst s1;
	(tag) =	ssettag s2;
	_ =	strace s9  }
0x27: {  	s1 =	sld [smem:$0x3FAF]  }
0x28: {  	s2 =	sld [smem:$0x3FB0]  }
0x29: {  	s4 =	sld [smem:$0x3FB2]  }
0x2a: {  	p0 =	seq.s32 s5, $0x0;
	s5 =	sld [smem:$0x3FB3]  }
0x2b: {  	s6 =	sld [smem:$0x3FB4]  }
0x2c: {  	s7 =	sld [smem:$0x3FB5]  }
0x2d: {  	s3 =	simm.s32 $0x108;
	s8 =	sld [smem:$0x3FB6]  }
0x2e: {  	s3 =	simm.s32 @!p0 $0x1082;
	s9 =	sld [smem:$0x3FB7]  }
0x2f: {  	lr =	sadd.s32 s0, s3;
	s0 =	sld [smem:$0x3FAE]  }
0x30: {  	s3 =	sld [smem:$0x3FB1]  }
0x31: {  	[smem:$0x3FBA] =	sst s10  }
0x32: {  	s10 =	sld [smem:$0x3FB8];
	_ =	sdelay $0x3  }
0x33: {  	p0 =	seq.s32 s10, $0x1;
	s10 =	sld [smem:$0x3FBA];
	_ =	sdelay $0x3  }
0x34: {  	[smem:$0x3FBA] =	sst s10  }
0x35: {  	s10 =	sld [smem:$0x3FB9];
	_ =	sdelay $0x3  }
0x36: {  	p1 =	seq.s32 s10, $0x1;
	s10 =	sld [smem:$0x3FBA];
	_ =	sdelay $0x3  }
0x37: {  	[smem:$0x3FBA] =	sst s10  }
0x38: {  	s10 =	sld [smem:$0x3FBB]  }
0x39: {  	_ = 	snop;
	(pc) =	sbr.ind lr, $3  }
0x3a: {  	_ = 	snop  }
0x3b: {  	_ = 	snop  }
0x3c: {  	p2 =	seq.s32 s10, $0x1;
	s10 =	sld [smem:$0x3FBA]  }
0x3d: {  	_ =	shalt  }
0x3e: {  	_ =	shalt  }
0x3f: {  	_ =	shalt  }
0x40: {  	_ =	shalt  }
0x41: {  	_ =	shalt  }
0x42: {  	_ =	shalt  }
0x43: {  	_ =	shalt  }
0x44: {  	_ =	shalt  }
0x45: {  	_ =	shalt  }
0x46: {  	_ =	shalt  }
0x47: {  	_ =	shalt  }
0x48: {  	_ =	shalt  }
0x49: {  	_ =	shalt  }
0x4a: {  	_ =	shalt  }
0x4b: {  	_ =	shalt  }
0x4c: {  	_ =	shalt  }
0x4d: {  	_ =	shalt  }
0x4e: {  	_ =	shalt  }
0x4f: {  	_ =	shalt  }
0x50: {  	_ =	shalt  }
0x51: {  	_ =	shalt  }
0x52: {  	_ =	shalt  }
0x53: {  	_ =	shalt  }
0x54: {  	_ =	shalt  }
0x55: {  	_ =	shalt  }
0x56: {  	_ =	shalt  }
0x57: {  	_ =	shalt  }
0x58: {  	_ =	shalt  }
0x59: {  	_ =	shalt  }
0x5a: {  	_ =	shalt  }
0x5b: {  	_ =	shalt  }
0x5c: {  	_ =	shalt  }
0x5d: {  	_ =	shalt  }
0x5e: {  	_ =	shalt  }
0x5f: {  	_ =	shalt  }
0x60: {  	_ =	shalt  }
0x61: {  	_ =	shalt  }
0x62: {  	_ =	shalt  }
0x63: {  	_ =	shalt  }
0x64: {  	_ =	shalt  }
0x65: {  	_ =	shalt  }
0x66: {  	_ =	shalt  }
0x67: {  	_ =	shalt  }
0x68: {  	_ =	shalt  }
0x69: {  	_ =	shalt  }
0x6a: {  	_ =	shalt  }
0x6b: {  	_ =	shalt  }
0x6c: {  	_ =	shalt  }
0x6d: {  	_ =	shalt  }
0x6e: {  	_ =	shalt  }
0x6f: {  	_ =	shalt  }
0x70: {  	_ =	shalt  }
0x71: {  	_ =	shalt  }
0x72: {  	_ =	shalt  }
0x73: {  	_ =	shalt  }
0x74: {  	_ =	shalt  }
0x75: {  	_ =	shalt  }
0x76: {  	_ =	shalt  }
0x77: {  	_ =	shalt  }
0x78: {  	_ =	shalt  }
0x79: {  	_ =	shalt  }
0x7a: {  	_ =	shalt  }
0x7b: {  	_ =	shalt  }
0x7c: {  	_ =	shalt  }
0x7d: {  	_ =	shalt  }
0x7e: {  	_ =	shalt  }
0x7f: {  	_ =	shalt  }
0x80: {  	_ =	shalt  }
0x81: {  	_ =	shalt  }
0x82: {  	_ =	shalt  }
0x83: {  	_ =	shalt  }
0x84: {  	_ =	shalt  }
0x85: {  	_ =	shalt  }
0x86: {  	_ =	shalt  }
0x87: {  	_ =	shalt  }
.Lfunc_end0:
.L_simem_size_0:
called_computation.2_lowered:
.L_overlay_start_0:
0x88: {  	s2 =	sld [smem:$0x3FD9]  }
0x89: {  	s3 =	sld [smem:$0x3FFE];
	_ =	sdelay $0x1  }
0x8a: {  	s1 =	srdreg.scid  }
0x8b: {  	s0 =	sand.u32 $0x1, s1  }
0x8c: {  	s17 =	sshll.u32 s0, $0xA;
	s2 =	sadd.s32 s3, s2  }
0x8d: {  	s2 =	sadd.s32 s2, s17  }
0x8e: {  	[smem:$0x3FC6] =	sst s2  }
0x8f: {  	_ = 	snop  }
0x90: {  	(tm) =	ssettm $0x1  }
0x91: {  	s18 =	sld [smem:$0x3FFB];
	_ =	sdelay $0x3  }
0x92: {  	_ =	strace s18  }
0x93: {  	s2 =	sld [smem:$0x3FFC];
	_ =	sdelay $0x3  }
0x94: {  	_ =	strace s2  }
0x95: {  	s2 =	sld [smem:$0x3FFD];
	_ =	sdelay $0x3  }
0x96: {  	_ =	strace s2  }
0x97: {  	_ =	strace $0x8FFFFFFF  }
0x98: {  	s19 =	sld [smem:$0x3FDB];
	_ =	sdelay $0x1  }
0x99: {  	s20 =	simm.s32 $_scs_section_size  }
0x9a: {  	s4 =	simm.s32 $_size__tile_overlayer_lowered;
	s5 =	simm.s32 $_tile_overlayer_lowered  }
0x9b: {  	s6 =	simm.s32 $0x1BFF;
	s21 =	sshll.u32 s5, $0x1;
	s3 =	sadd.s32 s20, s19  }
0x9c: {  	s22 =	simm.s32 $0x0;
	s4 =	sshll.u32 s4, $0x1;
	s5 =	sadd.s32 s21, s3  }
0x9d: {  	[timem:s22], [sflag:s6] =	dma.local [hbm:s5], s4  }
0x9e: {  	_ =	swait.ge [sflag:s6], s4  }
0x9f: {  	s4 =	ssub.s32 $0x0, s4;
	[sflag:s6] =	ssyncset.done $0x0  }
0xa0: {  	[sflag:s6] =	ssyncadd.s32 s4;
	_ =	sdelay $0x1  }
0xa1: {  	s23 =	simm.s32 $0x1B8B  }
0xa2: {  	_ =	swait.ge [sflag:s23], $0x1  }
0xa3: {  	[sflag:s23] =	ssyncset.done $0x0  }
0xa4: {  	[sflag:s23] =	ssyncadd.s32 $0xFFFFFFFF  }
0xa5: {  	s4 =	sld [smem:$0x0]  }
0xa6: {  	s5 =	sand.u32 $0xFFFFFFFE, s1  }
0xa7: {  	p0 =	sne.s32 s1, s5  }
0xa8: {  	s5 =	sshll.u32 @p0 s5, $0xE  }
0xa9: {  	s5 =	sadd.s32 @p0 $0x11B8D, s5;
	s6 =	sshll.u32 @p0 s4, $0x11  }
0xaa: {  	s5 =	sor.u32 @p0 s6, s5  }
0xab: {  	[sflag:s5] =	ssyncadd.remote.s32 @p0 $0x1;
	_ =	sdelay $0x1  }
0xac: {  	s5 =	simm.s32 @p0 $0x1B8D  }
0xad: {  	_ =	swait.eq @p0 [sflag:s5], $0x1  }
0xae: {  	[sflag:s5] =	ssyncadd.s32 @p0 $0xFFFFFFFF  }
0xaf: {  	s6 =	sshll.u32 @!p0 s1, $0xE  }
0xb0: {  	s6 =	sor.u32 @!p0 $0x4000, s6;
	s5 =	simm.s32 @!p0 $0x1B8D  }
0xb1: {  	s4 =	sshll.u32 @!p0 s4, $0x11;
	s6 =	sadd.s32 @!p0 $0x11B8D, s6;
	_ =	swait.eq @!p0 [sflag:s5], $0x1  }
0xb2: {  	s4 =	sor.u32 @!p0 s4, s6;
	[sflag:s5] =	ssyncadd.s32 @!p0 $0xFFFFFFFF  }
0xb3: {  	s25 =	simm.s32 $0x1B8E;
	s24 =	sld [smem:$0x3FFE];
	[sflag:s4] =	ssyncadd.remote.s32 @!p0 $0x1  }
0xb4: {  	s26 =	simm.s32 $execute0_lowered;
	[smem:$0x3FD2] =	sst s25  }
0xb5: {  	s5 =	sshll.u32 s26, $0x1;
	_ =	strace $0x80000049;
	[dreg:$0x1] =	wrdreg $0xFFFFFFFF  }
0xb6: {  	s28 =	simm.s32 $_size_execute0_lowered;
	s3 =	sadd.s32 s3, s5;
	[dreg:$0x0] =	wrdreg $0x0  }
0xb7: {  	s5 =	sshll.u32 s28, $0x1;
	[dreg:$0x2] =	wrdreg s3  }
0xb8: {  	[dreg:$0x3] =	wrdreg s5  }
0xb9: {  	[dreg:$0x4] =	wrdreg $0xC0  }
0xba: {  	_ =	task [dreg:s22], $0x5FFFF  }
0xbb: {  	[dreg:$0x1] =	wrdreg $0xFFFFFFFF  }
0xbc: {  	[dreg:$0x0] =	wrdreg $0x60  }
0xbd: {  	[dreg:$0x2] =	wrdreg s24  }
0xbe: {  	[dreg:$0x3] =	wrdreg $0xB  }
0xbf: {  	_ =	task.clear_ibuf [dreg:s22], $0x4FFFF;
	_ =	strace $0x90000049  }
0xc0: {  	s29 =	simm.s32 $0xB;
	_ =	strace $0x8000004B  }
0xc1: {  	_ =	swait.ge [sflag:s29], $0x1  }
0xc2: {  	[sflag:s29] =	ssyncadd.s32 $0xFFFFFFFF  }
0xc3: {  	_ =	strace $0x9000004B  }
0xc4: {  	_ =	sfence  }
0xc5: {  	s30 =	sld [smem:$0x0];
	_ =	sdelay $0x2  }
0xc6: {  	s31 =	sshll.u32 s1, $0xD;
	s1 =	sshrl.u32 s1, $0x2  }
0xc7: {  	s4 =	sand.u32 $0x4000, s31;
	s1 =	sadd.s32 s1, s30  }
0xc8: {  	s0 =	sor.u32 s4, s0;
	s1 =	sshll.u32 s1, $0x11  }
0xc9: {  	s0 =	sor.u32 s1, s0  }
0xca: {  	s0 =	sadd.s32 $0x8F2B, s0  }
0xcb: {  	[sflag:s0] =	ssyncadd.remote.s32 $0x1  }
0xcc: {  	_ =	sfence.sel $0xFFFF  }
0xcd: {  	[dreg:$0x0] =	wrdreg $0xFFFFFFFF;
	(pc) =	sbr.abs _section_cstart, $3  }
0xce: {  	[dreg:$0x1] =	wrdreg $0xFFFFFFFF  }
0xcf: {  	_ =	task.clear_ibuf [dreg:s22], $0x2FFFF;
	_ =	strace $0x9FFFFFFF  }
0xd0: {  	(tm) =	ssettm $0x7FFFFFFF  }
0xd1: {  	_ =	shalt  }
tec
execute0_lowered:
.L_overlay_start_1:
0x0: {  	(tag) =	ssettag $0x1  }
0x1: {  	s3 =	rddreg [dreg:$0x0];
	s2 =	simm.s32 $0x0  }
0x2: {  	[smem:$0x7FF] =	sst s2  }
0x3: {  	s0 =	rddreg [dreg:$0x1];
	v0 =	vimm.f32 $6.666667010e-02;
	_ =	strace $0x8000004A  }
0x4: {  	(erf) = vrcp.f32 v0  }
0x5: {  	s4 =	srdreg.scid;
	s1 =	stileid.u32  }
0x6: {  	s4 =	sand.u32 $0x1, s4;
	s5 =	sshll.u32 s1, $0x1  }
0x7: {  	s8 =	simm.s32 $0x80;
	s6 =	sshrl.u32 s1, $0x2;
	s5 =	sor.u32 s4, s5  }
0x8: {  	s9 =	simm.s32 $0x400;
	s6 =	smul.u32 $0x1800, s6;
	s7 =	sshll.u32 s5, $0x7  }
0x9: {  	s10 =	simm.s32 $0x0;
	s4 =	ssub.s32 $0x2, s4;
	s7 =	sand.u32 $0x380, s7  }
0xa: {  	s5 =	sshll.u32 s5, $0xB;
	s30 =	sshrl.u32 s4, $0x1;
	s6 =	sor.u32 s6, s7  }
0xb: {  	s5 =	sadd.s32 s5, s3;
	s31 =	ssub.s32 s4, s30;
	s6 =	sshrl.u32 s6, $0x3  }
0xc: {  	v0 =	vlaneseq.u32;
	s7 =	simm.s32 $0x4000;
	s6 =	sadd.s32 s6, s3;
	s3 =	sadd.s32 $0x12600, s5  }
0xd: {  	v2 =	vimm.f32 $0.0e+00;
	v3 =	vimm.f32 $1.000000000e+00;
	v4 =	vor.u32 $0x1E0, v0;
	s5 =	smax.u32 s31, $0x1;
	s4 =	sadd.s32 $0x22600, s6;
	s6 =	simm.s32 $0x1;
	v1 =	vpop (erf)  }
.LBB2_1:
0xe: {  	[tilespmem:s2], [sflag:$0x1] =	stream.linear.gather [hbm4b:s3+s2], $0x4000, $0x38;
	[tilespmem:$0x4300] =	vst v63  }
0xf: {  	_ =	swait.ge [sflag:s6], $0x4000  }
0x10: {  	[sflag:s6] =	ssyncset.done $0x0  }
0x11: {  	[sflag:s6] =	ssyncadd.s32 $0xFFFFC000  }
0x12: {  	[tilespmem:$0x4000] =	vst v2  }
0x13: {  	[tilespmem:$0x4010] =	vst v2  }
0x14: {  	[tilespmem:$0x4020] =	vst v2  }
0x15: {  	[tilespmem:$0x4030] =	vst v2  }
0x16: {  	[tilespmem:$0x4040] =	vst v2  }
0x17: {  	[tilespmem:$0x4050] =	vst v2  }
0x18: {  	[tilespmem:$0x4060] =	vst v2  }
0x19: {  	[tilespmem:$0x4070] =	vst v2  }
0x1a: {  	[tilespmem:$0x4080] =	vst v2  }
0x1b: {  	[tilespmem:$0x4090] =	vst v2  }
0x1c: {  	[tilespmem:$0x40A0] =	vst v2  }
0x1d: {  	[tilespmem:$0x40B0] =	vst v2  }
0x1e: {  	[tilespmem:$0x40C0] =	vst v2  }
0x1f: {  	[tilespmem:$0x40D0] =	vst v2  }
0x20: {  	[tilespmem:$0x40E0] =	vst v2  }
0x21: {  	[tilespmem:$0x40F0] =	vst v2  }
0x22: {  	[tilespmem:$0x4100] =	vst v2  }
0x23: {  	[tilespmem:$0x4110] =	vst v2  }
0x24: {  	[tilespmem:$0x4120] =	vst v2  }
0x25: {  	[tilespmem:$0x4130] =	vst v2  }
0x26: {  	[tilespmem:$0x4140] =	vst v2  }
0x27: {  	[tilespmem:$0x4150] =	vst v2  }
0x28: {  	[tilespmem:$0x4160] =	vst v2  }
0x29: {  	[tilespmem:$0x4170] =	vst v2  }
0x2a: {  	[tilespmem:$0x4180] =	vst v2  }
0x2b: {  	[tilespmem:$0x4190] =	vst v2  }
0x2c: {  	[tilespmem:$0x41A0] =	vst v2  }
0x2d: {  	[tilespmem:$0x41B0] =	vst v2  }
0x2e: {  	[tilespmem:$0x41C0] =	vst v2  }
0x2f: {  	[tilespmem:$0x41D0] =	vst v2  }
0x30: {  	[tilespmem:$0x41E0] =	vst v2  }
0x31: {  	[tilespmem:$0x41F0] =	vst v2  }
0x32: {  	[tilespmem:$0x4200] =	vst v2  }
0x33: {  	[tilespmem:$0x4210] =	vst v2  }
0x34: {  	[tilespmem:$0x4220] =	vst v2  }
0x35: {  	[tilespmem:$0x4230] =	vst v2  }
0x36: {  	[tilespmem:$0x4240] =	vst v2  }
0x37: {  	[tilespmem:$0x4250] =	vst v2  }
0x38: {  	[tilespmem:$0x4260] =	vst v2  }
0x39: {  	[tilespmem:$0x4270] =	vst v2  }
0x3a: {  	[tilespmem:$0x4280] =	vst v2  }
0x3b: {  	[tilespmem:$0x4290] =	vst v2  }
0x3c: {  	[tilespmem:$0x42A0] =	vst v2  }
0x3d: {  	[tilespmem:$0x42B0] =	vst v2  }
0x3e: {  	[tilespmem:$0x42C0] =	vst v2  }
0x3f: {  	[tilespmem:$0x42D0] =	vst v2  }
0x40: {  	[tilespmem:$0x42E0] =	vst v2  }
0x41: {  	s11 =	simm.s32 $0x0;
	[tilespmem:$0x42F0] =	vst v2  }
.LBB2_2:
0x42: {  	s12 =	sshra.s32 s11, $0x2  }
0x43: {  	v5 =	vld [tilespmem:s12+$0x0];
	_ =	sdelay $0x4  }
0x44: {  	v6 =	vand.u32 $0x7FFFFFFF, v5  }
0x45: {  	v7 =	vmul.f32 v6, v1;
	_ =	sdelay $0x1  }
0x46: {  	v7 =	vtrunc.f32 v7  }
0x47: {  	v7 =	vcvt.f32.s32 v7;
	_ =	sdelay $0x1  }
0x48: {  	vm0 =	vlt.s32 v7, $0xE  }
0x49: {  	v7 =	vnsel vm0, $0xE, v7  }
0x4a: {  	v7 =	vshll.u32 v7, $0x4  }
0x4b: {  	vm9 =	vlt.f32 v5, $0.0e+00;
	v5 =	vadd.s32 $0xF0, v7  }
0x4c: {  	v5 =	vsel vm9, v5, v7  }
0x4d: {  	v5 =	vor.u32 v0, v5  }
0x4e: {  	v7 =	vadd.s32 v4, v7;
	_ =	sdelay $0x3  }
0x4f: {  	[tilespmem:v5+s7+$0x0] =	vst.idx.add.f32.msk $0xffff, v3  }
0x50: {  	[tilespmem:v7+s7+$0x0] =	vst.idx.add.f32.msk $0xffff, v6  }
0x51: {  	v5 =	vld [tilespmem:s12+$0x10];
	_ =	sdelay $0x4  }
0x52: {  	v6 =	vand.u32 $0x7FFFFFFF, v5  }
0x53: {  	v7 =	vmul.f32 v6, v1;
	_ =	sdelay $0x1  }
0x54: {  	v7 =	vtrunc.f32 v7  }
0x55: {  	v7 =	vcvt.f32.s32 v7;
	_ =	sdelay $0x1  }
0x56: {  	vm10 =	vlt.s32 v7, $0xE  }
0x57: {  	v7 =	vnsel vm10, $0xE, v7  }
0x58: {  	v7 =	vshll.u32 v7, $0x4  }
0x59: {  	vm11 =	vlt.f32 v5, $0.0e+00;
	v5 =	vadd.s32 $0xF0, v7  }
0x5a: {  	v5 =	vsel vm11, v5, v7  }
0x5b: {  	v5 =	vor.u32 v0, v5  }
0x5c: {  	v7 =	vadd.s32 v4, v7;
	_ =	sdelay $0x3  }
0x5d: {  	[tilespmem:v5+s7+$0x0] =	vst.idx.add.f32.msk $0xffff, v3  }
0x5e: {  	[tilespmem:v7+s7+$0x0] =	vst.idx.add.f32.msk $0xffff, v6  }
0x5f: {  	v5 =	vld [tilespmem:s12+$0x20];
	_ =	sdelay $0x4  }
0x60: {  	v6 =	vand.u32 $0x7FFFFFFF, v5  }
0x61: {  	v7 =	vmul.f32 v6, v1;
	_ =	sdelay $0x1  }
0x62: {  	v7 =	vtrunc.f32 v7  }
0x63: {  	v7 =	vcvt.f32.s32 v7;
	_ =	sdelay $0x1  }
0x64: {  	vm12 =	vlt.s32 v7, $0xE  }
0x65: {  	v7 =	vnsel vm12, $0xE, v7  }
0x66: {  	v7 =	vshll.u32 v7, $0x4  }
0x67: {  	vm13 =	vlt.f32 v5, $0.0e+00;
	v5 =	vadd.s32 $0xF0, v7  }
0x68: {  	v5 =	vsel vm13, v5, v7  }
0x69: {  	v5 =	vor.u32 v0, v5  }
0x6a: {  	v7 =	vadd.s32 v4, v7;
	_ =	sdelay $0x3  }
0x6b: {  	[tilespmem:v5+s7+$0x0] =	vst.idx.add.f32.msk $0xffff, v3  }
0x6c: {  	[tilespmem:v7+s7+$0x0] =	vst.idx.add.f32.msk $0xffff, v6  }
0x6d: {  	v5 =	vld [tilespmem:s12+$0x30];
	_ =	sdelay $0x4  }
0x6e: {  	v6 =	vand.u32 $0x7FFFFFFF, v5  }
0x6f: {  	v7 =	vmul.f32 v6, v1;
	_ =	sdelay $0x1  }
0x70: {  	v7 =	vtrunc.f32 v7  }
0x71: {  	v7 =	vcvt.f32.s32 v7;
	_ =	sdelay $0x1  }
0x72: {  	vm14 =	vlt.s32 v7, $0xE  }
0x73: {  	v7 =	vnsel vm14, $0xE, v7  }
0x74: {  	v7 =	vshll.u32 v7, $0x4  }
0x75: {  	vm15 =	vlt.f32 v5, $0.0e+00;
	v5 =	vadd.s32 $0xF0, v7  }
0x76: {  	v5 =	vsel vm15, v5, v7  }
0x77: {  	v5 =	vor.u32 v0, v5  }
0x78: {  	v7 =	vadd.s32 v4, v7;
	_ =	sdelay $0x3  }
0x79: {  	[tilespmem:v5+s7+$0x0] =	vst.idx.add.f32.msk $0xffff, v3  }
0x7a: {  	[tilespmem:v7+s7+$0x0] =	vst.idx.add.f32.msk $0xffff, v6  }
0x7b: {  	v5 =	vld [tilespmem:s12+$0x40];
	_ =	sdelay $0x4  }
0x7c: {  	v6 =	vand.u32 $0x7FFFFFFF, v5  }
0x7d: {  	v7 =	vmul.f32 v6, v1;
	_ =	sdelay $0x1  }
0x7e: {  	v7 =	vtrunc.f32 v7  }
0x7f: {  	v7 =	vcvt.f32.s32 v7;
	_ =	sdelay $0x1  }
0x80: {  	vm4 =	vlt.s32 v7, $0xE  }
0x81: {  	v7 =	vnsel vm4, $0xE, v7  }
0x82: {  	v7 =	vshll.u32 v7, $0x4  }
0x83: {  	vm5 =	vlt.f32 v5, $0.0e+00;
	v5 =	vadd.s32 $0xF0, v7  }
0x84: {  	v5 =	vsel vm5, v5, v7  }
0x85: {  	v5 =	vor.u32 v0, v5  }
0x86: {  	v7 =	vadd.s32 v4, v7;
	_ =	sdelay $0x3  }
0x87: {  	[tilespmem:v5+s7+$0x0] =	vst.idx.add.f32.msk $0xffff, v3  }
0x88: {  	[tilespmem:v7+s7+$0x0] =	vst.idx.add.f32.msk $0xffff, v6  }
0x89: {  	v5 =	vld [tilespmem:s12+$0x50];
	_ =	sdelay $0x4  }
0x8a: {  	v6 =	vand.u32 $0x7FFFFFFF, v5  }
0x8b: {  	v7 =	vmul.f32 v6, v1;
	_ =	sdelay $0x1  }
0x8c: {  	v7 =	vtrunc.f32 v7  }
0x8d: {  	v7 =	vcvt.f32.s32 v7;
	_ =	sdelay $0x1  }
0x8e: {  	vm6 =	vlt.s32 v7, $0xE  }
0x8f: {  	v7 =	vnsel vm6, $0xE, v7  }
0x90: {  	v7 =	vshll.u32 v7, $0x4  }
0x91: {  	vm7 =	vlt.f32 v5, $0.0e+00;
	v5 =	vadd.s32 $0xF0, v7  }
0x92: {  	v5 =	vsel vm7, v5, v7  }
0x93: {  	v5 =	vor.u32 v0, v5  }
0x94: {  	v7 =	vadd.s32 v4, v7;
	_ =	sdelay $0x3  }
0x95: {  	[tilespmem:v5+s7+$0x0] =	vst.idx.add.f32.msk $0xffff, v3  }
0x96: {  	[tilespmem:v7+s7+$0x0] =	vst.idx.add.f32.msk $0xffff, v6  }
0x97: {  	v5 =	vld [tilespmem:s12+$0x60];
	_ =	sdelay $0x4  }
0x98: {  	v6 =	vand.u32 $0x7FFFFFFF, v5  }
0x99: {  	v7 =	vmul.f32 v6, v1;
	_ =	sdelay $0x1  }
0x9a: {  	v7 =	vtrunc.f32 v7  }
0x9b: {  	v7 =	vcvt.f32.s32 v7;
	_ =	sdelay $0x1  }
0x9c: {  	vm8 =	vlt.s32 v7, $0xE  }
0x9d: {  	v7 =	vnsel vm8, $0xE, v7  }
0x9e: {  	v7 =	vshll.u32 v7, $0x4  }
0x9f: {  	vm9 =	vlt.f32 v5, $0.0e+00;
	v5 =	vadd.s32 $0xF0, v7  }
0xa0: {  	v5 =	vsel vm9, v5, v7  }
0xa1: {  	v5 =	vor.u32 v0, v5  }
0xa2: {  	v7 =	vadd.s32 v4, v7;
	_ =	sdelay $0x3  }
0xa3: {  	[tilespmem:v5+s7+$0x0] =	vst.idx.add.f32.msk $0xffff, v3  }
0xa4: {  	[tilespmem:v7+s7+$0x0] =	vst.idx.add.f32.msk $0xffff, v6  }
0xa5: {  	v5 =	vld [tilespmem:s12+$0x70];
	_ =	sdelay $0x4  }
0xa6: {  	v6 =	vand.u32 $0x7FFFFFFF, v5  }
0xa7: {  	v7 =	vmul.f32 v6, v1;
	_ =	sdelay $0x1  }
0xa8: {  	v7 =	vtrunc.f32 v7  }
0xa9: {  	v7 =	vcvt.f32.s32 v7;
	_ =	sdelay $0x1  }
0xaa: {  	vm10 =	vlt.s32 v7, $0xE  }
0xab: {  	v7 =	vnsel vm10, $0xE, v7  }
0xac: {  	v7 =	vshll.u32 v7, $0x4  }
0xad: {  	vm11 =	vlt.f32 v5, $0.0e+00;
	v5 =	vadd.s32 $0xF0, v7  }
0xae: {  	v5 =	vsel vm11, v5, v7  }
0xaf: {  	v5 =	vor.u32 v0, v5  }
0xb0: {  	v7 =	vadd.s32 v4, v7;
	_ =	sdelay $0x3  }
0xb1: {  	[tilespmem:v5+s7+$0x0] =	vst.idx.add.f32.msk $0xffff, v3  }
0xb2: {  	[tilespmem:v7+s7+$0x0] =	vst.idx.add.f32.msk $0xffff, v6  }
0xb3: {  	v5 =	vld [tilespmem:s12+$0x80];
	_ =	sdelay $0x4  }
0xb4: {  	v6 =	vand.u32 $0x7FFFFFFF, v5  }
0xb5: {  	v7 =	vmul.f32 v6, v1;
	_ =	sdelay $0x1  }
0xb6: {  	v7 =	vtrunc.f32 v7  }
0xb7: {  	v7 =	vcvt.f32.s32 v7;
	_ =	sdelay $0x1  }
0xb8: {  	vm12 =	vlt.s32 v7, $0xE  }
0xb9: {  	v7 =	vnsel vm12, $0xE, v7  }
0xba: {  	v7 =	vshll.u32 v7, $0x4  }
0xbb: {  	vm13 =	vlt.f32 v5, $0.0e+00;
	v5 =	vadd.s32 $0xF0, v7  }
0xbc: {  	v5 =	vsel vm13, v5, v7  }
0xbd: {  	v5 =	vor.u32 v0, v5  }
0xbe: {  	v7 =	vadd.s32 v4, v7;
	_ =	sdelay $0x3  }
0xbf: {  	[tilespmem:v5+s7+$0x0] =	vst.idx.add.f32.msk $0xffff, v3  }
0xc0: {  	[tilespmem:v7+s7+$0x0] =	vst.idx.add.f32.msk $0xffff, v6  }
0xc1: {  	v5 =	vld [tilespmem:s12+$0x90];
	_ =	sdelay $0x4  }
0xc2: {  	v6 =	vand.u32 $0x7FFFFFFF, v5  }
0xc3: {  	v7 =	vmul.f32 v6, v1;
	_ =	sdelay $0x1  }
0xc4: {  	v7 =	vtrunc.f32 v7  }
0xc5: {  	v7 =	vcvt.f32.s32 v7;
	_ =	sdelay $0x1  }
0xc6: {  	vm14 =	vlt.s32 v7, $0xE  }
0xc7: {  	v7 =	vnsel vm14, $0xE, v7  }
0xc8: {  	v7 =	vshll.u32 v7, $0x4  }
0xc9: {  	vm15 =	vlt.f32 v5, $0.0e+00;
	v5 =	vadd.s32 $0xF0, v7  }
0xca: {  	v5 =	vsel vm15, v5, v7  }
0xcb: {  	v5 =	vor.u32 v0, v5  }
0xcc: {  	v7 =	vadd.s32 v4, v7;
	_ =	sdelay $0x3  }
0xcd: {  	[tilespmem:v5+s7+$0x0] =	vst.idx.add.f32.msk $0xffff, v3  }
0xce: {  	[tilespmem:v7+s7+$0x0] =	vst.idx.add.f32.msk $0xffff, v6  }
0xcf: {  	v5 =	vld [tilespmem:s12+$0xA0];
	_ =	sdelay $0x4  }
0xd0: {  	v6 =	vand.u32 $0x7FFFFFFF, v5  }
0xd1: {  	v7 =	vmul.f32 v6, v1;
	_ =	sdelay $0x1  }
0xd2: {  	v7 =	vtrunc.f32 v7  }
0xd3: {  	v7 =	vcvt.f32.s32 v7;
	_ =	sdelay $0x1  }
0xd4: {  	vm4 =	vlt.s32 v7, $0xE  }
0xd5: {  	v7 =	vnsel vm4, $0xE, v7  }
0xd6: {  	v7 =	vshll.u32 v7, $0x4  }
0xd7: {  	vm5 =	vlt.f32 v5, $0.0e+00;
	v5 =	vadd.s32 $0xF0, v7  }
0xd8: {  	v5 =	vsel vm5, v5, v7  }
0xd9: {  	v5 =	vor.u32 v0, v5  }
0xda: {  	v7 =	vadd.s32 v4, v7;
	_ =	sdelay $0x3  }
0xdb: {  	[tilespmem:v5+s7+$0x0] =	vst.idx.add.f32.msk $0xffff, v3  }
0xdc: {  	[tilespmem:v7+s7+$0x0] =	vst.idx.add.f32.msk $0xffff, v6  }
0xdd: {  	v5 =	vld [tilespmem:s12+$0xB0];
	_ =	sdelay $0x4  }
0xde: {  	v6 =	vand.u32 $0x7FFFFFFF, v5  }
0xdf: {  	v7 =	vmul.f32 v6, v1;
	_ =	sdelay $0x1  }
0xe0: {  	v7 =	vtrunc.f32 v7  }
0xe1: {  	v7 =	vcvt.f32.s32 v7;
	_ =	sdelay $0x1  }
0xe2: {  	vm6 =	vlt.s32 v7, $0xE  }
0xe3: {  	v7 =	vnsel vm6, $0xE, v7  }
0xe4: {  	v7 =	vshll.u32 v7, $0x4  }
0xe5: {  	vm7 =	vlt.f32 v5, $0.0e+00;
	v5 =	vadd.s32 $0xF0, v7  }
0xe6: {  	v5 =	vsel vm7, v5, v7  }
0xe7: {  	v5 =	vor.u32 v0, v5  }
0xe8: {  	v7 =	vadd.s32 v4, v7;
	_ =	sdelay $0x3  }
0xe9: {  	[tilespmem:v5+s7+$0x0] =	vst.idx.add.f32.msk $0xffff, v3  }
0xea: {  	[tilespmem:v7+s7+$0x0] =	vst.idx.add.f32.msk $0xffff, v6  }
0xeb: {  	v5 =	vld [tilespmem:s12+$0xC0];
	_ =	sdelay $0x4  }
0xec: {  	v6 =	vand.u32 $0x7FFFFFFF, v5  }
0xed: {  	v7 =	vmul.f32 v6, v1;
	_ =	sdelay $0x1  }
0xee: {  	v7 =	vtrunc.f32 v7  }
0xef: {  	v7 =	vcvt.f32.s32 v7;
	_ =	sdelay $0x1  }
0xf0: {  	vm8 =	vlt.s32 v7, $0xE  }
0xf1: {  	v7 =	vnsel vm8, $0xE, v7  }
0xf2: {  	v7 =	vshll.u32 v7, $0x4  }
0xf3: {  	vm9 =	vlt.f32 v5, $0.0e+00;
	v5 =	vadd.s32 $0xF0, v7  }
0xf4: {  	v5 =	vsel vm9, v5, v7  }
0xf5: {  	v5 =	vor.u32 v0, v5  }
0xf6: {  	v7 =	vadd.s32 v4, v7;
	_ =	sdelay $0x3  }
0xf7: {  	[tilespmem:v5+s7+$0x0] =	vst.idx.add.f32.msk $0xffff, v3  }
0xf8: {  	[tilespmem:v7+s7+$0x0] =	vst.idx.add.f32.msk $0xffff, v6  }
0xf9: {  	v5 =	vld [tilespmem:s12+$0xD0];
	_ =	sdelay $0x4  }
0xfa: {  	v6 =	vand.u32 $0x7FFFFFFF, v5  }
0xfb: {  	v7 =	vmul.f32 v6, v1;
	_ =	sdelay $0x1  }
0xfc: {  	v7 =	vtrunc.f32 v7  }
0xfd: {  	v7 =	vcvt.f32.s32 v7;
	_ =	sdelay $0x1  }
0xfe: {  	vm10 =	vlt.s32 v7, $0xE  }
0xff: {  	v7 =	vnsel vm10, $0xE, v7  }
0x100: {  	v7 =	vshll.u32 v7, $0x4  }
0x101: {  	vm11 =	vlt.f32 v5, $0.0e+00;
	v5 =	vadd.s32 $0xF0, v7  }
0x102: {  	v5 =	vsel vm11, v5, v7  }
0x103: {  	v5 =	vor.u32 v0, v5  }
0x104: {  	v7 =	vadd.s32 v4, v7;
	_ =	sdelay $0x3  }
0x105: {  	[tilespmem:v5+s7+$0x0] =	vst.idx.add.f32.msk $0xffff, v3  }
0x106: {  	[tilespmem:v7+s7+$0x0] =	vst.idx.add.f32.msk $0xffff, v6  }
0x107: {  	v5 =	vld [tilespmem:s12+$0xE0];
	_ =	sdelay $0x4  }
0x108: {  	v6 =	vand.u32 $0x7FFFFFFF, v5  }
0x109: {  	v7 =	vmul.f32 v6, v1;
	_ =	sdelay $0x1  }
0x10a: {  	v7 =	vtrunc.f32 v7  }
0x10b: {  	v7 =	vcvt.f32.s32 v7;
	_ =	sdelay $0x1  }
0x10c: {  	vm12 =	vlt.s32 v7, $0xE  }
0x10d: {  	v7 =	vnsel vm12, $0xE, v7  }
0x10e: {  	v7 =	vshll.u32 v7, $0x4  }
0x10f: {  	vm13 =	vlt.f32 v5, $0.0e+00;
	v5 =	vadd.s32 $0xF0, v7  }
0x110: {  	v5 =	vsel vm13, v5, v7  }
0x111: {  	v5 =	vor.u32 v0, v5  }
0x112: {  	v7 =	vadd.s32 v4, v7;
	_ =	sdelay $0x3  }
0x113: {  	[tilespmem:v5+s7+$0x0] =	vst.idx.add.f32.msk $0xffff, v3  }
0x114: {  	[tilespmem:v7+s7+$0x0] =	vst.idx.add.f32.msk $0xffff, v6  }
0x115: {  	v5 =	vld [tilespmem:s12+$0xF0];
	_ =	sdelay $0x4  }
0x116: {  	v6 =	vand.u32 $0x7FFFFFFF, v5  }
0x117: {  	v7 =	vmul.f32 v6, v1;
	_ =	sdelay $0x1  }
0x118: {  	v7 =	vtrunc.f32 v7  }
0x119: {  	v7 =	vcvt.f32.s32 v7;
	_ =	sdelay $0x1  }
0x11a: {  	vm14 =	vlt.s32 v7, $0xE  }
0x11b: {  	v7 =	vnsel vm14, $0xE, v7  }
0x11c: {  	v7 =	vshll.u32 v7, $0x4  }
0x11d: {  	vm15 =	vlt.f32 v5, $0.0e+00;
	v5 =	vadd.s32 $0xF0, v7  }
0x11e: {  	v5 =	vsel vm15, v5, v7  }
0x11f: {  	v5 =	vor.u32 v0, v5  }
0x120: {  	p0 =	sne.s32 s11, $0xFC00;
	v7 =	vadd.s32 v4, v7  }
.Ltmp0:
0x121: {  	_ = 	snop;
	(pc) =	sbr.rel @p0 .LBB2_2-.Ltmp0, $3  }
0x122: {  	_ =	sdelay $0x1  }
0x123: {  	[tilespmem:v5+s7+$0x0] =	vst.idx.add.f32.msk $0xffff, v3  }
0x124: {  	s11 =	sadd.s32 $0x400, s11;
	[tilespmem:v7+s7+$0x0] =	vst.idx.add.f32.msk $0xffff, v6  }
0x125: {  	s10 =	sadd.s32 $0x1, s10  }
0x126: {  	p0 =	sne.s32 s10, s5  }
.Ltmp1:
0x127: {  	_ = 	snop;
	(pc) =	sbr.rel @p0 .LBB2_1-.Ltmp1, $4  }
0x128: {  	[hbm4b:s4+s8] =	stream.strided.scatter [tilespmem:s7], [sflag:$0x1], $0x300, s9, s8, $0x38;
	[tilespmem:$0x4300] =	vst v63  }
0x129: {  	_ =	swait.ge [sflag:s6], $0x300  }
0x12a: {  	[sflag:s6] =	ssyncset.done $0x0  }
0x12b: {  	[sflag:s6] =	ssyncadd.s32 $0xFFFFFD00  }
0x12c: {  	_ =	sfence.sel $0x180000  }
0x12d: {  	[bflag:$0x0] =	sbarrier.arrive $0xFFFF  }
0x12e: {  	p0 =	sne.s32 s1, $0x0;
	_ =	strace $0x9000004A  }
0x12f: {  	s0 =	sadd.s32 @!p0 $0x100000, s0;
	[bflag:$0x2] =	sbarrier.arrive $0xFFFF  }
0x130: {  	[sflag:s0] =	ssyncadd.tile.s32 @!p0 $0x1;
	_ =	shalt  }
.Lfunc_end2:
_tile_overlayer_lowered:
.L_overlay_start_2:
0x131: {  	(tag) =	ssettag $0x2  }
0x132: {  	s0 =	rddreg [dreg:$0x0];
	s2 =	stileid.u32  }
0x133: {  	s1 =	rddreg [dreg:$0x1];
	p0 =	sne.s32 s2, $0x0  }
0x134: {  	s3 =	rddreg [dreg:$0x2];
	[bflag:$0x3] =	sbarrier.arrive $0xFFFF;
	s2 =	simm.s32 @!p0 $0x1C01  }
0x135: {  	[timem:s3], [sflag:s2] =	dma.local @!p0 [hbm:s0], s1  }
0x136: {  	s0 =	simm.s32 @!p0 $0x1  }
0x137: {  	_ =	swait.ge @!p0 [sflag:s0], s1  }
0x138: {  	s1 =	ssub.s32 @!p0 $0x0, s1;
	[sflag:s0] =	ssyncset.done @!p0 $0x0  }
0x139: {  	[sflag:s0] =	ssyncadd.s32 @!p0 s1  }
0x13a: {  	[bflag:$0x3] =	sbarrier.arrive $0xFFFF  }
0x13b: {  	_ =	shalt  }

// kernel: kernel.20.cloned.1.call-start
scs
__scs_entry_jumppad:
0x0: {  	(pc) =	sbr.rel $0x88, $3  }
0x1: {  	(tag) =	ssettag $0x0;
	lr =	simm.s32 $0x1  }
0x2: {  	[smem:$0x3F9F] =	sst lr;
	_ =	strace $0xD0000000  }
0x3: {  	_ = 	snop  }
0x4: {  	_ = 	snop  }
0x5: {  	_ = 	snop  }
0x6: {  	_ = 	snop  }
0x7: {  	_ = 	snop  }
__scs_overlays_trampoline_lowered:
0x8: {  	[smem:$0x3FAE] =	sst s0  }
0x9: {  	[smem:$0x3FAF] =	sst s1  }
0xa: {  	[smem:$0x3FB0] =	sst s2  }
0xb: {  	[smem:$0x3FB1] =	sst s3  }
0xc: {  	[smem:$0x3FB2] =	sst s4  }
0xd: {  	[smem:$0x3FB3] =	sst s5  }
0xe: {  	[smem:$0x3FB4] =	sst s6  }
0xf: {  	[smem:$0x3FB5] =	sst s7  }
0x10: {  	[smem:$0x3FB6] =	sst s8  }
0x11: {  	[smem:$0x3FB7] =	sst s9;
	s0 =	simm.s32 @!p0 $0x0  }
0x12: {  	s1 =	sld [smem:$0x3F9D];
	s0 =	simm.s32 @p0 $0x1  }
0x13: {  	[smem:$0x3FB8] =	sst s0;
	s0 =	simm.s32 @!p1 $0x0  }
0x14: {  	s2 =	sld [smem:$0x3F9C];
	s0 =	simm.s32 @p1 $0x1  }
0x15: {  	[smem:$0x3FB9] =	sst s0;
	s0 =	simm.s32 @!p2 $0x0  }
0x16: {  	s3 =	sld [smem:$0x3FDB];
	s0 =	simm.s32 @p2 $0x1  }
0x17: {  	s4 =	simm.s32 $0x1BF5;
	[smem:$0x3FBB] =	sst s0  }
0x18: {  	s0 =	sld [smem:$0x3F9E];
	_ =	swait.ge [sflag:s4], $0x0  }
0x19: {  	s7 =	sld [smem:$0x3F9F]  }
0x1a: {  	s8 =	sadd.s32 $0xFFFFE003, lr  }
0x1b: {  	s9 =	sadd.s32 $0xFFFFFEF7, lr;
	s5 =	simm.s32 $0xFFFFFFFF;
	p2 =	slt.u32 s8, $0xFFFFF086  }
0x1c: {  	p1 =	slt.u32 s9, $0xF7A;
	s5 =	simm.s32 @!p2 $0x0  }
0x1d: {  	s5 =	simm.s32 @p1 $0x1;
	p0 =	seq.s32 s7, s2  }
0x1e: {  	s7 =	smul.u32 @!p0 $0xF7A, s2;
	p2 =	seq.s32 @!p0 s5, $0x0  }
0x1f: {  	s9 =	smul.u32 $0xF7A, s1;
	s8 =	simm.s32 @!p0 $0x1BF5;
	p2 =	por !p2, p0  }
0x20: {  	[sflag:s8] =	ssyncset.s32 @!p0 $0xFFFFF086;
	s6 =	sadd.s32 @!p0 s3, s7;
	s7 =	simm.s32 @!p0 $0x108  }
0x21: {  	s3 =	sadd.s32 s3, s9;
	s6 =	sadd.s32 @!p0 $0x88, s6;
	s7 =	simm.s32 @p2 $0x1082  }
0x22: {  	[simem:s7], [sflag:s8] =	dma.local @!p0 [hbm:s6], $0xF7A  }
0x23: {  	s9 =	sor.u32 $0xD0000000, s2;
	s6 =	simm.s32 $0x108;
	_ =	swait.ge @!p0 [sflag:s8], $0x0  }
0x24: {  	s3 =	sadd.s32 $0x88, s3;
	s6 =	simm.s32 @!p1 $0x1082;
	[sflag:s4] =	ssyncset.s32 $0xFFFFF086  }
0x25: {  	[simem:s6], [sflag:s4] =	dma.local [hbm:s3], $0xF7A  }
0x26: {  	[smem:$0x3F9F] =	sst s1;
	(tag) =	ssettag s2;
	_ =	strace s9  }
0x27: {  	s1 =	sld [smem:$0x3FAF]  }
0x28: {  	s2 =	sld [smem:$0x3FB0]  }
0x29: {  	s4 =	sld [smem:$0x3FB2]  }
0x2a: {  	p0 =	seq.s32 s5, $0x0;
	s5 =	sld [smem:$0x3FB3]  }
0x2b: {  	s6 =	sld [smem:$0x3FB4]  }
0x2c: {  	s7 =	sld [smem:$0x3FB5]  }
0x2d: {  	s3 =	simm.s32 $0x108;
	s8 =	sld [smem:$0x3FB6]  }
0x2e: {  	s3 =	simm.s32 @!p0 $0x1082;
	s9 =	sld [smem:$0x3FB7]  }
0x2f: {  	lr =	sadd.s32 s0, s3;
	s0 =	sld [smem:$0x3FAE]  }
0x30: {  	s3 =	sld [smem:$0x3FB1]  }
0x31: {  	[smem:$0x3FBA] =	sst s10  }
0x32: {  	s10 =	sld [smem:$0x3FB8];
	_ =	sdelay $0x3  }
0x33: {  	p0 =	seq.s32 s10, $0x1;
	s10 =	sld [smem:$0x3FBA];
	_ =	sdelay $0x3  }
0x34: {  	[smem:$0x3FBA] =	sst s10  }
0x35: {  	s10 =	sld [smem:$0x3FB9];
	_ =	sdelay $0x3  }
0x36: {  	p1 =	seq.s32 s10, $0x1;
	s10 =	sld [smem:$0x3FBA];
	_ =	sdelay $0x3  }
0x37: {  	[smem:$0x3FBA] =	sst s10  }
0x38: {  	s10 =	sld [smem:$0x3FBB]  }
0x39: {  	_ = 	snop;
	(pc) =	sbr.ind lr, $3  }
0x3a: {  	_ = 	snop  }
0x3b: {  	_ = 	snop  }
0x3c: {  	p2 =	seq.s32 s10, $0x1;
	s10 =	sld [smem:$0x3FBA]  }
0x3d: {  	_ =	shalt  }
0x3e: {  	_ =	shalt  }
0x3f: {  	_ =	shalt  }
0x40: {  	_ =	shalt  }
0x41: {  	_ =	shalt  }
0x42: {  	_ =	shalt  }
0x43: {  	_ =	shalt  }
0x44: {  	_ =	shalt  }
0x45: {  	_ =	shalt  }
0x46: {  	_ =	shalt  }
0x47: {  	_ =	shalt  }
0x48: {  	_ =	shalt  }
0x49: {  	_ =	shalt  }
0x4a: {  	_ =	shalt  }
0x4b: {  	_ =	shalt  }
0x4c: {  	_ =	shalt  }
0x4d: {  	_ =	shalt  }
0x4e: {  	_ =	shalt  }
0x4f: {  	_ =	shalt  }
0x50: {  	_ =	shalt  }
0x51: {  	_ =	shalt  }
0x52: {  	_ =	shalt  }
0x53: {  	_ =	shalt  }
0x54: {  	_ =	shalt  }
0x55: {  	_ =	shalt  }
0x56: {  	_ =	shalt  }
0x57: {  	_ =	shalt  }
0x58: {  	_ =	shalt  }
0x59: {  	_ =	shalt  }
0x5a: {  	_ =	shalt  }
0x5b: {  	_ =	shalt  }
0x5c: {  	_ =	shalt  }
0x5d: {  	_ =	shalt  }
0x5e: {  	_ =	shalt  }
0x5f: {  	_ =	shalt  }
0x60: {  	_ =	shalt  }
0x61: {  	_ =	shalt  }
0x62: {  	_ =	shalt  }
0x63: {  	_ =	shalt  }
0x64: {  	_ =	shalt  }
0x65: {  	_ =	shalt  }
0x66: {  	_ =	shalt  }
0x67: {  	_ =	shalt  }
0x68: {  	_ =	shalt  }
0x69: {  	_ =	shalt  }
0x6a: {  	_ =	shalt  }
0x6b: {  	_ =	shalt  }
0x6c: {  	_ =	shalt  }
0x6d: {  	_ =	shalt  }
0x6e: {  	_ =	shalt  }
0x6f: {  	_ =	shalt  }
0x70: {  	_ =	shalt  }
0x71: {  	_ =	shalt  }
0x72: {  	_ =	shalt  }
0x73: {  	_ =	shalt  }
0x74: {  	_ =	shalt  }
0x75: {  	_ =	shalt  }
0x76: {  	_ =	shalt  }
0x77: {  	_ =	shalt  }
0x78: {  	_ =	shalt  }
0x79: {  	_ =	shalt  }
0x7a: {  	_ =	shalt  }
0x7b: {  	_ =	shalt  }
0x7c: {  	_ =	shalt  }
0x7d: {  	_ =	shalt  }
0x7e: {  	_ =	shalt  }
0x7f: {  	_ =	shalt  }
0x80: {  	_ =	shalt  }
0x81: {  	_ =	shalt  }
0x82: {  	_ =	shalt  }
0x83: {  	_ =	shalt  }
0x84: {  	_ =	shalt  }
0x85: {  	_ =	shalt  }
0x86: {  	_ =	shalt  }
0x87: {  	_ =	shalt  }
.Lfunc_end0:
.L_simem_size_0:
called_computation.3_lowered:
.L_overlay_start_0:
0x88: {  	s2 =	sld [smem:$0x3FD9]  }
0x89: {  	s3 =	sld [smem:$0x3FFE];
	_ =	sdelay $0x1  }
0x8a: {  	s1 =	srdreg.scid  }
0x8b: {  	s0 =	sand.u32 $0x1, s1  }
0x8c: {  	s16 =	sshll.u32 s0, $0xA;
	s2 =	sadd.s32 s3, s2  }
0x8d: {  	s2 =	sadd.s32 s2, s16  }
0x8e: {  	[smem:$0x3FC6] =	sst s2  }
0x8f: {  	_ = 	snop  }
0x90: {  	(tm) =	ssettm $0x1  }
0x91: {  	s17 =	sld [smem:$0x3FFB];
	_ =	sdelay $0x3  }
0x92: {  	_ =	strace s17  }
0x93: {  	s2 =	sld [smem:$0x3FFC];
	_ =	sdelay $0x3  }
0x94: {  	_ =	strace s2  }
0x95: {  	s2 =	sld [smem:$0x3FFD];
	_ =	sdelay $0x3  }
0x96: {  	_ =	strace s2  }
0x97: {  	_ =	strace $0x8FFFFFFF  }
0x98: {  	s18 =	sld [smem:$0x3FDB];
	_ =	sdelay $0x1  }
0x99: {  	s19 =	simm.s32 $_scs_section_size  }
0x9a: {  	s4 =	simm.s32 $_size__tile_overlayer_lowered;
	s5 =	simm.s32 $_tile_overlayer_lowered  }
0x9b: {  	s22 =	simm.s32 $0x1BFF;
	s21 =	sshll.u32 s5, $0x1;
	s2 =	sadd.s32 s19, s18  }
0x9c: {  	s6 =	simm.s32 $0x0;
	s20 =	sshll.u32 s4, $0x1;
	s4 =	sadd.s32 s21, s2  }
0x9d: {  	[timem:s6], [sflag:s22] =	dma.local [hbm:s4], s20  }
0x9e: {  	_ =	swait.ge [sflag:s22], s20  }
0x9f: {  	s3 =	ssub.s32 $0x0, s20;
	[sflag:s22] =	ssyncset.done $0x0  }
0xa0: {  	[sflag:s22] =	ssyncadd.s32 s3;
	_ =	sdelay $0x1  }
0xa1: {  	s23 =	simm.s32 $0x1B8B  }
0xa2: {  	_ =	swait.ge [sflag:s23], $0x1  }
0xa3: {  	[sflag:s23] =	ssyncset.done $0x0  }
0xa4: {  	s25 =	simm.s32 $0x1B8E;
	s24 =	sld [smem:$0x3FFE];
	[sflag:s23] =	ssyncadd.s32 $0xFFFFFFFF  }
0xa5: {  	s26 =	simm.s32 $execute0_lowered;
	[smem:$0x3FD2] =	sst s25  }
0xa6: {  	s4 =	sshll.u32 s26, $0x1;
	_ =	strace $0x80000046;
	[dreg:$0x1] =	wrdreg $0xFFFFFFFF  }
0xa7: {  	s28 =	simm.s32 $_size_execute0_lowered;
	s2 =	sadd.s32 s2, s4;
	[dreg:$0x0] =	wrdreg $0x0  }
0xa8: {  	s4 =	sshll.u32 s28, $0x1;
	[dreg:$0x2] =	wrdreg s2  }
0xa9: {  	[dreg:$0x3] =	wrdreg s4  }
0xaa: {  	[dreg:$0x4] =	wrdreg $0xC0  }
0xab: {  	_ =	task [dreg:s6], $0x5FFFF  }
0xac: {  	[dreg:$0x1] =	wrdreg $0xFFFFFFFF  }
0xad: {  	[dreg:$0x0] =	wrdreg $0x60  }
0xae: {  	[dreg:$0x2] =	wrdreg s24  }
0xaf: {  	[dreg:$0x3] =	wrdreg $0xC  }
0xb0: {  	_ =	task.clear_ibuf [dreg:s6], $0x4FFFF;
	_ =	strace $0x90000046  }
0xb1: {  	s29 =	simm.s32 $0xC;
	_ =	strace $0x80000048  }
0xb2: {  	_ =	swait.ge [sflag:s29], $0x1  }
0xb3: {  	[sflag:s29] =	ssyncadd.s32 $0xFFFFFFFF  }
0xb4: {  	_ =	strace $0x90000048  }
0xb5: {  	_ =	sfence  }
0xb6: {  	s30 =	sld [smem:$0x0];
	_ =	sdelay $0x2  }
0xb7: {  	s31 =	sshll.u32 s1, $0xD;
	s1 =	sshrl.u32 s1, $0x2  }
0xb8: {  	s3 =	sand.u32 $0x4000, s31;
	s1 =	sadd.s32 s1, s30  }
0xb9: {  	s0 =	sor.u32 s3, s0;
	s1 =	sshll.u32 s1, $0x11  }
0xba: {  	s0 =	sor.u32 s1, s0  }
0xbb: {  	s0 =	sadd.s32 $0x8F2B, s0  }
0xbc: {  	[sflag:s0] =	ssyncadd.remote.s32 $0x1  }
0xbd: {  	_ =	sfence.sel $0xFFFF  }
0xbe: {  	[dreg:$0x0] =	wrdreg $0xFFFFFFFF;
	(pc) =	sbr.abs _section_cstart, $3  }
0xbf: {  	[dreg:$0x1] =	wrdreg $0xFFFFFFFF  }
0xc0: {  	_ =	task.clear_ibuf [dreg:s6], $0x2FFFF;
	_ =	strace $0x9FFFFFFF  }
0xc1: {  	(tm) =	ssettm $0x7FFFFFFF  }
tec
execute0_lowered:
.L_overlay_start_1:
0x0: {  	(tag) =	ssettag $0x1  }
0x1: {  	s3 =	rddreg [dreg:$0x0];
	s2 =	simm.s32 $0x0  }
0x2: {  	[smem:$0x7FF] =	sst s2  }
0x3: {  	s0 =	rddreg [dreg:$0x1];
	v0 =	vimm.f32 $6.666667010e-02;
	_ =	strace $0x80000047  }
0x4: {  	(erf) = vrcp.f32 v0  }
0x5: {  	s4 =	srdreg.scid;
	s1 =	stileid.u32  }
0x6: {  	s4 =	sand.u32 $0x1, s4;
	s5 =	sshll.u32 s1, $0x1  }
0x7: {  	s8 =	simm.s32 $0x80;
	s6 =	sshrl.u32 s1, $0x2;
	s5 =	sor.u32 s4, s5  }
0x8: {  	s9 =	simm.s32 $0x400;
	s6 =	smul.u32 $0x1800, s6;
	s7 =	sshll.u32 s5, $0x7  }
0x9: {  	s10 =	simm.s32 $0x0;
	s4 =	ssub.s32 $0x2, s4;
	s7 =	sand.u32 $0x380, s7  }
0xa: {  	s5 =	sshll.u32 s5, $0xB;
	s30 =	sshrl.u32 s4, $0x1;
	s6 =	sor.u32 s6, s7  }
0xb: {  	s5 =	sadd.s32 s5, s3;
	s31 =	ssub.s32 s4, s30;
	s6 =	sshrl.u32 s6, $0x3  }
0xc: {  	v0 =	vlaneseq.u32;
	s7 =	simm.s32 $0x4000;
	s6 =	sadd.s32 s6, s3;
	s3 =	sadd.s32 $0x1A00, s5  }
0xd: {  	v2 =	vimm.f32 $0.0e+00;
	v3 =	vimm.f32 $1.000000000e+00;
	v4 =	vor.u32 $0x1E0, v0;
	s5 =	smax.u32 s31, $0x1;
	s4 =	sadd.s32 $0x11A00, s6;
	s6 =	simm.s32 $0x1;
	v1 =	vpop (erf)  }
.LBB2_1:
0xe: {  	[tilespmem:s2], [sflag:$0x1] =	stream.linear.gather [hbm4b:s3+s2], $0x4000, $0x38;
	[tilespmem:$0x4300] =	vst v63  }
0xf: {  	_ =	swait.ge [sflag:s6], $0x4000  }
0x10: {  	[sflag:s6] =	ssyncset.done $0x0  }
0x11: {  	[sflag:s6] =	ssyncadd.s32 $0xFFFFC000  }
0x12: {  	[tilespmem:$0x4000] =	vst v2  }
0x13: {  	[tilespmem:$0x4010] =	vst v2  }
0x14: {  	[tilespmem:$0x4020] =	vst v2  }
0x15: {  	[tilespmem:$0x4030] =	vst v2  }
0x16: {  	[tilespmem:$0x4040] =	vst v2  }
0x17: {  	[tilespmem:$0x4050] =	vst v2  }
0x18: {  	[tilespmem:$0x4060] =	vst v2  }
0x19: {  	[tilespmem:$0x4070] =	vst v2  }
0x1a: {  	[tilespmem:$0x4080] =	vst v2  }
0x1b: {  	[tilespmem:$0x4090] =	vst v2  }
0x1c: {  	[tilespmem:$0x40A0] =	vst v2  }
0x1d: {  	[tilespmem:$0x40B0] =	vst v2  }
0x1e: {  	[tilespmem:$0x40C0] =	vst v2  }
0x1f: {  	[tilespmem:$0x40D0] =	vst v2  }
0x20: {  	[tilespmem:$0x40E0] =	vst v2  }
0x21: {  	[tilespmem:$0x40F0] =	vst v2  }
0x22: {  	[tilespmem:$0x4100] =	vst v2  }
0x23: {  	[tilespmem:$0x4110] =	vst v2  }
0x24: {  	[tilespmem:$0x4120] =	vst v2  }
0x25: {  	[tilespmem:$0x4130] =	vst v2  }
0x26: {  	[tilespmem:$0x4140] =	vst v2  }
0x27: {  	[tilespmem:$0x4150] =	vst v2  }
0x28: {  	[tilespmem:$0x4160] =	vst v2  }
0x29: {  	[tilespmem:$0x4170] =	vst v2  }
0x2a: {  	[tilespmem:$0x4180] =	vst v2  }
0x2b: {  	[tilespmem:$0x4190] =	vst v2  }
0x2c: {  	[tilespmem:$0x41A0] =	vst v2  }
0x2d: {  	[tilespmem:$0x41B0] =	vst v2  }
0x2e: {  	[tilespmem:$0x41C0] =	vst v2  }
0x2f: {  	[tilespmem:$0x41D0] =	vst v2  }
0x30: {  	[tilespmem:$0x41E0] =	vst v2  }
0x31: {  	[tilespmem:$0x41F0] =	vst v2  }
0x32: {  	[tilespmem:$0x4200] =	vst v2  }
0x33: {  	[tilespmem:$0x4210] =	vst v2  }
0x34: {  	[tilespmem:$0x4220] =	vst v2  }
0x35: {  	[tilespmem:$0x4230] =	vst v2  }
0x36: {  	[tilespmem:$0x4240] =	vst v2  }
0x37: {  	[tilespmem:$0x4250] =	vst v2  }
0x38: {  	[tilespmem:$0x4260] =	vst v2  }
0x39: {  	[tilespmem:$0x4270] =	vst v2  }
0x3a: {  	[tilespmem:$0x4280] =	vst v2  }
0x3b: {  	[tilespmem:$0x4290] =	vst v2  }
0x3c: {  	[tilespmem:$0x42A0] =	vst v2  }
0x3d: {  	[tilespmem:$0x42B0] =	vst v2  }
0x3e: {  	[tilespmem:$0x42C0] =	vst v2  }
0x3f: {  	[tilespmem:$0x42D0] =	vst v2  }
0x40: {  	[tilespmem:$0x42E0] =	vst v2  }
0x41: {  	s11 =	simm.s32 $0x0;
	[tilespmem:$0x42F0] =	vst v2  }
.LBB2_2:
0x42: {  	s12 =	sshra.s32 s11, $0x2  }
0x43: {  	v5 =	vld [tilespmem:s12+$0x0];
	_ =	sdelay $0x4  }
0x44: {  	v6 =	vand.u32 $0x7FFFFFFF, v5  }
0x45: {  	v7 =	vmul.f32 v6, v1;
	_ =	sdelay $0x1  }
0x46: {  	v7 =	vtrunc.f32 v7  }
0x47: {  	v7 =	vcvt.f32.s32 v7;
	_ =	sdelay $0x1  }
0x48: {  	vm0 =	vlt.s32 v7, $0xE  }
0x49: {  	v7 =	vnsel vm0, $0xE, v7  }
0x4a: {  	v7 =	vshll.u32 v7, $0x4  }
0x4b: {  	vm9 =	vlt.f32 v5, $0.0e+00;
	v5 =	vadd.s32 $0xF0, v7  }
0x4c: {  	v5 =	vsel vm9, v5, v7  }
0x4d: {  	v5 =	vor.u32 v0, v5  }
0x4e: {  	v7 =	vadd.s32 v4, v7;
	_ =	sdelay $0x3  }
0x4f: {  	[tilespmem:v5+s7+$0x0] =	vst.idx.add.f32.msk $0xffff, v3  }
0x50: {  	[tilespmem:v7+s7+$0x0] =	vst.idx.add.f32.msk $0xffff, v6  }
0x51: {  	v5 =	vld [tilespmem:s12+$0x10];
	_ =	sdelay $0x4  }
0x52: {  	v6 =	vand.u32 $0x7FFFFFFF, v5  }
0x53: {  	v7 =	vmul.f32 v6, v1;
	_ =	sdelay $0x1  }
0x54: {  	v7 =	vtrunc.f32 v7  }
0x55: {  	v7 =	vcvt.f32.s32 v7;
	_ =	sdelay $0x1  }
0x56: {  	vm10 =	vlt.s32 v7, $0xE  }
0x57: {  	v7 =	vnsel vm10, $0xE, v7  }
0x58: {  	v7 =	vshll.u32 v7, $0x4  }
0x59: {  	vm11 =	vlt.f32 v5, $0.0e+00;
	v5 =	vadd.s32 $0xF0, v7  }
0x5a: {  	v5 =	vsel vm11, v5, v7  }
0x5b: {  	v5 =	vor.u32 v0, v5  }
0x5c: {  	v7 =	vadd.s32 v4, v7;
	_ =	sdelay $0x3  }
0x5d: {  	[tilespmem:v5+s7+$0x0] =	vst.idx.add.f32.msk $0xffff, v3  }
0x5e: {  	[tilespmem:v7+s7+$0x0] =	vst.idx.add.f32.msk $0xffff, v6  }
0x5f: {  	v5 =	vld [tilespmem:s12+$0x20];
	_ =	sdelay $0x4  }
0x60: {  	v6 =	vand.u32 $0x7FFFFFFF, v5  }
0x61: {  	v7 =	vmul.f32 v6, v1;
	_ =	sdelay $0x1  }
0x62: {  	v7 =	vtrunc.f32 v7  }
0x63: {  	v7 =	vcvt.f32.s32 v7;
	_ =	sdelay $0x1  }
0x64: {  	vm12 =	vlt.s32 v7, $0xE  }
0x65: {  	v7 =	vnsel vm12, $0xE, v7  }
0x66: {  	v7 =	vshll.u32 v7, $0x4  }
0x67: {  	vm13 =	vlt.f32 v5, $0.0e+00;
	v5 =	vadd.s32 $0xF0, v7  }
0x68: {  	v5 =	vsel vm13, v5, v7  }
0x69: {  	v5 =	vor.u32 v0, v5  }
0x6a: {  	v7 =	vadd.s32 v4, v7;
	_ =	sdelay $0x3  }
0x6b: {  	[tilespmem:v5+s7+$0x0] =	vst.idx.add.f32.msk $0xffff, v3  }
0x6c: {  	[tilespmem:v7+s7+$0x0] =	vst.idx.add.f32.msk $0xffff, v6  }
0x6d: {  	v5 =	vld [tilespmem:s12+$0x30];
	_ =	sdelay $0x4  }
0x6e: {  	v6 =	vand.u32 $0x7FFFFFFF, v5  }
0x6f: {  	v7 =	vmul.f32 v6, v1;
	_ =	sdelay $0x1  }
0x70: {  	v7 =	vtrunc.f32 v7  }
0x71: {  	v7 =	vcvt.f32.s32 v7;
	_ =	sdelay $0x1  }
0x72: {  	vm14 =	vlt.s32 v7, $0xE  }
0x73: {  	v7 =	vnsel vm14, $0xE, v7  }
0x74: {  	v7 =	vshll.u32 v7, $0x4  }
0x75: {  	vm15 =	vlt.f32 v5, $0.0e+00;
	v5 =	vadd.s32 $0xF0, v7  }
0x76: {  	v5 =	vsel vm15, v5, v7  }
0x77: {  	v5 =	vor.u32 v0, v5  }
0x78: {  	v7 =	vadd.s32 v4, v7;
	_ =	sdelay $0x3  }
0x79: {  	[tilespmem:v5+s7+$0x0] =	vst.idx.add.f32.msk $0xffff, v3  }
0x7a: {  	[tilespmem:v7+s7+$0x0] =	vst.idx.add.f32.msk $0xffff, v6  }
0x7b: {  	v5 =	vld [tilespmem:s12+$0x40];
	_ =	sdelay $0x4  }
0x7c: {  	v6 =	vand.u32 $0x7FFFFFFF, v5  }
0x7d: {  	v7 =	vmul.f32 v6, v1;
	_ =	sdelay $0x1  }
0x7e: {  	v7 =	vtrunc.f32 v7  }
0x7f: {  	v7 =	vcvt.f32.s32 v7;
	_ =	sdelay $0x1  }
0x80: {  	vm4 =	vlt.s32 v7, $0xE  }
0x81: {  	v7 =	vnsel vm4, $0xE, v7  }
0x82: {  	v7 =	vshll.u32 v7, $0x4  }
0x83: {  	vm5 =	vlt.f32 v5, $0.0e+00;
	v5 =	vadd.s32 $0xF0, v7  }
0x84: {  	v5 =	vsel vm5, v5, v7  }
0x85: {  	v5 =	vor.u32 v0, v5  }
0x86: {  	v7 =	vadd.s32 v4, v7;
	_ =	sdelay $0x3  }
0x87: {  	[tilespmem:v5+s7+$0x0] =	vst.idx.add.f32.msk $0xffff, v3  }
0x88: {  	[tilespmem:v7+s7+$0x0] =	vst.idx.add.f32.msk $0xffff, v6  }
0x89: {  	v5 =	vld [tilespmem:s12+$0x50];
	_ =	sdelay $0x4  }
0x8a: {  	v6 =	vand.u32 $0x7FFFFFFF, v5  }
0x8b: {  	v7 =	vmul.f32 v6, v1;
	_ =	sdelay $0x1  }
0x8c: {  	v7 =	vtrunc.f32 v7  }
0x8d: {  	v7 =	vcvt.f32.s32 v7;
	_ =	sdelay $0x1  }
0x8e: {  	vm6 =	vlt.s32 v7, $0xE  }
0x8f: {  	v7 =	vnsel vm6, $0xE, v7  }
0x90: {  	v7 =	vshll.u32 v7, $0x4  }
0x91: {  	vm7 =	vlt.f32 v5, $0.0e+00;
	v5 =	vadd.s32 $0xF0, v7  }
0x92: {  	v5 =	vsel vm7, v5, v7  }
0x93: {  	v5 =	vor.u32 v0, v5  }
0x94: {  	v7 =	vadd.s32 v4, v7;
	_ =	sdelay $0x3  }
0x95: {  	[tilespmem:v5+s7+$0x0] =	vst.idx.add.f32.msk $0xffff, v3  }
0x96: {  	[tilespmem:v7+s7+$0x0] =	vst.idx.add.f32.msk $0xffff, v6  }
0x97: {  	v5 =	vld [tilespmem:s12+$0x60];
	_ =	sdelay $0x4  }
0x98: {  	v6 =	vand.u32 $0x7FFFFFFF, v5  }
0x99: {  	v7 =	vmul.f32 v6, v1;
	_ =	sdelay $0x1  }
0x9a: {  	v7 =	vtrunc.f32 v7  }
0x9b: {  	v7 =	vcvt.f32.s32 v7;
	_ =	sdelay $0x1  }
0x9c: {  	vm8 =	vlt.s32 v7, $0xE  }
0x9d: {  	v7 =	vnsel vm8, $0xE, v7  }
0x9e: {  	v7 =	vshll.u32 v7, $0x4  }
0x9f: {  	vm9 =	vlt.f32 v5, $0.0e+00;
	v5 =	vadd.s32 $0xF0, v7  }
0xa0: {  	v5 =	vsel vm9, v5, v7  }
0xa1: {  	v5 =	vor.u32 v0, v5  }
0xa2: {  	v7 =	vadd.s32 v4, v7;
	_ =	sdelay $0x3  }
0xa3: {  	[tilespmem:v5+s7+$0x0] =	vst.idx.add.f32.msk $0xffff, v3  }
0xa4: {  	[tilespmem:v7+s7+$0x0] =	vst.idx.add.f32.msk $0xffff, v6  }
0xa5: {  	v5 =	vld [tilespmem:s12+$0x70];
	_ =	sdelay $0x4  }
0xa6: {  	v6 =	vand.u32 $0x7FFFFFFF, v5  }
0xa7: {  	v7 =	vmul.f32 v6, v1;
	_ =	sdelay $0x1  }
0xa8: {  	v7 =	vtrunc.f32 v7  }
0xa9: {  	v7 =	vcvt.f32.s32 v7;
	_ =	sdelay $0x1  }
0xaa: {  	vm10 =	vlt.s32 v7, $0xE  }
0xab: {  	v7 =	vnsel vm10, $0xE, v7  }
0xac: {  	v7 =	vshll.u32 v7, $0x4  }
0xad: {  	vm11 =	vlt.f32 v5, $0.0e+00;
	v5 =	vadd.s32 $0xF0, v7  }
0xae: {  	v5 =	vsel vm11, v5, v7  }
0xaf: {  	v5 =	vor.u32 v0, v5  }
0xb0: {  	v7 =	vadd.s32 v4, v7;
	_ =	sdelay $0x3  }
0xb1: {  	[tilespmem:v5+s7+$0x0] =	vst.idx.add.f32.msk $0xffff, v3  }
0xb2: {  	[tilespmem:v7+s7+$0x0] =	vst.idx.add.f32.msk $0xffff, v6  }
0xb3: {  	v5 =	vld [tilespmem:s12+$0x80];
	_ =	sdelay $0x4  }
0xb4: {  	v6 =	vand.u32 $0x7FFFFFFF, v5  }
0xb5: {  	v7 =	vmul.f32 v6, v1;
	_ =	sdelay $0x1  }
0xb6: {  	v7 =	vtrunc.f32 v7  }
0xb7: {  	v7 =	vcvt.f32.s32 v7;
	_ =	sdelay $0x1  }
0xb8: {  	vm12 =	vlt.s32 v7, $0xE  }
0xb9: {  	v7 =	vnsel vm12, $0xE, v7  }
0xba: {  	v7 =	vshll.u32 v7, $0x4  }
0xbb: {  	vm13 =	vlt.f32 v5, $0.0e+00;
	v5 =	vadd.s32 $0xF0, v7  }
0xbc: {  	v5 =	vsel vm13, v5, v7  }
0xbd: {  	v5 =	vor.u32 v0, v5  }
0xbe: {  	v7 =	vadd.s32 v4, v7;
	_ =	sdelay $0x3  }
0xbf: {  	[tilespmem:v5+s7+$0x0] =	vst.idx.add.f32.msk $0xffff, v3  }
0xc0: {  	[tilespmem:v7+s7+$0x0] =	vst.idx.add.f32.msk $0xffff, v6  }
0xc1: {  	v5 =	vld [tilespmem:s12+$0x90];
	_ =	sdelay $0x4  }
0xc2: {  	v6 =	vand.u32 $0x7FFFFFFF, v5  }
0xc3: {  	v7 =	vmul.f32 v6, v1;
	_ =	sdelay $0x1  }
0xc4: {  	v7 =	vtrunc.f32 v7  }
0xc5: {  	v7 =	vcvt.f32.s32 v7;
	_ =	sdelay $0x1  }
0xc6: {  	vm14 =	vlt.s32 v7, $0xE  }
0xc7: {  	v7 =	vnsel vm14, $0xE, v7  }
0xc8: {  	v7 =	vshll.u32 v7, $0x4  }
0xc9: {  	vm15 =	vlt.f32 v5, $0.0e+00;
	v5 =	vadd.s32 $0xF0, v7  }
0xca: {  	v5 =	vsel vm15, v5, v7  }
0xcb: {  	v5 =	vor.u32 v0, v5  }
0xcc: {  	v7 =	vadd.s32 v4, v7;
	_ =	sdelay $0x3  }
0xcd: {  	[tilespmem:v5+s7+$0x0] =	vst.idx.add.f32.msk $0xffff, v3  }
0xce: {  	[tilespmem:v7+s7+$0x0] =	vst.idx.add.f32.msk $0xffff, v6  }
0xcf: {  	v5 =	vld [tilespmem:s12+$0xA0];
	_ =	sdelay $0x4  }
0xd0: {  	v6 =	vand.u32 $0x7FFFFFFF, v5  }
0xd1: {  	v7 =	vmul.f32 v6, v1;
	_ =	sdelay $0x1  }
0xd2: {  	v7 =	vtrunc.f32 v7  }
0xd3: {  	v7 =	vcvt.f32.s32 v7;
	_ =	sdelay $0x1  }
0xd4: {  	vm4 =	vlt.s32 v7, $0xE  }
0xd5: {  	v7 =	vnsel vm4, $0xE, v7  }
0xd6: {  	v7 =	vshll.u32 v7, $0x4  }
0xd7: {  	vm5 =	vlt.f32 v5, $0.0e+00;
	v5 =	vadd.s32 $0xF0, v7  }
0xd8: {  	v5 =	vsel vm5, v5, v7  }
0xd9: {  	v5 =	vor.u32 v0, v5  }
0xda: {  	v7 =	vadd.s32 v4, v7;
	_ =	sdelay $0x3  }
0xdb: {  	[tilespmem:v5+s7+$0x0] =	vst.idx.add.f32.msk $0xffff, v3  }
0xdc: {  	[tilespmem:v7+s7+$0x0] =	vst.idx.add.f32.msk $0xffff, v6  }
0xdd: {  	v5 =	vld [tilespmem:s12+$0xB0];
	_ =	sdelay $0x4  }
0xde: {  	v6 =	vand.u32 $0x7FFFFFFF, v5  }
0xdf: {  	v7 =	vmul.f32 v6, v1;
	_ =	sdelay $0x1  }
0xe0: {  	v7 =	vtrunc.f32 v7  }
0xe1: {  	v7 =	vcvt.f32.s32 v7;
	_ =	sdelay $0x1  }
0xe2: {  	vm6 =	vlt.s32 v7, $0xE  }
0xe3: {  	v7 =	vnsel vm6, $0xE, v7  }
0xe4: {  	v7 =	vshll.u32 v7, $0x4  }
0xe5: {  	vm7 =	vlt.f32 v5, $0.0e+00;
	v5 =	vadd.s32 $0xF0, v7  }
0xe6: {  	v5 =	vsel vm7, v5, v7  }
0xe7: {  	v5 =	vor.u32 v0, v5  }
0xe8: {  	v7 =	vadd.s32 v4, v7;
	_ =	sdelay $0x3  }
0xe9: {  	[tilespmem:v5+s7+$0x0] =	vst.idx.add.f32.msk $0xffff, v3  }
0xea: {  	[tilespmem:v7+s7+$0x0] =	vst.idx.add.f32.msk $0xffff, v6  }
0xeb: {  	v5 =	vld [tilespmem:s12+$0xC0];
	_ =	sdelay $0x4  }
0xec: {  	v6 =	vand.u32 $0x7FFFFFFF, v5  }
0xed: {  	v7 =	vmul.f32 v6, v1;
	_ =	sdelay $0x1  }
0xee: {  	v7 =	vtrunc.f32 v7  }
0xef: {  	v7 =	vcvt.f32.s32 v7;
	_ =	sdelay $0x1  }
0xf0: {  	vm8 =	vlt.s32 v7, $0xE  }
0xf1: {  	v7 =	vnsel vm8, $0xE, v7  }
0xf2: {  	v7 =	vshll.u32 v7, $0x4  }
0xf3: {  	vm9 =	vlt.f32 v5, $0.0e+00;
	v5 =	vadd.s32 $0xF0, v7  }
0xf4: {  	v5 =	vsel vm9, v5, v7  }
0xf5: {  	v5 =	vor.u32 v0, v5  }
0xf6: {  	v7 =	vadd.s32 v4, v7;
	_ =	sdelay $0x3  }
0xf7: {  	[tilespmem:v5+s7+$0x0] =	vst.idx.add.f32.msk $0xffff, v3  }
0xf8: {  	[tilespmem:v7+s7+$0x0] =	vst.idx.add.f32.msk $0xffff, v6  }
0xf9: {  	v5 =	vld [tilespmem:s12+$0xD0];
	_ =	sdelay $0x4  }
0xfa: {  	v6 =	vand.u32 $0x7FFFFFFF, v5  }
0xfb: {  	v7 =	vmul.f32 v6, v1;
	_ =	sdelay $0x1  }
0xfc: {  	v7 =	vtrunc.f32 v7  }
0xfd: {  	v7 =	vcvt.f32.s32 v7;
	_ =	sdelay $0x1  }
0xfe: {  	vm10 =	vlt.s32 v7, $0xE  }
0xff: {  	v7 =	vnsel vm10, $0xE, v7  }
0x100: {  	v7 =	vshll.u32 v7, $0x4  }
0x101: {  	vm11 =	vlt.f32 v5, $0.0e+00;
	v5 =	vadd.s32 $0xF0, v7  }
0x102: {  	v5 =	vsel vm11, v5, v7  }
0x103: {  	v5 =	vor.u32 v0, v5  }
0x104: {  	v7 =	vadd.s32 v4, v7;
	_ =	sdelay $0x3  }
0x105: {  	[tilespmem:v5+s7+$0x0] =	vst.idx.add.f32.msk $0xffff, v3  }
0x106: {  	[tilespmem:v7+s7+$0x0] =	vst.idx.add.f32.msk $0xffff, v6  }
0x107: {  	v5 =	vld [tilespmem:s12+$0xE0];
	_ =	sdelay $0x4  }
0x108: {  	v6 =	vand.u32 $0x7FFFFFFF, v5  }
0x109: {  	v7 =	vmul.f32 v6, v1;
	_ =	sdelay $0x1  }
0x10a: {  	v7 =	vtrunc.f32 v7  }
0x10b: {  	v7 =	vcvt.f32.s32 v7;
	_ =	sdelay $0x1  }
0x10c: {  	vm12 =	vlt.s32 v7, $0xE  }
0x10d: {  	v7 =	vnsel vm12, $0xE, v7  }
0x10e: {  	v7 =	vshll.u32 v7, $0x4  }
0x10f: {  	vm13 =	vlt.f32 v5, $0.0e+00;
	v5 =	vadd.s32 $0xF0, v7  }
0x110: {  	v5 =	vsel vm13, v5, v7  }
0x111: {  	v5 =	vor.u32 v0, v5  }
0x112: {  	v7 =	vadd.s32 v4, v7;
	_ =	sdelay $0x3  }
0x113: {  	[tilespmem:v5+s7+$0x0] =	vst.idx.add.f32.msk $0xffff, v3  }
0x114: {  	[tilespmem:v7+s7+$0x0] =	vst.idx.add.f32.msk $0xffff, v6  }
0x115: {  	v5 =	vld [tilespmem:s12+$0xF0];
	_ =	sdelay $0x4  }
0x116: {  	v6 =	vand.u32 $0x7FFFFFFF, v5  }
0x117: {  	v7 =	vmul.f32 v6, v1;
	_ =	sdelay $0x1  }
0x118: {  	v7 =	vtrunc.f32 v7  }
0x119: {  	v7 =	vcvt.f32.s32 v7;
	_ =	sdelay $0x1  }
0x11a: {  	vm14 =	vlt.s32 v7, $0xE  }
0x11b: {  	v7 =	vnsel vm14, $0xE, v7  }
0x11c: {  	v7 =	vshll.u32 v7, $0x4  }
0x11d: {  	vm15 =	vlt.f32 v5, $0.0e+00;
	v5 =	vadd.s32 $0xF0, v7  }
0x11e: {  	v5 =	vsel vm15, v5, v7  }
0x11f: {  	v5 =	vor.u32 v0, v5  }
0x120: {  	p0 =	sne.s32 s11, $0xFC00;
	v7 =	vadd.s32 v4, v7  }
.Ltmp0:
0x121: {  	_ = 	snop;
	(pc) =	sbr.rel @p0 .LBB2_2-.Ltmp0, $3  }
0x122: {  	_ =	sdelay $0x1  }
0x123: {  	[tilespmem:v5+s7+$0x0] =	vst.idx.add.f32.msk $0xffff, v3  }
0x124: {  	s11 =	sadd.s32 $0x400, s11;
	[tilespmem:v7+s7+$0x0] =	vst.idx.add.f32.msk $0xffff, v6  }
0x125: {  	s10 =	sadd.s32 $0x1, s10  }
0x126: {  	p0 =	sne.s32 s10, s5  }
.Ltmp1:
0x127: {  	_ = 	snop;
	(pc) =	sbr.rel @p0 .LBB2_1-.Ltmp1, $4  }
0x128: {  	[hbm4b:s4+s8] =	stream.strided.scatter [tilespmem:s7], [sflag:$0x1], $0x300, s9, s8, $0x38;
	[tilespmem:$0x4300] =	vst v63  }
0x129: {  	_ =	swait.ge [sflag:s6], $0x300  }
0x12a: {  	[sflag:s6] =	ssyncset.done $0x0  }
0x12b: {  	[sflag:s6] =	ssyncadd.s32 $0xFFFFFD00  }
0x12c: {  	_ =	sfence.sel $0x180000  }
0x12d: {  	[bflag:$0x0] =	sbarrier.arrive $0xFFFF  }
0x12e: {  	p0 =	sne.s32 s1, $0x0;
	_ =	strace $0x90000047  }
0x12f: {  	s0 =	sadd.s32 @!p0 $0x100000, s0;
	[bflag:$0x2] =	sbarrier.arrive $0xFFFF  }
0x130: {  	[sflag:s0] =	ssyncadd.tile.s32 @!p0 $0x1;
	_ =	shalt  }
.Lfunc_end2:
_tile_overlayer_lowered:
.L_overlay_start_2:
0x131: {  	(tag) =	ssettag $0x2  }
0x132: {  	s0 =	rddreg [dreg:$0x0];
	s2 =	stileid.u32  }
0x133: {  	s1 =	rddreg [dreg:$0x1];
	p0 =	sne.s32 s2, $0x0  }
0x134: {  	s3 =	rddreg [dreg:$0x2];
	[bflag:$0x3] =	sbarrier.arrive $0xFFFF;
	s2 =	simm.s32 @!p0 $0x1C01  }
0x135: {  	[timem:s3], [sflag:s2] =	dma.local @!p0 [hbm:s0], s1  }
0x136: {  	s0 =	simm.s32 @!p0 $0x1  }
0x137: {  	_ =	swait.ge @!p0 [sflag:s0], s1  }
0x138: {  	s1 =	ssub.s32 @!p0 $0x0, s1;
	[sflag:s0] =	ssyncset.done @!p0 $0x0  }
0x139: {  	[sflag:s0] =	ssyncadd.s32 @!p0 s1  }
0x13a: {  	[bflag:$0x3] =	sbarrier.arrive $0xFFFF  }
0x13b: {  	_ =	shalt  }

</sc_bundles>
